<compile_context>
chip_gen: v7x
topology: tpu7x:2x2x1
jax: 0.10.2.dev20260603
libtpu: 0.0.44.dev20260713+nightly
codegen_flags: <defaults>
</compile_context>

<pallas_src>
import functools

import jax
import jax.numpy as jnp
from jax import lax
from jax.experimental import pallas as pl
from jax.experimental.pallas import tpu as pltpu
from jax.experimental.pallas import tpu_sc as plsc

N = 10000
NP = 10240
E = 320000
G = 64
D = 128
NC = 2
NS = 16
NW = NC * NS
EPAD = NW * 10240
EPW = EPAD // NW
EC = 64
RPT = NP // NS
BLK = 1024
GRID = NP // BLK

@functools.cache
def _mesh():
    return plsc.VectorSubcoreMesh(core_axis_name="c", subcore_axis_name="s",
                                  num_cores=NC, num_subcores=NS)



def _deg_body(edges_hbm, out_hbm, hist_v, idx_v):
    wid = lax.axis_index("s") * NC + lax.axis_index("c")
    zeros16 = jnp.zeros((16,), jnp.float32)
    ones16 = jnp.ones((16,), jnp.float32)

    def zbody(i, carry):
        hist_v[pl.ds(i * 16, 16)] = zeros16
        return carry
    lax.fori_loop(0, NP // 16, zbody, 0)

    base = wid * EPW
    ic = idx_v.shape[0]

    def cbody(j, carry):
        pltpu.sync_copy(edges_hbm.at[pl.ds(EPAD + base + j * ic, ic)], idx_v)

        def ibody(k, c2):
            idx16 = idx_v[pl.ds(k * 16, 16)]
            plsc.addupdate_scatter(hist_v, [idx16], ones16)
            return c2
        lax.fori_loop(0, ic // 16, ibody, 0)
        return carry
    lax.fori_loop(0, EPW // ic, cbody, 0)

    pltpu.sync_copy(hist_v, out_hbm.at[wid])


@functools.cache
def _deg_kernel():
    return pl.kernel(
        _deg_body,
        out_type=jax.ShapeDtypeStruct((NW, NP), jnp.float32),
        mesh=_mesh(),
        compiler_params=pltpu.CompilerParams(needs_layout_passes=False),
        scratch_types=[
            pltpu.VMEM((NP,), jnp.float32),
            pltpu.VMEM((2048,), jnp.int32),
        ],
    )


def _deg_call(edge_index):
    return _deg_kernel()(edge_index)


NBUF = 4
LOOK = 3
NCHUNK = EPW // EC


def _scatter_body(y_hbm, edges_hbm, out_hbm, sidx_v,
                  d0, d1, d2, d3, r0, r1, r2, r3,
                  acc_sh, sem_g, sem_i, sem_s):
    didx = [d0, d1, d2, d3]
    rows = [r0, r1, r2, r3]
    cid = lax.axis_index("c")
    sid = lax.axis_index("s")
    wid = sid * NC + cid
    base = wid * EPW

    sld = pltpu.async_copy(edges_hbm.at[pl.ds(base, EPW)], sidx_v, sem_g)

    zeros16 = jnp.zeros((16,), jnp.float32)

    def zbody(i, carry):
        r = i // (D // 16)
        k = i % (D // 16)
        r0[r, pl.ds(k * 16, 16)] = zeros16
        return carry
    lax.fori_loop(0, EC * (D // 16), zbody, 0)

    def zcopy(i, carry):
        pltpu.async_copy(r0, acc_sh.at[pl.ds(sid * RPT + i * EC, EC)], sem_i)
        return carry
    lax.fori_loop(0, RPT // EC, zcopy, 0)

    def zwait(i, carry):
        pltpu.make_async_copy(r0, acc_sh.at[pl.ds(sid * RPT, EC)],
                              sem_i).wait()
        return carry
    lax.fori_loop(0, RPT // EC, zwait, 0)

    sld.wait()

    def _issue(jc, b):
        pltpu.async_copy(edges_hbm.at[pl.ds(EPAD + base + jc * EC, EC)],
                         didx[b], sem_i)
        pltpu.async_copy(y_hbm.at[sidx_v.at[pl.ds(jc * EC, EC)]],
                         rows[b], sem_g)

    def _proc(j, b):
        pltpu.make_async_copy(edges_hbm.at[pl.ds(base, EC)],
                              didx[b], sem_i).wait()
        pltpu.make_async_copy(y_hbm.at[sidx_v.at[pl.ds(0, EC)]],
                              rows[b], sem_g).wait()
        pltpu.async_copy(rows[b], acc_sh.at[didx[b]], sem_s, add=True)

    def _swait(b):
        pltpu.make_async_copy(rows[b], acc_sh.at[didx[b]], sem_s).wait()

    for b in range(LOOK):
        _issue(b, b)

    plsc.subcore_barrier()

    for b in range(NBUF):
        _proc(b, b)
        if b >= NBUF - LOOK:
            _swait(b - (NBUF - LOOK))
        _issue(b + LOOK, (b + LOOK) % NBUF)

    def gbody(g, carry):
        for b in range(NBUF):
            j = g * NBUF + b
            _proc(j, b)
            _swait((b - (NBUF - LOOK)) % NBUF)
            _issue(j + LOOK, (b + LOOK) % NBUF)
        return carry
    lax.fori_loop(1, NCHUNK // NBUF - 1, gbody, 0)

    for b in range(NBUF):
        j = NCHUNK - NBUF + b
        _proc(j, b)
        _swait((b - (NBUF - LOOK)) % NBUF)
        if j + LOOK < NCHUNK:
            _issue(j + LOOK, (b + LOOK) % NBUF)
    for b in range(NBUF - LOOK):
        _swait((LOOK + b) % NBUF)

    plsc.subcore_barrier()

    pltpu.sync_copy(acc_sh.at[pl.ds(sid * RPT, RPT)],
                    out_hbm.at[cid, pl.ds(sid * RPT, RPT)])


@functools.cache
def _scatter_kernel():
    return pl.kernel(
        _scatter_body,
        out_type=jax.ShapeDtypeStruct((NC, NP, D), jnp.float32),
        mesh=_mesh(),
        compiler_params=pltpu.CompilerParams(needs_layout_passes=False),
        scratch_types=(
            [pltpu.VMEM((EPW,), jnp.int32)]
            + [pltpu.VMEM((EC,), jnp.int32) for _ in range(NBUF)]
            + [pltpu.VMEM((EC, D), jnp.float32) for _ in range(NBUF)]
            + [
                pltpu.VMEM_SHARED((NP, D), jnp.float32),
                pltpu.SemaphoreType.DMA,
                pltpu.SemaphoreType.DMA,
                pltpu.SemaphoreType.DMA,
            ]
        ),
    )


def _scatter_call(y, edge_index):
    return _scatter_kernel()(y, edge_index)



def _p0_body(x_ref, hist_ref, w_ref, g_ref, rv_ref, y_ref, dinv_ref):
    deg = jnp.sum(hist_ref[...], axis=0, keepdims=True) + 1.0
    dinv = lax.rsqrt(deg).reshape(BLK, 1)
    a = g_ref[...] * lax.rsqrt(rv_ref[...] + 1e-5)
    y = dinv * jnp.dot(x_ref[...], w_ref[...] * a,
                       preferred_element_type=jnp.float32)
    y_ref[...] = y
    dinv_ref[...] = dinv


def _p0(x, hist, W, g, rv):
    return pl.pallas_call(
        _p0_body,
        grid=(GRID,),
        in_specs=[
            pl.BlockSpec((BLK, D), lambda i: (i, 0)),
            pl.BlockSpec((NW, BLK), lambda i: (0, i)),
            pl.BlockSpec((D, D), lambda i: (0, 0)),
            pl.BlockSpec((1, D), lambda i: (0, 0)),
            pl.BlockSpec((1, D), lambda i: (0, 0)),
        ],
        out_specs=[
            pl.BlockSpec((BLK, D), lambda i: (i, 0)),
            pl.BlockSpec((BLK, 1), lambda i: (i, 0)),
        ],
        out_shape=[
            jax.ShapeDtypeStruct((NP, D), jnp.float32),
            jax.ShapeDtypeStruct((NP, 1), jnp.float32),
        ],
    )(x, hist, W, g, rv)


def _mid_body(use_res, acc_ref, y_ref, dinv_ref, hres_ref,
              b_ref, g_ref, beta_ref, rm_ref, rv_ref,
              wn_ref, gn_ref, rvn_ref, h_ref, yn_ref):
    a = g_ref[...] * lax.rsqrt(rv_ref[...] + 1e-5)
    bf = b_ref[...] * a + beta_ref[...] - rm_ref[...] * a
    dinv = dinv_ref[...]
    out = dinv * (acc_ref[0] + acc_ref[1] + y_ref[...]) + bf
    h = jax.nn.relu(out)
    if use_res:
        h = h + hres_ref[...]
    an = gn_ref[...] * lax.rsqrt(rvn_ref[...] + 1e-5)
    yn = dinv * jnp.dot(h, wn_ref[...] * an,
                        preferred_element_type=jnp.float32)
    h_ref[...] = h
    yn_ref[...] = yn


def _mid(use_res, acc, y, dinv, hres, b, g, beta, rm, rv, Wn, gn, rvn):
    vec = lambda: pl.BlockSpec((1, D), lambda i: (0, 0))
    return pl.pallas_call(
        functools.partial(_mid_body, use_res),
        grid=(GRID,),
        in_specs=[
            pl.BlockSpec((NC, BLK, D), lambda i: (0, i, 0)),
            pl.BlockSpec((BLK, D), lambda i: (i, 0)),
            pl.BlockSpec((BLK, 1), lambda i: (i, 0)),
            pl.BlockSpec((BLK, D), lambda i: (i, 0)),
            vec(), vec(), vec(), vec(), vec(),
            pl.BlockSpec((D, D), lambda i: (0, 0)),
            vec(), vec(),
        ],
        out_specs=[
            pl.BlockSpec((BLK, D), lambda i: (i, 0)),
            pl.BlockSpec((BLK, D), lambda i: (i, 0)),
        ],
        out_shape=[
            jax.ShapeDtypeStruct((NP, D), jnp.float32),
            jax.ShapeDtypeStruct((NP, D), jnp.float32),
        ],
    )(acc, y, dinv, hres, b, g, beta, rm, rv, Wn, gn, rvn)


def _fin_body(acc_ref, y_ref, dinv_ref, hres_ref,
              b_ref, g_ref, beta_ref, rm_ref, rv_ref,
              batch_ref, wc1_ref, bc1_ref, gc_ref, betac_ref, rmc_ref,
              rvc_ref, wc2_ref, bc2_ref, out_ref,
              sum_s, cnt_s, max_s):
    i = pl.program_id(0)

    @pl.when(i == 0)
    def _():
        sum_s[...] = jnp.zeros((G, D), jnp.float32)
        cnt_s[...] = jnp.zeros((G, D), jnp.float32)
        max_s[...] = jnp.full((G, D), -jnp.inf, jnp.float32)

    a = g_ref[...] * lax.rsqrt(rv_ref[...] + 1e-5)
    bf = b_ref[...] * a + beta_ref[...] - rm_ref[...] * a
    dinv = dinv_ref[...]
    h3 = dinv * (acc_ref[0] + acc_ref[1] + y_ref[...]) + bf + hres_ref[...]

    bb = batch_ref[...]
    seg = lax.broadcasted_iota(jnp.int32, (BLK, G), 1)
    onehot = (bb == seg).astype(jnp.float32)
    dn = (((0,), (0,)), ((), ()))
    sum_s[...] += lax.dot_general(onehot, h3, dn,
                                  preferred_element_type=jnp.float32)
    cnt_s[...] += lax.dot_general(onehot, jnp.ones((BLK, D), jnp.float32),
                                  dn, preferred_element_type=jnp.float32)

    gsel = lax.broadcasted_iota(jnp.int32, (G, 1), 0)

    lo = bb[0, 0]
    hi = bb[BLK - 1, 0]

    def mbody(gidx, m):
        mask = bb == gidx
        cand = jnp.max(jnp.where(mask, h3, -jnp.inf), axis=0, keepdims=True)
        return jnp.where(gsel == gidx, jnp.maximum(m, cand), m)
    max_s[...] = lax.fori_loop(lo, hi + 1, mbody, max_s[...])

    @pl.when(i == GRID - 1)
    def _():
        mean = sum_s[...] / jnp.maximum(cnt_s[...], 1.0)
        z = (jnp.dot(mean, wc1_ref[...][:D],
                     preferred_element_type=jnp.float32)
             + jnp.dot(max_s[...], wc1_ref[...][D:],
                       preferred_element_type=jnp.float32)
             + bc1_ref[...])
        z = jax.nn.relu(z)
        z = ((z - rmc_ref[...]) * lax.rsqrt(rvc_ref[...] + 1e-5)
             * gc_ref[...] + betac_ref[...])
        out_ref[...] = jnp.dot(z, wc2_ref[...],
                               preferred_element_type=jnp.float32) + bc2_ref[...]


def _fin(acc, y, dinv, hres, b, g, beta, rm, rv, batch2d,
         Wc1, bc1, gc, betac, rmc, rvc, Wc2, bc2):
    vec = lambda: pl.BlockSpec((1, D), lambda i: (0, 0))
    cvec = lambda: pl.BlockSpec((1, 64), lambda i: (0, 0))
    return pl.pallas_call(
        _fin_body,
        grid=(GRID,),
        in_specs=[
            pl.BlockSpec((NC, BLK, D), lambda i: (0, i, 0)),
            pl.BlockSpec((BLK, D), lambda i: (i, 0)),
            pl.BlockSpec((BLK, 1), lambda i: (i, 0)),
            pl.BlockSpec((BLK, D), lambda i: (i, 0)),
            vec(), vec(), vec(), vec(), vec(),
            pl.BlockSpec((BLK, 1), lambda i: (i, 0)),
            pl.BlockSpec((2 * D, 64), lambda i: (0, 0)),
            cvec(), cvec(), cvec(), cvec(), cvec(),
            pl.BlockSpec((64, 2), lambda i: (0, 0)),
            pl.BlockSpec((1, 2), lambda i: (0, 0)),
        ],
        out_specs=pl.BlockSpec((G, 2), lambda i: (0, 0)),
        out_shape=jax.ShapeDtypeStruct((G, 2), jnp.float32),
        scratch_shapes=[
            pltpu.VMEM((G, D), jnp.float32),
            pltpu.VMEM((G, D), jnp.float32),
            pltpu.VMEM((G, D), jnp.float32),
        ],
    )(acc, y, dinv, hres, b, g, beta, rm, rv, batch2d,
      Wc1, bc1, gc, betac, rmc, rvc, Wc2, bc2)



def kernel(x, edge_index, batch, W0, b0, g0, beta0, rm0, rv0,
           W1, b1, g1, beta1, rm1, rv1, W2, b2, g2, beta2, rm2, rv2,
           Wc1, bc1, gc, betac, rmc, rvc, Wc2, bc2):
    pad = NP - N
    xp = jnp.pad(x, ((0, pad), (0, 0)))
    batch2d = jnp.pad(batch, (0, pad), constant_values=G).reshape(NP, 1)
    row = lambda v: v.reshape(1, -1)

    epad = jnp.full((2, EPAD - E), NP - 1, jnp.int32)
    eflat = jnp.concatenate([edge_index, epad], 1).reshape(-1)
    hist = _deg_call(eflat)
    y0, dinv = _p0(xp, hist, W0, row(g0), row(rv0))
    acc0 = _scatter_call(y0, eflat)
    h1, y1 = _mid(False, acc0, y0, dinv, y0, row(b0), row(g0), row(beta0),
                  row(rm0), row(rv0), W1, row(g1), row(rv1))
    acc1 = _scatter_call(y1, eflat)
    h2, y2 = _mid(True, acc1, y1, dinv, h1, row(b1), row(g1), row(beta1),
                  row(rm1), row(rv1), W2, row(g2), row(rv2))
    acc2 = _scatter_call(y2, eflat)
    logits = _fin(acc2, y2, dinv, h2, row(b2), row(g2), row(beta2),
                  row(rm2), row(rv2), batch2d, Wc1, row(bc1), row(gc),
                  row(betac), row(rmc), row(rvc), Wc2, row(bc2))
    return logits

# --- scband reference (transcript-rebuilt; emitter-appended) ---
"""Pipeline reference for scband-cascade-classifier-39084202393967 (READ-ONLY COPY).

The authoritative reference and input builder live on the scoring server;
editing this copy changes nothing except your own understanding.
"""

import jax, jax.numpy as jnp
import numpy as np

N = 10000
E = 320000
G = 64
D = 128
NC = 2
CH = 64


def _gcn(x, src, dst, W, b):
    n = x.shape[0]
    xw = x @ W
    loop = jnp.arange(n)
    s = jnp.concatenate([src, loop])
    d = jnp.concatenate([dst, loop])
    deg = jnp.zeros((n,), xw.dtype).at[d].add(1.0)
    dinv = jnp.where(deg > 0, jax.lax.rsqrt(deg), 0.0)
    norm = dinv[s] * dinv[d]
    out = jnp.zeros_like(xw).at[d].add(norm[:, None] * xw[s])
    return out + b


def _bn(x, g, b, m, v):
    return (x - m) * jax.lax.rsqrt(v + 1e-5) * g + b


def setup_inputs(seed: int = 0):
    key = jax.random.key(seed)
    ks = jax.random.split(key, 16)
    inp = {}
    inp["x"] = jax.random.normal(ks[0], (N, D), jnp.float32)
    inp["edge_index"] = jax.random.randint(ks[1], (2, E), 0, N, jnp.int32)
    inp["batch"] = jnp.sort(jax.random.randint(ks[2], (N,), 0, G, jnp.int32))
    dims = [D, 128, 128, 128]
    for i in range(3):
        fin, fout = dims[i], dims[i + 1]
        inp[f"W{i}"] = jax.random.normal(ks[3 + i], (fin, fout), jnp.float32) / np.sqrt(fin)
        inp[f"b{i}"] = jnp.zeros((fout,), jnp.float32)
        inp[f"g{i}"] = jnp.ones((fout,), jnp.float32)
        inp[f"beta{i}"] = jnp.zeros((fout,), jnp.float32)
        inp[f"rm{i}"] = jnp.zeros((fout,), jnp.float32)
        inp[f"rv{i}"] = jnp.ones((fout,), jnp.float32)
    pooled = 2 * 128
    inp["Wc1"] = jax.random.normal(ks[7], (pooled, CH), jnp.float32) / np.sqrt(pooled)
    inp["bc1"] = jnp.zeros((CH,), jnp.float32)
    inp["gc"] = jnp.ones((CH,), jnp.float32)
    inp["betac"] = jnp.zeros((CH,), jnp.float32)
    inp["rmc"] = jnp.zeros((CH,), jnp.float32)
    inp["rvc"] = jnp.ones((CH,), jnp.float32)
    inp["Wc2"] = jax.random.normal(ks[8], (CH, NC), jnp.float32) / np.sqrt(CH)
    inp["bc2"] = jnp.zeros((NC,), jnp.float32)
    return inp


def reference(x, edge_index, batch, W0, b0, g0, beta0, rm0, rv0, W1, b1, g1, beta1, rm1, rv1, W2, b2, g2, beta2, rm2, rv2, Wc1, bc1, gc, betac, rmc, rvc, Wc2, bc2):
    src = edge_index[0]
    dst = edge_index[1]
    # GraphEncoder (eval mode: dropout off, BN uses running stats)
    h = _gcn(x, src, dst, W0, b0)
    h = _bn(h, g0, beta0, rm0, rv0)
    h = jax.nn.relu(h)
    res = h
    h = _gcn(h, src, dst, W1, b1)
    h = _bn(h, g1, beta1, rm1, rv1)
    h = jax.nn.relu(h)
    h = h + res
    res = h
    h = _gcn(h, src, dst, W2, b2)
    h = _bn(h, g2, beta2, rm2, rv2)
    h = h + res
    # GlobalPooling mean_max
    ones = jnp.ones((h.shape[0],), h.dtype)
    cnt = jax.ops.segment_sum(ones, batch, num_segments=G)
    mean = jax.ops.segment_sum(h, batch, num_segments=G) / jnp.maximum(cnt, 1.0)[:, None]
    mx = jax.ops.segment_max(h, batch, num_segments=G)
    pooled = jnp.concatenate([mean, mx], axis=1)
    # Classifier: Linear -> ReLU -> BN -> (Dropout) -> Linear
    z = pooled @ Wc1 + bc1
    z = jax.nn.relu(z)
    z = _bn(z, gc, betac, rmc, rvc)
    logits = z @ Wc2 + bc2
    return logits

if __name__ == "__main__":
    import jax
    _d = setup_inputs()
    print(jax.jit(kernel)(*tuple(_d.values())))

</pallas_src>

<mosaic_0001>
#map = affine_map<(d0, d1) -> (0)>
#map1 = affine_map<(d0, d1) -> (0, 0)>
module attributes {stable_mosaic.version = 14 : i64} {
  func.func @_deg_body(%arg0: i32, %arg1: i32, %arg2: memref<655360xi32, #tpu.memory_space<hbm>>, %arg3: memref<32x10240xf32, #tpu.memory_space<hbm>>, %arg4: memref<10240xf32, #tpu.memory_space<vmem>>, %arg5: memref<2048xi32, #tpu.memory_space<vmem>>) attributes {dimension_semantics = [#tpu.dimension_semantics<core_parallel>, #tpu.dimension_semantics<subcore_parallel>], iteration_bounds = array<i64: 2, 16>, scalar_prefetch = 0 : i64, scratch_operands = 2 : i64, tpu.core_type = #tpu.core_type<sc_vector_subcore>, window_params = [{transform_indices = #map}, {transform_indices = #map1}]} {
    %mul3A = arith.constant 2 : i32
    %mul3A_0 = arith.muli %arg1, %mul3A : i32
    %add3A = arith.addi %mul3A_0, %arg0 : i32
    %broadcast_in_dim3A = arith.constant 0.000000e+00 : f32
    %broadcast_in_dim3A_1 = vector.broadcast %broadcast_in_dim3A : f32 to vector<16xf32>
    %broadcast_in_dim3A_2 = arith.constant 1.000000e+00 : f32
    %broadcast_in_dim3A_3 = vector.broadcast %broadcast_in_dim3A_2 : f32 to vector<16xf32>
    %scan3A = arith.constant 0 : i32
    %scan3A_4 = arith.constant 0 : i32
    %scan3A_5 = arith.constant 640 : i32
    %scan3A_6 = arith.addi %scan3A_4, %scan3A_5 : i32
    %scan3A_7 = arith.constant 1 : i32
    scf.for %scan3A_17 = %scan3A_4 to %scan3A_6 step %scan3A_7  : i32 {
      %mul3A_18 = arith.constant 16 : i32
      %mul3A_19 = arith.muli %scan3A_17, %mul3A_18 : i32
      %swap3A = arith.index_cast %mul3A_19 : i32 to index
      %swap3A_20 = tpu.vector_load %arg4[%swap3A] {strides = array<i32>} : memref<10240xf32, #tpu.memory_space<vmem>>, vector<16xf32>,
      tpu.vector_store %arg4[%swap3A], %broadcast_in_dim3A_1 {strides = array<i32>} : memref<10240xf32, #tpu.memory_space<vmem>>, vector<16xf32>,
    }
    %scan3A_8 = arith.constant 640 : i32
    %mul3A_9 = arith.constant 10240 : i32
    %mul3A_10 = arith.muli %add3A, %mul3A_9 : i32
    %scan3A_11 = arith.constant 0 : i32
    %scan3A_12 = arith.constant 0 : i32
    %scan3A_13 = arith.constant 5 : i32
    %scan3A_14 = arith.addi %scan3A_12, %scan3A_13 : i32
    %scan3A_15 = arith.constant 1 : i32
    scf.for %scan3A_17 = %scan3A_12 to %scan3A_14 step %scan3A_15  : i32 {
      %add3A_18 = arith.constant 327680 : i32
      %add3A_19 = arith.addi %add3A_18, %mul3A_10 : i32
      %mul3A_20 = arith.constant 2048 : i32
      %mul3A_21 = arith.muli %scan3A_17, %mul3A_20 : i32
      %add3A_22 = arith.addi %add3A_19, %mul3A_21 : i32
      "tpu.region"() ({
        %run_scoped3A = tpu.sem_alloc : memref<!tpu.dma_semaphore, #tpu.memory_space<semaphore_mem>>
        %dma_start3A = tpu.memref_slice %arg2[%add3A_22] : memref<655360xi32, #tpu.memory_space<hbm>> -> memref<2048xi32, #tpu.memory_space<hbm>>
        %dma_start3A_29 = tpu.memref_slice %arg2[%add3A_22] : memref<655360xi32, #tpu.memory_space<hbm>> -> memref<2048xi32, #tpu.memory_space<hbm>>
        tpu.enqueue_dma source(%dma_start3A_29 : memref<2048xi32, #tpu.memory_space<hbm>>) target(%arg5 : memref<2048xi32, #tpu.memory_space<vmem>>) target_semaphore(%run_scoped3A : memref<!tpu.dma_semaphore, #tpu.memory_space<semaphore_mem>>)
        %dma_wait3A = tpu.memref_slice %arg2[%add3A_22] : memref<655360xi32, #tpu.memory_space<hbm>> -> memref<2048xi32, #tpu.memory_space<hbm>>
        %dma_wait3A_30 = tpu.memref_slice %arg2[%add3A_22] : memref<655360xi32, #tpu.memory_space<hbm>> -> memref<2048xi32, #tpu.memory_space<hbm>>
        tpu.wait_dma2 semaphore(%run_scoped3A : memref<!tpu.dma_semaphore, #tpu.memory_space<semaphore_mem>>) src(%dma_wait3A_30 : memref<2048xi32, #tpu.memory_space<hbm>>) dst(%arg5 : memref<2048xi32, #tpu.memory_space<vmem>>)
        tpu.yield
      }) : () -> ()
      %scan3A_23 = arith.constant 0 : i32
      %scan3A_24 = arith.constant 0 : i32
      %scan3A_25 = arith.constant 128 : i32
      %scan3A_26 = arith.addi %scan3A_24, %scan3A_25 : i32
      %scan3A_27 = arith.constant 1 : i32
      scf.for %scan3A_29 = %scan3A_24 to %scan3A_26 step %scan3A_27  : i32 {
        %mul3A_30 = arith.constant 16 : i32
        %mul3A_31 = arith.muli %scan3A_29, %mul3A_30 : i32
        %get3A = arith.index_cast %mul3A_31 : i32 to index
        %get3A_32 = tpu.vector_load %arg5[%get3A] {strides = array<i32>} : memref<2048xi32, #tpu.memory_space<vmem>>, vector<16xi32>,
        tpu.vector_store_idx %arg4[%get3A_32], %broadcast_in_dim3A_3 {add = true} : memref<10240xf32, #tpu.memory_space<vmem>>[vector<16xi32>], vector<16xf32>,
      }
      %scan3A_28 = arith.constant 128 : i32
    }
    %scan3A_16 = arith.constant 5 : i32
    "tpu.region"() ({
      %run_scoped3A = tpu.sem_alloc : memref<!tpu.dma_semaphore, #tpu.memory_space<semaphore_mem>>
      %dma_start3A = arith.constant 0 : i32
      %dma_start3A_17 = tpu.memref_slice %arg3[%add3A, %dma_start3A] : memref<32x10240xf32, #tpu.memory_space<hbm>> -> memref<1x10240xf32, #tpu.memory_space<hbm>>
      %dma_start3A_18 = tpu.memref_squeeze %dma_start3A_17 : memref<1x10240xf32, #tpu.memory_space<hbm>> -> memref<10240xf32, #tpu.memory_space<hbm>>
      %dma_start3A_19 = arith.constant 0 : i32
      %dma_start3A_20 = tpu.memref_slice %arg3[%add3A, %dma_start3A_19] : memref<32x10240xf32, #tpu.memory_space<hbm>> -> memref<1x10240xf32, #tpu.memory_space<hbm>>
      %dma_start3A_21 = tpu.memref_squeeze %dma_start3A_20 : memref<1x10240xf32, #tpu.memory_space<hbm>> -> memref<10240xf32, #tpu.memory_space<hbm>>
      tpu.enqueue_dma source(%arg4 : memref<10240xf32, #tpu.memory_space<vmem>>) target(%dma_start3A_21 : memref<10240xf32, #tpu.memory_space<hbm>>) target_semaphore(%run_scoped3A : memref<!tpu.dma_semaphore, #tpu.memory_space<semaphore_mem>>)
      %dma_wait3A = arith.constant 0 : i32
      %dma_wait3A_22 = tpu.memref_slice %arg3[%add3A, %dma_wait3A] : memref<32x10240xf32, #tpu.memory_space<hbm>> -> memref<1x10240xf32, #tpu.memory_space<hbm>>
      %dma_wait3A_23 = tpu.memref_squeeze %dma_wait3A_22 : memref<1x10240xf32, #tpu.memory_space<hbm>> -> memref<10240xf32, #tpu.memory_space<hbm>>
      %dma_wait3A_24 = arith.constant 0 : i32
      %dma_wait3A_25 = tpu.memref_slice %arg3[%add3A, %dma_wait3A_24] : memref<32x10240xf32, #tpu.memory_space<hbm>> -> memref<1x10240xf32, #tpu.memory_space<hbm>>
      %dma_wait3A_26 = tpu.memref_squeeze %dma_wait3A_25 : memref<1x10240xf32, #tpu.memory_space<hbm>> -> memref<10240xf32, #tpu.memory_space<hbm>>
      tpu.wait_dma2 semaphore(%run_scoped3A : memref<!tpu.dma_semaphore, #tpu.memory_space<semaphore_mem>>) src(%arg4 : memref<10240xf32, #tpu.memory_space<vmem>>) dst(%dma_wait3A_26 : memref<10240xf32, #tpu.memory_space<hbm>>)
      tpu.yield
    }) : () -> ()
    return
  }
}

#map = affine_map<(d0, d1) -> (0, 0)>
#map1 = affine_map<(d0, d1) -> (0)>
#map2 = affine_map<(d0, d1) -> (0, 0, 0)>
module attributes {stable_mosaic.version = 14 : i64} {
  func.func @_scatter_body(%arg0: i32, %arg1: i32, %arg2: memref<10240x128xf32, #tpu.memory_space<hbm>>, %arg3: memref<655360xi32, #tpu.memory_space<hbm>>, %arg4: memref<2x10240x128xf32, #tpu.memory_space<hbm>>, %arg5: memref<10240xi32, #tpu.memory_space<vmem>>, %arg6: memref<64xi32, #tpu.memory_space<vmem>>, %arg7: memref<64xi32, #tpu.memory_space<vmem>>, %arg8: memref<64xi32, #tpu.memory_space<vmem>>, %arg9: memref<64xi32, #tpu.memory_space<vmem>>, %arg10: memref<64x128xf32, #tpu.memory_space<vmem>>, %arg11: memref<64x128xf32, #tpu.memory_space<vmem>>, %arg12: memref<64x128xf32, #tpu.memory_space<vmem>>, %arg13: memref<64x128xf32, #tpu.memory_space<vmem>>, %arg14: memref<10240x128xf32, #tpu.memory_space<vmem_shared>>, %arg15: memref<!tpu.dma_semaphore, #tpu.memory_space<semaphore_mem>>, %arg16: memref<!tpu.dma_semaphore, #tpu.memory_space<semaphore_mem>>, %arg17: memref<!tpu.dma_semaphore, #tpu.memory_space<semaphore_mem>>) attributes {dimension_semantics = [#tpu.dimension_semantics<core_parallel>, #tpu.dimension_semantics<subcore_parallel>], iteration_bounds = array<i64: 2, 16>, scalar_prefetch = 0 : i64, scratch_operands = 13 : i64, tpu.core_type = #tpu.core_type<sc_vector_subcore>, window_params = [{transform_indices = #map}, {transform_indices = #map1}, {transform_indices = #map2}]} {
    %mul3A = arith.constant 2 : i32
    %mul3A_0 = arith.muli %arg1, %mul3A : i32
    %add3A = arith.addi %mul3A_0, %arg0 : i32
    %mul3A_1 = arith.constant 10240 : i32
    %mul3A_2 = arith.muli %add3A, %mul3A_1 : i32
    %dma_start3A = tpu.memref_slice %arg3[%mul3A_2] : memref<655360xi32, #tpu.memory_space<hbm>> -> memref<10240xi32, #tpu.memory_space<hbm>>
    %dma_start3A_3 = tpu.memref_slice %arg3[%mul3A_2] : memref<655360xi32, #tpu.memory_space<hbm>> -> memref<10240xi32, #tpu.memory_space<hbm>>
    tpu.enqueue_dma source(%dma_start3A_3 : memref<10240xi32, #tpu.memory_space<hbm>>) target(%arg5 : memref<10240xi32, #tpu.memory_space<vmem>>) target_semaphore(%arg15 : memref<!tpu.dma_semaphore, #tpu.memory_space<semaphore_mem>>)
    %broadcast_in_dim3A = arith.constant 0.000000e+00 : f32
    %broadcast_in_dim3A_4 = vector.broadcast %broadcast_in_dim3A : f32 to vector<16xf32>
    %scan3A = arith.constant 0 : i32
    %scan3A_5 = arith.constant 0 : i32
    %scan3A_6 = arith.constant 512 : i32
    %scan3A_7 = arith.addi %scan3A_5, %scan3A_6 : i32
    %scan3A_8 = arith.constant 1 : i32
    scf.for %scan3A_226 = %scan3A_5 to %scan3A_7 step %scan3A_8  : i32 {
      %jit3A = arith.constant 8 : i32
      %div3A = arith.divsi %scan3A_226, %jit3A : i32
      %sign3A = arith.constant 0 : i32
      %sign3A_227 = arith.cmpi sgt, %scan3A_226, %sign3A : i32
      %sign3A_228 = arith.extui %sign3A_227 : i1 to i32
      %sign3A_229 = arith.constant 0 : i32
      %sign3A_230 = arith.cmpi slt, %scan3A_226, %sign3A_229 : i32
      %sign3A_231 = arith.extui %sign3A_230 : i1 to i32
      %sign3A_232 = arith.subi %sign3A_228, %sign3A_231 : i32
      %sign3A_233 = arith.constant 0 : i32
      %sign3A_234 = arith.cmpi sgt, %jit3A, %sign3A_233 : i32
      %sign3A_235 = arith.extui %sign3A_234 : i1 to i32
      %sign3A_236 = arith.constant 0 : i32
      %sign3A_237 = arith.cmpi slt, %jit3A, %sign3A_236 : i32
      %sign3A_238 = arith.extui %sign3A_237 : i1 to i32
      %sign3A_239 = arith.subi %sign3A_235, %sign3A_238 : i32
      %ne3A = arith.cmpi ne, %sign3A_232, %sign3A_239 : i32
      %rem3A = arith.remsi %scan3A_226, %jit3A : i32
      %ne3A_240 = arith.constant 0 : i32
      %ne3A_241 = arith.cmpi ne, %rem3A, %ne3A_240 : i32
      %and3A = arith.andi %ne3A, %ne3A_241 : i1
      %sub3A = arith.constant 1 : i32
      %sub3A_242 = arith.subi %div3A, %sub3A : i32
      %select_n3A = arith.select %and3A, %sub3A_242, %div3A : i32
      %jit3A_243 = arith.constant 8 : i32
      %eq3A = arith.constant 0 : i32
      %eq3A_244 = arith.cmpi eq, %jit3A_243, %eq3A : i32
      %jit3A_245 = arith.constant 1 : i32
      %select_n3A_246 = arith.select %eq3A_244, %jit3A_245, %jit3A_243 : i32
      %rem3A_247 = arith.remsi %scan3A_226, %select_n3A_246 : i32
      %ne3A_248 = arith.constant 0 : i32
      %ne3A_249 = arith.cmpi ne, %rem3A_247, %ne3A_248 : i32
      %lt3A = arith.constant 0 : i32
      %lt3A_250 = arith.cmpi slt, %rem3A_247, %lt3A : i32
      %lt3A_251 = arith.constant 0 : i32
      %lt3A_252 = arith.cmpi slt, %select_n3A_246, %lt3A_251 : i32
      %ne3A_253 = arith.xori %lt3A_250, %lt3A_252 : i1
      %and3A_254 = arith.andi %ne3A_253, %ne3A_249 : i1
      %add3A_255 = arith.addi %rem3A_247, %select_n3A_246 : i32
      %select_n3A_256 = arith.select %and3A_254, %add3A_255, %rem3A_247 : i32
      %mul3A_257 = arith.constant 16 : i32
      %mul3A_258 = arith.muli %select_n3A_256, %mul3A_257 : i32
      %swap3A = arith.index_cast %select_n3A : i32 to index
      %swap3A_259 = arith.index_cast %mul3A_258 : i32 to index
      %swap3A_260 = tpu.vector_load %arg10[%swap3A, %swap3A_259] {strides = array<i32>} : memref<64x128xf32, #tpu.memory_space<vmem>>, vector<16xf32>,
      tpu.vector_store %arg10[%swap3A, %swap3A_259], %broadcast_in_dim3A_4 {strides = array<i32>} : memref<64x128xf32, #tpu.memory_space<vmem>>, vector<16xf32>,
    }
    %scan3A_9 = arith.constant 512 : i32
    %scan3A_10 = arith.constant 0 : i32
    %scan3A_11 = arith.constant 0 : i32
    %scan3A_12 = arith.constant 10 : i32
    %scan3A_13 = arith.addi %scan3A_11, %scan3A_12 : i32
    %scan3A_14 = arith.constant 1 : i32
    scf.for %scan3A_226 = %scan3A_11 to %scan3A_13 step %scan3A_14  : i32 {
      %mul3A_227 = arith.constant 640 : i32
      %mul3A_228 = arith.muli %arg1, %mul3A_227 : i32
      %mul3A_229 = arith.constant 64 : i32
      %mul3A_230 = arith.muli %scan3A_226, %mul3A_229 : i32
      %add3A_231 = arith.addi %mul3A_228, %mul3A_230 : i32
      %dma_start3A_232 = arith.constant 0 : i32
      %dma_start3A_233 = tpu.memref_slice %arg14[%add3A_231, %dma_start3A_232] : memref<10240x128xf32, #tpu.memory_space<vmem_shared>> -> memref<64x128xf32, #tpu.memory_space<vmem_shared>>
      %dma_start3A_234 = arith.constant 0 : i32
      %dma_start3A_235 = tpu.memref_slice %arg14[%add3A_231, %dma_start3A_234] : memref<10240x128xf32, #tpu.memory_space<vmem_shared>> -> memref<64x128xf32, #tpu.memory_space<vmem_shared>>
      tpu.enqueue_dma source(%arg10 : memref<64x128xf32, #tpu.memory_space<vmem>>) target(%dma_start3A_235 : memref<64x128xf32, #tpu.memory_space<vmem_shared>>) target_semaphore(%arg16 : memref<!tpu.dma_semaphore, #tpu.memory_space<semaphore_mem>>)
    }
    %scan3A_15 = arith.constant 10 : i32
    %scan3A_16 = arith.constant 0 : i32
    %scan3A_17 = arith.constant 0 : i32
    %scan3A_18 = arith.constant 10 : i32
    %scan3A_19 = arith.addi %scan3A_17, %scan3A_18 : i32
    %scan3A_20 = arith.constant 1 : i32
    scf.for %scan3A_226 = %scan3A_17 to %scan3A_19 step %scan3A_20  : i32 {
      %mul3A_227 = arith.constant 640 : i32
      %mul3A_228 = arith.muli %arg1, %mul3A_227 : i32
      %dma_wait3A_229 = arith.constant 0 : i32
      %dma_wait3A_230 = tpu.memref_slice %arg14[%mul3A_228, %dma_wait3A_229] : memref<10240x128xf32, #tpu.memory_space<vmem_shared>> -> memref<64x128xf32, #tpu.memory_space<vmem_shared>>
      %dma_wait3A_231 = arith.constant 0 : i32
      %dma_wait3A_232 = tpu.memref_slice %arg14[%mul3A_228, %dma_wait3A_231] : memref<10240x128xf32, #tpu.memory_space<vmem_shared>> -> memref<64x128xf32, #tpu.memory_space<vmem_shared>>
      tpu.wait_dma2 semaphore(%arg16 : memref<!tpu.dma_semaphore, #tpu.memory_space<semaphore_mem>>) src(%arg10 : memref<64x128xf32, #tpu.memory_space<vmem>>) dst(%dma_wait3A_232 : memref<64x128xf32, #tpu.memory_space<vmem_shared>>)
    }
    %scan3A_21 = arith.constant 10 : i32
    %dma_wait3A = tpu.memref_slice %arg3[%mul3A_2] : memref<655360xi32, #tpu.memory_space<hbm>> -> memref<10240xi32, #tpu.memory_space<hbm>>
    %dma_wait3A_22 = tpu.memref_slice %arg3[%mul3A_2] : memref<655360xi32, #tpu.memory_space<hbm>> -> memref<10240xi32, #tpu.memory_space<hbm>>
    tpu.wait_dma2 semaphore(%arg15 : memref<!tpu.dma_semaphore, #tpu.memory_space<semaphore_mem>>) src(%dma_wait3A_22 : memref<10240xi32, #tpu.memory_space<hbm>>) dst(%arg5 : memref<10240xi32, #tpu.memory_space<vmem>>)
    %add3A_23 = arith.constant 327680 : i32
    %add3A_24 = arith.addi %add3A_23, %mul3A_2 : i32
    %add3A_25 = arith.constant 0 : i32
    %add3A_26 = arith.addi %add3A_24, %add3A_25 : i32
    %dma_start3A_27 = tpu.memref_slice %arg3[%add3A_26] : memref<655360xi32, #tpu.memory_space<hbm>> -> memref<64xi32, #tpu.memory_space<hbm>>
    %dma_start3A_28 = tpu.memref_slice %arg3[%add3A_26] : memref<655360xi32, #tpu.memory_space<hbm>> -> memref<64xi32, #tpu.memory_space<hbm>>
    tpu.enqueue_dma source(%dma_start3A_28 : memref<64xi32, #tpu.memory_space<hbm>>) target(%arg6 : memref<64xi32, #tpu.memory_space<vmem>>) target_semaphore(%arg16 : memref<!tpu.dma_semaphore, #tpu.memory_space<semaphore_mem>>)
    %dma_start3A_29 = arith.constant 0 : i32
    %dma_start3A_30 = tpu.memref_slice %arg5[%dma_start3A_29] : memref<10240xi32, #tpu.memory_space<vmem>> -> memref<64xi32, #tpu.memory_space<vmem>>
    %dma_start3A_31 = arith.constant 0 : i32
    %dma_start3A_32 = arith.constant 0 : i32
    %dma_start3A_33 = tpu.memref_slice %arg2[%dma_start3A_31, %dma_start3A_32] : memref<10240x128xf32, #tpu.memory_space<hbm>> -> memref<10240x128xf32, #tpu.memory_space<hbm>>
    tpu.enqueue_indirect_dma source(%dma_start3A_33 : memref<10240x128xf32, #tpu.memory_space<hbm>>) target(%arg10 : memref<64x128xf32, #tpu.memory_space<vmem>>) offsets(%dma_start3A_30 : memref<64xi32, #tpu.memory_space<vmem>>) semaphore(%arg15 : memref<!tpu.dma_semaphore, #tpu.memory_space<semaphore_mem>>)
    %add3A_34 = arith.constant 327680 : i32
    %add3A_35 = arith.addi %add3A_34, %mul3A_2 : i32
    %add3A_36 = arith.constant 64 : i32
    %add3A_37 = arith.addi %add3A_35, %add3A_36 : i32
    %dma_start3A_38 = tpu.memref_slice %arg3[%add3A_37] : memref<655360xi32, #tpu.memory_space<hbm>> -> memref<64xi32, #tpu.memory_space<hbm>>
    %dma_start3A_39 = tpu.memref_slice %arg3[%add3A_37] : memref<655360xi32, #tpu.memory_space<hbm>> -> memref<64xi32, #tpu.memory_space<hbm>>
    tpu.enqueue_dma source(%dma_start3A_39 : memref<64xi32, #tpu.memory_space<hbm>>) target(%arg7 : memref<64xi32, #tpu.memory_space<vmem>>) target_semaphore(%arg16 : memref<!tpu.dma_semaphore, #tpu.memory_space<semaphore_mem>>)
    %dma_start3A_40 = arith.constant 64 : i32
    %dma_start3A_41 = tpu.memref_slice %arg5[%dma_start3A_40] : memref<10240xi32, #tpu.memory_space<vmem>> -> memref<64xi32, #tpu.memory_space<vmem>>
    %dma_start3A_42 = arith.constant 0 : i32
    %dma_start3A_43 = arith.constant 0 : i32
    %dma_start3A_44 = tpu.memref_slice %arg2[%dma_start3A_42, %dma_start3A_43] : memref<10240x128xf32, #tpu.memory_space<hbm>> -> memref<10240x128xf32, #tpu.memory_space<hbm>>
    tpu.enqueue_indirect_dma source(%dma_start3A_44 : memref<10240x128xf32, #tpu.memory_space<hbm>>) target(%arg11 : memref<64x128xf32, #tpu.memory_space<vmem>>) offsets(%dma_start3A_41 : memref<64xi32, #tpu.memory_space<vmem>>) semaphore(%arg15 : memref<!tpu.dma_semaphore, #tpu.memory_space<semaphore_mem>>)
    %add3A_45 = arith.constant 327680 : i32
    %add3A_46 = arith.addi %add3A_45, %mul3A_2 : i32
    %add3A_47 = arith.constant 128 : i32
    %add3A_48 = arith.addi %add3A_46, %add3A_47 : i32
    %dma_start3A_49 = tpu.memref_slice %arg3[%add3A_48] : memref<655360xi32, #tpu.memory_space<hbm>> -> memref<64xi32, #tpu.memory_space<hbm>>
    %dma_start3A_50 = tpu.memref_slice %arg3[%add3A_48] : memref<655360xi32, #tpu.memory_space<hbm>> -> memref<64xi32, #tpu.memory_space<hbm>>
    tpu.enqueue_dma source(%dma_start3A_50 : memref<64xi32, #tpu.memory_space<hbm>>) target(%arg8 : memref<64xi32, #tpu.memory_space<vmem>>) target_semaphore(%arg16 : memref<!tpu.dma_semaphore, #tpu.memory_space<semaphore_mem>>)
    %dma_start3A_51 = arith.constant 128 : i32
    %dma_start3A_52 = tpu.memref_slice %arg5[%dma_start3A_51] : memref<10240xi32, #tpu.memory_space<vmem>> -> memref<64xi32, #tpu.memory_space<vmem>>
    %dma_start3A_53 = arith.constant 0 : i32
    %dma_start3A_54 = arith.constant 0 : i32
    %dma_start3A_55 = tpu.memref_slice %arg2[%dma_start3A_53, %dma_start3A_54] : memref<10240x128xf32, #tpu.memory_space<hbm>> -> memref<10240x128xf32, #tpu.memory_space<hbm>>
    tpu.enqueue_indirect_dma source(%dma_start3A_55 : memref<10240x128xf32, #tpu.memory_space<hbm>>) target(%arg12 : memref<64x128xf32, #tpu.memory_space<vmem>>) offsets(%dma_start3A_52 : memref<64xi32, #tpu.memory_space<vmem>>) semaphore(%arg15 : memref<!tpu.dma_semaphore, #tpu.memory_space<semaphore_mem>>)
    %barrier3A = arith.constant 0 : index
    tpu.barrier barrier_id(%barrier3A)
    %dma_wait3A_56 = tpu.memref_slice %arg3[%mul3A_2] : memref<655360xi32, #tpu.memory_space<hbm>> -> memref<64xi32, #tpu.memory_space<hbm>>
    %dma_wait3A_57 = tpu.memref_slice %arg3[%mul3A_2] : memref<655360xi32, #tpu.memory_space<hbm>> -> memref<64xi32, #tpu.memory_space<hbm>>
    tpu.wait_dma2 semaphore(%arg16 : memref<!tpu.dma_semaphore, #tpu.memory_space<semaphore_mem>>) src(%dma_wait3A_57 : memref<64xi32, #tpu.memory_space<hbm>>) dst(%arg6 : memref<64xi32, #tpu.memory_space<vmem>>)
    %dma_wait3A_58 = arith.constant 0 : i32
    %dma_wait3A_59 = tpu.memref_slice %arg5[%dma_wait3A_58] : memref<10240xi32, #tpu.memory_space<vmem>> -> memref<64xi32, #tpu.memory_space<vmem>>
    %dma_wait3A_60 = arith.constant 0 : i32
    %dma_wait3A_61 = arith.constant 0 : i32
    %dma_wait3A_62 = tpu.memref_slice %arg2[%dma_wait3A_60, %dma_wait3A_61] : memref<10240x128xf32, #tpu.memory_space<hbm>> -> memref<10240x128xf32, #tpu.memory_space<hbm>>
    tpu.wait_indirect_dma semaphore(%arg15 : memref<!tpu.dma_semaphore, #tpu.memory_space<semaphore_mem>>) src(%dma_wait3A_62 : memref<10240x128xf32, #tpu.memory_space<hbm>>) dst(%arg10 : memref<64x128xf32, #tpu.memory_space<vmem>>)
    %dma_start3A_63 = arith.constant 0 : i32
    %dma_start3A_64 = arith.constant 0 : i32
    %dma_start3A_65 = tpu.memref_slice %arg14[%dma_start3A_63, %dma_start3A_64] : memref<10240x128xf32, #tpu.memory_space<vmem_shared>> -> memref<10240x128xf32, #tpu.memory_space<vmem_shared>>
    tpu.enqueue_indirect_dma source(%arg10 : memref<64x128xf32, #tpu.memory_space<vmem>>) target(%dma_start3A_65 : memref<10240x128xf32, #tpu.memory_space<vmem_shared>>) offsets(%arg6 : memref<64xi32, #tpu.memory_space<vmem>>) semaphore(%arg17 : memref<!tpu.dma_semaphore, #tpu.memory_space<semaphore_mem>>) {add = true}
    %add3A_66 = arith.constant 327680 : i32
    %add3A_67 = arith.addi %add3A_66, %mul3A_2 : i32
    %add3A_68 = arith.constant 192 : i32
    %add3A_69 = arith.addi %add3A_67, %add3A_68 : i32
    %dma_start3A_70 = tpu.memref_slice %arg3[%add3A_69] : memref<655360xi32, #tpu.memory_space<hbm>> -> memref<64xi32, #tpu.memory_space<hbm>>
    %dma_start3A_71 = tpu.memref_slice %arg3[%add3A_69] : memref<655360xi32, #tpu.memory_space<hbm>> -> memref<64xi32, #tpu.memory_space<hbm>>
    tpu.enqueue_dma source(%dma_start3A_71 : memref<64xi32, #tpu.memory_space<hbm>>) target(%arg9 : memref<64xi32, #tpu.memory_space<vmem>>) target_semaphore(%arg16 : memref<!tpu.dma_semaphore, #tpu.memory_space<semaphore_mem>>)
    %dma_start3A_72 = arith.constant 192 : i32
    %dma_start3A_73 = tpu.memref_slice %arg5[%dma_start3A_72] : memref<10240xi32, #tpu.memory_space<vmem>> -> memref<64xi32, #tpu.memory_space<vmem>>
    %dma_start3A_74 = arith.constant 0 : i32
    %dma_start3A_75 = arith.constant 0 : i32
    %dma_start3A_76 = tpu.memref_slice %arg2[%dma_start3A_74, %dma_start3A_75] : memref<10240x128xf32, #tpu.memory_space<hbm>> -> memref<10240x128xf32, #tpu.memory_space<hbm>>
    tpu.enqueue_indirect_dma source(%dma_start3A_76 : memref<10240x128xf32, #tpu.memory_space<hbm>>) target(%arg13 : memref<64x128xf32, #tpu.memory_space<vmem>>) offsets(%dma_start3A_73 : memref<64xi32, #tpu.memory_space<vmem>>) semaphore(%arg15 : memref<!tpu.dma_semaphore, #tpu.memory_space<semaphore_mem>>)
    %dma_wait3A_77 = tpu.memref_slice %arg3[%mul3A_2] : memref<655360xi32, #tpu.memory_space<hbm>> -> memref<64xi32, #tpu.memory_space<hbm>>
    %dma_wait3A_78 = tpu.memref_slice %arg3[%mul3A_2] : memref<655360xi32, #tpu.memory_space<hbm>> -> memref<64xi32, #tpu.memory_space<hbm>>
    tpu.wait_dma2 semaphore(%arg16 : memref<!tpu.dma_semaphore, #tpu.memory_space<semaphore_mem>>) src(%dma_wait3A_78 : memref<64xi32, #tpu.memory_space<hbm>>) dst(%arg7 : memref<64xi32, #tpu.memory_space<vmem>>)
    %dma_wait3A_79 = arith.constant 0 : i32
    %dma_wait3A_80 = tpu.memref_slice %arg5[%dma_wait3A_79] : memref<10240xi32, #tpu.memory_space<vmem>> -> memref<64xi32, #tpu.memory_space<vmem>>
    %dma_wait3A_81 = arith.constant 0 : i32
    %dma_wait3A_82 = arith.constant 0 : i32
    %dma_wait3A_83 = tpu.memref_slice %arg2[%dma_wait3A_81, %dma_wait3A_82] : memref<10240x128xf32, #tpu.memory_space<hbm>> -> memref<10240x128xf32, #tpu.memory_space<hbm>>
    tpu.wait_indirect_dma semaphore(%arg15 : memref<!tpu.dma_semaphore, #tpu.memory_space<semaphore_mem>>) src(%dma_wait3A_83 : memref<10240x128xf32, #tpu.memory_space<hbm>>) dst(%arg11 : memref<64x128xf32, #tpu.memory_space<vmem>>)
    %dma_start3A_84 = arith.constant 0 : i32
    %dma_start3A_85 = arith.constant 0 : i32
    %dma_start3A_86 = tpu.memref_slice %arg14[%dma_start3A_84, %dma_start3A_85] : memref<10240x128xf32, #tpu.memory_space<vmem_shared>> -> memref<10240x128xf32, #tpu.memory_space<vmem_shared>>
    tpu.enqueue_indirect_dma source(%arg11 : memref<64x128xf32, #tpu.memory_space<vmem>>) target(%dma_start3A_86 : memref<10240x128xf32, #tpu.memory_space<vmem_shared>>) offsets(%arg7 : memref<64xi32, #tpu.memory_space<vmem>>) semaphore(%arg17 : memref<!tpu.dma_semaphore, #tpu.memory_space<semaphore_mem>>) {add = true}
    %dma_wait3A_87 = arith.constant 0 : i32
    %dma_wait3A_88 = arith.constant 0 : i32
    %dma_wait3A_89 = tpu.memref_slice %arg14[%dma_wait3A_87, %dma_wait3A_88] : memref<10240x128xf32, #tpu.memory_space<vmem_shared>> -> memref<10240x128xf32, #tpu.memory_space<vmem_shared>>
    tpu.wait_indirect_dma semaphore(%arg17 : memref<!tpu.dma_semaphore, #tpu.memory_space<semaphore_mem>>) src(%arg10 : memref<64x128xf32, #tpu.memory_space<vmem>>) dst(%dma_wait3A_89 : memref<10240x128xf32, #tpu.memory_space<vmem_shared>>)
    %add3A_90 = arith.constant 327680 : i32
    %add3A_91 = arith.addi %add3A_90, %mul3A_2 : i32
    %add3A_92 = arith.constant 256 : i32
    %add3A_93 = arith.addi %add3A_91, %add3A_92 : i32
    %dma_start3A_94 = tpu.memref_slice %arg3[%add3A_93] : memref<655360xi32, #tpu.memory_space<hbm>> -> memref<64xi32, #tpu.memory_space<hbm>>
    %dma_start3A_95 = tpu.memref_slice %arg3[%add3A_93] : memref<655360xi32, #tpu.memory_space<hbm>> -> memref<64xi32, #tpu.memory_space<hbm>>
    tpu.enqueue_dma source(%dma_start3A_95 : memref<64xi32, #tpu.memory_space<hbm>>) target(%arg6 : memref<64xi32, #tpu.memory_space<vmem>>) target_semaphore(%arg16 : memref<!tpu.dma_semaphore, #tpu.memory_space<semaphore_mem>>)
    %dma_start3A_96 = arith.constant 256 : i32
    %dma_start3A_97 = tpu.memref_slice %arg5[%dma_start3A_96] : memref<10240xi32, #tpu.memory_space<vmem>> -> memref<64xi32, #tpu.memory_space<vmem>>
    %dma_start3A_98 = arith.constant 0 : i32
    %dma_start3A_99 = arith.constant 0 : i32
    %dma_start3A_100 = tpu.memref_slice %arg2[%dma_start3A_98, %dma_start3A_99] : memref<10240x128xf32, #tpu.memory_space<hbm>> -> memref<10240x128xf32, #tpu.memory_space<hbm>>
    tpu.enqueue_indirect_dma source(%dma_start3A_100 : memref<10240x128xf32, #tpu.memory_space<hbm>>) target(%arg10 : memref<64x128xf32, #tpu.memory_space<vmem>>) offsets(%dma_start3A_97 : memref<64xi32, #tpu.memory_space<vmem>>) semaphore(%arg15 : memref<!tpu.dma_semaphore, #tpu.memory_space<semaphore_mem>>)
    %dma_wait3A_101 = tpu.memref_slice %arg3[%mul3A_2] : memref<655360xi32, #tpu.memory_space<hbm>> -> memref<64xi32, #tpu.memory_space<hbm>>
    %dma_wait3A_102 = tpu.memref_slice %arg3[%mul3A_2] : memref<655360xi32, #tpu.memory_space<hbm>> -> memref<64xi32, #tpu.memory_space<hbm>>
    tpu.wait_dma2 semaphore(%arg16 : memref<!tpu.dma_semaphore, #tpu.memory_space<semaphore_mem>>) src(%dma_wait3A_102 : memref<64xi32, #tpu.memory_space<hbm>>) dst(%arg8 : memref<64xi32, #tpu.memory_space<vmem>>)
    %dma_wait3A_103 = arith.constant 0 : i32
    %dma_wait3A_104 = tpu.memref_slice %arg5[%dma_wait3A_103] : memref<10240xi32, #tpu.memory_space<vmem>> -> memref<64xi32, #tpu.memory_space<vmem>>
    %dma_wait3A_105 = arith.constant 0 : i32
    %dma_wait3A_106 = arith.constant 0 : i32
    %dma_wait3A_107 = tpu.memref_slice %arg2[%dma_wait3A_105, %dma_wait3A_106] : memref<10240x128xf32, #tpu.memory_space<hbm>> -> memref<10240x128xf32, #tpu.memory_space<hbm>>
    tpu.wait_indirect_dma semaphore(%arg15 : memref<!tpu.dma_semaphore, #tpu.memory_space<semaphore_mem>>) src(%dma_wait3A_107 : memref<10240x128xf32, #tpu.memory_space<hbm>>) dst(%arg12 : memref<64x128xf32, #tpu.memory_space<vmem>>)
    %dma_start3A_108 = arith.constant 0 : i32
    %dma_start3A_109 = arith.constant 0 : i32
    %dma_start3A_110 = tpu.memref_slice %arg14[%dma_start3A_108, %dma_start3A_109] : memref<10240x128xf32, #tpu.memory_space<vmem_shared>> -> memref<10240x128xf32, #tpu.memory_space<vmem_shared>>
    tpu.enqueue_indirect_dma source(%arg12 : memref<64x128xf32, #tpu.memory_space<vmem>>) target(%dma_start3A_110 : memref<10240x128xf32, #tpu.memory_space<vmem_shared>>) offsets(%arg8 : memref<64xi32, #tpu.memory_space<vmem>>) semaphore(%arg17 : memref<!tpu.dma_semaphore, #tpu.memory_space<semaphore_mem>>) {add = true}
    %dma_wait3A_111 = arith.constant 0 : i32
    %dma_wait3A_112 = arith.constant 0 : i32
    %dma_wait3A_113 = tpu.memref_slice %arg14[%dma_wait3A_111, %dma_wait3A_112] : memref<10240x128xf32, #tpu.memory_space<vmem_shared>> -> memref<10240x128xf32, #tpu.memory_space<vmem_shared>>
    tpu.wait_indirect_dma semaphore(%arg17 : memref<!tpu.dma_semaphore, #tpu.memory_space<semaphore_mem>>) src(%arg11 : memref<64x128xf32, #tpu.memory_space<vmem>>) dst(%dma_wait3A_113 : memref<10240x128xf32, #tpu.memory_space<vmem_shared>>)
    %add3A_114 = arith.constant 327680 : i32
    %add3A_115 = arith.addi %add3A_114, %mul3A_2 : i32
    %add3A_116 = arith.constant 320 : i32
    %add3A_117 = arith.addi %add3A_115, %add3A_116 : i32
    %dma_start3A_118 = tpu.memref_slice %arg3[%add3A_117] : memref<655360xi32, #tpu.memory_space<hbm>> -> memref<64xi32, #tpu.memory_space<hbm>>
    %dma_start3A_119 = tpu.memref_slice %arg3[%add3A_117] : memref<655360xi32, #tpu.memory_space<hbm>> -> memref<64xi32, #tpu.memory_space<hbm>>
    tpu.enqueue_dma source(%dma_start3A_119 : memref<64xi32, #tpu.memory_space<hbm>>) target(%arg7 : memref<64xi32, #tpu.memory_space<vmem>>) target_semaphore(%arg16 : memref<!tpu.dma_semaphore, #tpu.memory_space<semaphore_mem>>)
    %dma_start3A_120 = arith.constant 320 : i32
    %dma_start3A_121 = tpu.memref_slice %arg5[%dma_start3A_120] : memref<10240xi32, #tpu.memory_space<vmem>> -> memref<64xi32, #tpu.memory_space<vmem>>
    %dma_start3A_122 = arith.constant 0 : i32
    %dma_start3A_123 = arith.constant 0 : i32
    %dma_start3A_124 = tpu.memref_slice %arg2[%dma_start3A_122, %dma_start3A_123] : memref<10240x128xf32, #tpu.memory_space<hbm>> -> memref<10240x128xf32, #tpu.memory_space<hbm>>
    tpu.enqueue_indirect_dma source(%dma_start3A_124 : memref<10240x128xf32, #tpu.memory_space<hbm>>) target(%arg11 : memref<64x128xf32, #tpu.memory_space<vmem>>) offsets(%dma_start3A_121 : memref<64xi32, #tpu.memory_space<vmem>>) semaphore(%arg15 : memref<!tpu.dma_semaphore, #tpu.memory_space<semaphore_mem>>)
    %dma_wait3A_125 = tpu.memref_slice %arg3[%mul3A_2] : memref<655360xi32, #tpu.memory_space<hbm>> -> memref<64xi32, #tpu.memory_space<hbm>>
    %dma_wait3A_126 = tpu.memref_slice %arg3[%mul3A_2] : memref<655360xi32, #tpu.memory_space<hbm>> -> memref<64xi32, #tpu.memory_space<hbm>>
    tpu.wait_dma2 semaphore(%arg16 : memref<!tpu.dma_semaphore, #tpu.memory_space<semaphore_mem>>) src(%dma_wait3A_126 : memref<64xi32, #tpu.memory_space<hbm>>) dst(%arg9 : memref<64xi32, #tpu.memory_space<vmem>>)
    %dma_wait3A_127 = arith.constant 0 : i32
    %dma_wait3A_128 = tpu.memref_slice %arg5[%dma_wait3A_127] : memref<10240xi32, #tpu.memory_space<vmem>> -> memref<64xi32, #tpu.memory_space<vmem>>
    %dma_wait3A_129 = arith.constant 0 : i32
    %dma_wait3A_130 = arith.constant 0 : i32
    %dma_wait3A_131 = tpu.memref_slice %arg2[%dma_wait3A_129, %dma_wait3A_130] : memref<10240x128xf32, #tpu.memory_space<hbm>> -> memref<10240x128xf32, #tpu.memory_space<hbm>>
    tpu.wait_indirect_dma semaphore(%arg15 : memref<!tpu.dma_semaphore, #tpu.memory_space<semaphore_mem>>) src(%dma_wait3A_131 : memref<10240x128xf32, #tpu.memory_space<hbm>>) dst(%arg13 : memref<64x128xf32, #tpu.memory_space<vmem>>)
    %dma_start3A_132 = arith.constant 0 : i32
    %dma_start3A_133 = arith.constant 0 : i32
    %dma_start3A_134 = tpu.memref_slice %arg14[%dma_start3A_132, %dma_start3A_133] : memref<10240x128xf32, #tpu.memory_space<vmem_shared>> -> memref<10240x128xf32, #tpu.memory_space<vmem_shared>>
    tpu.enqueue_indirect_dma source(%arg13 : memref<64x128xf32, #tpu.memory_space<vmem>>) target(%dma_start3A_134 : memref<10240x128xf32, #tpu.memory_space<vmem_shared>>) offsets(%arg9 : memref<64xi32, #tpu.memory_space<vmem>>) semaphore(%arg17 : memref<!tpu.dma_semaphore, #tpu.memory_space<semaphore_mem>>) {add = true}
    %dma_wait3A_135 = arith.constant 0 : i32
    %dma_wait3A_136 = arith.constant 0 : i32
    %dma_wait3A_137 = tpu.memref_slice %arg14[%dma_wait3A_135, %dma_wait3A_136] : memref<10240x128xf32, #tpu.memory_space<vmem_shared>> -> memref<10240x128xf32, #tpu.memory_space<vmem_shared>>
    tpu.wait_indirect_dma semaphore(%arg17 : memref<!tpu.dma_semaphore, #tpu.memory_space<semaphore_mem>>) src(%arg12 : memref<64x128xf32, #tpu.memory_space<vmem>>) dst(%dma_wait3A_137 : memref<10240x128xf32, #tpu.memory_space<vmem_shared>>)
    %add3A_138 = arith.constant 327680 : i32
    %add3A_139 = arith.addi %add3A_138, %mul3A_2 : i32
    %add3A_140 = arith.constant 384 : i32
    %add3A_141 = arith.addi %add3A_139, %add3A_140 : i32
    %dma_start3A_142 = tpu.memref_slice %arg3[%add3A_141] : memref<655360xi32, #tpu.memory_space<hbm>> -> memref<64xi32, #tpu.memory_space<hbm>>
    %dma_start3A_143 = tpu.memref_slice %arg3[%add3A_141] : memref<655360xi32, #tpu.memory_space<hbm>> -> memref<64xi32, #tpu.memory_space<hbm>>
    tpu.enqueue_dma source(%dma_start3A_143 : memref<64xi32, #tpu.memory_space<hbm>>) target(%arg8 : memref<64xi32, #tpu.memory_space<vmem>>) target_semaphore(%arg16 : memref<!tpu.dma_semaphore, #tpu.memory_space<semaphore_mem>>)
    %dma_start3A_144 = arith.constant 384 : i32
    %dma_start3A_145 = tpu.memref_slice %arg5[%dma_start3A_144] : memref<10240xi32, #tpu.memory_space<vmem>> -> memref<64xi32, #tpu.memory_space<vmem>>
    %dma_start3A_146 = arith.constant 0 : i32
    %dma_start3A_147 = arith.constant 0 : i32
    %dma_start3A_148 = tpu.memref_slice %arg2[%dma_start3A_146, %dma_start3A_147] : memref<10240x128xf32, #tpu.memory_space<hbm>> -> memref<10240x128xf32, #tpu.memory_space<hbm>>
    tpu.enqueue_indirect_dma source(%dma_start3A_148 : memref<10240x128xf32, #tpu.memory_space<hbm>>) target(%arg12 : memref<64x128xf32, #tpu.memory_space<vmem>>) offsets(%dma_start3A_145 : memref<64xi32, #tpu.memory_space<vmem>>) semaphore(%arg15 : memref<!tpu.dma_semaphore, #tpu.memory_space<semaphore_mem>>)
    %scan3A_149 = arith.constant 0 : i32
    %scan3A_150 = arith.constant 1 : i32
    %scan3A_151 = arith.constant 38 : i32
    %scan3A_152 = arith.addi %scan3A_150, %scan3A_151 : i32
    %scan3A_153 = arith.constant 1 : i32
    scf.for %scan3A_226 = %scan3A_150 to %scan3A_152 step %scan3A_153  : i32 {
      %mul3A_227 = arith.constant 4 : i32
      %mul3A_228 = arith.muli %scan3A_226, %mul3A_227 : i32
      %add3A_229 = arith.constant 0 : i32
      %add3A_230 = arith.addi %mul3A_228, %add3A_229 : i32
      %dma_wait3A_231 = tpu.memref_slice %arg3[%mul3A_2] : memref<655360xi32, #tpu.memory_space<hbm>> -> memref<64xi32, #tpu.memory_space<hbm>>
      %dma_wait3A_232 = tpu.memref_slice %arg3[%mul3A_2] : memref<655360xi32, #tpu.memory_space<hbm>> -> memref<64xi32, #tpu.memory_space<hbm>>
      tpu.wait_dma2 semaphore(%arg16 : memref<!tpu.dma_semaphore, #tpu.memory_space<semaphore_mem>>) src(%dma_wait3A_232 : memref<64xi32, #tpu.memory_space<hbm>>) dst(%arg6 : memref<64xi32, #tpu.memory_space<vmem>>)
      %dma_wait3A_233 = arith.constant 0 : i32
      %dma_wait3A_234 = tpu.memref_slice %arg5[%dma_wait3A_233] : memref<10240xi32, #tpu.memory_space<vmem>> -> memref<64xi32, #tpu.memory_space<vmem>>
      %dma_wait3A_235 = arith.constant 0 : i32
      %dma_wait3A_236 = arith.constant 0 : i32
      %dma_wait3A_237 = tpu.memref_slice %arg2[%dma_wait3A_235, %dma_wait3A_236] : memref<10240x128xf32, #tpu.memory_space<hbm>> -> memref<10240x128xf32, #tpu.memory_space<hbm>>
      tpu.wait_indirect_dma semaphore(%arg15 : memref<!tpu.dma_semaphore, #tpu.memory_space<semaphore_mem>>) src(%dma_wait3A_237 : memref<10240x128xf32, #tpu.memory_space<hbm>>) dst(%arg10 : memref<64x128xf32, #tpu.memory_space<vmem>>)
      %dma_start3A_238 = arith.constant 0 : i32
      %dma_start3A_239 = arith.constant 0 : i32
      %dma_start3A_240 = tpu.memref_slice %arg14[%dma_start3A_238, %dma_start3A_239] : memref<10240x128xf32, #tpu.memory_space<vmem_shared>> -> memref<10240x128xf32, #tpu.memory_space<vmem_shared>>
      tpu.enqueue_indirect_dma source(%arg10 : memref<64x128xf32, #tpu.memory_space<vmem>>) target(%dma_start3A_240 : memref<10240x128xf32, #tpu.memory_space<vmem_shared>>) offsets(%arg6 : memref<64xi32, #tpu.memory_space<vmem>>) semaphore(%arg17 : memref<!tpu.dma_semaphore, #tpu.memory_space<semaphore_mem>>) {add = true}
      %dma_wait3A_241 = arith.constant 0 : i32
      %dma_wait3A_242 = arith.constant 0 : i32
      %dma_wait3A_243 = tpu.memref_slice %arg14[%dma_wait3A_241, %dma_wait3A_242] : memref<10240x128xf32, #tpu.memory_space<vmem_shared>> -> memref<10240x128xf32, #tpu.memory_space<vmem_shared>>
      tpu.wait_indirect_dma semaphore(%arg17 : memref<!tpu.dma_semaphore, #tpu.memory_space<semaphore_mem>>) src(%arg13 : memref<64x128xf32, #tpu.memory_space<vmem>>) dst(%dma_wait3A_243 : memref<10240x128xf32, #tpu.memory_space<vmem_shared>>)
      %add3A_244 = arith.constant 3 : i32
      %add3A_245 = arith.addi %add3A_230, %add3A_244 : i32
      %add3A_246 = arith.constant 327680 : i32
      %add3A_247 = arith.addi %add3A_246, %mul3A_2 : i32
      %mul3A_248 = arith.constant 64 : i32
      %mul3A_249 = arith.muli %add3A_245, %mul3A_248 : i32
      %add3A_250 = arith.addi %add3A_247, %mul3A_249 : i32
      %dma_start3A_251 = tpu.memref_slice %arg3[%add3A_250] : memref<655360xi32, #tpu.memory_space<hbm>> -> memref<64xi32, #tpu.memory_space<hbm>>
      %dma_start3A_252 = tpu.memref_slice %arg3[%add3A_250] : memref<655360xi32, #tpu.memory_space<hbm>> -> memref<64xi32, #tpu.memory_space<hbm>>
      tpu.enqueue_dma source(%dma_start3A_252 : memref<64xi32, #tpu.memory_space<hbm>>) target(%arg9 : memref<64xi32, #tpu.memory_space<vmem>>) target_semaphore(%arg16 : memref<!tpu.dma_semaphore, #tpu.memory_space<semaphore_mem>>)
      %mul3A_253 = arith.constant 64 : i32
      %mul3A_254 = arith.muli %add3A_245, %mul3A_253 : i32
      %dma_start3A_255 = tpu.memref_slice %arg5[%mul3A_254] : memref<10240xi32, #tpu.memory_space<vmem>> -> memref<64xi32, #tpu.memory_space<vmem>>
      %dma_start3A_256 = arith.constant 0 : i32
      %dma_start3A_257 = arith.constant 0 : i32
      %dma_start3A_258 = tpu.memref_slice %arg2[%dma_start3A_256, %dma_start3A_257] : memref<10240x128xf32, #tpu.memory_space<hbm>> -> memref<10240x128xf32, #tpu.memory_space<hbm>>
      tpu.enqueue_indirect_dma source(%dma_start3A_258 : memref<10240x128xf32, #tpu.memory_space<hbm>>) target(%arg13 : memref<64x128xf32, #tpu.memory_space<vmem>>) offsets(%dma_start3A_255 : memref<64xi32, #tpu.memory_space<vmem>>) semaphore(%arg15 : memref<!tpu.dma_semaphore, #tpu.memory_space<semaphore_mem>>)
      %mul3A_259 = arith.constant 4 : i32
      %mul3A_260 = arith.muli %scan3A_226, %mul3A_259 : i32
      %add3A_261 = arith.constant 1 : i32
      %add3A_262 = arith.addi %mul3A_260, %add3A_261 : i32
      %dma_wait3A_263 = tpu.memref_slice %arg3[%mul3A_2] : memref<655360xi32, #tpu.memory_space<hbm>> -> memref<64xi32, #tpu.memory_space<hbm>>
      %dma_wait3A_264 = tpu.memref_slice %arg3[%mul3A_2] : memref<655360xi32, #tpu.memory_space<hbm>> -> memref<64xi32, #tpu.memory_space<hbm>>
      tpu.wait_dma2 semaphore(%arg16 : memref<!tpu.dma_semaphore, #tpu.memory_space<semaphore_mem>>) src(%dma_wait3A_264 : memref<64xi32, #tpu.memory_space<hbm>>) dst(%arg7 : memref<64xi32, #tpu.memory_space<vmem>>)
      %dma_wait3A_265 = arith.constant 0 : i32
      %dma_wait3A_266 = tpu.memref_slice %arg5[%dma_wait3A_265] : memref<10240xi32, #tpu.memory_space<vmem>> -> memref<64xi32, #tpu.memory_space<vmem>>
      %dma_wait3A_267 = arith.constant 0 : i32
      %dma_wait3A_268 = arith.constant 0 : i32
      %dma_wait3A_269 = tpu.memref_slice %arg2[%dma_wait3A_267, %dma_wait3A_268] : memref<10240x128xf32, #tpu.memory_space<hbm>> -> memref<10240x128xf32, #tpu.memory_space<hbm>>
      tpu.wait_indirect_dma semaphore(%arg15 : memref<!tpu.dma_semaphore, #tpu.memory_space<semaphore_mem>>) src(%dma_wait3A_269 : memref<10240x128xf32, #tpu.memory_space<hbm>>) dst(%arg11 : memref<64x128xf32, #tpu.memory_space<vmem>>)
      %dma_start3A_270 = arith.constant 0 : i32
      %dma_start3A_271 = arith.constant 0 : i32
      %dma_start3A_272 = tpu.memref_slice %arg14[%dma_start3A_270, %dma_start3A_271] : memref<10240x128xf32, #tpu.memory_space<vmem_shared>> -> memref<10240x128xf32, #tpu.memory_space<vmem_shared>>
      tpu.enqueue_indirect_dma source(%arg11 : memref<64x128xf32, #tpu.memory_space<vmem>>) target(%dma_start3A_272 : memref<10240x128xf32, #tpu.memory_space<vmem_shared>>) offsets(%arg7 : memref<64xi32, #tpu.memory_space<vmem>>) semaphore(%arg17 : memref<!tpu.dma_semaphore, #tpu.memory_space<semaphore_mem>>) {add = true}
      %dma_wait3A_273 = arith.constant 0 : i32
      %dma_wait3A_274 = arith.constant 0 : i32
      %dma_wait3A_275 = tpu.memref_slice %arg14[%dma_wait3A_273, %dma_wait3A_274] : memref<10240x128xf32, #tpu.memory_space<vmem_shared>> -> memref<10240x128xf32, #tpu.memory_space<vmem_shared>>
      tpu.wait_indirect_dma semaphore(%arg17 : memref<!tpu.dma_semaphore, #tpu.memory_space<semaphore_mem>>) src(%arg10 : memref<64x128xf32, #tpu.memory_space<vmem>>) dst(%dma_wait3A_275 : memref<10240x128xf32, #tpu.memory_space<vmem_shared>>)
      %add3A_276 = arith.constant 3 : i32
      %add3A_277 = arith.addi %add3A_262, %add3A_276 : i32
      %add3A_278 = arith.constant 327680 : i32
      %add3A_279 = arith.addi %add3A_278, %mul3A_2 : i32
      %mul3A_280 = arith.constant 64 : i32
      %mul3A_281 = arith.muli %add3A_277, %mul3A_280 : i32
      %add3A_282 = arith.addi %add3A_279, %mul3A_281 : i32
      %dma_start3A_283 = tpu.memref_slice %arg3[%add3A_282] : memref<655360xi32, #tpu.memory_space<hbm>> -> memref<64xi32, #tpu.memory_space<hbm>>
      %dma_start3A_284 = tpu.memref_slice %arg3[%add3A_282] : memref<655360xi32, #tpu.memory_space<hbm>> -> memref<64xi32, #tpu.memory_space<hbm>>
      tpu.enqueue_dma source(%dma_start3A_284 : memref<64xi32, #tpu.memory_space<hbm>>) target(%arg6 : memref<64xi32, #tpu.memory_space<vmem>>) target_semaphore(%arg16 : memref<!tpu.dma_semaphore, #tpu.memory_space<semaphore_mem>>)
      %mul3A_285 = arith.constant 64 : i32
      %mul3A_286 = arith.muli %add3A_277, %mul3A_285 : i32
      %dma_start3A_287 = tpu.memref_slice %arg5[%mul3A_286] : memref<10240xi32, #tpu.memory_space<vmem>> -> memref<64xi32, #tpu.memory_space<vmem>>
      %dma_start3A_288 = arith.constant 0 : i32
      %dma_start3A_289 = arith.constant 0 : i32
      %dma_start3A_290 = tpu.memref_slice %arg2[%dma_start3A_288, %dma_start3A_289] : memref<10240x128xf32, #tpu.memory_space<hbm>> -> memref<10240x128xf32, #tpu.memory_space<hbm>>
      tpu.enqueue_indirect_dma source(%dma_start3A_290 : memref<10240x128xf32, #tpu.memory_space<hbm>>) target(%arg10 : memref<64x128xf32, #tpu.memory_space<vmem>>) offsets(%dma_start3A_287 : memref<64xi32, #tpu.memory_space<vmem>>) semaphore(%arg15 : memref<!tpu.dma_semaphore, #tpu.memory_space<semaphore_mem>>)
      %mul3A_291 = arith.constant 4 : i32
      %mul3A_292 = arith.muli %scan3A_226, %mul3A_291 : i32
      %add3A_293 = arith.constant 2 : i32
      %add3A_294 = arith.addi %mul3A_292, %add3A_293 : i32
      %dma_wait3A_295 = tpu.memref_slice %arg3[%mul3A_2] : memref<655360xi32, #tpu.memory_space<hbm>> -> memref<64xi32, #tpu.memory_space<hbm>>
      %dma_wait3A_296 = tpu.memref_slice %arg3[%mul3A_2] : memref<655360xi32, #tpu.memory_space<hbm>> -> memref<64xi32, #tpu.memory_space<hbm>>
      tpu.wait_dma2 semaphore(%arg16 : memref<!tpu.dma_semaphore, #tpu.memory_space<semaphore_mem>>) src(%dma_wait3A_296 : memref<64xi32, #tpu.memory_space<hbm>>) dst(%arg8 : memref<64xi32, #tpu.memory_space<vmem>>)
      %dma_wait3A_297 = arith.constant 0 : i32
      %dma_wait3A_298 = tpu.memref_slice %arg5[%dma_wait3A_297] : memref<10240xi32, #tpu.memory_space<vmem>> -> memref<64xi32, #tpu.memory_space<vmem>>
      %dma_wait3A_299 = arith.constant 0 : i32
      %dma_wait3A_300 = arith.constant 0 : i32
      %dma_wait3A_301 = tpu.memref_slice %arg2[%dma_wait3A_299, %dma_wait3A_300] : memref<10240x128xf32, #tpu.memory_space<hbm>> -> memref<10240x128xf32, #tpu.memory_space<hbm>>
      tpu.wait_indirect_dma semaphore(%arg15 : memref<!tpu.dma_semaphore, #tpu.memory_space<semaphore_mem>>) src(%dma_wait3A_301 : memref<10240x128xf32, #tpu.memory_space<hbm>>) dst(%arg12 : memref<64x128xf32, #tpu.memory_space<vmem>>)
      %dma_start3A_302 = arith.constant 0 : i32
      %dma_start3A_303 = arith.constant 0 : i32
      %dma_start3A_304 = tpu.memref_slice %arg14[%dma_start3A_302, %dma_start3A_303] : memref<10240x128xf32, #tpu.memory_space<vmem_shared>> -> memref<10240x128xf32, #tpu.memory_space<vmem_shared>>
      tpu.enqueue_indirect_dma source(%arg12 : memref<64x128xf32, #tpu.memory_space<vmem>>) target(%dma_start3A_304 : memref<10240x128xf32, #tpu.memory_space<vmem_shared>>) offsets(%arg8 : memref<64xi32, #tpu.memory_space<vmem>>) semaphore(%arg17 : memref<!tpu.dma_semaphore, #tpu.memory_space<semaphore_mem>>) {add = true}
      %dma_wait3A_305 = arith.constant 0 : i32
      %dma_wait3A_306 = arith.constant 0 : i32
      %dma_wait3A_307 = tpu.memref_slice %arg14[%dma_wait3A_305, %dma_wait3A_306] : memref<10240x128xf32, #tpu.memory_space<vmem_shared>> -> memref<10240x128xf32, #tpu.memory_space<vmem_shared>>
      tpu.wait_indirect_dma semaphore(%arg17 : memref<!tpu.dma_semaphore, #tpu.memory_space<semaphore_mem>>) src(%arg11 : memref<64x128xf32, #tpu.memory_space<vmem>>) dst(%dma_wait3A_307 : memref<10240x128xf32, #tpu.memory_space<vmem_shared>>)
      %add3A_308 = arith.constant 3 : i32
      %add3A_309 = arith.addi %add3A_294, %add3A_308 : i32
      %add3A_310 = arith.constant 327680 : i32
      %add3A_311 = arith.addi %add3A_310, %mul3A_2 : i32
      %mul3A_312 = arith.constant 64 : i32
      %mul3A_313 = arith.muli %add3A_309, %mul3A_312 : i32
      %add3A_314 = arith.addi %add3A_311, %mul3A_313 : i32
      %dma_start3A_315 = tpu.memref_slice %arg3[%add3A_314] : memref<655360xi32, #tpu.memory_space<hbm>> -> memref<64xi32, #tpu.memory_space<hbm>>
      %dma_start3A_316 = tpu.memref_slice %arg3[%add3A_314] : memref<655360xi32, #tpu.memory_space<hbm>> -> memref<64xi32, #tpu.memory_space<hbm>>
      tpu.enqueue_dma source(%dma_start3A_316 : memref<64xi32, #tpu.memory_space<hbm>>) target(%arg7 : memref<64xi32, #tpu.memory_space<vmem>>) target_semaphore(%arg16 : memref<!tpu.dma_semaphore, #tpu.memory_space<semaphore_mem>>)
      %mul3A_317 = arith.constant 64 : i32
      %mul3A_318 = arith.muli %add3A_309, %mul3A_317 : i32
      %dma_start3A_319 = tpu.memref_slice %arg5[%mul3A_318] : memref<10240xi32, #tpu.memory_space<vmem>> -> memref<64xi32, #tpu.memory_space<vmem>>
      %dma_start3A_320 = arith.constant 0 : i32
      %dma_start3A_321 = arith.constant 0 : i32
      %dma_start3A_322 = tpu.memref_slice %arg2[%dma_start3A_320, %dma_start3A_321] : memref<10240x128xf32, #tpu.memory_space<hbm>> -> memref<10240x128xf32, #tpu.memory_space<hbm>>
      tpu.enqueue_indirect_dma source(%dma_start3A_322 : memref<10240x128xf32, #tpu.memory_space<hbm>>) target(%arg11 : memref<64x128xf32, #tpu.memory_space<vmem>>) offsets(%dma_start3A_319 : memref<64xi32, #tpu.memory_space<vmem>>) semaphore(%arg15 : memref<!tpu.dma_semaphore, #tpu.memory_space<semaphore_mem>>)
      %mul3A_323 = arith.constant 4 : i32
      %mul3A_324 = arith.muli %scan3A_226, %mul3A_323 : i32
      %add3A_325 = arith.constant 3 : i32
      %add3A_326 = arith.addi %mul3A_324, %add3A_325 : i32
      %dma_wait3A_327 = tpu.memref_slice %arg3[%mul3A_2] : memref<655360xi32, #tpu.memory_space<hbm>> -> memref<64xi32, #tpu.memory_space<hbm>>
      %dma_wait3A_328 = tpu.memref_slice %arg3[%mul3A_2] : memref<655360xi32, #tpu.memory_space<hbm>> -> memref<64xi32, #tpu.memory_space<hbm>>
      tpu.wait_dma2 semaphore(%arg16 : memref<!tpu.dma_semaphore, #tpu.memory_space<semaphore_mem>>) src(%dma_wait3A_328 : memref<64xi32, #tpu.memory_space<hbm>>) dst(%arg9 : memref<64xi32, #tpu.memory_space<vmem>>)
      %dma_wait3A_329 = arith.constant 0 : i32
      %dma_wait3A_330 = tpu.memref_slice %arg5[%dma_wait3A_329] : memref<10240xi32, #tpu.memory_space<vmem>> -> memref<64xi32, #tpu.memory_space<vmem>>
      %dma_wait3A_331 = arith.constant 0 : i32
      %dma_wait3A_332 = arith.constant 0 : i32
      %dma_wait3A_333 = tpu.memref_slice %arg2[%dma_wait3A_331, %dma_wait3A_332] : memref<10240x128xf32, #tpu.memory_space<hbm>> -> memref<10240x128xf32, #tpu.memory_space<hbm>>
      tpu.wait_indirect_dma semaphore(%arg15 : memref<!tpu.dma_semaphore, #tpu.memory_space<semaphore_mem>>) src(%dma_wait3A_333 : memref<10240x128xf32, #tpu.memory_space<hbm>>) dst(%arg13 : memref<64x128xf32, #tpu.memory_space<vmem>>)
      %dma_start3A_334 = arith.constant 0 : i32
      %dma_start3A_335 = arith.constant 0 : i32
      %dma_start3A_336 = tpu.memref_slice %arg14[%dma_start3A_334, %dma_start3A_335] : memref<10240x128xf32, #tpu.memory_space<vmem_shared>> -> memref<10240x128xf32, #tpu.memory_space<vmem_shared>>
      tpu.enqueue_indirect_dma source(%arg13 : memref<64x128xf32, #tpu.memory_space<vmem>>) target(%dma_start3A_336 : memref<10240x128xf32, #tpu.memory_space<vmem_shared>>) offsets(%arg9 : memref<64xi32, #tpu.memory_space<vmem>>) semaphore(%arg17 : memref<!tpu.dma_semaphore, #tpu.memory_space<semaphore_mem>>) {add = true}
      %dma_wait3A_337 = arith.constant 0 : i32
      %dma_wait3A_338 = arith.constant 0 : i32
      %dma_wait3A_339 = tpu.memref_slice %arg14[%dma_wait3A_337, %dma_wait3A_338] : memref<10240x128xf32, #tpu.memory_space<vmem_shared>> -> memref<10240x128xf32, #tpu.memory_space<vmem_shared>>
      tpu.wait_indirect_dma semaphore(%arg17 : memref<!tpu.dma_semaphore, #tpu.memory_space<semaphore_mem>>) src(%arg12 : memref<64x128xf32, #tpu.memory_space<vmem>>) dst(%dma_wait3A_339 : memref<10240x128xf32, #tpu.memory_space<vmem_shared>>)
      %add3A_340 = arith.constant 3 : i32
      %add3A_341 = arith.addi %add3A_326, %add3A_340 : i32
      %add3A_342 = arith.constant 327680 : i32
      %add3A_343 = arith.addi %add3A_342, %mul3A_2 : i32
      %mul3A_344 = arith.constant 64 : i32
      %mul3A_345 = arith.muli %add3A_341, %mul3A_344 : i32
      %add3A_346 = arith.addi %add3A_343, %mul3A_345 : i32
      %dma_start3A_347 = tpu.memref_slice %arg3[%add3A_346] : memref<655360xi32, #tpu.memory_space<hbm>> -> memref<64xi32, #tpu.memory_space<hbm>>
      %dma_start3A_348 = tpu.memref_slice %arg3[%add3A_346] : memref<655360xi32, #tpu.memory_space<hbm>> -> memref<64xi32, #tpu.memory_space<hbm>>
      tpu.enqueue_dma source(%dma_start3A_348 : memref<64xi32, #tpu.memory_space<hbm>>) target(%arg8 : memref<64xi32, #tpu.memory_space<vmem>>) target_semaphore(%arg16 : memref<!tpu.dma_semaphore, #tpu.memory_space<semaphore_mem>>)
      %mul3A_349 = arith.constant 64 : i32
      %mul3A_350 = arith.muli %add3A_341, %mul3A_349 : i32
      %dma_start3A_351 = tpu.memref_slice %arg5[%mul3A_350] : memref<10240xi32, #tpu.memory_space<vmem>> -> memref<64xi32, #tpu.memory_space<vmem>>
      %dma_start3A_352 = arith.constant 0 : i32
      %dma_start3A_353 = arith.constant 0 : i32
      %dma_start3A_354 = tpu.memref_slice %arg2[%dma_start3A_352, %dma_start3A_353] : memref<10240x128xf32, #tpu.memory_space<hbm>> -> memref<10240x128xf32, #tpu.memory_space<hbm>>
      tpu.enqueue_indirect_dma source(%dma_start3A_354 : memref<10240x128xf32, #tpu.memory_space<hbm>>) target(%arg12 : memref<64x128xf32, #tpu.memory_space<vmem>>) offsets(%dma_start3A_351 : memref<64xi32, #tpu.memory_space<vmem>>) semaphore(%arg15 : memref<!tpu.dma_semaphore, #tpu.memory_space<semaphore_mem>>)
    }
    %scan3A_154 = arith.constant 38 : i32
    %dma_wait3A_155 = tpu.memref_slice %arg3[%mul3A_2] : memref<655360xi32, #tpu.memory_space<hbm>> -> memref<64xi32, #tpu.memory_space<hbm>>
    %dma_wait3A_156 = tpu.memref_slice %arg3[%mul3A_2] : memref<655360xi32, #tpu.memory_space<hbm>> -> memref<64xi32, #tpu.memory_space<hbm>>
    tpu.wait_dma2 semaphore(%arg16 : memref<!tpu.dma_semaphore, #tpu.memory_space<semaphore_mem>>) src(%dma_wait3A_156 : memref<64xi32, #tpu.memory_space<hbm>>) dst(%arg6 : memref<64xi32, #tpu.memory_space<vmem>>)
    %dma_wait3A_157 = arith.constant 0 : i32
    %dma_wait3A_158 = tpu.memref_slice %arg5[%dma_wait3A_157] : memref<10240xi32, #tpu.memory_space<vmem>> -> memref<64xi32, #tpu.memory_space<vmem>>
    %dma_wait3A_159 = arith.constant 0 : i32
    %dma_wait3A_160 = arith.constant 0 : i32
    %dma_wait3A_161 = tpu.memref_slice %arg2[%dma_wait3A_159, %dma_wait3A_160] : memref<10240x128xf32, #tpu.memory_space<hbm>> -> memref<10240x128xf32, #tpu.memory_space<hbm>>
    tpu.wait_indirect_dma semaphore(%arg15 : memref<!tpu.dma_semaphore, #tpu.memory_space<semaphore_mem>>) src(%dma_wait3A_161 : memref<10240x128xf32, #tpu.memory_space<hbm>>) dst(%arg10 : memref<64x128xf32, #tpu.memory_space<vmem>>)
    %dma_start3A_162 = arith.constant 0 : i32
    %dma_start3A_163 = arith.constant 0 : i32
    %dma_start3A_164 = tpu.memref_slice %arg14[%dma_start3A_162, %dma_start3A_163] : memref<10240x128xf32, #tpu.memory_space<vmem_shared>> -> memref<10240x128xf32, #tpu.memory_space<vmem_shared>>
    tpu.enqueue_indirect_dma source(%arg10 : memref<64x128xf32, #tpu.memory_space<vmem>>) target(%dma_start3A_164 : memref<10240x128xf32, #tpu.memory_space<vmem_shared>>) offsets(%arg6 : memref<64xi32, #tpu.memory_space<vmem>>) semaphore(%arg17 : memref<!tpu.dma_semaphore, #tpu.memory_space<semaphore_mem>>) {add = true}
    %dma_wait3A_165 = arith.constant 0 : i32
    %dma_wait3A_166 = arith.constant 0 : i32
    %dma_wait3A_167 = tpu.memref_slice %arg14[%dma_wait3A_165, %dma_wait3A_166] : memref<10240x128xf32, #tpu.memory_space<vmem_shared>> -> memref<10240x128xf32, #tpu.memory_space<vmem_shared>>
    tpu.wait_indirect_dma semaphore(%arg17 : memref<!tpu.dma_semaphore, #tpu.memory_space<semaphore_mem>>) src(%arg13 : memref<64x128xf32, #tpu.memory_space<vmem>>) dst(%dma_wait3A_167 : memref<10240x128xf32, #tpu.memory_space<vmem_shared>>)
    %add3A_168 = arith.constant 327680 : i32
    %add3A_169 = arith.addi %add3A_168, %mul3A_2 : i32
    %add3A_170 = arith.constant 10176 : i32
    %add3A_171 = arith.addi %add3A_169, %add3A_170 : i32
    %dma_start3A_172 = tpu.memref_slice %arg3[%add3A_171] : memref<655360xi32, #tpu.memory_space<hbm>> -> memref<64xi32, #tpu.memory_space<hbm>>
    %dma_start3A_173 = tpu.memref_slice %arg3[%add3A_171] : memref<655360xi32, #tpu.memory_space<hbm>> -> memref<64xi32, #tpu.memory_space<hbm>>
    tpu.enqueue_dma source(%dma_start3A_173 : memref<64xi32, #tpu.memory_space<hbm>>) target(%arg9 : memref<64xi32, #tpu.memory_space<vmem>>) target_semaphore(%arg16 : memref<!tpu.dma_semaphore, #tpu.memory_space<semaphore_mem>>)
    %dma_start3A_174 = arith.constant 10176 : i32
    %dma_start3A_175 = tpu.memref_slice %arg5[%dma_start3A_174] : memref<10240xi32, #tpu.memory_space<vmem>> -> memref<64xi32, #tpu.memory_space<vmem>>
    %dma_start3A_176 = arith.constant 0 : i32
    %dma_start3A_177 = arith.constant 0 : i32
    %dma_start3A_178 = tpu.memref_slice %arg2[%dma_start3A_176, %dma_start3A_177] : memref<10240x128xf32, #tpu.memory_space<hbm>> -> memref<10240x128xf32, #tpu.memory_space<hbm>>
    tpu.enqueue_indirect_dma source(%dma_start3A_178 : memref<10240x128xf32, #tpu.memory_space<hbm>>) target(%arg13 : memref<64x128xf32, #tpu.memory_space<vmem>>) offsets(%dma_start3A_175 : memref<64xi32, #tpu.memory_space<vmem>>) semaphore(%arg15 : memref<!tpu.dma_semaphore, #tpu.memory_space<semaphore_mem>>)
    %dma_wait3A_179 = tpu.memref_slice %arg3[%mul3A_2] : memref<655360xi32, #tpu.memory_space<hbm>> -> memref<64xi32, #tpu.memory_space<hbm>>
    %dma_wait3A_180 = tpu.memref_slice %arg3[%mul3A_2] : memref<655360xi32, #tpu.memory_space<hbm>> -> memref<64xi32, #tpu.memory_space<hbm>>
    tpu.wait_dma2 semaphore(%arg16 : memref<!tpu.dma_semaphore, #tpu.memory_space<semaphore_mem>>) src(%dma_wait3A_180 : memref<64xi32, #tpu.memory_space<hbm>>) dst(%arg7 : memref<64xi32, #tpu.memory_space<vmem>>)
    %dma_wait3A_181 = arith.constant 0 : i32
    %dma_wait3A_182 = tpu.memref_slice %arg5[%dma_wait3A_181] : memref<10240xi32, #tpu.memory_space<vmem>> -> memref<64xi32, #tpu.memory_space<vmem>>
    %dma_wait3A_183 = arith.constant 0 : i32
    %dma_wait3A_184 = arith.constant 0 : i32
    %dma_wait3A_185 = tpu.memref_slice %arg2[%dma_wait3A_183, %dma_wait3A_184] : memref<10240x128xf32, #tpu.memory_space<hbm>> -> memref<10240x128xf32, #tpu.memory_space<hbm>>
    tpu.wait_indirect_dma semaphore(%arg15 : memref<!tpu.dma_semaphore, #tpu.memory_space<semaphore_mem>>) src(%dma_wait3A_185 : memref<10240x128xf32, #tpu.memory_space<hbm>>) dst(%arg11 : memref<64x128xf32, #tpu.memory_space<vmem>>)
    %dma_start3A_186 = arith.constant 0 : i32
    %dma_start3A_187 = arith.constant 0 : i32
    %dma_start3A_188 = tpu.memref_slice %arg14[%dma_start3A_186, %dma_start3A_187] : memref<10240x128xf32, #tpu.memory_space<vmem_shared>> -> memref<10240x128xf32, #tpu.memory_space<vmem_shared>>
    tpu.enqueue_indirect_dma source(%arg11 : memref<64x128xf32, #tpu.memory_space<vmem>>) target(%dma_start3A_188 : memref<10240x128xf32, #tpu.memory_space<vmem_shared>>) offsets(%arg7 : memref<64xi32, #tpu.memory_space<vmem>>) semaphore(%arg17 : memref<!tpu.dma_semaphore, #tpu.memory_space<semaphore_mem>>) {add = true}
    %dma_wait3A_189 = arith.constant 0 : i32
    %dma_wait3A_190 = arith.constant 0 : i32
    %dma_wait3A_191 = tpu.memref_slice %arg14[%dma_wait3A_189, %dma_wait3A_190] : memref<10240x128xf32, #tpu.memory_space<vmem_shared>> -> memref<10240x128xf32, #tpu.memory_space<vmem_shared>>
    tpu.wait_indirect_dma semaphore(%arg17 : memref<!tpu.dma_semaphore, #tpu.memory_space<semaphore_mem>>) src(%arg10 : memref<64x128xf32, #tpu.memory_space<vmem>>) dst(%dma_wait3A_191 : memref<10240x128xf32, #tpu.memory_space<vmem_shared>>)
    %dma_wait3A_192 = tpu.memref_slice %arg3[%mul3A_2] : memref<655360xi32, #tpu.memory_space<hbm>> -> memref<64xi32, #tpu.memory_space<hbm>>
    %dma_wait3A_193 = tpu.memref_slice %arg3[%mul3A_2] : memref<655360xi32, #tpu.memory_space<hbm>> -> memref<64xi32, #tpu.memory_space<hbm>>
    tpu.wait_dma2 semaphore(%arg16 : memref<!tpu.dma_semaphore, #tpu.memory_space<semaphore_mem>>) src(%dma_wait3A_193 : memref<64xi32, #tpu.memory_space<hbm>>) dst(%arg8 : memref<64xi32, #tpu.memory_space<vmem>>)
    %dma_wait3A_194 = arith.constant 0 : i32
    %dma_wait3A_195 = tpu.memref_slice %arg5[%dma_wait3A_194] : memref<10240xi32, #tpu.memory_space<vmem>> -> memref<64xi32, #tpu.memory_space<vmem>>
    %dma_wait3A_196 = arith.constant 0 : i32
    %dma_wait3A_197 = arith.constant 0 : i32
    %dma_wait3A_198 = tpu.memref_slice %arg2[%dma_wait3A_196, %dma_wait3A_197] : memref<10240x128xf32, #tpu.memory_space<hbm>> -> memref<10240x128xf32, #tpu.memory_space<hbm>>
    tpu.wait_indirect_dma semaphore(%arg15 : memref<!tpu.dma_semaphore, #tpu.memory_space<semaphore_mem>>) src(%dma_wait3A_198 : memref<10240x128xf32, #tpu.memory_space<hbm>>) dst(%arg12 : memref<64x128xf32, #tpu.memory_space<vmem>>)
    %dma_start3A_199 = arith.constant 0 : i32
    %dma_start3A_200 = arith.constant 0 : i32
    %dma_start3A_201 = tpu.memref_slice %arg14[%dma_start3A_199, %dma_start3A_200] : memref<10240x128xf32, #tpu.memory_space<vmem_shared>> -> memref<10240x128xf32, #tpu.memory_space<vmem_shared>>
    tpu.enqueue_indirect_dma source(%arg12 : memref<64x128xf32, #tpu.memory_space<vmem>>) target(%dma_start3A_201 : memref<10240x128xf32, #tpu.memory_space<vmem_shared>>) offsets(%arg8 : memref<64xi32, #tpu.memory_space<vmem>>) semaphore(%arg17 : memref<!tpu.dma_semaphore, #tpu.memory_space<semaphore_mem>>) {add = true}
    %dma_wait3A_202 = arith.constant 0 : i32
    %dma_wait3A_203 = arith.constant 0 : i32
    %dma_wait3A_204 = tpu.memref_slice %arg14[%dma_wait3A_202, %dma_wait3A_203] : memref<10240x128xf32, #tpu.memory_space<vmem_shared>> -> memref<10240x128xf32, #tpu.memory_space<vmem_shared>>
    tpu.wait_indirect_dma semaphore(%arg17 : memref<!tpu.dma_semaphore, #tpu.memory_space<semaphore_mem>>) src(%arg11 : memref<64x128xf32, #tpu.memory_space<vmem>>) dst(%dma_wait3A_204 : memref<10240x128xf32, #tpu.memory_space<vmem_shared>>)
    %dma_wait3A_205 = tpu.memref_slice %arg3[%mul3A_2] : memref<655360xi32, #tpu.memory_space<hbm>> -> memref<64xi32, #tpu.memory_space<hbm>>
    %dma_wait3A_206 = tpu.memref_slice %arg3[%mul3A_2] : memref<655360xi32, #tpu.memory_space<hbm>> -> memref<64xi32, #tpu.memory_space<hbm>>
    tpu.wait_dma2 semaphore(%arg16 : memref<!tpu.dma_semaphore, #tpu.memory_space<semaphore_mem>>) src(%dma_wait3A_206 : memref<64xi32, #tpu.memory_space<hbm>>) dst(%arg9 : memref<64xi32, #tpu.memory_space<vmem>>)
    %dma_wait3A_207 = arith.constant 0 : i32
    %dma_wait3A_208 = tpu.memref_slice %arg5[%dma_wait3A_207] : memref<10240xi32, #tpu.memory_space<vmem>> -> memref<64xi32, #tpu.memory_space<vmem>>
    %dma_wait3A_209 = arith.constant 0 : i32
    %dma_wait3A_210 = arith.constant 0 : i32
    %dma_wait3A_211 = tpu.memref_slice %arg2[%dma_wait3A_209, %dma_wait3A_210] : memref<10240x128xf32, #tpu.memory_space<hbm>> -> memref<10240x128xf32, #tpu.memory_space<hbm>>
    tpu.wait_indirect_dma semaphore(%arg15 : memref<!tpu.dma_semaphore, #tpu.memory_space<semaphore_mem>>) src(%dma_wait3A_211 : memref<10240x128xf32, #tpu.memory_space<hbm>>) dst(%arg13 : memref<64x128xf32, #tpu.memory_space<vmem>>)
    %dma_start3A_212 = arith.constant 0 : i32
    %dma_start3A_213 = arith.constant 0 : i32
    %dma_start3A_214 = tpu.memref_slice %arg14[%dma_start3A_212, %dma_start3A_213] : memref<10240x128xf32, #tpu.memory_space<vmem_shared>> -> memref<10240x128xf32, #tpu.memory_space<vmem_shared>>
    tpu.enqueue_indirect_dma source(%arg13 : memref<64x128xf32, #tpu.memory_space<vmem>>) target(%dma_start3A_214 : memref<10240x128xf32, #tpu.memory_space<vmem_shared>>) offsets(%arg9 : memref<64xi32, #tpu.memory_space<vmem>>) semaphore(%arg17 : memref<!tpu.dma_semaphore, #tpu.memory_space<semaphore_mem>>) {add = true}
    %dma_wait3A_215 = arith.constant 0 : i32
    %dma_wait3A_216 = arith.constant 0 : i32
    %dma_wait3A_217 = tpu.memref_slice %arg14[%dma_wait3A_215, %dma_wait3A_216] : memref<10240x128xf32, #tpu.memory_space<vmem_shared>> -> memref<10240x128xf32, #tpu.memory_space<vmem_shared>>
    tpu.wait_indirect_dma semaphore(%arg17 : memref<!tpu.dma_semaphore, #tpu.memory_space<semaphore_mem>>) src(%arg12 : memref<64x128xf32, #tpu.memory_space<vmem>>) dst(%dma_wait3A_217 : memref<10240x128xf32, #tpu.memory_space<vmem_shared>>)
    %dma_wait3A_218 = arith.constant 0 : i32
    %dma_wait3A_219 = arith.constant 0 : i32
    %dma_wait3A_220 = tpu.memref_slice %arg14[%dma_wait3A_218, %dma_wait3A_219] : memref<10240x128xf32, #tpu.memory_space<vmem_shared>> -> memref<10240x128xf32, #tpu.memory_space<vmem_shared>>
    tpu.wait_indirect_dma semaphore(%arg17 : memref<!tpu.dma_semaphore, #tpu.memory_space<semaphore_mem>>) src(%arg13 : memref<64x128xf32, #tpu.memory_space<vmem>>) dst(%dma_wait3A_220 : memref<10240x128xf32, #tpu.memory_space<vmem_shared>>)
    %barrier3A_221 = arith.constant 0 : index
    tpu.barrier barrier_id(%barrier3A_221)
    %mul3A_222 = arith.constant 640 : i32
    %mul3A_223 = arith.muli %arg1, %mul3A_222 : i32
    %mul3A_224 = arith.constant 640 : i32
    %mul3A_225 = arith.muli %arg1, %mul3A_224 : i32
    "tpu.region"() ({
      %run_scoped3A = tpu.sem_alloc : memref<!tpu.dma_semaphore, #tpu.memory_space<semaphore_mem>>
      %dma_start3A_226 = arith.constant 0 : i32
      %dma_start3A_227 = tpu.memref_slice %arg4[%arg0, %mul3A_225, %dma_start3A_226] : memref<2x10240x128xf32, #tpu.memory_space<hbm>> -> memref<1x640x128xf32, #tpu.memory_space<hbm>>
      %dma_start3A_228 = tpu.memref_squeeze %dma_start3A_227 : memref<1x640x128xf32, #tpu.memory_space<hbm>> -> memref<640x128xf32, #tpu.memory_space<hbm>>
      %dma_start3A_229 = arith.constant 0 : i32
      %dma_start3A_230 = tpu.memref_slice %arg14[%mul3A_223, %dma_start3A_229] : memref<10240x128xf32, #tpu.memory_space<vmem_shared>> -> memref<640x128xf32, #tpu.memory_space<vmem_shared>>
      tpu.enqueue_dma source(%dma_start3A_230 : memref<640x128xf32, #tpu.memory_space<vmem_shared>>) target(%dma_start3A_228 : memref<640x128xf32, #tpu.memory_space<hbm>>) target_semaphore(%run_scoped3A : memref<!tpu.dma_semaphore, #tpu.memory_space<semaphore_mem>>)
      %dma_wait3A_231 = arith.constant 0 : i32
      %dma_wait3A_232 = tpu.memref_slice %arg4[%arg0, %mul3A_225, %dma_wait3A_231] : memref<2x10240x128xf32, #tpu.memory_space<hbm>> -> memref<1x640x128xf32, #tpu.memory_space<hbm>>
      %dma_wait3A_233 = tpu.memref_squeeze %dma_wait3A_232 : memref<1x640x128xf32, #tpu.memory_space<hbm>> -> memref<640x128xf32, #tpu.memory_space<hbm>>
      %dma_wait3A_234 = arith.constant 0 : i32
      %dma_wait3A_235 = tpu.memref_slice %arg14[%mul3A_223, %dma_wait3A_234] : memref<10240x128xf32, #tpu.memory_space<vmem_shared>> -> memref<640x128xf32, #tpu.memory_space<vmem_shared>>
      tpu.wait_dma2 semaphore(%run_scoped3A : memref<!tpu.dma_semaphore, #tpu.memory_space<semaphore_mem>>) src(%dma_wait3A_235 : memref<640x128xf32, #tpu.memory_space<vmem_shared>>) dst(%dma_wait3A_233 : memref<640x128xf32, #tpu.memory_space<hbm>>)
      tpu.yield
    }) : () -> ()
    return
  }
}

#map = affine_map<(d0, d1) -> (0, 0)>
#map1 = affine_map<(d0, d1) -> (0)>
#map2 = affine_map<(d0, d1) -> (0, 0, 0)>
module attributes {stable_mosaic.version = 14 : i64} {
  func.func @_scatter_body(%arg0: i32, %arg1: i32, %arg2: memref<10240x128xf32, #tpu.memory_space<hbm>>, %arg3: memref<655360xi32, #tpu.memory_space<hbm>>, %arg4: memref<2x10240x128xf32, #tpu.memory_space<hbm>>, %arg5: memref<10240xi32, #tpu.memory_space<vmem>>, %arg6: memref<64xi32, #tpu.memory_space<vmem>>, %arg7: memref<64xi32, #tpu.memory_space<vmem>>, %arg8: memref<64xi32, #tpu.memory_space<vmem>>, %arg9: memref<64xi32, #tpu.memory_space<vmem>>, %arg10: memref<64x128xf32, #tpu.memory_space<vmem>>, %arg11: memref<64x128xf32, #tpu.memory_space<vmem>>, %arg12: memref<64x128xf32, #tpu.memory_space<vmem>>, %arg13: memref<64x128xf32, #tpu.memory_space<vmem>>, %arg14: memref<10240x128xf32, #tpu.memory_space<vmem_shared>>, %arg15: memref<!tpu.dma_semaphore, #tpu.memory_space<semaphore_mem>>, %arg16: memref<!tpu.dma_semaphore, #tpu.memory_space<semaphore_mem>>, %arg17: memref<!tpu.dma_semaphore, #tpu.memory_space<semaphore_mem>>) attributes {dimension_semantics = [#tpu.dimension_semantics<core_parallel>, #tpu.dimension_semantics<subcore_parallel>], iteration_bounds = array<i64: 2, 16>, scalar_prefetch = 0 : i64, scratch_operands = 13 : i64, tpu.core_type = #tpu.core_type<sc_vector_subcore>, window_params = [{transform_indices = #map}, {transform_indices = #map1}, {transform_indices = #map2}]} {
    %mul3A = arith.constant 2 : i32
    %mul3A_0 = arith.muli %arg1, %mul3A : i32
    %add3A = arith.addi %mul3A_0, %arg0 : i32
    %mul3A_1 = arith.constant 10240 : i32
    %mul3A_2 = arith.muli %add3A, %mul3A_1 : i32
    %dma_start3A = tpu.memref_slice %arg3[%mul3A_2] : memref<655360xi32, #tpu.memory_space<hbm>> -> memref<10240xi32, #tpu.memory_space<hbm>>
    %dma_start3A_3 = tpu.memref_slice %arg3[%mul3A_2] : memref<655360xi32, #tpu.memory_space<hbm>> -> memref<10240xi32, #tpu.memory_space<hbm>>
    tpu.enqueue_dma source(%dma_start3A_3 : memref<10240xi32, #tpu.memory_space<hbm>>) target(%arg5 : memref<10240xi32, #tpu.memory_space<vmem>>) target_semaphore(%arg15 : memref<!tpu.dma_semaphore, #tpu.memory_space<semaphore_mem>>)
    %broadcast_in_dim3A = arith.constant 0.000000e+00 : f32
    %broadcast_in_dim3A_4 = vector.broadcast %broadcast_in_dim3A : f32 to vector<16xf32>
    %scan3A = arith.constant 0 : i32
    %scan3A_5 = arith.constant 0 : i32
    %scan3A_6 = arith.constant 512 : i32
    %scan3A_7 = arith.addi %scan3A_5, %scan3A_6 : i32
    %scan3A_8 = arith.constant 1 : i32
    scf.for %scan3A_226 = %scan3A_5 to %scan3A_7 step %scan3A_8  : i32 {
      %jit3A = arith.constant 8 : i32
      %div3A = arith.divsi %scan3A_226, %jit3A : i32
      %sign3A = arith.constant 0 : i32
      %sign3A_227 = arith.cmpi sgt, %scan3A_226, %sign3A : i32
      %sign3A_228 = arith.extui %sign3A_227 : i1 to i32
      %sign3A_229 = arith.constant 0 : i32
      %sign3A_230 = arith.cmpi slt, %scan3A_226, %sign3A_229 : i32
      %sign3A_231 = arith.extui %sign3A_230 : i1 to i32
      %sign3A_232 = arith.subi %sign3A_228, %sign3A_231 : i32
      %sign3A_233 = arith.constant 0 : i32
      %sign3A_234 = arith.cmpi sgt, %jit3A, %sign3A_233 : i32
      %sign3A_235 = arith.extui %sign3A_234 : i1 to i32
      %sign3A_236 = arith.constant 0 : i32
      %sign3A_237 = arith.cmpi slt, %jit3A, %sign3A_236 : i32
      %sign3A_238 = arith.extui %sign3A_237 : i1 to i32
      %sign3A_239 = arith.subi %sign3A_235, %sign3A_238 : i32
      %ne3A = arith.cmpi ne, %sign3A_232, %sign3A_239 : i32
      %rem3A = arith.remsi %scan3A_226, %jit3A : i32
      %ne3A_240 = arith.constant 0 : i32
      %ne3A_241 = arith.cmpi ne, %rem3A, %ne3A_240 : i32
      %and3A = arith.andi %ne3A, %ne3A_241 : i1
      %sub3A = arith.constant 1 : i32
      %sub3A_242 = arith.subi %div3A, %sub3A : i32
      %select_n3A = arith.select %and3A, %sub3A_242, %div3A : i32
      %jit3A_243 = arith.constant 8 : i32
      %eq3A = arith.constant 0 : i32
      %eq3A_244 = arith.cmpi eq, %jit3A_243, %eq3A : i32
      %jit3A_245 = arith.constant 1 : i32
      %select_n3A_246 = arith.select %eq3A_244, %jit3A_245, %jit3A_243 : i32
      %rem3A_247 = arith.remsi %scan3A_226, %select_n3A_246 : i32
      %ne3A_248 = arith.constant 0 : i32
      %ne3A_249 = arith.cmpi ne, %rem3A_247, %ne3A_248 : i32
      %lt3A = arith.constant 0 : i32
      %lt3A_250 = arith.cmpi slt, %rem3A_247, %lt3A : i32
      %lt3A_251 = arith.constant 0 : i32
      %lt3A_252 = arith.cmpi slt, %select_n3A_246, %lt3A_251 : i32
      %ne3A_253 = arith.xori %lt3A_250, %lt3A_252 : i1
      %and3A_254 = arith.andi %ne3A_253, %ne3A_249 : i1
      %add3A_255 = arith.addi %rem3A_247, %select_n3A_246 : i32
      %select_n3A_256 = arith.select %and3A_254, %add3A_255, %rem3A_247 : i32
      %mul3A_257 = arith.constant 16 : i32
      %mul3A_258 = arith.muli %select_n3A_256, %mul3A_257 : i32
      %swap3A = arith.index_cast %select_n3A : i32 to index
      %swap3A_259 = arith.index_cast %mul3A_258 : i32 to index
      %swap3A_260 = tpu.vector_load %arg10[%swap3A, %swap3A_259] {strides = array<i32>} : memref<64x128xf32, #tpu.memory_space<vmem>>, vector<16xf32>,
      tpu.vector_store %arg10[%swap3A, %swap3A_259], %broadcast_in_dim3A_4 {strides = array<i32>} : memref<64x128xf32, #tpu.memory_space<vmem>>, vector<16xf32>,
    }
    %scan3A_9 = arith.constant 512 : i32
    %scan3A_10 = arith.constant 0 : i32
    %scan3A_11 = arith.constant 0 : i32
    %scan3A_12 = arith.constant 10 : i32
    %scan3A_13 = arith.addi %scan3A_11, %scan3A_12 : i32
    %scan3A_14 = arith.constant 1 : i32
    scf.for %scan3A_226 = %scan3A_11 to %scan3A_13 step %scan3A_14  : i32 {
      %mul3A_227 = arith.constant 640 : i32
      %mul3A_228 = arith.muli %arg1, %mul3A_227 : i32
      %mul3A_229 = arith.constant 64 : i32
      %mul3A_230 = arith.muli %scan3A_226, %mul3A_229 : i32
      %add3A_231 = arith.addi %mul3A_228, %mul3A_230 : i32
      %dma_start3A_232 = arith.constant 0 : i32
      %dma_start3A_233 = tpu.memref_slice %arg14[%add3A_231, %dma_start3A_232] : memref<10240x128xf32, #tpu.memory_space<vmem_shared>> -> memref<64x128xf32, #tpu.memory_space<vmem_shared>>
      %dma_start3A_234 = arith.constant 0 : i32
      %dma_start3A_235 = tpu.memref_slice %arg14[%add3A_231, %dma_start3A_234] : memref<10240x128xf32, #tpu.memory_space<vmem_shared>> -> memref<64x128xf32, #tpu.memory_space<vmem_shared>>
      tpu.enqueue_dma source(%arg10 : memref<64x128xf32, #tpu.memory_space<vmem>>) target(%dma_start3A_235 : memref<64x128xf32, #tpu.memory_space<vmem_shared>>) target_semaphore(%arg16 : memref<!tpu.dma_semaphore, #tpu.memory_space<semaphore_mem>>)
    }
    %scan3A_15 = arith.constant 10 : i32
    %scan3A_16 = arith.constant 0 : i32
    %scan3A_17 = arith.constant 0 : i32
    %scan3A_18 = arith.constant 10 : i32
    %scan3A_19 = arith.addi %scan3A_17, %scan3A_18 : i32
    %scan3A_20 = arith.constant 1 : i32
    scf.for %scan3A_226 = %scan3A_17 to %scan3A_19 step %scan3A_20  : i32 {
      %mul3A_227 = arith.constant 640 : i32
      %mul3A_228 = arith.muli %arg1, %mul3A_227 : i32
      %dma_wait3A_229 = arith.constant 0 : i32
      %dma_wait3A_230 = tpu.memref_slice %arg14[%mul3A_228, %dma_wait3A_229] : memref<10240x128xf32, #tpu.memory_space<vmem_shared>> -> memref<64x128xf32, #tpu.memory_space<vmem_shared>>
      %dma_wait3A_231 = arith.constant 0 : i32
      %dma_wait3A_232 = tpu.memref_slice %arg14[%mul3A_228, %dma_wait3A_231] : memref<10240x128xf32, #tpu.memory_space<vmem_shared>> -> memref<64x128xf32, #tpu.memory_space<vmem_shared>>
      tpu.wait_dma2 semaphore(%arg16 : memref<!tpu.dma_semaphore, #tpu.memory_space<semaphore_mem>>) src(%arg10 : memref<64x128xf32, #tpu.memory_space<vmem>>) dst(%dma_wait3A_232 : memref<64x128xf32, #tpu.memory_space<vmem_shared>>)
    }
    %scan3A_21 = arith.constant 10 : i32
    %dma_wait3A = tpu.memref_slice %arg3[%mul3A_2] : memref<655360xi32, #tpu.memory_space<hbm>> -> memref<10240xi32, #tpu.memory_space<hbm>>
    %dma_wait3A_22 = tpu.memref_slice %arg3[%mul3A_2] : memref<655360xi32, #tpu.memory_space<hbm>> -> memref<10240xi32, #tpu.memory_space<hbm>>
    tpu.wait_dma2 semaphore(%arg15 : memref<!tpu.dma_semaphore, #tpu.memory_space<semaphore_mem>>) src(%dma_wait3A_22 : memref<10240xi32, #tpu.memory_space<hbm>>) dst(%arg5 : memref<10240xi32, #tpu.memory_space<vmem>>)
    %add3A_23 = arith.constant 327680 : i32
    %add3A_24 = arith.addi %add3A_23, %mul3A_2 : i32
    %add3A_25 = arith.constant 0 : i32
    %add3A_26 = arith.addi %add3A_24, %add3A_25 : i32
    %dma_start3A_27 = tpu.memref_slice %arg3[%add3A_26] : memref<655360xi32, #tpu.memory_space<hbm>> -> memref<64xi32, #tpu.memory_space<hbm>>
    %dma_start3A_28 = tpu.memref_slice %arg3[%add3A_26] : memref<655360xi32, #tpu.memory_space<hbm>> -> memref<64xi32, #tpu.memory_space<hbm>>
    tpu.enqueue_dma source(%dma_start3A_28 : memref<64xi32, #tpu.memory_space<hbm>>) target(%arg6 : memref<64xi32, #tpu.memory_space<vmem>>) target_semaphore(%arg16 : memref<!tpu.dma_semaphore, #tpu.memory_space<semaphore_mem>>)
    %dma_start3A_29 = arith.constant 0 : i32
    %dma_start3A_30 = tpu.memref_slice %arg5[%dma_start3A_29] : memref<10240xi32, #tpu.memory_space<vmem>> -> memref<64xi32, #tpu.memory_space<vmem>>
    %dma_start3A_31 = arith.constant 0 : i32
    %dma_start3A_32 = arith.constant 0 : i32
    %dma_start3A_33 = tpu.memref_slice %arg2[%dma_start3A_31, %dma_start3A_32] : memref<10240x128xf32, #tpu.memory_space<hbm>> -> memref<10240x128xf32, #tpu.memory_space<hbm>>
    tpu.enqueue_indirect_dma source(%dma_start3A_33 : memref<10240x128xf32, #tpu.memory_space<hbm>>) target(%arg10 : memref<64x128xf32, #tpu.memory_space<vmem>>) offsets(%dma_start3A_30 : memref<64xi32, #tpu.memory_space<vmem>>) semaphore(%arg15 : memref<!tpu.dma_semaphore, #tpu.memory_space<semaphore_mem>>)
    %add3A_34 = arith.constant 327680 : i32
    %add3A_35 = arith.addi %add3A_34, %mul3A_2 : i32
    %add3A_36 = arith.constant 64 : i32
    %add3A_37 = arith.addi %add3A_35, %add3A_36 : i32
    %dma_start3A_38 = tpu.memref_slice %arg3[%add3A_37] : memref<655360xi32, #tpu.memory_space<hbm>> -> memref<64xi32, #tpu.memory_space<hbm>>
    %dma_start3A_39 = tpu.memref_slice %arg3[%add3A_37] : memref<655360xi32, #tpu.memory_space<hbm>> -> memref<64xi32, #tpu.memory_space<hbm>>
    tpu.enqueue_dma source(%dma_start3A_39 : memref<64xi32, #tpu.memory_space<hbm>>) target(%arg7 : memref<64xi32, #tpu.memory_space<vmem>>) target_semaphore(%arg16 : memref<!tpu.dma_semaphore, #tpu.memory_space<semaphore_mem>>)
    %dma_start3A_40 = arith.constant 64 : i32
    %dma_start3A_41 = tpu.memref_slice %arg5[%dma_start3A_40] : memref<10240xi32, #tpu.memory_space<vmem>> -> memref<64xi32, #tpu.memory_space<vmem>>
    %dma_start3A_42 = arith.constant 0 : i32
    %dma_start3A_43 = arith.constant 0 : i32
    %dma_start3A_44 = tpu.memref_slice %arg2[%dma_start3A_42, %dma_start3A_43] : memref<10240x128xf32, #tpu.memory_space<hbm>> -> memref<10240x128xf32, #tpu.memory_space<hbm>>
    tpu.enqueue_indirect_dma source(%dma_start3A_44 : memref<10240x128xf32, #tpu.memory_space<hbm>>) target(%arg11 : memref<64x128xf32, #tpu.memory_space<vmem>>) offsets(%dma_start3A_41 : memref<64xi32, #tpu.memory_space<vmem>>) semaphore(%arg15 : memref<!tpu.dma_semaphore, #tpu.memory_space<semaphore_mem>>)
    %add3A_45 = arith.constant 327680 : i32
    %add3A_46 = arith.addi %add3A_45, %mul3A_2 : i32
    %add3A_47 = arith.constant 128 : i32
    %add3A_48 = arith.addi %add3A_46, %add3A_47 : i32
    %dma_start3A_49 = tpu.memref_slice %arg3[%add3A_48] : memref<655360xi32, #tpu.memory_space<hbm>> -> memref<64xi32, #tpu.memory_space<hbm>>
    %dma_start3A_50 = tpu.memref_slice %arg3[%add3A_48] : memref<655360xi32, #tpu.memory_space<hbm>> -> memref<64xi32, #tpu.memory_space<hbm>>
    tpu.enqueue_dma source(%dma_start3A_50 : memref<64xi32, #tpu.memory_space<hbm>>) target(%arg8 : memref<64xi32, #tpu.memory_space<vmem>>) target_semaphore(%arg16 : memref<!tpu.dma_semaphore, #tpu.memory_space<semaphore_mem>>)
    %dma_start3A_51 = arith.constant 128 : i32
    %dma_start3A_52 = tpu.memref_slice %arg5[%dma_start3A_51] : memref<10240xi32, #tpu.memory_space<vmem>> -> memref<64xi32, #tpu.memory_space<vmem>>
    %dma_start3A_53 = arith.constant 0 : i32
    %dma_start3A_54 = arith.constant 0 : i32
    %dma_start3A_55 = tpu.memref_slice %arg2[%dma_start3A_53, %dma_start3A_54] : memref<10240x128xf32, #tpu.memory_space<hbm>> -> memref<10240x128xf32, #tpu.memory_space<hbm>>
    tpu.enqueue_indirect_dma source(%dma_start3A_55 : memref<10240x128xf32, #tpu.memory_space<hbm>>) target(%arg12 : memref<64x128xf32, #tpu.memory_space<vmem>>) offsets(%dma_start3A_52 : memref<64xi32, #tpu.memory_space<vmem>>) semaphore(%arg15 : memref<!tpu.dma_semaphore, #tpu.memory_space<semaphore_mem>>)
    %barrier3A = arith.constant 0 : index
    tpu.barrier barrier_id(%barrier3A)
    %dma_wait3A_56 = tpu.memref_slice %arg3[%mul3A_2] : memref<655360xi32, #tpu.memory_space<hbm>> -> memref<64xi32, #tpu.memory_space<hbm>>
    %dma_wait3A_57 = tpu.memref_slice %arg3[%mul3A_2] : memref<655360xi32, #tpu.memory_space<hbm>> -> memref<64xi32, #tpu.memory_space<hbm>>
    tpu.wait_dma2 semaphore(%arg16 : memref<!tpu.dma_semaphore, #tpu.memory_space<semaphore_mem>>) src(%dma_wait3A_57 : memref<64xi32, #tpu.memory_space<hbm>>) dst(%arg6 : memref<64xi32, #tpu.memory_space<vmem>>)
    %dma_wait3A_58 = arith.constant 0 : i32
    %dma_wait3A_59 = tpu.memref_slice %arg5[%dma_wait3A_58] : memref<10240xi32, #tpu.memory_space<vmem>> -> memref<64xi32, #tpu.memory_space<vmem>>
    %dma_wait3A_60 = arith.constant 0 : i32
    %dma_wait3A_61 = arith.constant 0 : i32
    %dma_wait3A_62 = tpu.memref_slice %arg2[%dma_wait3A_60, %dma_wait3A_61] : memref<10240x128xf32, #tpu.memory_space<hbm>> -> memref<10240x128xf32, #tpu.memory_space<hbm>>
    tpu.wait_indirect_dma semaphore(%arg15 : memref<!tpu.dma_semaphore, #tpu.memory_space<semaphore_mem>>) src(%dma_wait3A_62 : memref<10240x128xf32, #tpu.memory_space<hbm>>) dst(%arg10 : memref<64x128xf32, #tpu.memory_space<vmem>>)
    %dma_start3A_63 = arith.constant 0 : i32
    %dma_start3A_64 = arith.constant 0 : i32
    %dma_start3A_65 = tpu.memref_slice %arg14[%dma_start3A_63, %dma_start3A_64] : memref<10240x128xf32, #tpu.memory_space<vmem_shared>> -> memref<10240x128xf32, #tpu.memory_space<vmem_shared>>
    tpu.enqueue_indirect_dma source(%arg10 : memref<64x128xf32, #tpu.memory_space<vmem>>) target(%dma_start3A_65 : memref<10240x128xf32, #tpu.memory_space<vmem_shared>>) offsets(%arg6 : memref<64xi32, #tpu.memory_space<vmem>>) semaphore(%arg17 : memref<!tpu.dma_semaphore, #tpu.memory_space<semaphore_mem>>) {add = true}
    %add3A_66 = arith.constant 327680 : i32
    %add3A_67 = arith.addi %add3A_66, %mul3A_2 : i32
    %add3A_68 = arith.constant 192 : i32
    %add3A_69 = arith.addi %add3A_67, %add3A_68 : i32
    %dma_start3A_70 = tpu.memref_slice %arg3[%add3A_69] : memref<655360xi32, #tpu.memory_space<hbm>> -> memref<64xi32, #tpu.memory_space<hbm>>
    %dma_start3A_71 = tpu.memref_slice %arg3[%add3A_69] : memref<655360xi32, #tpu.memory_space<hbm>> -> memref<64xi32, #tpu.memory_space<hbm>>
    tpu.enqueue_dma source(%dma_start3A_71 : memref<64xi32, #tpu.memory_space<hbm>>) target(%arg9 : memref<64xi32, #tpu.memory_space<vmem>>) target_semaphore(%arg16 : memref<!tpu.dma_semaphore, #tpu.memory_space<semaphore_mem>>)
    %dma_start3A_72 = arith.constant 192 : i32
    %dma_start3A_73 = tpu.memref_slice %arg5[%dma_start3A_72] : memref<10240xi32, #tpu.memory_space<vmem>> -> memref<64xi32, #tpu.memory_space<vmem>>
    %dma_start3A_74 = arith.constant 0 : i32
    %dma_start3A_75 = arith.constant 0 : i32
    %dma_start3A_76 = tpu.memref_slice %arg2[%dma_start3A_74, %dma_start3A_75] : memref<10240x128xf32, #tpu.memory_space<hbm>> -> memref<10240x128xf32, #tpu.memory_space<hbm>>
    tpu.enqueue_indirect_dma source(%dma_start3A_76 : memref<10240x128xf32, #tpu.memory_space<hbm>>) target(%arg13 : memref<64x128xf32, #tpu.memory_space<vmem>>) offsets(%dma_start3A_73 : memref<64xi32, #tpu.memory_space<vmem>>) semaphore(%arg15 : memref<!tpu.dma_semaphore, #tpu.memory_space<semaphore_mem>>)
    %dma_wait3A_77 = tpu.memref_slice %arg3[%mul3A_2] : memref<655360xi32, #tpu.memory_space<hbm>> -> memref<64xi32, #tpu.memory_space<hbm>>
    %dma_wait3A_78 = tpu.memref_slice %arg3[%mul3A_2] : memref<655360xi32, #tpu.memory_space<hbm>> -> memref<64xi32, #tpu.memory_space<hbm>>
    tpu.wait_dma2 semaphore(%arg16 : memref<!tpu.dma_semaphore, #tpu.memory_space<semaphore_mem>>) src(%dma_wait3A_78 : memref<64xi32, #tpu.memory_space<hbm>>) dst(%arg7 : memref<64xi32, #tpu.memory_space<vmem>>)
    %dma_wait3A_79 = arith.constant 0 : i32
    %dma_wait3A_80 = tpu.memref_slice %arg5[%dma_wait3A_79] : memref<10240xi32, #tpu.memory_space<vmem>> -> memref<64xi32, #tpu.memory_space<vmem>>
    %dma_wait3A_81 = arith.constant 0 : i32
    %dma_wait3A_82 = arith.constant 0 : i32
    %dma_wait3A_83 = tpu.memref_slice %arg2[%dma_wait3A_81, %dma_wait3A_82] : memref<10240x128xf32, #tpu.memory_space<hbm>> -> memref<10240x128xf32, #tpu.memory_space<hbm>>
    tpu.wait_indirect_dma semaphore(%arg15 : memref<!tpu.dma_semaphore, #tpu.memory_space<semaphore_mem>>) src(%dma_wait3A_83 : memref<10240x128xf32, #tpu.memory_space<hbm>>) dst(%arg11 : memref<64x128xf32, #tpu.memory_space<vmem>>)
    %dma_start3A_84 = arith.constant 0 : i32
    %dma_start3A_85 = arith.constant 0 : i32
    %dma_start3A_86 = tpu.memref_slice %arg14[%dma_start3A_84, %dma_start3A_85] : memref<10240x128xf32, #tpu.memory_space<vmem_shared>> -> memref<10240x128xf32, #tpu.memory_space<vmem_shared>>
    tpu.enqueue_indirect_dma source(%arg11 : memref<64x128xf32, #tpu.memory_space<vmem>>) target(%dma_start3A_86 : memref<10240x128xf32, #tpu.memory_space<vmem_shared>>) offsets(%arg7 : memref<64xi32, #tpu.memory_space<vmem>>) semaphore(%arg17 : memref<!tpu.dma_semaphore, #tpu.memory_space<semaphore_mem>>) {add = true}
    %dma_wait3A_87 = arith.constant 0 : i32
    %dma_wait3A_88 = arith.constant 0 : i32
    %dma_wait3A_89 = tpu.memref_slice %arg14[%dma_wait3A_87, %dma_wait3A_88] : memref<10240x128xf32, #tpu.memory_space<vmem_shared>> -> memref<10240x128xf32, #tpu.memory_space<vmem_shared>>
    tpu.wait_indirect_dma semaphore(%arg17 : memref<!tpu.dma_semaphore, #tpu.memory_space<semaphore_mem>>) src(%arg10 : memref<64x128xf32, #tpu.memory_space<vmem>>) dst(%dma_wait3A_89 : memref<10240x128xf32, #tpu.memory_space<vmem_shared>>)
    %add3A_90 = arith.constant 327680 : i32
    %add3A_91 = arith.addi %add3A_90, %mul3A_2 : i32
    %add3A_92 = arith.constant 256 : i32
    %add3A_93 = arith.addi %add3A_91, %add3A_92 : i32
    %dma_start3A_94 = tpu.memref_slice %arg3[%add3A_93] : memref<655360xi32, #tpu.memory_space<hbm>> -> memref<64xi32, #tpu.memory_space<hbm>>
    %dma_start3A_95 = tpu.memref_slice %arg3[%add3A_93] : memref<655360xi32, #tpu.memory_space<hbm>> -> memref<64xi32, #tpu.memory_space<hbm>>
    tpu.enqueue_dma source(%dma_start3A_95 : memref<64xi32, #tpu.memory_space<hbm>>) target(%arg6 : memref<64xi32, #tpu.memory_space<vmem>>) target_semaphore(%arg16 : memref<!tpu.dma_semaphore, #tpu.memory_space<semaphore_mem>>)
    %dma_start3A_96 = arith.constant 256 : i32
    %dma_start3A_97 = tpu.memref_slice %arg5[%dma_start3A_96] : memref<10240xi32, #tpu.memory_space<vmem>> -> memref<64xi32, #tpu.memory_space<vmem>>
    %dma_start3A_98 = arith.constant 0 : i32
    %dma_start3A_99 = arith.constant 0 : i32
    %dma_start3A_100 = tpu.memref_slice %arg2[%dma_start3A_98, %dma_start3A_99] : memref<10240x128xf32, #tpu.memory_space<hbm>> -> memref<10240x128xf32, #tpu.memory_space<hbm>>
    tpu.enqueue_indirect_dma source(%dma_start3A_100 : memref<10240x128xf32, #tpu.memory_space<hbm>>) target(%arg10 : memref<64x128xf32, #tpu.memory_space<vmem>>) offsets(%dma_start3A_97 : memref<64xi32, #tpu.memory_space<vmem>>) semaphore(%arg15 : memref<!tpu.dma_semaphore, #tpu.memory_space<semaphore_mem>>)
    %dma_wait3A_101 = tpu.memref_slice %arg3[%mul3A_2] : memref<655360xi32, #tpu.memory_space<hbm>> -> memref<64xi32, #tpu.memory_space<hbm>>
    %dma_wait3A_102 = tpu.memref_slice %arg3[%mul3A_2] : memref<655360xi32, #tpu.memory_space<hbm>> -> memref<64xi32, #tpu.memory_space<hbm>>
    tpu.wait_dma2 semaphore(%arg16 : memref<!tpu.dma_semaphore, #tpu.memory_space<semaphore_mem>>) src(%dma_wait3A_102 : memref<64xi32, #tpu.memory_space<hbm>>) dst(%arg8 : memref<64xi32, #tpu.memory_space<vmem>>)
    %dma_wait3A_103 = arith.constant 0 : i32
    %dma_wait3A_104 = tpu.memref_slice %arg5[%dma_wait3A_103] : memref<10240xi32, #tpu.memory_space<vmem>> -> memref<64xi32, #tpu.memory_space<vmem>>
    %dma_wait3A_105 = arith.constant 0 : i32
    %dma_wait3A_106 = arith.constant 0 : i32
    %dma_wait3A_107 = tpu.memref_slice %arg2[%dma_wait3A_105, %dma_wait3A_106] : memref<10240x128xf32, #tpu.memory_space<hbm>> -> memref<10240x128xf32, #tpu.memory_space<hbm>>
    tpu.wait_indirect_dma semaphore(%arg15 : memref<!tpu.dma_semaphore, #tpu.memory_space<semaphore_mem>>) src(%dma_wait3A_107 : memref<10240x128xf32, #tpu.memory_space<hbm>>) dst(%arg12 : memref<64x128xf32, #tpu.memory_space<vmem>>)
    %dma_start3A_108 = arith.constant 0 : i32
    %dma_start3A_109 = arith.constant 0 : i32
    %dma_start3A_110 = tpu.memref_slice %arg14[%dma_start3A_108, %dma_start3A_109] : memref<10240x128xf32, #tpu.memory_space<vmem_shared>> -> memref<10240x128xf32, #tpu.memory_space<vmem_shared>>
    tpu.enqueue_indirect_dma source(%arg12 : memref<64x128xf32, #tpu.memory_space<vmem>>) target(%dma_start3A_110 : memref<10240x128xf32, #tpu.memory_space<vmem_shared>>) offsets(%arg8 : memref<64xi32, #tpu.memory_space<vmem>>) semaphore(%arg17 : memref<!tpu.dma_semaphore, #tpu.memory_space<semaphore_mem>>) {add = true}
    %dma_wait3A_111 = arith.constant 0 : i32
    %dma_wait3A_112 = arith.constant 0 : i32
    %dma_wait3A_113 = tpu.memref_slice %arg14[%dma_wait3A_111, %dma_wait3A_112] : memref<10240x128xf32, #tpu.memory_space<vmem_shared>> -> memref<10240x128xf32, #tpu.memory_space<vmem_shared>>
    tpu.wait_indirect_dma semaphore(%arg17 : memref<!tpu.dma_semaphore, #tpu.memory_space<semaphore_mem>>) src(%arg11 : memref<64x128xf32, #tpu.memory_space<vmem>>) dst(%dma_wait3A_113 : memref<10240x128xf32, #tpu.memory_space<vmem_shared>>)
    %add3A_114 = arith.constant 327680 : i32
    %add3A_115 = arith.addi %add3A_114, %mul3A_2 : i32
    %add3A_116 = arith.constant 320 : i32
    %add3A_117 = arith.addi %add3A_115, %add3A_116 : i32
    %dma_start3A_118 = tpu.memref_slice %arg3[%add3A_117] : memref<655360xi32, #tpu.memory_space<hbm>> -> memref<64xi32, #tpu.memory_space<hbm>>
    %dma_start3A_119 = tpu.memref_slice %arg3[%add3A_117] : memref<655360xi32, #tpu.memory_space<hbm>> -> memref<64xi32, #tpu.memory_space<hbm>>
    tpu.enqueue_dma source(%dma_start3A_119 : memref<64xi32, #tpu.memory_space<hbm>>) target(%arg7 : memref<64xi32, #tpu.memory_space<vmem>>) target_semaphore(%arg16 : memref<!tpu.dma_semaphore, #tpu.memory_space<semaphore_mem>>)
    %dma_start3A_120 = arith.constant 320 : i32
    %dma_start3A_121 = tpu.memref_slice %arg5[%dma_start3A_120] : memref<10240xi32, #tpu.memory_space<vmem>> -> memref<64xi32, #tpu.memory_space<vmem>>
    %dma_start3A_122 = arith.constant 0 : i32
    %dma_start3A_123 = arith.constant 0 : i32
    %dma_start3A_124 = tpu.memref_slice %arg2[%dma_start3A_122, %dma_start3A_123] : memref<10240x128xf32, #tpu.memory_space<hbm>> -> memref<10240x128xf32, #tpu.memory_space<hbm>>
    tpu.enqueue_indirect_dma source(%dma_start3A_124 : memref<10240x128xf32, #tpu.memory_space<hbm>>) target(%arg11 : memref<64x128xf32, #tpu.memory_space<vmem>>) offsets(%dma_start3A_121 : memref<64xi32, #tpu.memory_space<vmem>>) semaphore(%arg15 : memref<!tpu.dma_semaphore, #tpu.memory_space<semaphore_mem>>)
    %dma_wait3A_125 = tpu.memref_slice %arg3[%mul3A_2] : memref<655360xi32, #tpu.memory_space<hbm>> -> memref<64xi32, #tpu.memory_space<hbm>>
    %dma_wait3A_126 = tpu.memref_slice %arg3[%mul3A_2] : memref<655360xi32, #tpu.memory_space<hbm>> -> memref<64xi32, #tpu.memory_space<hbm>>
    tpu.wait_dma2 semaphore(%arg16 : memref<!tpu.dma_semaphore, #tpu.memory_space<semaphore_mem>>) src(%dma_wait3A_126 : memref<64xi32, #tpu.memory_space<hbm>>) dst(%arg9 : memref<64xi32, #tpu.memory_space<vmem>>)
    %dma_wait3A_127 = arith.constant 0 : i32
    %dma_wait3A_128 = tpu.memref_slice %arg5[%dma_wait3A_127] : memref<10240xi32, #tpu.memory_space<vmem>> -> memref<64xi32, #tpu.memory_space<vmem>>
    %dma_wait3A_129 = arith.constant 0 : i32
    %dma_wait3A_130 = arith.constant 0 : i32
    %dma_wait3A_131 = tpu.memref_slice %arg2[%dma_wait3A_129, %dma_wait3A_130] : memref<10240x128xf32, #tpu.memory_space<hbm>> -> memref<10240x128xf32, #tpu.memory_space<hbm>>
    tpu.wait_indirect_dma semaphore(%arg15 : memref<!tpu.dma_semaphore, #tpu.memory_space<semaphore_mem>>) src(%dma_wait3A_131 : memref<10240x128xf32, #tpu.memory_space<hbm>>) dst(%arg13 : memref<64x128xf32, #tpu.memory_space<vmem>>)
    %dma_start3A_132 = arith.constant 0 : i32
    %dma_start3A_133 = arith.constant 0 : i32
    %dma_start3A_134 = tpu.memref_slice %arg14[%dma_start3A_132, %dma_start3A_133] : memref<10240x128xf32, #tpu.memory_space<vmem_shared>> -> memref<10240x128xf32, #tpu.memory_space<vmem_shared>>
    tpu.enqueue_indirect_dma source(%arg13 : memref<64x128xf32, #tpu.memory_space<vmem>>) target(%dma_start3A_134 : memref<10240x128xf32, #tpu.memory_space<vmem_shared>>) offsets(%arg9 : memref<64xi32, #tpu.memory_space<vmem>>) semaphore(%arg17 : memref<!tpu.dma_semaphore, #tpu.memory_space<semaphore_mem>>) {add = true}
    %dma_wait3A_135 = arith.constant 0 : i32
    %dma_wait3A_136 = arith.constant 0 : i32
    %dma_wait3A_137 = tpu.memref_slice %arg14[%dma_wait3A_135, %dma_wait3A_136] : memref<10240x128xf32, #tpu.memory_space<vmem_shared>> -> memref<10240x128xf32, #tpu.memory_space<vmem_shared>>
    tpu.wait_indirect_dma semaphore(%arg17 : memref<!tpu.dma_semaphore, #tpu.memory_space<semaphore_mem>>) src(%arg12 : memref<64x128xf32, #tpu.memory_space<vmem>>) dst(%dma_wait3A_137 : memref<10240x128xf32, #tpu.memory_space<vmem_shared>>)
    %add3A_138 = arith.constant 327680 : i32
    %add3A_139 = arith.addi %add3A_138, %mul3A_2 : i32
    %add3A_140 = arith.constant 384 : i32
    %add3A_141 = arith.addi %add3A_139, %add3A_140 : i32
    %dma_start3A_142 = tpu.memref_slice %arg3[%add3A_141] : memref<655360xi32, #tpu.memory_space<hbm>> -> memref<64xi32, #tpu.memory_space<hbm>>
    %dma_start3A_143 = tpu.memref_slice %arg3[%add3A_141] : memref<655360xi32, #tpu.memory_space<hbm>> -> memref<64xi32, #tpu.memory_space<hbm>>
    tpu.enqueue_dma source(%dma_start3A_143 : memref<64xi32, #tpu.memory_space<hbm>>) target(%arg8 : memref<64xi32, #tpu.memory_space<vmem>>) target_semaphore(%arg16 : memref<!tpu.dma_semaphore, #tpu.memory_space<semaphore_mem>>)
    %dma_start3A_144 = arith.constant 384 : i32
    %dma_start3A_145 = tpu.memref_slice %arg5[%dma_start3A_144] : memref<10240xi32, #tpu.memory_space<vmem>> -> memref<64xi32, #tpu.memory_space<vmem>>
    %dma_start3A_146 = arith.constant 0 : i32
    %dma_start3A_147 = arith.constant 0 : i32
    %dma_start3A_148 = tpu.memref_slice %arg2[%dma_start3A_146, %dma_start3A_147] : memref<10240x128xf32, #tpu.memory_space<hbm>> -> memref<10240x128xf32, #tpu.memory_space<hbm>>
    tpu.enqueue_indirect_dma source(%dma_start3A_148 : memref<10240x128xf32, #tpu.memory_space<hbm>>) target(%arg12 : memref<64x128xf32, #tpu.memory_space<vmem>>) offsets(%dma_start3A_145 : memref<64xi32, #tpu.memory_space<vmem>>) semaphore(%arg15 : memref<!tpu.dma_semaphore, #tpu.memory_space<semaphore_mem>>)
    %scan3A_149 = arith.constant 0 : i32
    %scan3A_150 = arith.constant 1 : i32
    %scan3A_151 = arith.constant 38 : i32
    %scan3A_152 = arith.addi %scan3A_150, %scan3A_151 : i32
    %scan3A_153 = arith.constant 1 : i32
    scf.for %scan3A_226 = %scan3A_150 to %scan3A_152 step %scan3A_153  : i32 {
      %mul3A_227 = arith.constant 4 : i32
      %mul3A_228 = arith.muli %scan3A_226, %mul3A_227 : i32
      %add3A_229 = arith.constant 0 : i32
      %add3A_230 = arith.addi %mul3A_228, %add3A_229 : i32
      %dma_wait3A_231 = tpu.memref_slice %arg3[%mul3A_2] : memref<655360xi32, #tpu.memory_space<hbm>> -> memref<64xi32, #tpu.memory_space<hbm>>
      %dma_wait3A_232 = tpu.memref_slice %arg3[%mul3A_2] : memref<655360xi32, #tpu.memory_space<hbm>> -> memref<64xi32, #tpu.memory_space<hbm>>
      tpu.wait_dma2 semaphore(%arg16 : memref<!tpu.dma_semaphore, #tpu.memory_space<semaphore_mem>>) src(%dma_wait3A_232 : memref<64xi32, #tpu.memory_space<hbm>>) dst(%arg6 : memref<64xi32, #tpu.memory_space<vmem>>)
      %dma_wait3A_233 = arith.constant 0 : i32
      %dma_wait3A_234 = tpu.memref_slice %arg5[%dma_wait3A_233] : memref<10240xi32, #tpu.memory_space<vmem>> -> memref<64xi32, #tpu.memory_space<vmem>>
      %dma_wait3A_235 = arith.constant 0 : i32
      %dma_wait3A_236 = arith.constant 0 : i32
      %dma_wait3A_237 = tpu.memref_slice %arg2[%dma_wait3A_235, %dma_wait3A_236] : memref<10240x128xf32, #tpu.memory_space<hbm>> -> memref<10240x128xf32, #tpu.memory_space<hbm>>
      tpu.wait_indirect_dma semaphore(%arg15 : memref<!tpu.dma_semaphore, #tpu.memory_space<semaphore_mem>>) src(%dma_wait3A_237 : memref<10240x128xf32, #tpu.memory_space<hbm>>) dst(%arg10 : memref<64x128xf32, #tpu.memory_space<vmem>>)
      %dma_start3A_238 = arith.constant 0 : i32
      %dma_start3A_239 = arith.constant 0 : i32
      %dma_start3A_240 = tpu.memref_slice %arg14[%dma_start3A_238, %dma_start3A_239] : memref<10240x128xf32, #tpu.memory_space<vmem_shared>> -> memref<10240x128xf32, #tpu.memory_space<vmem_shared>>
      tpu.enqueue_indirect_dma source(%arg10 : memref<64x128xf32, #tpu.memory_space<vmem>>) target(%dma_start3A_240 : memref<10240x128xf32, #tpu.memory_space<vmem_shared>>) offsets(%arg6 : memref<64xi32, #tpu.memory_space<vmem>>) semaphore(%arg17 : memref<!tpu.dma_semaphore, #tpu.memory_space<semaphore_mem>>) {add = true}
      %dma_wait3A_241 = arith.constant 0 : i32
      %dma_wait3A_242 = arith.constant 0 : i32
      %dma_wait3A_243 = tpu.memref_slice %arg14[%dma_wait3A_241, %dma_wait3A_242] : memref<10240x128xf32, #tpu.memory_space<vmem_shared>> -> memref<10240x128xf32, #tpu.memory_space<vmem_shared>>
      tpu.wait_indirect_dma semaphore(%arg17 : memref<!tpu.dma_semaphore, #tpu.memory_space<semaphore_mem>>) src(%arg13 : memref<64x128xf32, #tpu.memory_space<vmem>>) dst(%dma_wait3A_243 : memref<10240x128xf32, #tpu.memory_space<vmem_shared>>)
      %add3A_244 = arith.constant 3 : i32
      %add3A_245 = arith.addi %add3A_230, %add3A_244 : i32
      %add3A_246 = arith.constant 327680 : i32
      %add3A_247 = arith.addi %add3A_246, %mul3A_2 : i32
      %mul3A_248 = arith.constant 64 : i32
      %mul3A_249 = arith.muli %add3A_245, %mul3A_248 : i32
      %add3A_250 = arith.addi %add3A_247, %mul3A_249 : i32
      %dma_start3A_251 = tpu.memref_slice %arg3[%add3A_250] : memref<655360xi32, #tpu.memory_space<hbm>> -> memref<64xi32, #tpu.memory_space<hbm>>
      %dma_start3A_252 = tpu.memref_slice %arg3[%add3A_250] : memref<655360xi32, #tpu.memory_space<hbm>> -> memref<64xi32, #tpu.memory_space<hbm>>
      tpu.enqueue_dma source(%dma_start3A_252 : memref<64xi32, #tpu.memory_space<hbm>>) target(%arg9 : memref<64xi32, #tpu.memory_space<vmem>>) target_semaphore(%arg16 : memref<!tpu.dma_semaphore, #tpu.memory_space<semaphore_mem>>)
      %mul3A_253 = arith.constant 64 : i32
      %mul3A_254 = arith.muli %add3A_245, %mul3A_253 : i32
      %dma_start3A_255 = tpu.memref_slice %arg5[%mul3A_254] : memref<10240xi32, #tpu.memory_space<vmem>> -> memref<64xi32, #tpu.memory_space<vmem>>
      %dma_start3A_256 = arith.constant 0 : i32
      %dma_start3A_257 = arith.constant 0 : i32
      %dma_start3A_258 = tpu.memref_slice %arg2[%dma_start3A_256, %dma_start3A_257] : memref<10240x128xf32, #tpu.memory_space<hbm>> -> memref<10240x128xf32, #tpu.memory_space<hbm>>
      tpu.enqueue_indirect_dma source(%dma_start3A_258 : memref<10240x128xf32, #tpu.memory_space<hbm>>) target(%arg13 : memref<64x128xf32, #tpu.memory_space<vmem>>) offsets(%dma_start3A_255 : memref<64xi32, #tpu.memory_space<vmem>>) semaphore(%arg15 : memref<!tpu.dma_semaphore, #tpu.memory_space<semaphore_mem>>)
      %mul3A_259 = arith.constant 4 : i32
      %mul3A_260 = arith.muli %scan3A_226, %mul3A_259 : i32
      %add3A_261 = arith.constant 1 : i32
      %add3A_262 = arith.addi %mul3A_260, %add3A_261 : i32
      %dma_wait3A_263 = tpu.memref_slice %arg3[%mul3A_2] : memref<655360xi32, #tpu.memory_space<hbm>> -> memref<64xi32, #tpu.memory_space<hbm>>
      %dma_wait3A_264 = tpu.memref_slice %arg3[%mul3A_2] : memref<655360xi32, #tpu.memory_space<hbm>> -> memref<64xi32, #tpu.memory_space<hbm>>
      tpu.wait_dma2 semaphore(%arg16 : memref<!tpu.dma_semaphore, #tpu.memory_space<semaphore_mem>>) src(%dma_wait3A_264 : memref<64xi32, #tpu.memory_space<hbm>>) dst(%arg7 : memref<64xi32, #tpu.memory_space<vmem>>)
      %dma_wait3A_265 = arith.constant 0 : i32
      %dma_wait3A_266 = tpu.memref_slice %arg5[%dma_wait3A_265] : memref<10240xi32, #tpu.memory_space<vmem>> -> memref<64xi32, #tpu.memory_space<vmem>>
      %dma_wait3A_267 = arith.constant 0 : i32
      %dma_wait3A_268 = arith.constant 0 : i32
      %dma_wait3A_269 = tpu.memref_slice %arg2[%dma_wait3A_267, %dma_wait3A_268] : memref<10240x128xf32, #tpu.memory_space<hbm>> -> memref<10240x128xf32, #tpu.memory_space<hbm>>
      tpu.wait_indirect_dma semaphore(%arg15 : memref<!tpu.dma_semaphore, #tpu.memory_space<semaphore_mem>>) src(%dma_wait3A_269 : memref<10240x128xf32, #tpu.memory_space<hbm>>) dst(%arg11 : memref<64x128xf32, #tpu.memory_space<vmem>>)
      %dma_start3A_270 = arith.constant 0 : i32
      %dma_start3A_271 = arith.constant 0 : i32
      %dma_start3A_272 = tpu.memref_slice %arg14[%dma_start3A_270, %dma_start3A_271] : memref<10240x128xf32, #tpu.memory_space<vmem_shared>> -> memref<10240x128xf32, #tpu.memory_space<vmem_shared>>
      tpu.enqueue_indirect_dma source(%arg11 : memref<64x128xf32, #tpu.memory_space<vmem>>) target(%dma_start3A_272 : memref<10240x128xf32, #tpu.memory_space<vmem_shared>>) offsets(%arg7 : memref<64xi32, #tpu.memory_space<vmem>>) semaphore(%arg17 : memref<!tpu.dma_semaphore, #tpu.memory_space<semaphore_mem>>) {add = true}
      %dma_wait3A_273 = arith.constant 0 : i32
      %dma_wait3A_274 = arith.constant 0 : i32
      %dma_wait3A_275 = tpu.memref_slice %arg14[%dma_wait3A_273, %dma_wait3A_274] : memref<10240x128xf32, #tpu.memory_space<vmem_shared>> -> memref<10240x128xf32, #tpu.memory_space<vmem_shared>>
      tpu.wait_indirect_dma semaphore(%arg17 : memref<!tpu.dma_semaphore, #tpu.memory_space<semaphore_mem>>) src(%arg10 : memref<64x128xf32, #tpu.memory_space<vmem>>) dst(%dma_wait3A_275 : memref<10240x128xf32, #tpu.memory_space<vmem_shared>>)
      %add3A_276 = arith.constant 3 : i32
      %add3A_277 = arith.addi %add3A_262, %add3A_276 : i32
      %add3A_278 = arith.constant 327680 : i32
      %add3A_279 = arith.addi %add3A_278, %mul3A_2 : i32
      %mul3A_280 = arith.constant 64 : i32
      %mul3A_281 = arith.muli %add3A_277, %mul3A_280 : i32
      %add3A_282 = arith.addi %add3A_279, %mul3A_281 : i32
      %dma_start3A_283 = tpu.memref_slice %arg3[%add3A_282] : memref<655360xi32, #tpu.memory_space<hbm>> -> memref<64xi32, #tpu.memory_space<hbm>>
      %dma_start3A_284 = tpu.memref_slice %arg3[%add3A_282] : memref<655360xi32, #tpu.memory_space<hbm>> -> memref<64xi32, #tpu.memory_space<hbm>>
      tpu.enqueue_dma source(%dma_start3A_284 : memref<64xi32, #tpu.memory_space<hbm>>) target(%arg6 : memref<64xi32, #tpu.memory_space<vmem>>) target_semaphore(%arg16 : memref<!tpu.dma_semaphore, #tpu.memory_space<semaphore_mem>>)
      %mul3A_285 = arith.constant 64 : i32
      %mul3A_286 = arith.muli %add3A_277, %mul3A_285 : i32
      %dma_start3A_287 = tpu.memref_slice %arg5[%mul3A_286] : memref<10240xi32, #tpu.memory_space<vmem>> -> memref<64xi32, #tpu.memory_space<vmem>>
      %dma_start3A_288 = arith.constant 0 : i32
      %dma_start3A_289 = arith.constant 0 : i32
      %dma_start3A_290 = tpu.memref_slice %arg2[%dma_start3A_288, %dma_start3A_289] : memref<10240x128xf32, #tpu.memory_space<hbm>> -> memref<10240x128xf32, #tpu.memory_space<hbm>>
      tpu.enqueue_indirect_dma source(%dma_start3A_290 : memref<10240x128xf32, #tpu.memory_space<hbm>>) target(%arg10 : memref<64x128xf32, #tpu.memory_space<vmem>>) offsets(%dma_start3A_287 : memref<64xi32, #tpu.memory_space<vmem>>) semaphore(%arg15 : memref<!tpu.dma_semaphore, #tpu.memory_space<semaphore_mem>>)
      %mul3A_291 = arith.constant 4 : i32
      %mul3A_292 = arith.muli %scan3A_226, %mul3A_291 : i32
      %add3A_293 = arith.constant 2 : i32
      %add3A_294 = arith.addi %mul3A_292, %add3A_293 : i32
      %dma_wait3A_295 = tpu.memref_slice %arg3[%mul3A_2] : memref<655360xi32, #tpu.memory_space<hbm>> -> memref<64xi32, #tpu.memory_space<hbm>>
      %dma_wait3A_296 = tpu.memref_slice %arg3[%mul3A_2] : memref<655360xi32, #tpu.memory_space<hbm>> -> memref<64xi32, #tpu.memory_space<hbm>>
      tpu.wait_dma2 semaphore(%arg16 : memref<!tpu.dma_semaphore, #tpu.memory_space<semaphore_mem>>) src(%dma_wait3A_296 : memref<64xi32, #tpu.memory_space<hbm>>) dst(%arg8 : memref<64xi32, #tpu.memory_space<vmem>>)
      %dma_wait3A_297 = arith.constant 0 : i32
      %dma_wait3A_298 = tpu.memref_slice %arg5[%dma_wait3A_297] : memref<10240xi32, #tpu.memory_space<vmem>> -> memref<64xi32, #tpu.memory_space<vmem>>
      %dma_wait3A_299 = arith.constant 0 : i32
      %dma_wait3A_300 = arith.constant 0 : i32
      %dma_wait3A_301 = tpu.memref_slice %arg2[%dma_wait3A_299, %dma_wait3A_300] : memref<10240x128xf32, #tpu.memory_space<hbm>> -> memref<10240x128xf32, #tpu.memory_space<hbm>>
      tpu.wait_indirect_dma semaphore(%arg15 : memref<!tpu.dma_semaphore, #tpu.memory_space<semaphore_mem>>) src(%dma_wait3A_301 : memref<10240x128xf32, #tpu.memory_space<hbm>>) dst(%arg12 : memref<64x128xf32, #tpu.memory_space<vmem>>)
      %dma_start3A_302 = arith.constant 0 : i32
      %dma_start3A_303 = arith.constant 0 : i32
      %dma_start3A_304 = tpu.memref_slice %arg14[%dma_start3A_302, %dma_start3A_303] : memref<10240x128xf32, #tpu.memory_space<vmem_shared>> -> memref<10240x128xf32, #tpu.memory_space<vmem_shared>>
      tpu.enqueue_indirect_dma source(%arg12 : memref<64x128xf32, #tpu.memory_space<vmem>>) target(%dma_start3A_304 : memref<10240x128xf32, #tpu.memory_space<vmem_shared>>) offsets(%arg8 : memref<64xi32, #tpu.memory_space<vmem>>) semaphore(%arg17 : memref<!tpu.dma_semaphore, #tpu.memory_space<semaphore_mem>>) {add = true}
      %dma_wait3A_305 = arith.constant 0 : i32
      %dma_wait3A_306 = arith.constant 0 : i32
      %dma_wait3A_307 = tpu.memref_slice %arg14[%dma_wait3A_305, %dma_wait3A_306] : memref<10240x128xf32, #tpu.memory_space<vmem_shared>> -> memref<10240x128xf32, #tpu.memory_space<vmem_shared>>
      tpu.wait_indirect_dma semaphore(%arg17 : memref<!tpu.dma_semaphore, #tpu.memory_space<semaphore_mem>>) src(%arg11 : memref<64x128xf32, #tpu.memory_space<vmem>>) dst(%dma_wait3A_307 : memref<10240x128xf32, #tpu.memory_space<vmem_shared>>)
      %add3A_308 = arith.constant 3 : i32
      %add3A_309 = arith.addi %add3A_294, %add3A_308 : i32
      %add3A_310 = arith.constant 327680 : i32
      %add3A_311 = arith.addi %add3A_310, %mul3A_2 : i32
      %mul3A_312 = arith.constant 64 : i32
      %mul3A_313 = arith.muli %add3A_309, %mul3A_312 : i32
      %add3A_314 = arith.addi %add3A_311, %mul3A_313 : i32
      %dma_start3A_315 = tpu.memref_slice %arg3[%add3A_314] : memref<655360xi32, #tpu.memory_space<hbm>> -> memref<64xi32, #tpu.memory_space<hbm>>
      %dma_start3A_316 = tpu.memref_slice %arg3[%add3A_314] : memref<655360xi32, #tpu.memory_space<hbm>> -> memref<64xi32, #tpu.memory_space<hbm>>
      tpu.enqueue_dma source(%dma_start3A_316 : memref<64xi32, #tpu.memory_space<hbm>>) target(%arg7 : memref<64xi32, #tpu.memory_space<vmem>>) target_semaphore(%arg16 : memref<!tpu.dma_semaphore, #tpu.memory_space<semaphore_mem>>)
      %mul3A_317 = arith.constant 64 : i32
      %mul3A_318 = arith.muli %add3A_309, %mul3A_317 : i32
      %dma_start3A_319 = tpu.memref_slice %arg5[%mul3A_318] : memref<10240xi32, #tpu.memory_space<vmem>> -> memref<64xi32, #tpu.memory_space<vmem>>
      %dma_start3A_320 = arith.constant 0 : i32
      %dma_start3A_321 = arith.constant 0 : i32
      %dma_start3A_322 = tpu.memref_slice %arg2[%dma_start3A_320, %dma_start3A_321] : memref<10240x128xf32, #tpu.memory_space<hbm>> -> memref<10240x128xf32, #tpu.memory_space<hbm>>
      tpu.enqueue_indirect_dma source(%dma_start3A_322 : memref<10240x128xf32, #tpu.memory_space<hbm>>) target(%arg11 : memref<64x128xf32, #tpu.memory_space<vmem>>) offsets(%dma_start3A_319 : memref<64xi32, #tpu.memory_space<vmem>>) semaphore(%arg15 : memref<!tpu.dma_semaphore, #tpu.memory_space<semaphore_mem>>)
      %mul3A_323 = arith.constant 4 : i32
      %mul3A_324 = arith.muli %scan3A_226, %mul3A_323 : i32
      %add3A_325 = arith.constant 3 : i32
      %add3A_326 = arith.addi %mul3A_324, %add3A_325 : i32
      %dma_wait3A_327 = tpu.memref_slice %arg3[%mul3A_2] : memref<655360xi32, #tpu.memory_space<hbm>> -> memref<64xi32, #tpu.memory_space<hbm>>
      %dma_wait3A_328 = tpu.memref_slice %arg3[%mul3A_2] : memref<655360xi32, #tpu.memory_space<hbm>> -> memref<64xi32, #tpu.memory_space<hbm>>
      tpu.wait_dma2 semaphore(%arg16 : memref<!tpu.dma_semaphore, #tpu.memory_space<semaphore_mem>>) src(%dma_wait3A_328 : memref<64xi32, #tpu.memory_space<hbm>>) dst(%arg9 : memref<64xi32, #tpu.memory_space<vmem>>)
      %dma_wait3A_329 = arith.constant 0 : i32
      %dma_wait3A_330 = tpu.memref_slice %arg5[%dma_wait3A_329] : memref<10240xi32, #tpu.memory_space<vmem>> -> memref<64xi32, #tpu.memory_space<vmem>>
      %dma_wait3A_331 = arith.constant 0 : i32
      %dma_wait3A_332 = arith.constant 0 : i32
      %dma_wait3A_333 = tpu.memref_slice %arg2[%dma_wait3A_331, %dma_wait3A_332] : memref<10240x128xf32, #tpu.memory_space<hbm>> -> memref<10240x128xf32, #tpu.memory_space<hbm>>
      tpu.wait_indirect_dma semaphore(%arg15 : memref<!tpu.dma_semaphore, #tpu.memory_space<semaphore_mem>>) src(%dma_wait3A_333 : memref<10240x128xf32, #tpu.memory_space<hbm>>) dst(%arg13 : memref<64x128xf32, #tpu.memory_space<vmem>>)
      %dma_start3A_334 = arith.constant 0 : i32
      %dma_start3A_335 = arith.constant 0 : i32
      %dma_start3A_336 = tpu.memref_slice %arg14[%dma_start3A_334, %dma_start3A_335] : memref<10240x128xf32, #tpu.memory_space<vmem_shared>> -> memref<10240x128xf32, #tpu.memory_space<vmem_shared>>
      tpu.enqueue_indirect_dma source(%arg13 : memref<64x128xf32, #tpu.memory_space<vmem>>) target(%dma_start3A_336 : memref<10240x128xf32, #tpu.memory_space<vmem_shared>>) offsets(%arg9 : memref<64xi32, #tpu.memory_space<vmem>>) semaphore(%arg17 : memref<!tpu.dma_semaphore, #tpu.memory_space<semaphore_mem>>) {add = true}
      %dma_wait3A_337 = arith.constant 0 : i32
      %dma_wait3A_338 = arith.constant 0 : i32
      %dma_wait3A_339 = tpu.memref_slice %arg14[%dma_wait3A_337, %dma_wait3A_338] : memref<10240x128xf32, #tpu.memory_space<vmem_shared>> -> memref<10240x128xf32, #tpu.memory_space<vmem_shared>>
      tpu.wait_indirect_dma semaphore(%arg17 : memref<!tpu.dma_semaphore, #tpu.memory_space<semaphore_mem>>) src(%arg12 : memref<64x128xf32, #tpu.memory_space<vmem>>) dst(%dma_wait3A_339 : memref<10240x128xf32, #tpu.memory_space<vmem_shared>>)
      %add3A_340 = arith.constant 3 : i32
      %add3A_341 = arith.addi %add3A_326, %add3A_340 : i32
      %add3A_342 = arith.constant 327680 : i32
      %add3A_343 = arith.addi %add3A_342, %mul3A_2 : i32
      %mul3A_344 = arith.constant 64 : i32
      %mul3A_345 = arith.muli %add3A_341, %mul3A_344 : i32
      %add3A_346 = arith.addi %add3A_343, %mul3A_345 : i32
      %dma_start3A_347 = tpu.memref_slice %arg3[%add3A_346] : memref<655360xi32, #tpu.memory_space<hbm>> -> memref<64xi32, #tpu.memory_space<hbm>>
      %dma_start3A_348 = tpu.memref_slice %arg3[%add3A_346] : memref<655360xi32, #tpu.memory_space<hbm>> -> memref<64xi32, #tpu.memory_space<hbm>>
      tpu.enqueue_dma source(%dma_start3A_348 : memref<64xi32, #tpu.memory_space<hbm>>) target(%arg8 : memref<64xi32, #tpu.memory_space<vmem>>) target_semaphore(%arg16 : memref<!tpu.dma_semaphore, #tpu.memory_space<semaphore_mem>>)
      %mul3A_349 = arith.constant 64 : i32
      %mul3A_350 = arith.muli %add3A_341, %mul3A_349 : i32
      %dma_start3A_351 = tpu.memref_slice %arg5[%mul3A_350] : memref<10240xi32, #tpu.memory_space<vmem>> -> memref<64xi32, #tpu.memory_space<vmem>>
      %dma_start3A_352 = arith.constant 0 : i32
      %dma_start3A_353 = arith.constant 0 : i32
      %dma_start3A_354 = tpu.memref_slice %arg2[%dma_start3A_352, %dma_start3A_353] : memref<10240x128xf32, #tpu.memory_space<hbm>> -> memref<10240x128xf32, #tpu.memory_space<hbm>>
      tpu.enqueue_indirect_dma source(%dma_start3A_354 : memref<10240x128xf32, #tpu.memory_space<hbm>>) target(%arg12 : memref<64x128xf32, #tpu.memory_space<vmem>>) offsets(%dma_start3A_351 : memref<64xi32, #tpu.memory_space<vmem>>) semaphore(%arg15 : memref<!tpu.dma_semaphore, #tpu.memory_space<semaphore_mem>>)
    }
    %scan3A_154 = arith.constant 38 : i32
    %dma_wait3A_155 = tpu.memref_slice %arg3[%mul3A_2] : memref<655360xi32, #tpu.memory_space<hbm>> -> memref<64xi32, #tpu.memory_space<hbm>>
    %dma_wait3A_156 = tpu.memref_slice %arg3[%mul3A_2] : memref<655360xi32, #tpu.memory_space<hbm>> -> memref<64xi32, #tpu.memory_space<hbm>>
    tpu.wait_dma2 semaphore(%arg16 : memref<!tpu.dma_semaphore, #tpu.memory_space<semaphore_mem>>) src(%dma_wait3A_156 : memref<64xi32, #tpu.memory_space<hbm>>) dst(%arg6 : memref<64xi32, #tpu.memory_space<vmem>>)
    %dma_wait3A_157 = arith.constant 0 : i32
    %dma_wait3A_158 = tpu.memref_slice %arg5[%dma_wait3A_157] : memref<10240xi32, #tpu.memory_space<vmem>> -> memref<64xi32, #tpu.memory_space<vmem>>
    %dma_wait3A_159 = arith.constant 0 : i32
    %dma_wait3A_160 = arith.constant 0 : i32
    %dma_wait3A_161 = tpu.memref_slice %arg2[%dma_wait3A_159, %dma_wait3A_160] : memref<10240x128xf32, #tpu.memory_space<hbm>> -> memref<10240x128xf32, #tpu.memory_space<hbm>>
    tpu.wait_indirect_dma semaphore(%arg15 : memref<!tpu.dma_semaphore, #tpu.memory_space<semaphore_mem>>) src(%dma_wait3A_161 : memref<10240x128xf32, #tpu.memory_space<hbm>>) dst(%arg10 : memref<64x128xf32, #tpu.memory_space<vmem>>)
    %dma_start3A_162 = arith.constant 0 : i32
    %dma_start3A_163 = arith.constant 0 : i32
    %dma_start3A_164 = tpu.memref_slice %arg14[%dma_start3A_162, %dma_start3A_163] : memref<10240x128xf32, #tpu.memory_space<vmem_shared>> -> memref<10240x128xf32, #tpu.memory_space<vmem_shared>>
    tpu.enqueue_indirect_dma source(%arg10 : memref<64x128xf32, #tpu.memory_space<vmem>>) target(%dma_start3A_164 : memref<10240x128xf32, #tpu.memory_space<vmem_shared>>) offsets(%arg6 : memref<64xi32, #tpu.memory_space<vmem>>) semaphore(%arg17 : memref<!tpu.dma_semaphore, #tpu.memory_space<semaphore_mem>>) {add = true}
    %dma_wait3A_165 = arith.constant 0 : i32
    %dma_wait3A_166 = arith.constant 0 : i32
    %dma_wait3A_167 = tpu.memref_slice %arg14[%dma_wait3A_165, %dma_wait3A_166] : memref<10240x128xf32, #tpu.memory_space<vmem_shared>> -> memref<10240x128xf32, #tpu.memory_space<vmem_shared>>
    tpu.wait_indirect_dma semaphore(%arg17 : memref<!tpu.dma_semaphore, #tpu.memory_space<semaphore_mem>>) src(%arg13 : memref<64x128xf32, #tpu.memory_space<vmem>>) dst(%dma_wait3A_167 : memref<10240x128xf32, #tpu.memory_space<vmem_shared>>)
    %add3A_168 = arith.constant 327680 : i32
    %add3A_169 = arith.addi %add3A_168, %mul3A_2 : i32
    %add3A_170 = arith.constant 10176 : i32
    %add3A_171 = arith.addi %add3A_169, %add3A_170 : i32
    %dma_start3A_172 = tpu.memref_slice %arg3[%add3A_171] : memref<655360xi32, #tpu.memory_space<hbm>> -> memref<64xi32, #tpu.memory_space<hbm>>
    %dma_start3A_173 = tpu.memref_slice %arg3[%add3A_171] : memref<655360xi32, #tpu.memory_space<hbm>> -> memref<64xi32, #tpu.memory_space<hbm>>
    tpu.enqueue_dma source(%dma_start3A_173 : memref<64xi32, #tpu.memory_space<hbm>>) target(%arg9 : memref<64xi32, #tpu.memory_space<vmem>>) target_semaphore(%arg16 : memref<!tpu.dma_semaphore, #tpu.memory_space<semaphore_mem>>)
    %dma_start3A_174 = arith.constant 10176 : i32
    %dma_start3A_175 = tpu.memref_slice %arg5[%dma_start3A_174] : memref<10240xi32, #tpu.memory_space<vmem>> -> memref<64xi32, #tpu.memory_space<vmem>>
    %dma_start3A_176 = arith.constant 0 : i32
    %dma_start3A_177 = arith.constant 0 : i32
    %dma_start3A_178 = tpu.memref_slice %arg2[%dma_start3A_176, %dma_start3A_177] : memref<10240x128xf32, #tpu.memory_space<hbm>> -> memref<10240x128xf32, #tpu.memory_space<hbm>>
    tpu.enqueue_indirect_dma source(%dma_start3A_178 : memref<10240x128xf32, #tpu.memory_space<hbm>>) target(%arg13 : memref<64x128xf32, #tpu.memory_space<vmem>>) offsets(%dma_start3A_175 : memref<64xi32, #tpu.memory_space<vmem>>) semaphore(%arg15 : memref<!tpu.dma_semaphore, #tpu.memory_space<semaphore_mem>>)
    %dma_wait3A_179 = tpu.memref_slice %arg3[%mul3A_2] : memref<655360xi32, #tpu.memory_space<hbm>> -> memref<64xi32, #tpu.memory_space<hbm>>
    %dma_wait3A_180 = tpu.memref_slice %arg3[%mul3A_2] : memref<655360xi32, #tpu.memory_space<hbm>> -> memref<64xi32, #tpu.memory_space<hbm>>
    tpu.wait_dma2 semaphore(%arg16 : memref<!tpu.dma_semaphore, #tpu.memory_space<semaphore_mem>>) src(%dma_wait3A_180 : memref<64xi32, #tpu.memory_space<hbm>>) dst(%arg7 : memref<64xi32, #tpu.memory_space<vmem>>)
    %dma_wait3A_181 = arith.constant 0 : i32
    %dma_wait3A_182 = tpu.memref_slice %arg5[%dma_wait3A_181] : memref<10240xi32, #tpu.memory_space<vmem>> -> memref<64xi32, #tpu.memory_space<vmem>>
    %dma_wait3A_183 = arith.constant 0 : i32
    %dma_wait3A_184 = arith.constant 0 : i32
    %dma_wait3A_185 = tpu.memref_slice %arg2[%dma_wait3A_183, %dma_wait3A_184] : memref<10240x128xf32, #tpu.memory_space<hbm>> -> memref<10240x128xf32, #tpu.memory_space<hbm>>
    tpu.wait_indirect_dma semaphore(%arg15 : memref<!tpu.dma_semaphore, #tpu.memory_space<semaphore_mem>>) src(%dma_wait3A_185 : memref<10240x128xf32, #tpu.memory_space<hbm>>) dst(%arg11 : memref<64x128xf32, #tpu.memory_space<vmem>>)
    %dma_start3A_186 = arith.constant 0 : i32
    %dma_start3A_187 = arith.constant 0 : i32
    %dma_start3A_188 = tpu.memref_slice %arg14[%dma_start3A_186, %dma_start3A_187] : memref<10240x128xf32, #tpu.memory_space<vmem_shared>> -> memref<10240x128xf32, #tpu.memory_space<vmem_shared>>
    tpu.enqueue_indirect_dma source(%arg11 : memref<64x128xf32, #tpu.memory_space<vmem>>) target(%dma_start3A_188 : memref<10240x128xf32, #tpu.memory_space<vmem_shared>>) offsets(%arg7 : memref<64xi32, #tpu.memory_space<vmem>>) semaphore(%arg17 : memref<!tpu.dma_semaphore, #tpu.memory_space<semaphore_mem>>) {add = true}
    %dma_wait3A_189 = arith.constant 0 : i32
    %dma_wait3A_190 = arith.constant 0 : i32
    %dma_wait3A_191 = tpu.memref_slice %arg14[%dma_wait3A_189, %dma_wait3A_190] : memref<10240x128xf32, #tpu.memory_space<vmem_shared>> -> memref<10240x128xf32, #tpu.memory_space<vmem_shared>>
    tpu.wait_indirect_dma semaphore(%arg17 : memref<!tpu.dma_semaphore, #tpu.memory_space<semaphore_mem>>) src(%arg10 : memref<64x128xf32, #tpu.memory_space<vmem>>) dst(%dma_wait3A_191 : memref<10240x128xf32, #tpu.memory_space<vmem_shared>>)
    %dma_wait3A_192 = tpu.memref_slice %arg3[%mul3A_2] : memref<655360xi32, #tpu.memory_space<hbm>> -> memref<64xi32, #tpu.memory_space<hbm>>
    %dma_wait3A_193 = tpu.memref_slice %arg3[%mul3A_2] : memref<655360xi32, #tpu.memory_space<hbm>> -> memref<64xi32, #tpu.memory_space<hbm>>
    tpu.wait_dma2 semaphore(%arg16 : memref<!tpu.dma_semaphore, #tpu.memory_space<semaphore_mem>>) src(%dma_wait3A_193 : memref<64xi32, #tpu.memory_space<hbm>>) dst(%arg8 : memref<64xi32, #tpu.memory_space<vmem>>)
    %dma_wait3A_194 = arith.constant 0 : i32
    %dma_wait3A_195 = tpu.memref_slice %arg5[%dma_wait3A_194] : memref<10240xi32, #tpu.memory_space<vmem>> -> memref<64xi32, #tpu.memory_space<vmem>>
    %dma_wait3A_196 = arith.constant 0 : i32
    %dma_wait3A_197 = arith.constant 0 : i32
    %dma_wait3A_198 = tpu.memref_slice %arg2[%dma_wait3A_196, %dma_wait3A_197] : memref<10240x128xf32, #tpu.memory_space<hbm>> -> memref<10240x128xf32, #tpu.memory_space<hbm>>
    tpu.wait_indirect_dma semaphore(%arg15 : memref<!tpu.dma_semaphore, #tpu.memory_space<semaphore_mem>>) src(%dma_wait3A_198 : memref<10240x128xf32, #tpu.memory_space<hbm>>) dst(%arg12 : memref<64x128xf32, #tpu.memory_space<vmem>>)
    %dma_start3A_199 = arith.constant 0 : i32
    %dma_start3A_200 = arith.constant 0 : i32
    %dma_start3A_201 = tpu.memref_slice %arg14[%dma_start3A_199, %dma_start3A_200] : memref<10240x128xf32, #tpu.memory_space<vmem_shared>> -> memref<10240x128xf32, #tpu.memory_space<vmem_shared>>
    tpu.enqueue_indirect_dma source(%arg12 : memref<64x128xf32, #tpu.memory_space<vmem>>) target(%dma_start3A_201 : memref<10240x128xf32, #tpu.memory_space<vmem_shared>>) offsets(%arg8 : memref<64xi32, #tpu.memory_space<vmem>>) semaphore(%arg17 : memref<!tpu.dma_semaphore, #tpu.memory_space<semaphore_mem>>) {add = true}
    %dma_wait3A_202 = arith.constant 0 : i32
    %dma_wait3A_203 = arith.constant 0 : i32
    %dma_wait3A_204 = tpu.memref_slice %arg14[%dma_wait3A_202, %dma_wait3A_203] : memref<10240x128xf32, #tpu.memory_space<vmem_shared>> -> memref<10240x128xf32, #tpu.memory_space<vmem_shared>>
    tpu.wait_indirect_dma semaphore(%arg17 : memref<!tpu.dma_semaphore, #tpu.memory_space<semaphore_mem>>) src(%arg11 : memref<64x128xf32, #tpu.memory_space<vmem>>) dst(%dma_wait3A_204 : memref<10240x128xf32, #tpu.memory_space<vmem_shared>>)
    %dma_wait3A_205 = tpu.memref_slice %arg3[%mul3A_2] : memref<655360xi32, #tpu.memory_space<hbm>> -> memref<64xi32, #tpu.memory_space<hbm>>
    %dma_wait3A_206 = tpu.memref_slice %arg3[%mul3A_2] : memref<655360xi32, #tpu.memory_space<hbm>> -> memref<64xi32, #tpu.memory_space<hbm>>
    tpu.wait_dma2 semaphore(%arg16 : memref<!tpu.dma_semaphore, #tpu.memory_space<semaphore_mem>>) src(%dma_wait3A_206 : memref<64xi32, #tpu.memory_space<hbm>>) dst(%arg9 : memref<64xi32, #tpu.memory_space<vmem>>)
    %dma_wait3A_207 = arith.constant 0 : i32
    %dma_wait3A_208 = tpu.memref_slice %arg5[%dma_wait3A_207] : memref<10240xi32, #tpu.memory_space<vmem>> -> memref<64xi32, #tpu.memory_space<vmem>>
    %dma_wait3A_209 = arith.constant 0 : i32
    %dma_wait3A_210 = arith.constant 0 : i32
    %dma_wait3A_211 = tpu.memref_slice %arg2[%dma_wait3A_209, %dma_wait3A_210] : memref<10240x128xf32, #tpu.memory_space<hbm>> -> memref<10240x128xf32, #tpu.memory_space<hbm>>
    tpu.wait_indirect_dma semaphore(%arg15 : memref<!tpu.dma_semaphore, #tpu.memory_space<semaphore_mem>>) src(%dma_wait3A_211 : memref<10240x128xf32, #tpu.memory_space<hbm>>) dst(%arg13 : memref<64x128xf32, #tpu.memory_space<vmem>>)
    %dma_start3A_212 = arith.constant 0 : i32
    %dma_start3A_213 = arith.constant 0 : i32
    %dma_start3A_214 = tpu.memref_slice %arg14[%dma_start3A_212, %dma_start3A_213] : memref<10240x128xf32, #tpu.memory_space<vmem_shared>> -> memref<10240x128xf32, #tpu.memory_space<vmem_shared>>
    tpu.enqueue_indirect_dma source(%arg13 : memref<64x128xf32, #tpu.memory_space<vmem>>) target(%dma_start3A_214 : memref<10240x128xf32, #tpu.memory_space<vmem_shared>>) offsets(%arg9 : memref<64xi32, #tpu.memory_space<vmem>>) semaphore(%arg17 : memref<!tpu.dma_semaphore, #tpu.memory_space<semaphore_mem>>) {add = true}
    %dma_wait3A_215 = arith.constant 0 : i32
    %dma_wait3A_216 = arith.constant 0 : i32
    %dma_wait3A_217 = tpu.memref_slice %arg14[%dma_wait3A_215, %dma_wait3A_216] : memref<10240x128xf32, #tpu.memory_space<vmem_shared>> -> memref<10240x128xf32, #tpu.memory_space<vmem_shared>>
    tpu.wait_indirect_dma semaphore(%arg17 : memref<!tpu.dma_semaphore, #tpu.memory_space<semaphore_mem>>) src(%arg12 : memref<64x128xf32, #tpu.memory_space<vmem>>) dst(%dma_wait3A_217 : memref<10240x128xf32, #tpu.memory_space<vmem_shared>>)
    %dma_wait3A_218 = arith.constant 0 : i32
    %dma_wait3A_219 = arith.constant 0 : i32
    %dma_wait3A_220 = tpu.memref_slice %arg14[%dma_wait3A_218, %dma_wait3A_219] : memref<10240x128xf32, #tpu.memory_space<vmem_shared>> -> memref<10240x128xf32, #tpu.memory_space<vmem_shared>>
    tpu.wait_indirect_dma semaphore(%arg17 : memref<!tpu.dma_semaphore, #tpu.memory_space<semaphore_mem>>) src(%arg13 : memref<64x128xf32, #tpu.memory_space<vmem>>) dst(%dma_wait3A_220 : memref<10240x128xf32, #tpu.memory_space<vmem_shared>>)
    %barrier3A_221 = arith.constant 0 : index
    tpu.barrier barrier_id(%barrier3A_221)
    %mul3A_222 = arith.constant 640 : i32
    %mul3A_223 = arith.muli %arg1, %mul3A_222 : i32
    %mul3A_224 = arith.constant 640 : i32
    %mul3A_225 = arith.muli %arg1, %mul3A_224 : i32
    "tpu.region"() ({
      %run_scoped3A = tpu.sem_alloc : memref<!tpu.dma_semaphore, #tpu.memory_space<semaphore_mem>>
      %dma_start3A_226 = arith.constant 0 : i32
      %dma_start3A_227 = tpu.memref_slice %arg4[%arg0, %mul3A_225, %dma_start3A_226] : memref<2x10240x128xf32, #tpu.memory_space<hbm>> -> memref<1x640x128xf32, #tpu.memory_space<hbm>>
      %dma_start3A_228 = tpu.memref_squeeze %dma_start3A_227 : memref<1x640x128xf32, #tpu.memory_space<hbm>> -> memref<640x128xf32, #tpu.memory_space<hbm>>
      %dma_start3A_229 = arith.constant 0 : i32
      %dma_start3A_230 = tpu.memref_slice %arg14[%mul3A_223, %dma_start3A_229] : memref<10240x128xf32, #tpu.memory_space<vmem_shared>> -> memref<640x128xf32, #tpu.memory_space<vmem_shared>>
      tpu.enqueue_dma source(%dma_start3A_230 : memref<640x128xf32, #tpu.memory_space<vmem_shared>>) target(%dma_start3A_228 : memref<640x128xf32, #tpu.memory_space<hbm>>) target_semaphore(%run_scoped3A : memref<!tpu.dma_semaphore, #tpu.memory_space<semaphore_mem>>)
      %dma_wait3A_231 = arith.constant 0 : i32
      %dma_wait3A_232 = tpu.memref_slice %arg4[%arg0, %mul3A_225, %dma_wait3A_231] : memref<2x10240x128xf32, #tpu.memory_space<hbm>> -> memref<1x640x128xf32, #tpu.memory_space<hbm>>
      %dma_wait3A_233 = tpu.memref_squeeze %dma_wait3A_232 : memref<1x640x128xf32, #tpu.memory_space<hbm>> -> memref<640x128xf32, #tpu.memory_space<hbm>>
      %dma_wait3A_234 = arith.constant 0 : i32
      %dma_wait3A_235 = tpu.memref_slice %arg14[%mul3A_223, %dma_wait3A_234] : memref<10240x128xf32, #tpu.memory_space<vmem_shared>> -> memref<640x128xf32, #tpu.memory_space<vmem_shared>>
      tpu.wait_dma2 semaphore(%run_scoped3A : memref<!tpu.dma_semaphore, #tpu.memory_space<semaphore_mem>>) src(%dma_wait3A_235 : memref<640x128xf32, #tpu.memory_space<vmem_shared>>) dst(%dma_wait3A_233 : memref<640x128xf32, #tpu.memory_space<hbm>>)
      tpu.yield
    }) : () -> ()
    return
  }
}

#map = affine_map<(d0, d1) -> (0, 0)>
#map1 = affine_map<(d0, d1) -> (0)>
#map2 = affine_map<(d0, d1) -> (0, 0, 0)>
module attributes {stable_mosaic.version = 14 : i64} {
  func.func @_scatter_body(%arg0: i32, %arg1: i32, %arg2: memref<10240x128xf32, #tpu.memory_space<hbm>>, %arg3: memref<655360xi32, #tpu.memory_space<hbm>>, %arg4: memref<2x10240x128xf32, #tpu.memory_space<hbm>>, %arg5: memref<10240xi32, #tpu.memory_space<vmem>>, %arg6: memref<64xi32, #tpu.memory_space<vmem>>, %arg7: memref<64xi32, #tpu.memory_space<vmem>>, %arg8: memref<64xi32, #tpu.memory_space<vmem>>, %arg9: memref<64xi32, #tpu.memory_space<vmem>>, %arg10: memref<64x128xf32, #tpu.memory_space<vmem>>, %arg11: memref<64x128xf32, #tpu.memory_space<vmem>>, %arg12: memref<64x128xf32, #tpu.memory_space<vmem>>, %arg13: memref<64x128xf32, #tpu.memory_space<vmem>>, %arg14: memref<10240x128xf32, #tpu.memory_space<vmem_shared>>, %arg15: memref<!tpu.dma_semaphore, #tpu.memory_space<semaphore_mem>>, %arg16: memref<!tpu.dma_semaphore, #tpu.memory_space<semaphore_mem>>, %arg17: memref<!tpu.dma_semaphore, #tpu.memory_space<semaphore_mem>>) attributes {dimension_semantics = [#tpu.dimension_semantics<core_parallel>, #tpu.dimension_semantics<subcore_parallel>], iteration_bounds = array<i64: 2, 16>, scalar_prefetch = 0 : i64, scratch_operands = 13 : i64, tpu.core_type = #tpu.core_type<sc_vector_subcore>, window_params = [{transform_indices = #map}, {transform_indices = #map1}, {transform_indices = #map2}]} {
    %mul3A = arith.constant 2 : i32
    %mul3A_0 = arith.muli %arg1, %mul3A : i32
    %add3A = arith.addi %mul3A_0, %arg0 : i32
    %mul3A_1 = arith.constant 10240 : i32
    %mul3A_2 = arith.muli %add3A, %mul3A_1 : i32
    %dma_start3A = tpu.memref_slice %arg3[%mul3A_2] : memref<655360xi32, #tpu.memory_space<hbm>> -> memref<10240xi32, #tpu.memory_space<hbm>>
    %dma_start3A_3 = tpu.memref_slice %arg3[%mul3A_2] : memref<655360xi32, #tpu.memory_space<hbm>> -> memref<10240xi32, #tpu.memory_space<hbm>>
    tpu.enqueue_dma source(%dma_start3A_3 : memref<10240xi32, #tpu.memory_space<hbm>>) target(%arg5 : memref<10240xi32, #tpu.memory_space<vmem>>) target_semaphore(%arg15 : memref<!tpu.dma_semaphore, #tpu.memory_space<semaphore_mem>>)
    %broadcast_in_dim3A = arith.constant 0.000000e+00 : f32
    %broadcast_in_dim3A_4 = vector.broadcast %broadcast_in_dim3A : f32 to vector<16xf32>
    %scan3A = arith.constant 0 : i32
    %scan3A_5 = arith.constant 0 : i32
    %scan3A_6 = arith.constant 512 : i32
    %scan3A_7 = arith.addi %scan3A_5, %scan3A_6 : i32
    %scan3A_8 = arith.constant 1 : i32
    scf.for %scan3A_226 = %scan3A_5 to %scan3A_7 step %scan3A_8  : i32 {
      %jit3A = arith.constant 8 : i32
      %div3A = arith.divsi %scan3A_226, %jit3A : i32
      %sign3A = arith.constant 0 : i32
      %sign3A_227 = arith.cmpi sgt, %scan3A_226, %sign3A : i32
      %sign3A_228 = arith.extui %sign3A_227 : i1 to i32
      %sign3A_229 = arith.constant 0 : i32
      %sign3A_230 = arith.cmpi slt, %scan3A_226, %sign3A_229 : i32
      %sign3A_231 = arith.extui %sign3A_230 : i1 to i32
      %sign3A_232 = arith.subi %sign3A_228, %sign3A_231 : i32
      %sign3A_233 = arith.constant 0 : i32
      %sign3A_234 = arith.cmpi sgt, %jit3A, %sign3A_233 : i32
      %sign3A_235 = arith.extui %sign3A_234 : i1 to i32
      %sign3A_236 = arith.constant 0 : i32
      %sign3A_237 = arith.cmpi slt, %jit3A, %sign3A_236 : i32
      %sign3A_238 = arith.extui %sign3A_237 : i1 to i32
      %sign3A_239 = arith.subi %sign3A_235, %sign3A_238 : i32
      %ne3A = arith.cmpi ne, %sign3A_232, %sign3A_239 : i32
      %rem3A = arith.remsi %scan3A_226, %jit3A : i32
      %ne3A_240 = arith.constant 0 : i32
      %ne3A_241 = arith.cmpi ne, %rem3A, %ne3A_240 : i32
      %and3A = arith.andi %ne3A, %ne3A_241 : i1
      %sub3A = arith.constant 1 : i32
      %sub3A_242 = arith.subi %div3A, %sub3A : i32
      %select_n3A = arith.select %and3A, %sub3A_242, %div3A : i32
      %jit3A_243 = arith.constant 8 : i32
      %eq3A = arith.constant 0 : i32
      %eq3A_244 = arith.cmpi eq, %jit3A_243, %eq3A : i32
      %jit3A_245 = arith.constant 1 : i32
      %select_n3A_246 = arith.select %eq3A_244, %jit3A_245, %jit3A_243 : i32
      %rem3A_247 = arith.remsi %scan3A_226, %select_n3A_246 : i32
      %ne3A_248 = arith.constant 0 : i32
      %ne3A_249 = arith.cmpi ne, %rem3A_247, %ne3A_248 : i32
      %lt3A = arith.constant 0 : i32
      %lt3A_250 = arith.cmpi slt, %rem3A_247, %lt3A : i32
      %lt3A_251 = arith.constant 0 : i32
      %lt3A_252 = arith.cmpi slt, %select_n3A_246, %lt3A_251 : i32
      %ne3A_253 = arith.xori %lt3A_250, %lt3A_252 : i1
      %and3A_254 = arith.andi %ne3A_253, %ne3A_249 : i1
      %add3A_255 = arith.addi %rem3A_247, %select_n3A_246 : i32
      %select_n3A_256 = arith.select %and3A_254, %add3A_255, %rem3A_247 : i32
      %mul3A_257 = arith.constant 16 : i32
      %mul3A_258 = arith.muli %select_n3A_256, %mul3A_257 : i32
      %swap3A = arith.index_cast %select_n3A : i32 to index
      %swap3A_259 = arith.index_cast %mul3A_258 : i32 to index
      %swap3A_260 = tpu.vector_load %arg10[%swap3A, %swap3A_259] {strides = array<i32>} : memref<64x128xf32, #tpu.memory_space<vmem>>, vector<16xf32>,
      tpu.vector_store %arg10[%swap3A, %swap3A_259], %broadcast_in_dim3A_4 {strides = array<i32>} : memref<64x128xf32, #tpu.memory_space<vmem>>, vector<16xf32>,
    }
    %scan3A_9 = arith.constant 512 : i32
    %scan3A_10 = arith.constant 0 : i32
    %scan3A_11 = arith.constant 0 : i32
    %scan3A_12 = arith.constant 10 : i32
    %scan3A_13 = arith.addi %scan3A_11, %scan3A_12 : i32
    %scan3A_14 = arith.constant 1 : i32
    scf.for %scan3A_226 = %scan3A_11 to %scan3A_13 step %scan3A_14  : i32 {
      %mul3A_227 = arith.constant 640 : i32
      %mul3A_228 = arith.muli %arg1, %mul3A_227 : i32
      %mul3A_229 = arith.constant 64 : i32
      %mul3A_230 = arith.muli %scan3A_226, %mul3A_229 : i32
      %add3A_231 = arith.addi %mul3A_228, %mul3A_230 : i32
      %dma_start3A_232 = arith.constant 0 : i32
      %dma_start3A_233 = tpu.memref_slice %arg14[%add3A_231, %dma_start3A_232] : memref<10240x128xf32, #tpu.memory_space<vmem_shared>> -> memref<64x128xf32, #tpu.memory_space<vmem_shared>>
      %dma_start3A_234 = arith.constant 0 : i32
      %dma_start3A_235 = tpu.memref_slice %arg14[%add3A_231, %dma_start3A_234] : memref<10240x128xf32, #tpu.memory_space<vmem_shared>> -> memref<64x128xf32, #tpu.memory_space<vmem_shared>>
      tpu.enqueue_dma source(%arg10 : memref<64x128xf32, #tpu.memory_space<vmem>>) target(%dma_start3A_235 : memref<64x128xf32, #tpu.memory_space<vmem_shared>>) target_semaphore(%arg16 : memref<!tpu.dma_semaphore, #tpu.memory_space<semaphore_mem>>)
    }
    %scan3A_15 = arith.constant 10 : i32
    %scan3A_16 = arith.constant 0 : i32
    %scan3A_17 = arith.constant 0 : i32
    %scan3A_18 = arith.constant 10 : i32
    %scan3A_19 = arith.addi %scan3A_17, %scan3A_18 : i32
    %scan3A_20 = arith.constant 1 : i32
    scf.for %scan3A_226 = %scan3A_17 to %scan3A_19 step %scan3A_20  : i32 {
      %mul3A_227 = arith.constant 640 : i32
      %mul3A_228 = arith.muli %arg1, %mul3A_227 : i32
      %dma_wait3A_229 = arith.constant 0 : i32
      %dma_wait3A_230 = tpu.memref_slice %arg14[%mul3A_228, %dma_wait3A_229] : memref<10240x128xf32, #tpu.memory_space<vmem_shared>> -> memref<64x128xf32, #tpu.memory_space<vmem_shared>>
      %dma_wait3A_231 = arith.constant 0 : i32
      %dma_wait3A_232 = tpu.memref_slice %arg14[%mul3A_228, %dma_wait3A_231] : memref<10240x128xf32, #tpu.memory_space<vmem_shared>> -> memref<64x128xf32, #tpu.memory_space<vmem_shared>>
      tpu.wait_dma2 semaphore(%arg16 : memref<!tpu.dma_semaphore, #tpu.memory_space<semaphore_mem>>) src(%arg10 : memref<64x128xf32, #tpu.memory_space<vmem>>) dst(%dma_wait3A_232 : memref<64x128xf32, #tpu.memory_space<vmem_shared>>)
    }
    %scan3A_21 = arith.constant 10 : i32
    %dma_wait3A = tpu.memref_slice %arg3[%mul3A_2] : memref<655360xi32, #tpu.memory_space<hbm>> -> memref<10240xi32, #tpu.memory_space<hbm>>
    %dma_wait3A_22 = tpu.memref_slice %arg3[%mul3A_2] : memref<655360xi32, #tpu.memory_space<hbm>> -> memref<10240xi32, #tpu.memory_space<hbm>>
    tpu.wait_dma2 semaphore(%arg15 : memref<!tpu.dma_semaphore, #tpu.memory_space<semaphore_mem>>) src(%dma_wait3A_22 : memref<10240xi32, #tpu.memory_space<hbm>>) dst(%arg5 : memref<10240xi32, #tpu.memory_space<vmem>>)
    %add3A_23 = arith.constant 327680 : i32
    %add3A_24 = arith.addi %add3A_23, %mul3A_2 : i32
    %add3A_25 = arith.constant 0 : i32
    %add3A_26 = arith.addi %add3A_24, %add3A_25 : i32
    %dma_start3A_27 = tpu.memref_slice %arg3[%add3A_26] : memref<655360xi32, #tpu.memory_space<hbm>> -> memref<64xi32, #tpu.memory_space<hbm>>
    %dma_start3A_28 = tpu.memref_slice %arg3[%add3A_26] : memref<655360xi32, #tpu.memory_space<hbm>> -> memref<64xi32, #tpu.memory_space<hbm>>
    tpu.enqueue_dma source(%dma_start3A_28 : memref<64xi32, #tpu.memory_space<hbm>>) target(%arg6 : memref<64xi32, #tpu.memory_space<vmem>>) target_semaphore(%arg16 : memref<!tpu.dma_semaphore, #tpu.memory_space<semaphore_mem>>)
    %dma_start3A_29 = arith.constant 0 : i32
    %dma_start3A_30 = tpu.memref_slice %arg5[%dma_start3A_29] : memref<10240xi32, #tpu.memory_space<vmem>> -> memref<64xi32, #tpu.memory_space<vmem>>
    %dma_start3A_31 = arith.constant 0 : i32
    %dma_start3A_32 = arith.constant 0 : i32
    %dma_start3A_33 = tpu.memref_slice %arg2[%dma_start3A_31, %dma_start3A_32] : memref<10240x128xf32, #tpu.memory_space<hbm>> -> memref<10240x128xf32, #tpu.memory_space<hbm>>
    tpu.enqueue_indirect_dma source(%dma_start3A_33 : memref<10240x128xf32, #tpu.memory_space<hbm>>) target(%arg10 : memref<64x128xf32, #tpu.memory_space<vmem>>) offsets(%dma_start3A_30 : memref<64xi32, #tpu.memory_space<vmem>>) semaphore(%arg15 : memref<!tpu.dma_semaphore, #tpu.memory_space<semaphore_mem>>)
    %add3A_34 = arith.constant 327680 : i32
    %add3A_35 = arith.addi %add3A_34, %mul3A_2 : i32
    %add3A_36 = arith.constant 64 : i32
    %add3A_37 = arith.addi %add3A_35, %add3A_36 : i32
    %dma_start3A_38 = tpu.memref_slice %arg3[%add3A_37] : memref<655360xi32, #tpu.memory_space<hbm>> -> memref<64xi32, #tpu.memory_space<hbm>>
    %dma_start3A_39 = tpu.memref_slice %arg3[%add3A_37] : memref<655360xi32, #tpu.memory_space<hbm>> -> memref<64xi32, #tpu.memory_space<hbm>>
    tpu.enqueue_dma source(%dma_start3A_39 : memref<64xi32, #tpu.memory_space<hbm>>) target(%arg7 : memref<64xi32, #tpu.memory_space<vmem>>) target_semaphore(%arg16 : memref<!tpu.dma_semaphore, #tpu.memory_space<semaphore_mem>>)
    %dma_start3A_40 = arith.constant 64 : i32
    %dma_start3A_41 = tpu.memref_slice %arg5[%dma_start3A_40] : memref<10240xi32, #tpu.memory_space<vmem>> -> memref<64xi32, #tpu.memory_space<vmem>>
    %dma_start3A_42 = arith.constant 0 : i32
    %dma_start3A_43 = arith.constant 0 : i32
    %dma_start3A_44 = tpu.memref_slice %arg2[%dma_start3A_42, %dma_start3A_43] : memref<10240x128xf32, #tpu.memory_space<hbm>> -> memref<10240x128xf32, #tpu.memory_space<hbm>>
    tpu.enqueue_indirect_dma source(%dma_start3A_44 : memref<10240x128xf32, #tpu.memory_space<hbm>>) target(%arg11 : memref<64x128xf32, #tpu.memory_space<vmem>>) offsets(%dma_start3A_41 : memref<64xi32, #tpu.memory_space<vmem>>) semaphore(%arg15 : memref<!tpu.dma_semaphore, #tpu.memory_space<semaphore_mem>>)
    %add3A_45 = arith.constant 327680 : i32
    %add3A_46 = arith.addi %add3A_45, %mul3A_2 : i32
    %add3A_47 = arith.constant 128 : i32
    %add3A_48 = arith.addi %add3A_46, %add3A_47 : i32
    %dma_start3A_49 = tpu.memref_slice %arg3[%add3A_48] : memref<655360xi32, #tpu.memory_space<hbm>> -> memref<64xi32, #tpu.memory_space<hbm>>
    %dma_start3A_50 = tpu.memref_slice %arg3[%add3A_48] : memref<655360xi32, #tpu.memory_space<hbm>> -> memref<64xi32, #tpu.memory_space<hbm>>
    tpu.enqueue_dma source(%dma_start3A_50 : memref<64xi32, #tpu.memory_space<hbm>>) target(%arg8 : memref<64xi32, #tpu.memory_space<vmem>>) target_semaphore(%arg16 : memref<!tpu.dma_semaphore, #tpu.memory_space<semaphore_mem>>)
    %dma_start3A_51 = arith.constant 128 : i32
    %dma_start3A_52 = tpu.memref_slice %arg5[%dma_start3A_51] : memref<10240xi32, #tpu.memory_space<vmem>> -> memref<64xi32, #tpu.memory_space<vmem>>
    %dma_start3A_53 = arith.constant 0 : i32
    %dma_start3A_54 = arith.constant 0 : i32
    %dma_start3A_55 = tpu.memref_slice %arg2[%dma_start3A_53, %dma_start3A_54] : memref<10240x128xf32, #tpu.memory_space<hbm>> -> memref<10240x128xf32, #tpu.memory_space<hbm>>
    tpu.enqueue_indirect_dma source(%dma_start3A_55 : memref<10240x128xf32, #tpu.memory_space<hbm>>) target(%arg12 : memref<64x128xf32, #tpu.memory_space<vmem>>) offsets(%dma_start3A_52 : memref<64xi32, #tpu.memory_space<vmem>>) semaphore(%arg15 : memref<!tpu.dma_semaphore, #tpu.memory_space<semaphore_mem>>)
    %barrier3A = arith.constant 0 : index
    tpu.barrier barrier_id(%barrier3A)
    %dma_wait3A_56 = tpu.memref_slice %arg3[%mul3A_2] : memref<655360xi32, #tpu.memory_space<hbm>> -> memref<64xi32, #tpu.memory_space<hbm>>
    %dma_wait3A_57 = tpu.memref_slice %arg3[%mul3A_2] : memref<655360xi32, #tpu.memory_space<hbm>> -> memref<64xi32, #tpu.memory_space<hbm>>
    tpu.wait_dma2 semaphore(%arg16 : memref<!tpu.dma_semaphore, #tpu.memory_space<semaphore_mem>>) src(%dma_wait3A_57 : memref<64xi32, #tpu.memory_space<hbm>>) dst(%arg6 : memref<64xi32, #tpu.memory_space<vmem>>)
    %dma_wait3A_58 = arith.constant 0 : i32
    %dma_wait3A_59 = tpu.memref_slice %arg5[%dma_wait3A_58] : memref<10240xi32, #tpu.memory_space<vmem>> -> memref<64xi32, #tpu.memory_space<vmem>>
    %dma_wait3A_60 = arith.constant 0 : i32
    %dma_wait3A_61 = arith.constant 0 : i32
    %dma_wait3A_62 = tpu.memref_slice %arg2[%dma_wait3A_60, %dma_wait3A_61] : memref<10240x128xf32, #tpu.memory_space<hbm>> -> memref<10240x128xf32, #tpu.memory_space<hbm>>
    tpu.wait_indirect_dma semaphore(%arg15 : memref<!tpu.dma_semaphore, #tpu.memory_space<semaphore_mem>>) src(%dma_wait3A_62 : memref<10240x128xf32, #tpu.memory_space<hbm>>) dst(%arg10 : memref<64x128xf32, #tpu.memory_space<vmem>>)
    %dma_start3A_63 = arith.constant 0 : i32
    %dma_start3A_64 = arith.constant 0 : i32
    %dma_start3A_65 = tpu.memref_slice %arg14[%dma_start3A_63, %dma_start3A_64] : memref<10240x128xf32, #tpu.memory_space<vmem_shared>> -> memref<10240x128xf32, #tpu.memory_space<vmem_shared>>
    tpu.enqueue_indirect_dma source(%arg10 : memref<64x128xf32, #tpu.memory_space<vmem>>) target(%dma_start3A_65 : memref<10240x128xf32, #tpu.memory_space<vmem_shared>>) offsets(%arg6 : memref<64xi32, #tpu.memory_space<vmem>>) semaphore(%arg17 : memref<!tpu.dma_semaphore, #tpu.memory_space<semaphore_mem>>) {add = true}
    %add3A_66 = arith.constant 327680 : i32
    %add3A_67 = arith.addi %add3A_66, %mul3A_2 : i32
    %add3A_68 = arith.constant 192 : i32
    %add3A_69 = arith.addi %add3A_67, %add3A_68 : i32
    %dma_start3A_70 = tpu.memref_slice %arg3[%add3A_69] : memref<655360xi32, #tpu.memory_space<hbm>> -> memref<64xi32, #tpu.memory_space<hbm>>
    %dma_start3A_71 = tpu.memref_slice %arg3[%add3A_69] : memref<655360xi32, #tpu.memory_space<hbm>> -> memref<64xi32, #tpu.memory_space<hbm>>
    tpu.enqueue_dma source(%dma_start3A_71 : memref<64xi32, #tpu.memory_space<hbm>>) target(%arg9 : memref<64xi32, #tpu.memory_space<vmem>>) target_semaphore(%arg16 : memref<!tpu.dma_semaphore, #tpu.memory_space<semaphore_mem>>)
    %dma_start3A_72 = arith.constant 192 : i32
    %dma_start3A_73 = tpu.memref_slice %arg5[%dma_start3A_72] : memref<10240xi32, #tpu.memory_space<vmem>> -> memref<64xi32, #tpu.memory_space<vmem>>
    %dma_start3A_74 = arith.constant 0 : i32
    %dma_start3A_75 = arith.constant 0 : i32
    %dma_start3A_76 = tpu.memref_slice %arg2[%dma_start3A_74, %dma_start3A_75] : memref<10240x128xf32, #tpu.memory_space<hbm>> -> memref<10240x128xf32, #tpu.memory_space<hbm>>
    tpu.enqueue_indirect_dma source(%dma_start3A_76 : memref<10240x128xf32, #tpu.memory_space<hbm>>) target(%arg13 : memref<64x128xf32, #tpu.memory_space<vmem>>) offsets(%dma_start3A_73 : memref<64xi32, #tpu.memory_space<vmem>>) semaphore(%arg15 : memref<!tpu.dma_semaphore, #tpu.memory_space<semaphore_mem>>)
    %dma_wait3A_77 = tpu.memref_slice %arg3[%mul3A_2] : memref<655360xi32, #tpu.memory_space<hbm>> -> memref<64xi32, #tpu.memory_space<hbm>>
    %dma_wait3A_78 = tpu.memref_slice %arg3[%mul3A_2] : memref<655360xi32, #tpu.memory_space<hbm>> -> memref<64xi32, #tpu.memory_space<hbm>>
    tpu.wait_dma2 semaphore(%arg16 : memref<!tpu.dma_semaphore, #tpu.memory_space<semaphore_mem>>) src(%dma_wait3A_78 : memref<64xi32, #tpu.memory_space<hbm>>) dst(%arg7 : memref<64xi32, #tpu.memory_space<vmem>>)
    %dma_wait3A_79 = arith.constant 0 : i32
    %dma_wait3A_80 = tpu.memref_slice %arg5[%dma_wait3A_79] : memref<10240xi32, #tpu.memory_space<vmem>> -> memref<64xi32, #tpu.memory_space<vmem>>
    %dma_wait3A_81 = arith.constant 0 : i32
    %dma_wait3A_82 = arith.constant 0 : i32
    %dma_wait3A_83 = tpu.memref_slice %arg2[%dma_wait3A_81, %dma_wait3A_82] : memref<10240x128xf32, #tpu.memory_space<hbm>> -> memref<10240x128xf32, #tpu.memory_space<hbm>>
    tpu.wait_indirect_dma semaphore(%arg15 : memref<!tpu.dma_semaphore, #tpu.memory_space<semaphore_mem>>) src(%dma_wait3A_83 : memref<10240x128xf32, #tpu.memory_space<hbm>>) dst(%arg11 : memref<64x128xf32, #tpu.memory_space<vmem>>)
    %dma_start3A_84 = arith.constant 0 : i32
    %dma_start3A_85 = arith.constant 0 : i32
    %dma_start3A_86 = tpu.memref_slice %arg14[%dma_start3A_84, %dma_start3A_85] : memref<10240x128xf32, #tpu.memory_space<vmem_shared>> -> memref<10240x128xf32, #tpu.memory_space<vmem_shared>>
    tpu.enqueue_indirect_dma source(%arg11 : memref<64x128xf32, #tpu.memory_space<vmem>>) target(%dma_start3A_86 : memref<10240x128xf32, #tpu.memory_space<vmem_shared>>) offsets(%arg7 : memref<64xi32, #tpu.memory_space<vmem>>) semaphore(%arg17 : memref<!tpu.dma_semaphore, #tpu.memory_space<semaphore_mem>>) {add = true}
    %dma_wait3A_87 = arith.constant 0 : i32
    %dma_wait3A_88 = arith.constant 0 : i32
    %dma_wait3A_89 = tpu.memref_slice %arg14[%dma_wait3A_87, %dma_wait3A_88] : memref<10240x128xf32, #tpu.memory_space<vmem_shared>> -> memref<10240x128xf32, #tpu.memory_space<vmem_shared>>
    tpu.wait_indirect_dma semaphore(%arg17 : memref<!tpu.dma_semaphore, #tpu.memory_space<semaphore_mem>>) src(%arg10 : memref<64x128xf32, #tpu.memory_space<vmem>>) dst(%dma_wait3A_89 : memref<10240x128xf32, #tpu.memory_space<vmem_shared>>)
    %add3A_90 = arith.constant 327680 : i32
    %add3A_91 = arith.addi %add3A_90, %mul3A_2 : i32
    %add3A_92 = arith.constant 256 : i32
    %add3A_93 = arith.addi %add3A_91, %add3A_92 : i32
    %dma_start3A_94 = tpu.memref_slice %arg3[%add3A_93] : memref<655360xi32, #tpu.memory_space<hbm>> -> memref<64xi32, #tpu.memory_space<hbm>>
    %dma_start3A_95 = tpu.memref_slice %arg3[%add3A_93] : memref<655360xi32, #tpu.memory_space<hbm>> -> memref<64xi32, #tpu.memory_space<hbm>>
    tpu.enqueue_dma source(%dma_start3A_95 : memref<64xi32, #tpu.memory_space<hbm>>) target(%arg6 : memref<64xi32, #tpu.memory_space<vmem>>) target_semaphore(%arg16 : memref<!tpu.dma_semaphore, #tpu.memory_space<semaphore_mem>>)
    %dma_start3A_96 = arith.constant 256 : i32
    %dma_start3A_97 = tpu.memref_slice %arg5[%dma_start3A_96] : memref<10240xi32, #tpu.memory_space<vmem>> -> memref<64xi32, #tpu.memory_space<vmem>>
    %dma_start3A_98 = arith.constant 0 : i32
    %dma_start3A_99 = arith.constant 0 : i32
    %dma_start3A_100 = tpu.memref_slice %arg2[%dma_start3A_98, %dma_start3A_99] : memref<10240x128xf32, #tpu.memory_space<hbm>> -> memref<10240x128xf32, #tpu.memory_space<hbm>>
    tpu.enqueue_indirect_dma source(%dma_start3A_100 : memref<10240x128xf32, #tpu.memory_space<hbm>>) target(%arg10 : memref<64x128xf32, #tpu.memory_space<vmem>>) offsets(%dma_start3A_97 : memref<64xi32, #tpu.memory_space<vmem>>) semaphore(%arg15 : memref<!tpu.dma_semaphore, #tpu.memory_space<semaphore_mem>>)
    %dma_wait3A_101 = tpu.memref_slice %arg3[%mul3A_2] : memref<655360xi32, #tpu.memory_space<hbm>> -> memref<64xi32, #tpu.memory_space<hbm>>
    %dma_wait3A_102 = tpu.memref_slice %arg3[%mul3A_2] : memref<655360xi32, #tpu.memory_space<hbm>> -> memref<64xi32, #tpu.memory_space<hbm>>
    tpu.wait_dma2 semaphore(%arg16 : memref<!tpu.dma_semaphore, #tpu.memory_space<semaphore_mem>>) src(%dma_wait3A_102 : memref<64xi32, #tpu.memory_space<hbm>>) dst(%arg8 : memref<64xi32, #tpu.memory_space<vmem>>)
    %dma_wait3A_103 = arith.constant 0 : i32
    %dma_wait3A_104 = tpu.memref_slice %arg5[%dma_wait3A_103] : memref<10240xi32, #tpu.memory_space<vmem>> -> memref<64xi32, #tpu.memory_space<vmem>>
    %dma_wait3A_105 = arith.constant 0 : i32
    %dma_wait3A_106 = arith.constant 0 : i32
    %dma_wait3A_107 = tpu.memref_slice %arg2[%dma_wait3A_105, %dma_wait3A_106] : memref<10240x128xf32, #tpu.memory_space<hbm>> -> memref<10240x128xf32, #tpu.memory_space<hbm>>
    tpu.wait_indirect_dma semaphore(%arg15 : memref<!tpu.dma_semaphore, #tpu.memory_space<semaphore_mem>>) src(%dma_wait3A_107 : memref<10240x128xf32, #tpu.memory_space<hbm>>) dst(%arg12 : memref<64x128xf32, #tpu.memory_space<vmem>>)
    %dma_start3A_108 = arith.constant 0 : i32
    %dma_start3A_109 = arith.constant 0 : i32
    %dma_start3A_110 = tpu.memref_slice %arg14[%dma_start3A_108, %dma_start3A_109] : memref<10240x128xf32, #tpu.memory_space<vmem_shared>> -> memref<10240x128xf32, #tpu.memory_space<vmem_shared>>
    tpu.enqueue_indirect_dma source(%arg12 : memref<64x128xf32, #tpu.memory_space<vmem>>) target(%dma_start3A_110 : memref<10240x128xf32, #tpu.memory_space<vmem_shared>>) offsets(%arg8 : memref<64xi32, #tpu.memory_space<vmem>>) semaphore(%arg17 : memref<!tpu.dma_semaphore, #tpu.memory_space<semaphore_mem>>) {add = true}
    %dma_wait3A_111 = arith.constant 0 : i32
    %dma_wait3A_112 = arith.constant 0 : i32
    %dma_wait3A_113 = tpu.memref_slice %arg14[%dma_wait3A_111, %dma_wait3A_112] : memref<10240x128xf32, #tpu.memory_space<vmem_shared>> -> memref<10240x128xf32, #tpu.memory_space<vmem_shared>>
    tpu.wait_indirect_dma semaphore(%arg17 : memref<!tpu.dma_semaphore, #tpu.memory_space<semaphore_mem>>) src(%arg11 : memref<64x128xf32, #tpu.memory_space<vmem>>) dst(%dma_wait3A_113 : memref<10240x128xf32, #tpu.memory_space<vmem_shared>>)
    %add3A_114 = arith.constant 327680 : i32
    %add3A_115 = arith.addi %add3A_114, %mul3A_2 : i32
    %add3A_116 = arith.constant 320 : i32
    %add3A_117 = arith.addi %add3A_115, %add3A_116 : i32
    %dma_start3A_118 = tpu.memref_slice %arg3[%add3A_117] : memref<655360xi32, #tpu.memory_space<hbm>> -> memref<64xi32, #tpu.memory_space<hbm>>
    %dma_start3A_119 = tpu.memref_slice %arg3[%add3A_117] : memref<655360xi32, #tpu.memory_space<hbm>> -> memref<64xi32, #tpu.memory_space<hbm>>
    tpu.enqueue_dma source(%dma_start3A_119 : memref<64xi32, #tpu.memory_space<hbm>>) target(%arg7 : memref<64xi32, #tpu.memory_space<vmem>>) target_semaphore(%arg16 : memref<!tpu.dma_semaphore, #tpu.memory_space<semaphore_mem>>)
    %dma_start3A_120 = arith.constant 320 : i32
    %dma_start3A_121 = tpu.memref_slice %arg5[%dma_start3A_120] : memref<10240xi32, #tpu.memory_space<vmem>> -> memref<64xi32, #tpu.memory_space<vmem>>
    %dma_start3A_122 = arith.constant 0 : i32
    %dma_start3A_123 = arith.constant 0 : i32
    %dma_start3A_124 = tpu.memref_slice %arg2[%dma_start3A_122, %dma_start3A_123] : memref<10240x128xf32, #tpu.memory_space<hbm>> -> memref<10240x128xf32, #tpu.memory_space<hbm>>
    tpu.enqueue_indirect_dma source(%dma_start3A_124 : memref<10240x128xf32, #tpu.memory_space<hbm>>) target(%arg11 : memref<64x128xf32, #tpu.memory_space<vmem>>) offsets(%dma_start3A_121 : memref<64xi32, #tpu.memory_space<vmem>>) semaphore(%arg15 : memref<!tpu.dma_semaphore, #tpu.memory_space<semaphore_mem>>)
    %dma_wait3A_125 = tpu.memref_slice %arg3[%mul3A_2] : memref<655360xi32, #tpu.memory_space<hbm>> -> memref<64xi32, #tpu.memory_space<hbm>>
    %dma_wait3A_126 = tpu.memref_slice %arg3[%mul3A_2] : memref<655360xi32, #tpu.memory_space<hbm>> -> memref<64xi32, #tpu.memory_space<hbm>>
    tpu.wait_dma2 semaphore(%arg16 : memref<!tpu.dma_semaphore, #tpu.memory_space<semaphore_mem>>) src(%dma_wait3A_126 : memref<64xi32, #tpu.memory_space<hbm>>) dst(%arg9 : memref<64xi32, #tpu.memory_space<vmem>>)
    %dma_wait3A_127 = arith.constant 0 : i32
    %dma_wait3A_128 = tpu.memref_slice %arg5[%dma_wait3A_127] : memref<10240xi32, #tpu.memory_space<vmem>> -> memref<64xi32, #tpu.memory_space<vmem>>
    %dma_wait3A_129 = arith.constant 0 : i32
    %dma_wait3A_130 = arith.constant 0 : i32
    %dma_wait3A_131 = tpu.memref_slice %arg2[%dma_wait3A_129, %dma_wait3A_130] : memref<10240x128xf32, #tpu.memory_space<hbm>> -> memref<10240x128xf32, #tpu.memory_space<hbm>>
    tpu.wait_indirect_dma semaphore(%arg15 : memref<!tpu.dma_semaphore, #tpu.memory_space<semaphore_mem>>) src(%dma_wait3A_131 : memref<10240x128xf32, #tpu.memory_space<hbm>>) dst(%arg13 : memref<64x128xf32, #tpu.memory_space<vmem>>)
    %dma_start3A_132 = arith.constant 0 : i32
    %dma_start3A_133 = arith.constant 0 : i32
    %dma_start3A_134 = tpu.memref_slice %arg14[%dma_start3A_132, %dma_start3A_133] : memref<10240x128xf32, #tpu.memory_space<vmem_shared>> -> memref<10240x128xf32, #tpu.memory_space<vmem_shared>>
    tpu.enqueue_indirect_dma source(%arg13 : memref<64x128xf32, #tpu.memory_space<vmem>>) target(%dma_start3A_134 : memref<10240x128xf32, #tpu.memory_space<vmem_shared>>) offsets(%arg9 : memref<64xi32, #tpu.memory_space<vmem>>) semaphore(%arg17 : memref<!tpu.dma_semaphore, #tpu.memory_space<semaphore_mem>>) {add = true}
    %dma_wait3A_135 = arith.constant 0 : i32
    %dma_wait3A_136 = arith.constant 0 : i32
    %dma_wait3A_137 = tpu.memref_slice %arg14[%dma_wait3A_135, %dma_wait3A_136] : memref<10240x128xf32, #tpu.memory_space<vmem_shared>> -> memref<10240x128xf32, #tpu.memory_space<vmem_shared>>
    tpu.wait_indirect_dma semaphore(%arg17 : memref<!tpu.dma_semaphore, #tpu.memory_space<semaphore_mem>>) src(%arg12 : memref<64x128xf32, #tpu.memory_space<vmem>>) dst(%dma_wait3A_137 : memref<10240x128xf32, #tpu.memory_space<vmem_shared>>)
    %add3A_138 = arith.constant 327680 : i32
    %add3A_139 = arith.addi %add3A_138, %mul3A_2 : i32
    %add3A_140 = arith.constant 384 : i32
    %add3A_141 = arith.addi %add3A_139, %add3A_140 : i32
    %dma_start3A_142 = tpu.memref_slice %arg3[%add3A_141] : memref<655360xi32, #tpu.memory_space<hbm>> -> memref<64xi32, #tpu.memory_space<hbm>>
    %dma_start3A_143 = tpu.memref_slice %arg3[%add3A_141] : memref<655360xi32, #tpu.memory_space<hbm>> -> memref<64xi32, #tpu.memory_space<hbm>>
    tpu.enqueue_dma source(%dma_start3A_143 : memref<64xi32, #tpu.memory_space<hbm>>) target(%arg8 : memref<64xi32, #tpu.memory_space<vmem>>) target_semaphore(%arg16 : memref<!tpu.dma_semaphore, #tpu.memory_space<semaphore_mem>>)
    %dma_start3A_144 = arith.constant 384 : i32
    %dma_start3A_145 = tpu.memref_slice %arg5[%dma_start3A_144] : memref<10240xi32, #tpu.memory_space<vmem>> -> memref<64xi32, #tpu.memory_space<vmem>>
    %dma_start3A_146 = arith.constant 0 : i32
    %dma_start3A_147 = arith.constant 0 : i32
    %dma_start3A_148 = tpu.memref_slice %arg2[%dma_start3A_146, %dma_start3A_147] : memref<10240x128xf32, #tpu.memory_space<hbm>> -> memref<10240x128xf32, #tpu.memory_space<hbm>>
    tpu.enqueue_indirect_dma source(%dma_start3A_148 : memref<10240x128xf32, #tpu.memory_space<hbm>>) target(%arg12 : memref<64x128xf32, #tpu.memory_space<vmem>>) offsets(%dma_start3A_145 : memref<64xi32, #tpu.memory_space<vmem>>) semaphore(%arg15 : memref<!tpu.dma_semaphore, #tpu.memory_space<semaphore_mem>>)
    %scan3A_149 = arith.constant 0 : i32
    %scan3A_150 = arith.constant 1 : i32
    %scan3A_151 = arith.constant 38 : i32
    %scan3A_152 = arith.addi %scan3A_150, %scan3A_151 : i32
    %scan3A_153 = arith.constant 1 : i32
    scf.for %scan3A_226 = %scan3A_150 to %scan3A_152 step %scan3A_153  : i32 {
      %mul3A_227 = arith.constant 4 : i32
      %mul3A_228 = arith.muli %scan3A_226, %mul3A_227 : i32
      %add3A_229 = arith.constant 0 : i32
      %add3A_230 = arith.addi %mul3A_228, %add3A_229 : i32
      %dma_wait3A_231 = tpu.memref_slice %arg3[%mul3A_2] : memref<655360xi32, #tpu.memory_space<hbm>> -> memref<64xi32, #tpu.memory_space<hbm>>
      %dma_wait3A_232 = tpu.memref_slice %arg3[%mul3A_2] : memref<655360xi32, #tpu.memory_space<hbm>> -> memref<64xi32, #tpu.memory_space<hbm>>
      tpu.wait_dma2 semaphore(%arg16 : memref<!tpu.dma_semaphore, #tpu.memory_space<semaphore_mem>>) src(%dma_wait3A_232 : memref<64xi32, #tpu.memory_space<hbm>>) dst(%arg6 : memref<64xi32, #tpu.memory_space<vmem>>)
      %dma_wait3A_233 = arith.constant 0 : i32
      %dma_wait3A_234 = tpu.memref_slice %arg5[%dma_wait3A_233] : memref<10240xi32, #tpu.memory_space<vmem>> -> memref<64xi32, #tpu.memory_space<vmem>>
      %dma_wait3A_235 = arith.constant 0 : i32
      %dma_wait3A_236 = arith.constant 0 : i32
      %dma_wait3A_237 = tpu.memref_slice %arg2[%dma_wait3A_235, %dma_wait3A_236] : memref<10240x128xf32, #tpu.memory_space<hbm>> -> memref<10240x128xf32, #tpu.memory_space<hbm>>
      tpu.wait_indirect_dma semaphore(%arg15 : memref<!tpu.dma_semaphore, #tpu.memory_space<semaphore_mem>>) src(%dma_wait3A_237 : memref<10240x128xf32, #tpu.memory_space<hbm>>) dst(%arg10 : memref<64x128xf32, #tpu.memory_space<vmem>>)
      %dma_start3A_238 = arith.constant 0 : i32
      %dma_start3A_239 = arith.constant 0 : i32
      %dma_start3A_240 = tpu.memref_slice %arg14[%dma_start3A_238, %dma_start3A_239] : memref<10240x128xf32, #tpu.memory_space<vmem_shared>> -> memref<10240x128xf32, #tpu.memory_space<vmem_shared>>
      tpu.enqueue_indirect_dma source(%arg10 : memref<64x128xf32, #tpu.memory_space<vmem>>) target(%dma_start3A_240 : memref<10240x128xf32, #tpu.memory_space<vmem_shared>>) offsets(%arg6 : memref<64xi32, #tpu.memory_space<vmem>>) semaphore(%arg17 : memref<!tpu.dma_semaphore, #tpu.memory_space<semaphore_mem>>) {add = true}
      %dma_wait3A_241 = arith.constant 0 : i32
      %dma_wait3A_242 = arith.constant 0 : i32
      %dma_wait3A_243 = tpu.memref_slice %arg14[%dma_wait3A_241, %dma_wait3A_242] : memref<10240x128xf32, #tpu.memory_space<vmem_shared>> -> memref<10240x128xf32, #tpu.memory_space<vmem_shared>>
      tpu.wait_indirect_dma semaphore(%arg17 : memref<!tpu.dma_semaphore, #tpu.memory_space<semaphore_mem>>) src(%arg13 : memref<64x128xf32, #tpu.memory_space<vmem>>) dst(%dma_wait3A_243 : memref<10240x128xf32, #tpu.memory_space<vmem_shared>>)
      %add3A_244 = arith.constant 3 : i32
      %add3A_245 = arith.addi %add3A_230, %add3A_244 : i32
      %add3A_246 = arith.constant 327680 : i32
      %add3A_247 = arith.addi %add3A_246, %mul3A_2 : i32
      %mul3A_248 = arith.constant 64 : i32
      %mul3A_249 = arith.muli %add3A_245, %mul3A_248 : i32
      %add3A_250 = arith.addi %add3A_247, %mul3A_249 : i32
      %dma_start3A_251 = tpu.memref_slice %arg3[%add3A_250] : memref<655360xi32, #tpu.memory_space<hbm>> -> memref<64xi32, #tpu.memory_space<hbm>>
      %dma_start3A_252 = tpu.memref_slice %arg3[%add3A_250] : memref<655360xi32, #tpu.memory_space<hbm>> -> memref<64xi32, #tpu.memory_space<hbm>>
      tpu.enqueue_dma source(%dma_start3A_252 : memref<64xi32, #tpu.memory_space<hbm>>) target(%arg9 : memref<64xi32, #tpu.memory_space<vmem>>) target_semaphore(%arg16 : memref<!tpu.dma_semaphore, #tpu.memory_space<semaphore_mem>>)
      %mul3A_253 = arith.constant 64 : i32
      %mul3A_254 = arith.muli %add3A_245, %mul3A_253 : i32
      %dma_start3A_255 = tpu.memref_slice %arg5[%mul3A_254] : memref<10240xi32, #tpu.memory_space<vmem>> -> memref<64xi32, #tpu.memory_space<vmem>>
      %dma_start3A_256 = arith.constant 0 : i32
      %dma_start3A_257 = arith.constant 0 : i32
      %dma_start3A_258 = tpu.memref_slice %arg2[%dma_start3A_256, %dma_start3A_257] : memref<10240x128xf32, #tpu.memory_space<hbm>> -> memref<10240x128xf32, #tpu.memory_space<hbm>>
      tpu.enqueue_indirect_dma source(%dma_start3A_258 : memref<10240x128xf32, #tpu.memory_space<hbm>>) target(%arg13 : memref<64x128xf32, #tpu.memory_space<vmem>>) offsets(%dma_start3A_255 : memref<64xi32, #tpu.memory_space<vmem>>) semaphore(%arg15 : memref<!tpu.dma_semaphore, #tpu.memory_space<semaphore_mem>>)
      %mul3A_259 = arith.constant 4 : i32
      %mul3A_260 = arith.muli %scan3A_226, %mul3A_259 : i32
      %add3A_261 = arith.constant 1 : i32
      %add3A_262 = arith.addi %mul3A_260, %add3A_261 : i32
      %dma_wait3A_263 = tpu.memref_slice %arg3[%mul3A_2] : memref<655360xi32, #tpu.memory_space<hbm>> -> memref<64xi32, #tpu.memory_space<hbm>>
      %dma_wait3A_264 = tpu.memref_slice %arg3[%mul3A_2] : memref<655360xi32, #tpu.memory_space<hbm>> -> memref<64xi32, #tpu.memory_space<hbm>>
      tpu.wait_dma2 semaphore(%arg16 : memref<!tpu.dma_semaphore, #tpu.memory_space<semaphore_mem>>) src(%dma_wait3A_264 : memref<64xi32, #tpu.memory_space<hbm>>) dst(%arg7 : memref<64xi32, #tpu.memory_space<vmem>>)
      %dma_wait3A_265 = arith.constant 0 : i32
      %dma_wait3A_266 = tpu.memref_slice %arg5[%dma_wait3A_265] : memref<10240xi32, #tpu.memory_space<vmem>> -> memref<64xi32, #tpu.memory_space<vmem>>
      %dma_wait3A_267 = arith.constant 0 : i32
      %dma_wait3A_268 = arith.constant 0 : i32
      %dma_wait3A_269 = tpu.memref_slice %arg2[%dma_wait3A_267, %dma_wait3A_268] : memref<10240x128xf32, #tpu.memory_space<hbm>> -> memref<10240x128xf32, #tpu.memory_space<hbm>>
      tpu.wait_indirect_dma semaphore(%arg15 : memref<!tpu.dma_semaphore, #tpu.memory_space<semaphore_mem>>) src(%dma_wait3A_269 : memref<10240x128xf32, #tpu.memory_space<hbm>>) dst(%arg11 : memref<64x128xf32, #tpu.memory_space<vmem>>)
      %dma_start3A_270 = arith.constant 0 : i32
      %dma_start3A_271 = arith.constant 0 : i32
      %dma_start3A_272 = tpu.memref_slice %arg14[%dma_start3A_270, %dma_start3A_271] : memref<10240x128xf32, #tpu.memory_space<vmem_shared>> -> memref<10240x128xf32, #tpu.memory_space<vmem_shared>>
      tpu.enqueue_indirect_dma source(%arg11 : memref<64x128xf32, #tpu.memory_space<vmem>>) target(%dma_start3A_272 : memref<10240x128xf32, #tpu.memory_space<vmem_shared>>) offsets(%arg7 : memref<64xi32, #tpu.memory_space<vmem>>) semaphore(%arg17 : memref<!tpu.dma_semaphore, #tpu.memory_space<semaphore_mem>>) {add = true}
      %dma_wait3A_273 = arith.constant 0 : i32
      %dma_wait3A_274 = arith.constant 0 : i32
      %dma_wait3A_275 = tpu.memref_slice %arg14[%dma_wait3A_273, %dma_wait3A_274] : memref<10240x128xf32, #tpu.memory_space<vmem_shared>> -> memref<10240x128xf32, #tpu.memory_space<vmem_shared>>
      tpu.wait_indirect_dma semaphore(%arg17 : memref<!tpu.dma_semaphore, #tpu.memory_space<semaphore_mem>>) src(%arg10 : memref<64x128xf32, #tpu.memory_space<vmem>>) dst(%dma_wait3A_275 : memref<10240x128xf32, #tpu.memory_space<vmem_shared>>)
      %add3A_276 = arith.constant 3 : i32
      %add3A_277 = arith.addi %add3A_262, %add3A_276 : i32
      %add3A_278 = arith.constant 327680 : i32
      %add3A_279 = arith.addi %add3A_278, %mul3A_2 : i32
      %mul3A_280 = arith.constant 64 : i32
      %mul3A_281 = arith.muli %add3A_277, %mul3A_280 : i32
      %add3A_282 = arith.addi %add3A_279, %mul3A_281 : i32
      %dma_start3A_283 = tpu.memref_slice %arg3[%add3A_282] : memref<655360xi32, #tpu.memory_space<hbm>> -> memref<64xi32, #tpu.memory_space<hbm>>
      %dma_start3A_284 = tpu.memref_slice %arg3[%add3A_282] : memref<655360xi32, #tpu.memory_space<hbm>> -> memref<64xi32, #tpu.memory_space<hbm>>
      tpu.enqueue_dma source(%dma_start3A_284 : memref<64xi32, #tpu.memory_space<hbm>>) target(%arg6 : memref<64xi32, #tpu.memory_space<vmem>>) target_semaphore(%arg16 : memref<!tpu.dma_semaphore, #tpu.memory_space<semaphore_mem>>)
      %mul3A_285 = arith.constant 64 : i32
      %mul3A_286 = arith.muli %add3A_277, %mul3A_285 : i32
      %dma_start3A_287 = tpu.memref_slice %arg5[%mul3A_286] : memref<10240xi32, #tpu.memory_space<vmem>> -> memref<64xi32, #tpu.memory_space<vmem>>
      %dma_start3A_288 = arith.constant 0 : i32
      %dma_start3A_289 = arith.constant 0 : i32
      %dma_start3A_290 = tpu.memref_slice %arg2[%dma_start3A_288, %dma_start3A_289] : memref<10240x128xf32, #tpu.memory_space<hbm>> -> memref<10240x128xf32, #tpu.memory_space<hbm>>
      tpu.enqueue_indirect_dma source(%dma_start3A_290 : memref<10240x128xf32, #tpu.memory_space<hbm>>) target(%arg10 : memref<64x128xf32, #tpu.memory_space<vmem>>) offsets(%dma_start3A_287 : memref<64xi32, #tpu.memory_space<vmem>>) semaphore(%arg15 : memref<!tpu.dma_semaphore, #tpu.memory_space<semaphore_mem>>)
      %mul3A_291 = arith.constant 4 : i32
      %mul3A_292 = arith.muli %scan3A_226, %mul3A_291 : i32
      %add3A_293 = arith.constant 2 : i32
      %add3A_294 = arith.addi %mul3A_292, %add3A_293 : i32
      %dma_wait3A_295 = tpu.memref_slice %arg3[%mul3A_2] : memref<655360xi32, #tpu.memory_space<hbm>> -> memref<64xi32, #tpu.memory_space<hbm>>
      %dma_wait3A_296 = tpu.memref_slice %arg3[%mul3A_2] : memref<655360xi32, #tpu.memory_space<hbm>> -> memref<64xi32, #tpu.memory_space<hbm>>
      tpu.wait_dma2 semaphore(%arg16 : memref<!tpu.dma_semaphore, #tpu.memory_space<semaphore_mem>>) src(%dma_wait3A_296 : memref<64xi32, #tpu.memory_space<hbm>>) dst(%arg8 : memref<64xi32, #tpu.memory_space<vmem>>)
      %dma_wait3A_297 = arith.constant 0 : i32
      %dma_wait3A_298 = tpu.memref_slice %arg5[%dma_wait3A_297] : memref<10240xi32, #tpu.memory_space<vmem>> -> memref<64xi32, #tpu.memory_space<vmem>>
      %dma_wait3A_299 = arith.constant 0 : i32
      %dma_wait3A_300 = arith.constant 0 : i32
      %dma_wait3A_301 = tpu.memref_slice %arg2[%dma_wait3A_299, %dma_wait3A_300] : memref<10240x128xf32, #tpu.memory_space<hbm>> -> memref<10240x128xf32, #tpu.memory_space<hbm>>
      tpu.wait_indirect_dma semaphore(%arg15 : memref<!tpu.dma_semaphore, #tpu.memory_space<semaphore_mem>>) src(%dma_wait3A_301 : memref<10240x128xf32, #tpu.memory_space<hbm>>) dst(%arg12 : memref<64x128xf32, #tpu.memory_space<vmem>>)
      %dma_start3A_302 = arith.constant 0 : i32
      %dma_start3A_303 = arith.constant 0 : i32
      %dma_start3A_304 = tpu.memref_slice %arg14[%dma_start3A_302, %dma_start3A_303] : memref<10240x128xf32, #tpu.memory_space<vmem_shared>> -> memref<10240x128xf32, #tpu.memory_space<vmem_shared>>
      tpu.enqueue_indirect_dma source(%arg12 : memref<64x128xf32, #tpu.memory_space<vmem>>) target(%dma_start3A_304 : memref<10240x128xf32, #tpu.memory_space<vmem_shared>>) offsets(%arg8 : memref<64xi32, #tpu.memory_space<vmem>>) semaphore(%arg17 : memref<!tpu.dma_semaphore, #tpu.memory_space<semaphore_mem>>) {add = true}
      %dma_wait3A_305 = arith.constant 0 : i32
      %dma_wait3A_306 = arith.constant 0 : i32
      %dma_wait3A_307 = tpu.memref_slice %arg14[%dma_wait3A_305, %dma_wait3A_306] : memref<10240x128xf32, #tpu.memory_space<vmem_shared>> -> memref<10240x128xf32, #tpu.memory_space<vmem_shared>>
      tpu.wait_indirect_dma semaphore(%arg17 : memref<!tpu.dma_semaphore, #tpu.memory_space<semaphore_mem>>) src(%arg11 : memref<64x128xf32, #tpu.memory_space<vmem>>) dst(%dma_wait3A_307 : memref<10240x128xf32, #tpu.memory_space<vmem_shared>>)
      %add3A_308 = arith.constant 3 : i32
      %add3A_309 = arith.addi %add3A_294, %add3A_308 : i32
      %add3A_310 = arith.constant 327680 : i32
      %add3A_311 = arith.addi %add3A_310, %mul3A_2 : i32
      %mul3A_312 = arith.constant 64 : i32
      %mul3A_313 = arith.muli %add3A_309, %mul3A_312 : i32
      %add3A_314 = arith.addi %add3A_311, %mul3A_313 : i32
      %dma_start3A_315 = tpu.memref_slice %arg3[%add3A_314] : memref<655360xi32, #tpu.memory_space<hbm>> -> memref<64xi32, #tpu.memory_space<hbm>>
      %dma_start3A_316 = tpu.memref_slice %arg3[%add3A_314] : memref<655360xi32, #tpu.memory_space<hbm>> -> memref<64xi32, #tpu.memory_space<hbm>>
      tpu.enqueue_dma source(%dma_start3A_316 : memref<64xi32, #tpu.memory_space<hbm>>) target(%arg7 : memref<64xi32, #tpu.memory_space<vmem>>) target_semaphore(%arg16 : memref<!tpu.dma_semaphore, #tpu.memory_space<semaphore_mem>>)
      %mul3A_317 = arith.constant 64 : i32
      %mul3A_318 = arith.muli %add3A_309, %mul3A_317 : i32
      %dma_start3A_319 = tpu.memref_slice %arg5[%mul3A_318] : memref<10240xi32, #tpu.memory_space<vmem>> -> memref<64xi32, #tpu.memory_space<vmem>>
      %dma_start3A_320 = arith.constant 0 : i32
      %dma_start3A_321 = arith.constant 0 : i32
      %dma_start3A_322 = tpu.memref_slice %arg2[%dma_start3A_320, %dma_start3A_321] : memref<10240x128xf32, #tpu.memory_space<hbm>> -> memref<10240x128xf32, #tpu.memory_space<hbm>>
      tpu.enqueue_indirect_dma source(%dma_start3A_322 : memref<10240x128xf32, #tpu.memory_space<hbm>>) target(%arg11 : memref<64x128xf32, #tpu.memory_space<vmem>>) offsets(%dma_start3A_319 : memref<64xi32, #tpu.memory_space<vmem>>) semaphore(%arg15 : memref<!tpu.dma_semaphore, #tpu.memory_space<semaphore_mem>>)
      %mul3A_323 = arith.constant 4 : i32
      %mul3A_324 = arith.muli %scan3A_226, %mul3A_323 : i32
      %add3A_325 = arith.constant 3 : i32
      %add3A_326 = arith.addi %mul3A_324, %add3A_325 : i32
      %dma_wait3A_327 = tpu.memref_slice %arg3[%mul3A_2] : memref<655360xi32, #tpu.memory_space<hbm>> -> memref<64xi32, #tpu.memory_space<hbm>>
      %dma_wait3A_328 = tpu.memref_slice %arg3[%mul3A_2] : memref<655360xi32, #tpu.memory_space<hbm>> -> memref<64xi32, #tpu.memory_space<hbm>>
      tpu.wait_dma2 semaphore(%arg16 : memref<!tpu.dma_semaphore, #tpu.memory_space<semaphore_mem>>) src(%dma_wait3A_328 : memref<64xi32, #tpu.memory_space<hbm>>) dst(%arg9 : memref<64xi32, #tpu.memory_space<vmem>>)
      %dma_wait3A_329 = arith.constant 0 : i32
      %dma_wait3A_330 = tpu.memref_slice %arg5[%dma_wait3A_329] : memref<10240xi32, #tpu.memory_space<vmem>> -> memref<64xi32, #tpu.memory_space<vmem>>
      %dma_wait3A_331 = arith.constant 0 : i32
      %dma_wait3A_332 = arith.constant 0 : i32
      %dma_wait3A_333 = tpu.memref_slice %arg2[%dma_wait3A_331, %dma_wait3A_332] : memref<10240x128xf32, #tpu.memory_space<hbm>> -> memref<10240x128xf32, #tpu.memory_space<hbm>>
      tpu.wait_indirect_dma semaphore(%arg15 : memref<!tpu.dma_semaphore, #tpu.memory_space<semaphore_mem>>) src(%dma_wait3A_333 : memref<10240x128xf32, #tpu.memory_space<hbm>>) dst(%arg13 : memref<64x128xf32, #tpu.memory_space<vmem>>)
      %dma_start3A_334 = arith.constant 0 : i32
      %dma_start3A_335 = arith.constant 0 : i32
      %dma_start3A_336 = tpu.memref_slice %arg14[%dma_start3A_334, %dma_start3A_335] : memref<10240x128xf32, #tpu.memory_space<vmem_shared>> -> memref<10240x128xf32, #tpu.memory_space<vmem_shared>>
      tpu.enqueue_indirect_dma source(%arg13 : memref<64x128xf32, #tpu.memory_space<vmem>>) target(%dma_start3A_336 : memref<10240x128xf32, #tpu.memory_space<vmem_shared>>) offsets(%arg9 : memref<64xi32, #tpu.memory_space<vmem>>) semaphore(%arg17 : memref<!tpu.dma_semaphore, #tpu.memory_space<semaphore_mem>>) {add = true}
      %dma_wait3A_337 = arith.constant 0 : i32
      %dma_wait3A_338 = arith.constant 0 : i32
      %dma_wait3A_339 = tpu.memref_slice %arg14[%dma_wait3A_337, %dma_wait3A_338] : memref<10240x128xf32, #tpu.memory_space<vmem_shared>> -> memref<10240x128xf32, #tpu.memory_space<vmem_shared>>
      tpu.wait_indirect_dma semaphore(%arg17 : memref<!tpu.dma_semaphore, #tpu.memory_space<semaphore_mem>>) src(%arg12 : memref<64x128xf32, #tpu.memory_space<vmem>>) dst(%dma_wait3A_339 : memref<10240x128xf32, #tpu.memory_space<vmem_shared>>)
      %add3A_340 = arith.constant 3 : i32
      %add3A_341 = arith.addi %add3A_326, %add3A_340 : i32
      %add3A_342 = arith.constant 327680 : i32
      %add3A_343 = arith.addi %add3A_342, %mul3A_2 : i32
      %mul3A_344 = arith.constant 64 : i32
      %mul3A_345 = arith.muli %add3A_341, %mul3A_344 : i32
      %add3A_346 = arith.addi %add3A_343, %mul3A_345 : i32
      %dma_start3A_347 = tpu.memref_slice %arg3[%add3A_346] : memref<655360xi32, #tpu.memory_space<hbm>> -> memref<64xi32, #tpu.memory_space<hbm>>
      %dma_start3A_348 = tpu.memref_slice %arg3[%add3A_346] : memref<655360xi32, #tpu.memory_space<hbm>> -> memref<64xi32, #tpu.memory_space<hbm>>
      tpu.enqueue_dma source(%dma_start3A_348 : memref<64xi32, #tpu.memory_space<hbm>>) target(%arg8 : memref<64xi32, #tpu.memory_space<vmem>>) target_semaphore(%arg16 : memref<!tpu.dma_semaphore, #tpu.memory_space<semaphore_mem>>)
      %mul3A_349 = arith.constant 64 : i32
      %mul3A_350 = arith.muli %add3A_341, %mul3A_349 : i32
      %dma_start3A_351 = tpu.memref_slice %arg5[%mul3A_350] : memref<10240xi32, #tpu.memory_space<vmem>> -> memref<64xi32, #tpu.memory_space<vmem>>
      %dma_start3A_352 = arith.constant 0 : i32
      %dma_start3A_353 = arith.constant 0 : i32
      %dma_start3A_354 = tpu.memref_slice %arg2[%dma_start3A_352, %dma_start3A_353] : memref<10240x128xf32, #tpu.memory_space<hbm>> -> memref<10240x128xf32, #tpu.memory_space<hbm>>
      tpu.enqueue_indirect_dma source(%dma_start3A_354 : memref<10240x128xf32, #tpu.memory_space<hbm>>) target(%arg12 : memref<64x128xf32, #tpu.memory_space<vmem>>) offsets(%dma_start3A_351 : memref<64xi32, #tpu.memory_space<vmem>>) semaphore(%arg15 : memref<!tpu.dma_semaphore, #tpu.memory_space<semaphore_mem>>)
    }
    %scan3A_154 = arith.constant 38 : i32
    %dma_wait3A_155 = tpu.memref_slice %arg3[%mul3A_2] : memref<655360xi32, #tpu.memory_space<hbm>> -> memref<64xi32, #tpu.memory_space<hbm>>
    %dma_wait3A_156 = tpu.memref_slice %arg3[%mul3A_2] : memref<655360xi32, #tpu.memory_space<hbm>> -> memref<64xi32, #tpu.memory_space<hbm>>
    tpu.wait_dma2 semaphore(%arg16 : memref<!tpu.dma_semaphore, #tpu.memory_space<semaphore_mem>>) src(%dma_wait3A_156 : memref<64xi32, #tpu.memory_space<hbm>>) dst(%arg6 : memref<64xi32, #tpu.memory_space<vmem>>)
    %dma_wait3A_157 = arith.constant 0 : i32
    %dma_wait3A_158 = tpu.memref_slice %arg5[%dma_wait3A_157] : memref<10240xi32, #tpu.memory_space<vmem>> -> memref<64xi32, #tpu.memory_space<vmem>>
    %dma_wait3A_159 = arith.constant 0 : i32
    %dma_wait3A_160 = arith.constant 0 : i32
    %dma_wait3A_161 = tpu.memref_slice %arg2[%dma_wait3A_159, %dma_wait3A_160] : memref<10240x128xf32, #tpu.memory_space<hbm>> -> memref<10240x128xf32, #tpu.memory_space<hbm>>
    tpu.wait_indirect_dma semaphore(%arg15 : memref<!tpu.dma_semaphore, #tpu.memory_space<semaphore_mem>>) src(%dma_wait3A_161 : memref<10240x128xf32, #tpu.memory_space<hbm>>) dst(%arg10 : memref<64x128xf32, #tpu.memory_space<vmem>>)
    %dma_start3A_162 = arith.constant 0 : i32
    %dma_start3A_163 = arith.constant 0 : i32
    %dma_start3A_164 = tpu.memref_slice %arg14[%dma_start3A_162, %dma_start3A_163] : memref<10240x128xf32, #tpu.memory_space<vmem_shared>> -> memref<10240x128xf32, #tpu.memory_space<vmem_shared>>
    tpu.enqueue_indirect_dma source(%arg10 : memref<64x128xf32, #tpu.memory_space<vmem>>) target(%dma_start3A_164 : memref<10240x128xf32, #tpu.memory_space<vmem_shared>>) offsets(%arg6 : memref<64xi32, #tpu.memory_space<vmem>>) semaphore(%arg17 : memref<!tpu.dma_semaphore, #tpu.memory_space<semaphore_mem>>) {add = true}
    %dma_wait3A_165 = arith.constant 0 : i32
    %dma_wait3A_166 = arith.constant 0 : i32
    %dma_wait3A_167 = tpu.memref_slice %arg14[%dma_wait3A_165, %dma_wait3A_166] : memref<10240x128xf32, #tpu.memory_space<vmem_shared>> -> memref<10240x128xf32, #tpu.memory_space<vmem_shared>>
    tpu.wait_indirect_dma semaphore(%arg17 : memref<!tpu.dma_semaphore, #tpu.memory_space<semaphore_mem>>) src(%arg13 : memref<64x128xf32, #tpu.memory_space<vmem>>) dst(%dma_wait3A_167 : memref<10240x128xf32, #tpu.memory_space<vmem_shared>>)
    %add3A_168 = arith.constant 327680 : i32
    %add3A_169 = arith.addi %add3A_168, %mul3A_2 : i32
    %add3A_170 = arith.constant 10176 : i32
    %add3A_171 = arith.addi %add3A_169, %add3A_170 : i32
    %dma_start3A_172 = tpu.memref_slice %arg3[%add3A_171] : memref<655360xi32, #tpu.memory_space<hbm>> -> memref<64xi32, #tpu.memory_space<hbm>>
    %dma_start3A_173 = tpu.memref_slice %arg3[%add3A_171] : memref<655360xi32, #tpu.memory_space<hbm>> -> memref<64xi32, #tpu.memory_space<hbm>>
    tpu.enqueue_dma source(%dma_start3A_173 : memref<64xi32, #tpu.memory_space<hbm>>) target(%arg9 : memref<64xi32, #tpu.memory_space<vmem>>) target_semaphore(%arg16 : memref<!tpu.dma_semaphore, #tpu.memory_space<semaphore_mem>>)
    %dma_start3A_174 = arith.constant 10176 : i32
    %dma_start3A_175 = tpu.memref_slice %arg5[%dma_start3A_174] : memref<10240xi32, #tpu.memory_space<vmem>> -> memref<64xi32, #tpu.memory_space<vmem>>
    %dma_start3A_176 = arith.constant 0 : i32
    %dma_start3A_177 = arith.constant 0 : i32
    %dma_start3A_178 = tpu.memref_slice %arg2[%dma_start3A_176, %dma_start3A_177] : memref<10240x128xf32, #tpu.memory_space<hbm>> -> memref<10240x128xf32, #tpu.memory_space<hbm>>
    tpu.enqueue_indirect_dma source(%dma_start3A_178 : memref<10240x128xf32, #tpu.memory_space<hbm>>) target(%arg13 : memref<64x128xf32, #tpu.memory_space<vmem>>) offsets(%dma_start3A_175 : memref<64xi32, #tpu.memory_space<vmem>>) semaphore(%arg15 : memref<!tpu.dma_semaphore, #tpu.memory_space<semaphore_mem>>)
    %dma_wait3A_179 = tpu.memref_slice %arg3[%mul3A_2] : memref<655360xi32, #tpu.memory_space<hbm>> -> memref<64xi32, #tpu.memory_space<hbm>>
    %dma_wait3A_180 = tpu.memref_slice %arg3[%mul3A_2] : memref<655360xi32, #tpu.memory_space<hbm>> -> memref<64xi32, #tpu.memory_space<hbm>>
    tpu.wait_dma2 semaphore(%arg16 : memref<!tpu.dma_semaphore, #tpu.memory_space<semaphore_mem>>) src(%dma_wait3A_180 : memref<64xi32, #tpu.memory_space<hbm>>) dst(%arg7 : memref<64xi32, #tpu.memory_space<vmem>>)
    %dma_wait3A_181 = arith.constant 0 : i32
    %dma_wait3A_182 = tpu.memref_slice %arg5[%dma_wait3A_181] : memref<10240xi32, #tpu.memory_space<vmem>> -> memref<64xi32, #tpu.memory_space<vmem>>
    %dma_wait3A_183 = arith.constant 0 : i32
    %dma_wait3A_184 = arith.constant 0 : i32
    %dma_wait3A_185 = tpu.memref_slice %arg2[%dma_wait3A_183, %dma_wait3A_184] : memref<10240x128xf32, #tpu.memory_space<hbm>> -> memref<10240x128xf32, #tpu.memory_space<hbm>>
    tpu.wait_indirect_dma semaphore(%arg15 : memref<!tpu.dma_semaphore, #tpu.memory_space<semaphore_mem>>) src(%dma_wait3A_185 : memref<10240x128xf32, #tpu.memory_space<hbm>>) dst(%arg11 : memref<64x128xf32, #tpu.memory_space<vmem>>)
    %dma_start3A_186 = arith.constant 0 : i32
    %dma_start3A_187 = arith.constant 0 : i32
    %dma_start3A_188 = tpu.memref_slice %arg14[%dma_start3A_186, %dma_start3A_187] : memref<10240x128xf32, #tpu.memory_space<vmem_shared>> -> memref<10240x128xf32, #tpu.memory_space<vmem_shared>>
    tpu.enqueue_indirect_dma source(%arg11 : memref<64x128xf32, #tpu.memory_space<vmem>>) target(%dma_start3A_188 : memref<10240x128xf32, #tpu.memory_space<vmem_shared>>) offsets(%arg7 : memref<64xi32, #tpu.memory_space<vmem>>) semaphore(%arg17 : memref<!tpu.dma_semaphore, #tpu.memory_space<semaphore_mem>>) {add = true}
    %dma_wait3A_189 = arith.constant 0 : i32
    %dma_wait3A_190 = arith.constant 0 : i32
    %dma_wait3A_191 = tpu.memref_slice %arg14[%dma_wait3A_189, %dma_wait3A_190] : memref<10240x128xf32, #tpu.memory_space<vmem_shared>> -> memref<10240x128xf32, #tpu.memory_space<vmem_shared>>
    tpu.wait_indirect_dma semaphore(%arg17 : memref<!tpu.dma_semaphore, #tpu.memory_space<semaphore_mem>>) src(%arg10 : memref<64x128xf32, #tpu.memory_space<vmem>>) dst(%dma_wait3A_191 : memref<10240x128xf32, #tpu.memory_space<vmem_shared>>)
    %dma_wait3A_192 = tpu.memref_slice %arg3[%mul3A_2] : memref<655360xi32, #tpu.memory_space<hbm>> -> memref<64xi32, #tpu.memory_space<hbm>>
    %dma_wait3A_193 = tpu.memref_slice %arg3[%mul3A_2] : memref<655360xi32, #tpu.memory_space<hbm>> -> memref<64xi32, #tpu.memory_space<hbm>>
    tpu.wait_dma2 semaphore(%arg16 : memref<!tpu.dma_semaphore, #tpu.memory_space<semaphore_mem>>) src(%dma_wait3A_193 : memref<64xi32, #tpu.memory_space<hbm>>) dst(%arg8 : memref<64xi32, #tpu.memory_space<vmem>>)
    %dma_wait3A_194 = arith.constant 0 : i32
    %dma_wait3A_195 = tpu.memref_slice %arg5[%dma_wait3A_194] : memref<10240xi32, #tpu.memory_space<vmem>> -> memref<64xi32, #tpu.memory_space<vmem>>
    %dma_wait3A_196 = arith.constant 0 : i32
    %dma_wait3A_197 = arith.constant 0 : i32
    %dma_wait3A_198 = tpu.memref_slice %arg2[%dma_wait3A_196, %dma_wait3A_197] : memref<10240x128xf32, #tpu.memory_space<hbm>> -> memref<10240x128xf32, #tpu.memory_space<hbm>>
    tpu.wait_indirect_dma semaphore(%arg15 : memref<!tpu.dma_semaphore, #tpu.memory_space<semaphore_mem>>) src(%dma_wait3A_198 : memref<10240x128xf32, #tpu.memory_space<hbm>>) dst(%arg12 : memref<64x128xf32, #tpu.memory_space<vmem>>)
    %dma_start3A_199 = arith.constant 0 : i32
    %dma_start3A_200 = arith.constant 0 : i32
    %dma_start3A_201 = tpu.memref_slice %arg14[%dma_start3A_199, %dma_start3A_200] : memref<10240x128xf32, #tpu.memory_space<vmem_shared>> -> memref<10240x128xf32, #tpu.memory_space<vmem_shared>>
    tpu.enqueue_indirect_dma source(%arg12 : memref<64x128xf32, #tpu.memory_space<vmem>>) target(%dma_start3A_201 : memref<10240x128xf32, #tpu.memory_space<vmem_shared>>) offsets(%arg8 : memref<64xi32, #tpu.memory_space<vmem>>) semaphore(%arg17 : memref<!tpu.dma_semaphore, #tpu.memory_space<semaphore_mem>>) {add = true}
    %dma_wait3A_202 = arith.constant 0 : i32
    %dma_wait3A_203 = arith.constant 0 : i32
    %dma_wait3A_204 = tpu.memref_slice %arg14[%dma_wait3A_202, %dma_wait3A_203] : memref<10240x128xf32, #tpu.memory_space<vmem_shared>> -> memref<10240x128xf32, #tpu.memory_space<vmem_shared>>
    tpu.wait_indirect_dma semaphore(%arg17 : memref<!tpu.dma_semaphore, #tpu.memory_space<semaphore_mem>>) src(%arg11 : memref<64x128xf32, #tpu.memory_space<vmem>>) dst(%dma_wait3A_204 : memref<10240x128xf32, #tpu.memory_space<vmem_shared>>)
    %dma_wait3A_205 = tpu.memref_slice %arg3[%mul3A_2] : memref<655360xi32, #tpu.memory_space<hbm>> -> memref<64xi32, #tpu.memory_space<hbm>>
    %dma_wait3A_206 = tpu.memref_slice %arg3[%mul3A_2] : memref<655360xi32, #tpu.memory_space<hbm>> -> memref<64xi32, #tpu.memory_space<hbm>>
    tpu.wait_dma2 semaphore(%arg16 : memref<!tpu.dma_semaphore, #tpu.memory_space<semaphore_mem>>) src(%dma_wait3A_206 : memref<64xi32, #tpu.memory_space<hbm>>) dst(%arg9 : memref<64xi32, #tpu.memory_space<vmem>>)
    %dma_wait3A_207 = arith.constant 0 : i32
    %dma_wait3A_208 = tpu.memref_slice %arg5[%dma_wait3A_207] : memref<10240xi32, #tpu.memory_space<vmem>> -> memref<64xi32, #tpu.memory_space<vmem>>
    %dma_wait3A_209 = arith.constant 0 : i32
    %dma_wait3A_210 = arith.constant 0 : i32
    %dma_wait3A_211 = tpu.memref_slice %arg2[%dma_wait3A_209, %dma_wait3A_210] : memref<10240x128xf32, #tpu.memory_space<hbm>> -> memref<10240x128xf32, #tpu.memory_space<hbm>>
    tpu.wait_indirect_dma semaphore(%arg15 : memref<!tpu.dma_semaphore, #tpu.memory_space<semaphore_mem>>) src(%dma_wait3A_211 : memref<10240x128xf32, #tpu.memory_space<hbm>>) dst(%arg13 : memref<64x128xf32, #tpu.memory_space<vmem>>)
    %dma_start3A_212 = arith.constant 0 : i32
    %dma_start3A_213 = arith.constant 0 : i32
    %dma_start3A_214 = tpu.memref_slice %arg14[%dma_start3A_212, %dma_start3A_213] : memref<10240x128xf32, #tpu.memory_space<vmem_shared>> -> memref<10240x128xf32, #tpu.memory_space<vmem_shared>>
    tpu.enqueue_indirect_dma source(%arg13 : memref<64x128xf32, #tpu.memory_space<vmem>>) target(%dma_start3A_214 : memref<10240x128xf32, #tpu.memory_space<vmem_shared>>) offsets(%arg9 : memref<64xi32, #tpu.memory_space<vmem>>) semaphore(%arg17 : memref<!tpu.dma_semaphore, #tpu.memory_space<semaphore_mem>>) {add = true}
    %dma_wait3A_215 = arith.constant 0 : i32
    %dma_wait3A_216 = arith.constant 0 : i32
    %dma_wait3A_217 = tpu.memref_slice %arg14[%dma_wait3A_215, %dma_wait3A_216] : memref<10240x128xf32, #tpu.memory_space<vmem_shared>> -> memref<10240x128xf32, #tpu.memory_space<vmem_shared>>
    tpu.wait_indirect_dma semaphore(%arg17 : memref<!tpu.dma_semaphore, #tpu.memory_space<semaphore_mem>>) src(%arg12 : memref<64x128xf32, #tpu.memory_space<vmem>>) dst(%dma_wait3A_217 : memref<10240x128xf32, #tpu.memory_space<vmem_shared>>)
    %dma_wait3A_218 = arith.constant 0 : i32
    %dma_wait3A_219 = arith.constant 0 : i32
    %dma_wait3A_220 = tpu.memref_slice %arg14[%dma_wait3A_218, %dma_wait3A_219] : memref<10240x128xf32, #tpu.memory_space<vmem_shared>> -> memref<10240x128xf32, #tpu.memory_space<vmem_shared>>
    tpu.wait_indirect_dma semaphore(%arg17 : memref<!tpu.dma_semaphore, #tpu.memory_space<semaphore_mem>>) src(%arg13 : memref<64x128xf32, #tpu.memory_space<vmem>>) dst(%dma_wait3A_220 : memref<10240x128xf32, #tpu.memory_space<vmem_shared>>)
    %barrier3A_221 = arith.constant 0 : index
    tpu.barrier barrier_id(%barrier3A_221)
    %mul3A_222 = arith.constant 640 : i32
    %mul3A_223 = arith.muli %arg1, %mul3A_222 : i32
    %mul3A_224 = arith.constant 640 : i32
    %mul3A_225 = arith.muli %arg1, %mul3A_224 : i32
    "tpu.region"() ({
      %run_scoped3A = tpu.sem_alloc : memref<!tpu.dma_semaphore, #tpu.memory_space<semaphore_mem>>
      %dma_start3A_226 = arith.constant 0 : i32
      %dma_start3A_227 = tpu.memref_slice %arg4[%arg0, %mul3A_225, %dma_start3A_226] : memref<2x10240x128xf32, #tpu.memory_space<hbm>> -> memref<1x640x128xf32, #tpu.memory_space<hbm>>
      %dma_start3A_228 = tpu.memref_squeeze %dma_start3A_227 : memref<1x640x128xf32, #tpu.memory_space<hbm>> -> memref<640x128xf32, #tpu.memory_space<hbm>>
      %dma_start3A_229 = arith.constant 0 : i32
      %dma_start3A_230 = tpu.memref_slice %arg14[%mul3A_223, %dma_start3A_229] : memref<10240x128xf32, #tpu.memory_space<vmem_shared>> -> memref<640x128xf32, #tpu.memory_space<vmem_shared>>
      tpu.enqueue_dma source(%dma_start3A_230 : memref<640x128xf32, #tpu.memory_space<vmem_shared>>) target(%dma_start3A_228 : memref<640x128xf32, #tpu.memory_space<hbm>>) target_semaphore(%run_scoped3A : memref<!tpu.dma_semaphore, #tpu.memory_space<semaphore_mem>>)
      %dma_wait3A_231 = arith.constant 0 : i32
      %dma_wait3A_232 = tpu.memref_slice %arg4[%arg0, %mul3A_225, %dma_wait3A_231] : memref<2x10240x128xf32, #tpu.memory_space<hbm>> -> memref<1x640x128xf32, #tpu.memory_space<hbm>>
      %dma_wait3A_233 = tpu.memref_squeeze %dma_wait3A_232 : memref<1x640x128xf32, #tpu.memory_space<hbm>> -> memref<640x128xf32, #tpu.memory_space<hbm>>
      %dma_wait3A_234 = arith.constant 0 : i32
      %dma_wait3A_235 = tpu.memref_slice %arg14[%mul3A_223, %dma_wait3A_234] : memref<10240x128xf32, #tpu.memory_space<vmem_shared>> -> memref<640x128xf32, #tpu.memory_space<vmem_shared>>
      tpu.wait_dma2 semaphore(%run_scoped3A : memref<!tpu.dma_semaphore, #tpu.memory_space<semaphore_mem>>) src(%dma_wait3A_235 : memref<640x128xf32, #tpu.memory_space<vmem_shared>>) dst(%dma_wait3A_233 : memref<640x128xf32, #tpu.memory_space<hbm>>)
      tpu.yield
    }) : () -> ()
    return
  }
}

module attributes {stable_mosaic.version = 14 : i64} {
  func.func @_p0_body(%arg0: i32, %arg1: memref<1024x128xf32, #tpu.memory_space<vmem>>, %arg2: memref<32x1024xf32, #tpu.memory_space<vmem>>, %arg3: memref<128x128xf32, #tpu.memory_space<vmem>>, %arg4: memref<1x128xf32, #tpu.memory_space<vmem>>, %arg5: memref<1x128xf32, #tpu.memory_space<vmem>>, %arg6: memref<1024x128xf32, #tpu.memory_space<vmem>>, %arg7: memref<1024x1xf32, #tpu.memory_space<vmem>>) attributes {dimension_semantics = [#tpu.dimension_semantics<arbitrary>], iteration_bounds = array<i64: 10>, scalar_prefetch = 0 : i64, scratch_operands = 0 : i64, tpu.core_type = #tpu.core_type<tc>, window_params = [{transform_indices = @transform_0, window_bounds = array<i64: 1024, 128>}, {transform_indices = @transform_1, window_bounds = array<i64: 32, 1024>}, {pipeline_mode = #tpu.pipeline_mode<synchronous>, transform_indices = @transform_2, window_bounds = array<i64: 128, 128>}, {pipeline_mode = #tpu.pipeline_mode<synchronous>, transform_indices = @transform_3, window_bounds = array<i64: 1, 128>}, {pipeline_mode = #tpu.pipeline_mode<synchronous>, transform_indices = @transform_4, window_bounds = array<i64: 1, 128>}, {transform_indices = @transform_5, window_bounds = array<i64: 1024, 128>}, {transform_indices = @transform_6, window_bounds = array<i64: 1024, 1>}]} {
    %get3A = arith.constant 0 : index
    %get3A_0 = arith.constant 0 : index
    %get3A_1 = vector.load %arg2[%get3A, %get3A_0] : memref<32x1024xf32, #tpu.memory_space<vmem>>, vector<32x1024xf32>
    %reduce_sum3A = arith.constant dense<0.000000e+00> : vector<1024xf32>
    %reduce_sum3A_2 = vector.multi_reduction <add>, %get3A_1, %reduce_sum3A [0] : vector<32x1024xf32> to vector<1024xf32>
    %broadcast_in_dim3A = vector.shape_cast %reduce_sum3A_2 : vector<1024xf32> to vector<1x1024xf32>
    %add3A = arith.constant 1.000000e+00 : f32
    %add3A_3 = vector.broadcast %add3A : f32 to vector<1x1024xf32>
    %add3A_4 = arith.addf %broadcast_in_dim3A, %add3A_3 : vector<1x1024xf32>
    %rsqrt3A = math.rsqrt %add3A_4 : vector<1x1024xf32>
    %reshape3A = vector.shape_cast %rsqrt3A : vector<1x1024xf32> to vector<1024x1xf32>
    %get3A_5 = arith.constant 0 : index
    %get3A_6 = arith.constant 0 : index
    %get3A_7 = vector.load %arg4[%get3A_5, %get3A_6] : memref<1x128xf32, #tpu.memory_space<vmem>>, vector<1x128xf32>
    %get3A_8 = arith.constant 0 : index
    %get3A_9 = arith.constant 0 : index
    %get3A_10 = vector.load %arg5[%get3A_8, %get3A_9] : memref<1x128xf32, #tpu.memory_space<vmem>>, vector<1x128xf32>
    %add3A_11 = arith.constant 9.99999974E-6 : f32
    %add3A_12 = vector.broadcast %add3A_11 : f32 to vector<1x128xf32>
    %add3A_13 = arith.addf %get3A_10, %add3A_12 : vector<1x128xf32>
    %rsqrt3A_14 = math.rsqrt %add3A_13 : vector<1x128xf32>
    %mul3A = arith.mulf %get3A_7, %rsqrt3A_14 : vector<1x128xf32>
    %get3A_15 = arith.constant 0 : index
    %get3A_16 = arith.constant 0 : index
    %get3A_17 = vector.load %arg1[%get3A_15, %get3A_16] : memref<1024x128xf32, #tpu.memory_space<vmem>>, vector<1024x128xf32>
    %get3A_18 = arith.constant 0 : index
    %get3A_19 = arith.constant 0 : index
    %get3A_20 = vector.load %arg3[%get3A_18, %get3A_19] : memref<128x128xf32, #tpu.memory_space<vmem>>, vector<128x128xf32>
    %mul3A_21 = vector.broadcast %mul3A : vector<1x128xf32> to vector<128x128xf32>
    %mul3A_22 = arith.mulf %get3A_20, %mul3A_21 : vector<128x128xf32>
    %dot_general3A = arith.constant dense<0.000000e+00> : vector<1024x128xf32>
    %dot_general3A_23 = tpu.matmul %get3A_17, %mul3A_22, %dot_general3A {dimension_numbers = #tpu.dot_dimension_numbers<[1], [0], [0], [1], [0, 0, 1, 1], [], []>, transpose_lhs_hint = false} : vector<1024x128xf32>, vector<128x128xf32>, vector<1024x128xf32> -> vector<1024x128xf32>
    %mul3A_24 = vector.broadcast %reshape3A : vector<1024x1xf32> to vector<1024x128xf32>
    %mul3A_25 = arith.mulf %mul3A_24, %dot_general3A_23 : vector<1024x128xf32>
    %swap3A = arith.constant 0 : index
    %swap3A_26 = arith.constant 0 : index
    %swap3A_27 = vector.load %arg6[%swap3A, %swap3A_26] : memref<1024x128xf32, #tpu.memory_space<vmem>>, vector<1024x128xf32>
    tpu.vector_store %arg6[%swap3A, %swap3A_26], %mul3A_25 {strides = array<i32>} : memref<1024x128xf32, #tpu.memory_space<vmem>>, vector<1024x128xf32>,
    %swap3A_28 = arith.constant 0 : index
    %swap3A_29 = arith.constant 0 : index
    %swap3A_30 = vector.load %arg7[%swap3A_28, %swap3A_29] : memref<1024x1xf32, #tpu.memory_space<vmem>>, vector<1024x1xf32>
    tpu.vector_store %arg7[%swap3A_28, %swap3A_29], %reshape3A {strides = array<i32>} : memref<1024x1xf32, #tpu.memory_space<vmem>>, vector<1024x1xf32>,
    return
  }
  func.func @transform_0(%arg0: i32) -> (i32, i32) {
    %c0_i32 = arith.constant 0 : i32
    %c0_i32_0 = arith.constant 0 : i32
    return %arg0, %c0_i32 : i32, i32
  }
  func.func @transform_1(%arg0: i32) -> (i32, i32) {
    %c0_i32 = arith.constant 0 : i32
    %c0_i32_0 = arith.constant 0 : i32
    return %c0_i32, %arg0 : i32, i32
  }
  func.func @transform_2(%arg0: i32) -> (i32, i32) {
    %c0_i32 = arith.constant 0 : i32
    %c0_i32_0 = arith.constant 0 : i32
    %c0_i32_1 = arith.constant 0 : i32
    return %c0_i32, %c0_i32_0 : i32, i32
  }
  func.func @transform_3(%arg0: i32) -> (i32, i32) {
    %c0_i32 = arith.constant 0 : i32
    %c0_i32_0 = arith.constant 0 : i32
    %c0_i32_1 = arith.constant 0 : i32
    return %c0_i32, %c0_i32_0 : i32, i32
  }
  func.func @transform_4(%arg0: i32) -> (i32, i32) {
    %c0_i32 = arith.constant 0 : i32
    %c0_i32_0 = arith.constant 0 : i32
    %c0_i32_1 = arith.constant 0 : i32
    return %c0_i32, %c0_i32_0 : i32, i32
  }
  func.func @transform_5(%arg0: i32) -> (i32, i32) {
    %c0_i32 = arith.constant 0 : i32
    %c0_i32_0 = arith.constant 0 : i32
    return %arg0, %c0_i32 : i32, i32
  }
  func.func @transform_6(%arg0: i32) -> (i32, i32) {
    %c0_i32 = arith.constant 0 : i32
    %c0_i32_0 = arith.constant 0 : i32
    return %arg0, %c0_i32 : i32, i32
  }
}

module attributes {stable_mosaic.version = 14 : i64} {
  func.func @_mid_body(%arg0: i32, %arg1: memref<2x1024x128xf32, #tpu.memory_space<vmem>>, %arg2: memref<1024x128xf32, #tpu.memory_space<vmem>>, %arg3: memref<1024x1xf32, #tpu.memory_space<vmem>>, %arg4: memref<1024x128xf32, #tpu.memory_space<vmem>>, %arg5: memref<1x128xf32, #tpu.memory_space<vmem>>, %arg6: memref<1x128xf32, #tpu.memory_space<vmem>>, %arg7: memref<1x128xf32, #tpu.memory_space<vmem>>, %arg8: memref<1x128xf32, #tpu.memory_space<vmem>>, %arg9: memref<1x128xf32, #tpu.memory_space<vmem>>, %arg10: memref<128x128xf32, #tpu.memory_space<vmem>>, %arg11: memref<1x128xf32, #tpu.memory_space<vmem>>, %arg12: memref<1x128xf32, #tpu.memory_space<vmem>>, %arg13: memref<1024x128xf32, #tpu.memory_space<vmem>>, %arg14: memref<1024x128xf32, #tpu.memory_space<vmem>>) attributes {dimension_semantics = [#tpu.dimension_semantics<arbitrary>], iteration_bounds = array<i64: 10>, scalar_prefetch = 0 : i64, scratch_operands = 0 : i64, tpu.core_type = #tpu.core_type<tc>, window_params = [{transform_indices = @transform_0, window_bounds = array<i64: 2, 1024, 128>}, {transform_indices = @transform_1, window_bounds = array<i64: 1024, 128>}, {transform_indices = @transform_2, window_bounds = array<i64: 1024, 1>}, {transform_indices = @transform_3, window_bounds = array<i64: 1024, 128>}, {pipeline_mode = #tpu.pipeline_mode<synchronous>, transform_indices = @transform_4, window_bounds = array<i64: 1, 128>}, {pipeline_mode = #tpu.pipeline_mode<synchronous>, transform_indices = @transform_5, window_bounds = array<i64: 1, 128>}, {pipeline_mode = #tpu.pipeline_mode<synchronous>, transform_indices = @transform_6, window_bounds = array<i64: 1, 128>}, {pipeline_mode = #tpu.pipeline_mode<synchronous>, transform_indices = @transform_7, window_bounds = array<i64: 1, 128>}, {pipeline_mode = #tpu.pipeline_mode<synchronous>, transform_indices = @transform_8, window_bounds = array<i64: 1, 128>}, {pipeline_mode = #tpu.pipeline_mode<synchronous>, transform_indices = @transform_9, window_bounds = array<i64: 128, 128>}, {pipeline_mode = #tpu.pipeline_mode<synchronous>, transform_indices = @transform_10, window_bounds = array<i64: 1, 128>}, {pipeline_mode = #tpu.pipeline_mode<synchronous>, transform_indices = @transform_11, window_bounds = array<i64: 1, 128>}, {transform_indices = @transform_12, window_bounds = array<i64: 1024, 128>}, {transform_indices = @transform_13, window_bounds = array<i64: 1024, 128>}]} {
    %get3A = arith.constant 0 : index
    %get3A_0 = arith.constant 0 : index
    %get3A_1 = vector.load %arg6[%get3A, %get3A_0] : memref<1x128xf32, #tpu.memory_space<vmem>>, vector<1x128xf32>
    %get3A_2 = arith.constant 0 : index
    %get3A_3 = arith.constant 0 : index
    %get3A_4 = vector.load %arg9[%get3A_2, %get3A_3] : memref<1x128xf32, #tpu.memory_space<vmem>>, vector<1x128xf32>
    %add3A = arith.constant 9.99999974E-6 : f32
    %add3A_5 = vector.broadcast %add3A : f32 to vector<1x128xf32>
    %add3A_6 = arith.addf %get3A_4, %add3A_5 : vector<1x128xf32>
    %rsqrt3A = math.rsqrt %add3A_6 : vector<1x128xf32>
    %mul3A = arith.mulf %get3A_1, %rsqrt3A : vector<1x128xf32>
    %get3A_7 = arith.constant 0 : index
    %get3A_8 = arith.constant 0 : index
    %get3A_9 = vector.load %arg5[%get3A_7, %get3A_8] : memref<1x128xf32, #tpu.memory_space<vmem>>, vector<1x128xf32>
    %mul3A_10 = arith.mulf %get3A_9, %mul3A : vector<1x128xf32>
    %get3A_11 = arith.constant 0 : index
    %get3A_12 = arith.constant 0 : index
    %get3A_13 = vector.load %arg7[%get3A_11, %get3A_12] : memref<1x128xf32, #tpu.memory_space<vmem>>, vector<1x128xf32>
    %add3A_14 = arith.addf %mul3A_10, %get3A_13 : vector<1x128xf32>
    %get3A_15 = arith.constant 0 : index
    %get3A_16 = arith.constant 0 : index
    %get3A_17 = vector.load %arg8[%get3A_15, %get3A_16] : memref<1x128xf32, #tpu.memory_space<vmem>>, vector<1x128xf32>
    %mul3A_18 = arith.mulf %get3A_17, %mul3A : vector<1x128xf32>
    %sub3A = arith.subf %add3A_14, %mul3A_18 : vector<1x128xf32>
    %get3A_19 = arith.constant 0 : index
    %get3A_20 = arith.constant 0 : index
    %get3A_21 = vector.load %arg3[%get3A_19, %get3A_20] : memref<1024x1xf32, #tpu.memory_space<vmem>>, vector<1024x1xf32>
    %get3A_22 = arith.constant 0 : index
    %get3A_23 = arith.constant 0 : index
    %get3A_24 = arith.constant 0 : index
    %get3A_25 = vector.load %arg1[%get3A_22, %get3A_23, %get3A_24] : memref<2x1024x128xf32, #tpu.memory_space<vmem>>, vector<1x1024x128xf32>
    %get3A_26 = vector.shape_cast %get3A_25 : vector<1x1024x128xf32> to vector<1024x128xf32>
    %get3A_27 = arith.constant 1 : index
    %get3A_28 = arith.constant 0 : index
    %get3A_29 = arith.constant 0 : index
    %get3A_30 = vector.load %arg1[%get3A_27, %get3A_28, %get3A_29] : memref<2x1024x128xf32, #tpu.memory_space<vmem>>, vector<1x1024x128xf32>
    %get3A_31 = vector.shape_cast %get3A_30 : vector<1x1024x128xf32> to vector<1024x128xf32>
    %add3A_32 = arith.addf %get3A_26, %get3A_31 : vector<1024x128xf32>
    %get3A_33 = arith.constant 0 : index
    %get3A_34 = arith.constant 0 : index
    %get3A_35 = vector.load %arg2[%get3A_33, %get3A_34] : memref<1024x128xf32, #tpu.memory_space<vmem>>, vector<1024x128xf32>
    %add3A_36 = arith.addf %add3A_32, %get3A_35 : vector<1024x128xf32>
    %mul3A_37 = vector.broadcast %get3A_21 : vector<1024x1xf32> to vector<1024x128xf32>
    %mul3A_38 = arith.mulf %mul3A_37, %add3A_36 : vector<1024x128xf32>
    %add3A_39 = vector.broadcast %sub3A : vector<1x128xf32> to vector<1024x128xf32>
    %add3A_40 = arith.addf %mul3A_38, %add3A_39 : vector<1024x128xf32>
    %max3A = arith.constant 0.000000e+00 : f32
    %max3A_41 = vector.broadcast %max3A : f32 to vector<1024x128xf32>
    %max3A_42 = arith.maximumf %add3A_40, %max3A_41 : vector<1024x128xf32>
    %get3A_43 = arith.constant 0 : index
    %get3A_44 = arith.constant 0 : index
    %get3A_45 = vector.load %arg11[%get3A_43, %get3A_44] : memref<1x128xf32, #tpu.memory_space<vmem>>, vector<1x128xf32>
    %get3A_46 = arith.constant 0 : index
    %get3A_47 = arith.constant 0 : index
    %get3A_48 = vector.load %arg12[%get3A_46, %get3A_47] : memref<1x128xf32, #tpu.memory_space<vmem>>, vector<1x128xf32>
    %add3A_49 = arith.constant 9.99999974E-6 : f32
    %add3A_50 = vector.broadcast %add3A_49 : f32 to vector<1x128xf32>
    %add3A_51 = arith.addf %get3A_48, %add3A_50 : vector<1x128xf32>
    %rsqrt3A_52 = math.rsqrt %add3A_51 : vector<1x128xf32>
    %mul3A_53 = arith.mulf %get3A_45, %rsqrt3A_52 : vector<1x128xf32>
    %get3A_54 = arith.constant 0 : index
    %get3A_55 = arith.constant 0 : index
    %get3A_56 = vector.load %arg10[%get3A_54, %get3A_55] : memref<128x128xf32, #tpu.memory_space<vmem>>, vector<128x128xf32>
    %mul3A_57 = vector.broadcast %mul3A_53 : vector<1x128xf32> to vector<128x128xf32>
    %mul3A_58 = arith.mulf %get3A_56, %mul3A_57 : vector<128x128xf32>
    %dot_general3A = arith.constant dense<0.000000e+00> : vector<1024x128xf32>
    %dot_general3A_59 = tpu.matmul %max3A_42, %mul3A_58, %dot_general3A {dimension_numbers = #tpu.dot_dimension_numbers<[1], [0], [0], [1], [0, 0, 1, 1], [], []>, transpose_lhs_hint = false} : vector<1024x128xf32>, vector<128x128xf32>, vector<1024x128xf32> -> vector<1024x128xf32>
    %mul3A_60 = vector.broadcast %get3A_21 : vector<1024x1xf32> to vector<1024x128xf32>
    %mul3A_61 = arith.mulf %mul3A_60, %dot_general3A_59 : vector<1024x128xf32>
    %swap3A = arith.constant 0 : index
    %swap3A_62 = arith.constant 0 : index
    %swap3A_63 = vector.load %arg13[%swap3A, %swap3A_62] : memref<1024x128xf32, #tpu.memory_space<vmem>>, vector<1024x128xf32>
    tpu.vector_store %arg13[%swap3A, %swap3A_62], %max3A_42 {strides = array<i32>} : memref<1024x128xf32, #tpu.memory_space<vmem>>, vector<1024x128xf32>,
    %swap3A_64 = arith.constant 0 : index
    %swap3A_65 = arith.constant 0 : index
    %swap3A_66 = vector.load %arg14[%swap3A_64, %swap3A_65] : memref<1024x128xf32, #tpu.memory_space<vmem>>, vector<1024x128xf32>
    tpu.vector_store %arg14[%swap3A_64, %swap3A_65], %mul3A_61 {strides = array<i32>} : memref<1024x128xf32, #tpu.memory_space<vmem>>, vector<1024x128xf32>,
    return
  }
  func.func @transform_0(%arg0: i32) -> (i32, i32, i32) {
    %c0_i32 = arith.constant 0 : i32
    %c0_i32_0 = arith.constant 0 : i32
    %c0_i32_1 = arith.constant 0 : i32
    return %c0_i32, %arg0, %c0_i32_0 : i32, i32, i32
  }
  func.func @transform_1(%arg0: i32) -> (i32, i32) {
    %c0_i32 = arith.constant 0 : i32
    %c0_i32_0 = arith.constant 0 : i32
    return %arg0, %c0_i32 : i32, i32
  }
  func.func @transform_2(%arg0: i32) -> (i32, i32) {
    %c0_i32 = arith.constant 0 : i32
    %c0_i32_0 = arith.constant 0 : i32
    return %arg0, %c0_i32 : i32, i32
  }
  func.func @transform_3(%arg0: i32) -> (i32, i32) {
    %c0_i32 = arith.constant 0 : i32
    %c0_i32_0 = arith.constant 0 : i32
    return %arg0, %c0_i32 : i32, i32
  }
  func.func @transform_4(%arg0: i32) -> (i32, i32) {
    %c0_i32 = arith.constant 0 : i32
    %c0_i32_0 = arith.constant 0 : i32
    %c0_i32_1 = arith.constant 0 : i32
    return %c0_i32, %c0_i32_0 : i32, i32
  }
  func.func @transform_5(%arg0: i32) -> (i32, i32) {
    %c0_i32 = arith.constant 0 : i32
    %c0_i32_0 = arith.constant 0 : i32
    %c0_i32_1 = arith.constant 0 : i32
    return %c0_i32, %c0_i32_0 : i32, i32
  }
  func.func @transform_6(%arg0: i32) -> (i32, i32) {
    %c0_i32 = arith.constant 0 : i32
    %c0_i32_0 = arith.constant 0 : i32
    %c0_i32_1 = arith.constant 0 : i32
    return %c0_i32, %c0_i32_0 : i32, i32
  }
  func.func @transform_7(%arg0: i32) -> (i32, i32) {
    %c0_i32 = arith.constant 0 : i32
    %c0_i32_0 = arith.constant 0 : i32
    %c0_i32_1 = arith.constant 0 : i32
    return %c0_i32, %c0_i32_0 : i32, i32
  }
  func.func @transform_8(%arg0: i32) -> (i32, i32) {
    %c0_i32 = arith.constant 0 : i32
    %c0_i32_0 = arith.constant 0 : i32
    %c0_i32_1 = arith.constant 0 : i32
    return %c0_i32, %c0_i32_0 : i32, i32
  }
  func.func @transform_9(%arg0: i32) -> (i32, i32) {
    %c0_i32 = arith.constant 0 : i32
    %c0_i32_0 = arith.constant 0 : i32
    %c0_i32_1 = arith.constant 0 : i32
    return %c0_i32, %c0_i32_0 : i32, i32
  }
  func.func @transform_10(%arg0: i32) -> (i32, i32) {
    %c0_i32 = arith.constant 0 : i32
    %c0_i32_0 = arith.constant 0 : i32
    %c0_i32_1 = arith.constant 0 : i32
    return %c0_i32, %c0_i32_0 : i32, i32
  }
  func.func @transform_11(%arg0: i32) -> (i32, i32) {
    %c0_i32 = arith.constant 0 : i32
    %c0_i32_0 = arith.constant 0 : i32
    %c0_i32_1 = arith.constant 0 : i32
    return %c0_i32, %c0_i32_0 : i32, i32
  }
  func.func @transform_12(%arg0: i32) -> (i32, i32) {
    %c0_i32 = arith.constant 0 : i32
    %c0_i32_0 = arith.constant 0 : i32
    return %arg0, %c0_i32 : i32, i32
  }
  func.func @transform_13(%arg0: i32) -> (i32, i32) {
    %c0_i32 = arith.constant 0 : i32
    %c0_i32_0 = arith.constant 0 : i32
    return %arg0, %c0_i32 : i32, i32
  }
}

module attributes {stable_mosaic.version = 14 : i64} {
  func.func @_mid_body(%arg0: i32, %arg1: memref<2x1024x128xf32, #tpu.memory_space<vmem>>, %arg2: memref<1024x128xf32, #tpu.memory_space<vmem>>, %arg3: memref<1024x1xf32, #tpu.memory_space<vmem>>, %arg4: memref<1024x128xf32, #tpu.memory_space<vmem>>, %arg5: memref<1x128xf32, #tpu.memory_space<vmem>>, %arg6: memref<1x128xf32, #tpu.memory_space<vmem>>, %arg7: memref<1x128xf32, #tpu.memory_space<vmem>>, %arg8: memref<1x128xf32, #tpu.memory_space<vmem>>, %arg9: memref<1x128xf32, #tpu.memory_space<vmem>>, %arg10: memref<128x128xf32, #tpu.memory_space<vmem>>, %arg11: memref<1x128xf32, #tpu.memory_space<vmem>>, %arg12: memref<1x128xf32, #tpu.memory_space<vmem>>, %arg13: memref<1024x128xf32, #tpu.memory_space<vmem>>, %arg14: memref<1024x128xf32, #tpu.memory_space<vmem>>) attributes {dimension_semantics = [#tpu.dimension_semantics<arbitrary>], iteration_bounds = array<i64: 10>, scalar_prefetch = 0 : i64, scratch_operands = 0 : i64, tpu.core_type = #tpu.core_type<tc>, window_params = [{transform_indices = @transform_0, window_bounds = array<i64: 2, 1024, 128>}, {transform_indices = @transform_1, window_bounds = array<i64: 1024, 128>}, {transform_indices = @transform_2, window_bounds = array<i64: 1024, 1>}, {transform_indices = @transform_3, window_bounds = array<i64: 1024, 128>}, {pipeline_mode = #tpu.pipeline_mode<synchronous>, transform_indices = @transform_4, window_bounds = array<i64: 1, 128>}, {pipeline_mode = #tpu.pipeline_mode<synchronous>, transform_indices = @transform_5, window_bounds = array<i64: 1, 128>}, {pipeline_mode = #tpu.pipeline_mode<synchronous>, transform_indices = @transform_6, window_bounds = array<i64: 1, 128>}, {pipeline_mode = #tpu.pipeline_mode<synchronous>, transform_indices = @transform_7, window_bounds = array<i64: 1, 128>}, {pipeline_mode = #tpu.pipeline_mode<synchronous>, transform_indices = @transform_8, window_bounds = array<i64: 1, 128>}, {pipeline_mode = #tpu.pipeline_mode<synchronous>, transform_indices = @transform_9, window_bounds = array<i64: 128, 128>}, {pipeline_mode = #tpu.pipeline_mode<synchronous>, transform_indices = @transform_10, window_bounds = array<i64: 1, 128>}, {pipeline_mode = #tpu.pipeline_mode<synchronous>, transform_indices = @transform_11, window_bounds = array<i64: 1, 128>}, {transform_indices = @transform_12, window_bounds = array<i64: 1024, 128>}, {transform_indices = @transform_13, window_bounds = array<i64: 1024, 128>}]} {
    %get3A = arith.constant 0 : index
    %get3A_0 = arith.constant 0 : index
    %get3A_1 = vector.load %arg6[%get3A, %get3A_0] : memref<1x128xf32, #tpu.memory_space<vmem>>, vector<1x128xf32>
    %get3A_2 = arith.constant 0 : index
    %get3A_3 = arith.constant 0 : index
    %get3A_4 = vector.load %arg9[%get3A_2, %get3A_3] : memref<1x128xf32, #tpu.memory_space<vmem>>, vector<1x128xf32>
    %add3A = arith.constant 9.99999974E-6 : f32
    %add3A_5 = vector.broadcast %add3A : f32 to vector<1x128xf32>
    %add3A_6 = arith.addf %get3A_4, %add3A_5 : vector<1x128xf32>
    %rsqrt3A = math.rsqrt %add3A_6 : vector<1x128xf32>
    %mul3A = arith.mulf %get3A_1, %rsqrt3A : vector<1x128xf32>
    %get3A_7 = arith.constant 0 : index
    %get3A_8 = arith.constant 0 : index
    %get3A_9 = vector.load %arg5[%get3A_7, %get3A_8] : memref<1x128xf32, #tpu.memory_space<vmem>>, vector<1x128xf32>
    %mul3A_10 = arith.mulf %get3A_9, %mul3A : vector<1x128xf32>
    %get3A_11 = arith.constant 0 : index
    %get3A_12 = arith.constant 0 : index
    %get3A_13 = vector.load %arg7[%get3A_11, %get3A_12] : memref<1x128xf32, #tpu.memory_space<vmem>>, vector<1x128xf32>
    %add3A_14 = arith.addf %mul3A_10, %get3A_13 : vector<1x128xf32>
    %get3A_15 = arith.constant 0 : index
    %get3A_16 = arith.constant 0 : index
    %get3A_17 = vector.load %arg8[%get3A_15, %get3A_16] : memref<1x128xf32, #tpu.memory_space<vmem>>, vector<1x128xf32>
    %mul3A_18 = arith.mulf %get3A_17, %mul3A : vector<1x128xf32>
    %sub3A = arith.subf %add3A_14, %mul3A_18 : vector<1x128xf32>
    %get3A_19 = arith.constant 0 : index
    %get3A_20 = arith.constant 0 : index
    %get3A_21 = vector.load %arg3[%get3A_19, %get3A_20] : memref<1024x1xf32, #tpu.memory_space<vmem>>, vector<1024x1xf32>
    %get3A_22 = arith.constant 0 : index
    %get3A_23 = arith.constant 0 : index
    %get3A_24 = arith.constant 0 : index
    %get3A_25 = vector.load %arg1[%get3A_22, %get3A_23, %get3A_24] : memref<2x1024x128xf32, #tpu.memory_space<vmem>>, vector<1x1024x128xf32>
    %get3A_26 = vector.shape_cast %get3A_25 : vector<1x1024x128xf32> to vector<1024x128xf32>
    %get3A_27 = arith.constant 1 : index
    %get3A_28 = arith.constant 0 : index
    %get3A_29 = arith.constant 0 : index
    %get3A_30 = vector.load %arg1[%get3A_27, %get3A_28, %get3A_29] : memref<2x1024x128xf32, #tpu.memory_space<vmem>>, vector<1x1024x128xf32>
    %get3A_31 = vector.shape_cast %get3A_30 : vector<1x1024x128xf32> to vector<1024x128xf32>
    %add3A_32 = arith.addf %get3A_26, %get3A_31 : vector<1024x128xf32>
    %get3A_33 = arith.constant 0 : index
    %get3A_34 = arith.constant 0 : index
    %get3A_35 = vector.load %arg2[%get3A_33, %get3A_34] : memref<1024x128xf32, #tpu.memory_space<vmem>>, vector<1024x128xf32>
    %add3A_36 = arith.addf %add3A_32, %get3A_35 : vector<1024x128xf32>
    %mul3A_37 = vector.broadcast %get3A_21 : vector<1024x1xf32> to vector<1024x128xf32>
    %mul3A_38 = arith.mulf %mul3A_37, %add3A_36 : vector<1024x128xf32>
    %add3A_39 = vector.broadcast %sub3A : vector<1x128xf32> to vector<1024x128xf32>
    %add3A_40 = arith.addf %mul3A_38, %add3A_39 : vector<1024x128xf32>
    %max3A = arith.constant 0.000000e+00 : f32
    %max3A_41 = vector.broadcast %max3A : f32 to vector<1024x128xf32>
    %max3A_42 = arith.maximumf %add3A_40, %max3A_41 : vector<1024x128xf32>
    %get3A_43 = arith.constant 0 : index
    %get3A_44 = arith.constant 0 : index
    %get3A_45 = vector.load %arg4[%get3A_43, %get3A_44] : memref<1024x128xf32, #tpu.memory_space<vmem>>, vector<1024x128xf32>
    %add3A_46 = arith.addf %max3A_42, %get3A_45 : vector<1024x128xf32>
    %get3A_47 = arith.constant 0 : index
    %get3A_48 = arith.constant 0 : index
    %get3A_49 = vector.load %arg11[%get3A_47, %get3A_48] : memref<1x128xf32, #tpu.memory_space<vmem>>, vector<1x128xf32>
    %get3A_50 = arith.constant 0 : index
    %get3A_51 = arith.constant 0 : index
    %get3A_52 = vector.load %arg12[%get3A_50, %get3A_51] : memref<1x128xf32, #tpu.memory_space<vmem>>, vector<1x128xf32>
    %add3A_53 = arith.constant 9.99999974E-6 : f32
    %add3A_54 = vector.broadcast %add3A_53 : f32 to vector<1x128xf32>
    %add3A_55 = arith.addf %get3A_52, %add3A_54 : vector<1x128xf32>
    %rsqrt3A_56 = math.rsqrt %add3A_55 : vector<1x128xf32>
    %mul3A_57 = arith.mulf %get3A_49, %rsqrt3A_56 : vector<1x128xf32>
    %get3A_58 = arith.constant 0 : index
    %get3A_59 = arith.constant 0 : index
    %get3A_60 = vector.load %arg10[%get3A_58, %get3A_59] : memref<128x128xf32, #tpu.memory_space<vmem>>, vector<128x128xf32>
    %mul3A_61 = vector.broadcast %mul3A_57 : vector<1x128xf32> to vector<128x128xf32>
    %mul3A_62 = arith.mulf %get3A_60, %mul3A_61 : vector<128x128xf32>
    %dot_general3A = arith.constant dense<0.000000e+00> : vector<1024x128xf32>
    %dot_general3A_63 = tpu.matmul %add3A_46, %mul3A_62, %dot_general3A {dimension_numbers = #tpu.dot_dimension_numbers<[1], [0], [0], [1], [0, 0, 1, 1], [], []>, transpose_lhs_hint = false} : vector<1024x128xf32>, vector<128x128xf32>, vector<1024x128xf32> -> vector<1024x128xf32>
    %mul3A_64 = vector.broadcast %get3A_21 : vector<1024x1xf32> to vector<1024x128xf32>
    %mul3A_65 = arith.mulf %mul3A_64, %dot_general3A_63 : vector<1024x128xf32>
    %swap3A = arith.constant 0 : index
    %swap3A_66 = arith.constant 0 : index
    %swap3A_67 = vector.load %arg13[%swap3A, %swap3A_66] : memref<1024x128xf32, #tpu.memory_space<vmem>>, vector<1024x128xf32>
    tpu.vector_store %arg13[%swap3A, %swap3A_66], %add3A_46 {strides = array<i32>} : memref<1024x128xf32, #tpu.memory_space<vmem>>, vector<1024x128xf32>,
    %swap3A_68 = arith.constant 0 : index
    %swap3A_69 = arith.constant 0 : index
    %swap3A_70 = vector.load %arg14[%swap3A_68, %swap3A_69] : memref<1024x128xf32, #tpu.memory_space<vmem>>, vector<1024x128xf32>
    tpu.vector_store %arg14[%swap3A_68, %swap3A_69], %mul3A_65 {strides = array<i32>} : memref<1024x128xf32, #tpu.memory_space<vmem>>, vector<1024x128xf32>,
    return
  }
  func.func @transform_0(%arg0: i32) -> (i32, i32, i32) {
    %c0_i32 = arith.constant 0 : i32
    %c0_i32_0 = arith.constant 0 : i32
    %c0_i32_1 = arith.constant 0 : i32
    return %c0_i32, %arg0, %c0_i32_0 : i32, i32, i32
  }
  func.func @transform_1(%arg0: i32) -> (i32, i32) {
    %c0_i32 = arith.constant 0 : i32
    %c0_i32_0 = arith.constant 0 : i32
    return %arg0, %c0_i32 : i32, i32
  }
  func.func @transform_2(%arg0: i32) -> (i32, i32) {
    %c0_i32 = arith.constant 0 : i32
    %c0_i32_0 = arith.constant 0 : i32
    return %arg0, %c0_i32 : i32, i32
  }
  func.func @transform_3(%arg0: i32) -> (i32, i32) {
    %c0_i32 = arith.constant 0 : i32
    %c0_i32_0 = arith.constant 0 : i32
    return %arg0, %c0_i32 : i32, i32
  }
  func.func @transform_4(%arg0: i32) -> (i32, i32) {
    %c0_i32 = arith.constant 0 : i32
    %c0_i32_0 = arith.constant 0 : i32
    %c0_i32_1 = arith.constant 0 : i32
    return %c0_i32, %c0_i32_0 : i32, i32
  }
  func.func @transform_5(%arg0: i32) -> (i32, i32) {
    %c0_i32 = arith.constant 0 : i32
    %c0_i32_0 = arith.constant 0 : i32
    %c0_i32_1 = arith.constant 0 : i32
    return %c0_i32, %c0_i32_0 : i32, i32
  }
  func.func @transform_6(%arg0: i32) -> (i32, i32) {
    %c0_i32 = arith.constant 0 : i32
    %c0_i32_0 = arith.constant 0 : i32
    %c0_i32_1 = arith.constant 0 : i32
    return %c0_i32, %c0_i32_0 : i32, i32
  }
  func.func @transform_7(%arg0: i32) -> (i32, i32) {
    %c0_i32 = arith.constant 0 : i32
    %c0_i32_0 = arith.constant 0 : i32
    %c0_i32_1 = arith.constant 0 : i32
    return %c0_i32, %c0_i32_0 : i32, i32
  }
  func.func @transform_8(%arg0: i32) -> (i32, i32) {
    %c0_i32 = arith.constant 0 : i32
    %c0_i32_0 = arith.constant 0 : i32
    %c0_i32_1 = arith.constant 0 : i32
    return %c0_i32, %c0_i32_0 : i32, i32
  }
  func.func @transform_9(%arg0: i32) -> (i32, i32) {
    %c0_i32 = arith.constant 0 : i32
    %c0_i32_0 = arith.constant 0 : i32
    %c0_i32_1 = arith.constant 0 : i32
    return %c0_i32, %c0_i32_0 : i32, i32
  }
  func.func @transform_10(%arg0: i32) -> (i32, i32) {
    %c0_i32 = arith.constant 0 : i32
    %c0_i32_0 = arith.constant 0 : i32
    %c0_i32_1 = arith.constant 0 : i32
    return %c0_i32, %c0_i32_0 : i32, i32
  }
  func.func @transform_11(%arg0: i32) -> (i32, i32) {
    %c0_i32 = arith.constant 0 : i32
    %c0_i32_0 = arith.constant 0 : i32
    %c0_i32_1 = arith.constant 0 : i32
    return %c0_i32, %c0_i32_0 : i32, i32
  }
  func.func @transform_12(%arg0: i32) -> (i32, i32) {
    %c0_i32 = arith.constant 0 : i32
    %c0_i32_0 = arith.constant 0 : i32
    return %arg0, %c0_i32 : i32, i32
  }
  func.func @transform_13(%arg0: i32) -> (i32, i32) {
    %c0_i32 = arith.constant 0 : i32
    %c0_i32_0 = arith.constant 0 : i32
    return %arg0, %c0_i32 : i32, i32
  }
}

module attributes {stable_mosaic.version = 14 : i64} {
  func.func @_fin_body(%arg0: i32, %arg1: memref<2x1024x128xf32, #tpu.memory_space<vmem>>, %arg2: memref<1024x128xf32, #tpu.memory_space<vmem>>, %arg3: memref<1024x1xf32, #tpu.memory_space<vmem>>, %arg4: memref<1024x128xf32, #tpu.memory_space<vmem>>, %arg5: memref<1x128xf32, #tpu.memory_space<vmem>>, %arg6: memref<1x128xf32, #tpu.memory_space<vmem>>, %arg7: memref<1x128xf32, #tpu.memory_space<vmem>>, %arg8: memref<1x128xf32, #tpu.memory_space<vmem>>, %arg9: memref<1x128xf32, #tpu.memory_space<vmem>>, %arg10: memref<1024x1xi32, #tpu.memory_space<vmem>>, %arg11: memref<256x64xf32, #tpu.memory_space<vmem>>, %arg12: memref<1x64xf32, #tpu.memory_space<vmem>>, %arg13: memref<1x64xf32, #tpu.memory_space<vmem>>, %arg14: memref<1x64xf32, #tpu.memory_space<vmem>>, %arg15: memref<1x64xf32, #tpu.memory_space<vmem>>, %arg16: memref<1x64xf32, #tpu.memory_space<vmem>>, %arg17: memref<64x2xf32, #tpu.memory_space<vmem>>, %arg18: memref<1x2xf32, #tpu.memory_space<vmem>>, %arg19: memref<64x2xf32, #tpu.memory_space<vmem>>, %arg20: memref<64x128xf32, #tpu.memory_space<vmem>>, %arg21: memref<64x128xf32, #tpu.memory_space<vmem>>, %arg22: memref<64x128xf32, #tpu.memory_space<vmem>>) attributes {dimension_semantics = [#tpu.dimension_semantics<arbitrary>], iteration_bounds = array<i64: 10>, scalar_prefetch = 0 : i64, scratch_operands = 3 : i64, tpu.core_type = #tpu.core_type<tc>, window_params = [{transform_indices = @transform_0, window_bounds = array<i64: 2, 1024, 128>}, {transform_indices = @transform_1, window_bounds = array<i64: 1024, 128>}, {transform_indices = @transform_2, window_bounds = array<i64: 1024, 1>}, {transform_indices = @transform_3, window_bounds = array<i64: 1024, 128>}, {pipeline_mode = #tpu.pipeline_mode<synchronous>, transform_indices = @transform_4, window_bounds = array<i64: 1, 128>}, {pipeline_mode = #tpu.pipeline_mode<synchronous>, transform_indices = @transform_5, window_bounds = array<i64: 1, 128>}, {pipeline_mode = #tpu.pipeline_mode<synchronous>, transform_indices = @transform_6, window_bounds = array<i64: 1, 128>}, {pipeline_mode = #tpu.pipeline_mode<synchronous>, transform_indices = @transform_7, window_bounds = array<i64: 1, 128>}, {pipeline_mode = #tpu.pipeline_mode<synchronous>, transform_indices = @transform_8, window_bounds = array<i64: 1, 128>}, {transform_indices = @transform_9, window_bounds = array<i64: 1024, 1>}, {pipeline_mode = #tpu.pipeline_mode<synchronous>, transform_indices = @transform_10, window_bounds = array<i64: 256, 64>}, {pipeline_mode = #tpu.pipeline_mode<synchronous>, transform_indices = @transform_11, window_bounds = array<i64: 1, 64>}, {pipeline_mode = #tpu.pipeline_mode<synchronous>, transform_indices = @transform_12, window_bounds = array<i64: 1, 64>}, {pipeline_mode = #tpu.pipeline_mode<synchronous>, transform_indices = @transform_13, window_bounds = array<i64: 1, 64>}, {pipeline_mode = #tpu.pipeline_mode<synchronous>, transform_indices = @transform_14, window_bounds = array<i64: 1, 64>}, {pipeline_mode = #tpu.pipeline_mode<synchronous>, transform_indices = @transform_15, window_bounds = array<i64: 1, 64>}, {pipeline_mode = #tpu.pipeline_mode<synchronous>, transform_indices = @transform_16, window_bounds = array<i64: 64, 2>}, {pipeline_mode = #tpu.pipeline_mode<synchronous>, transform_indices = @transform_17, window_bounds = array<i64: 1, 2>}, {pipeline_mode = #tpu.pipeline_mode<synchronous>, transform_indices = @transform_18, window_bounds = array<i64: 64, 2>}]} {
    %eq3A = arith.constant 0 : i32
    %eq3A_0 = arith.cmpi eq, %arg0, %eq3A : i32
    %convert_element_type3A = arith.extui %eq3A_0 : i1 to i32
    %cond3A = arith.constant 0 : i32
    %cond3A_1 = arith.cmpi ne, %convert_element_type3A, %cond3A : i32
    scf.if %cond3A_1 {
      %broadcast_in_dim3A_96 = arith.constant 0.000000e+00 : f32
      %broadcast_in_dim3A_97 = vector.broadcast %broadcast_in_dim3A_96 : f32 to vector<64x128xf32>
      %swap3A_98 = arith.constant 0 : index
      %swap3A_99 = arith.constant 0 : index
      %swap3A_100 = vector.load %arg20[%swap3A_98, %swap3A_99] : memref<64x128xf32, #tpu.memory_space<vmem>>, vector<64x128xf32>
      tpu.vector_store %arg20[%swap3A_98, %swap3A_99], %broadcast_in_dim3A_97 {strides = array<i32>} : memref<64x128xf32, #tpu.memory_space<vmem>>, vector<64x128xf32>,
      %broadcast_in_dim3A_101 = arith.constant 0.000000e+00 : f32
      %broadcast_in_dim3A_102 = vector.broadcast %broadcast_in_dim3A_101 : f32 to vector<64x128xf32>
      %swap3A_103 = arith.constant 0 : index
      %swap3A_104 = arith.constant 0 : index
      %swap3A_105 = vector.load %arg21[%swap3A_103, %swap3A_104] : memref<64x128xf32, #tpu.memory_space<vmem>>, vector<64x128xf32>
      tpu.vector_store %arg21[%swap3A_103, %swap3A_104], %broadcast_in_dim3A_102 {strides = array<i32>} : memref<64x128xf32, #tpu.memory_space<vmem>>, vector<64x128xf32>,
      %broadcast_in_dim3A_106 = arith.constant 0xFF800000 : f32
      %broadcast_in_dim3A_107 = vector.broadcast %broadcast_in_dim3A_106 : f32 to vector<64x128xf32>
      %swap3A_108 = arith.constant 0 : index
      %swap3A_109 = arith.constant 0 : index
      %swap3A_110 = vector.load %arg22[%swap3A_108, %swap3A_109] : memref<64x128xf32, #tpu.memory_space<vmem>>, vector<64x128xf32>
      tpu.vector_store %arg22[%swap3A_108, %swap3A_109], %broadcast_in_dim3A_107 {strides = array<i32>} : memref<64x128xf32, #tpu.memory_space<vmem>>, vector<64x128xf32>,
    } else {
    }
    %get3A = arith.constant 0 : index
    %get3A_2 = arith.constant 0 : index
    %get3A_3 = vector.load %arg6[%get3A, %get3A_2] : memref<1x128xf32, #tpu.memory_space<vmem>>, vector<1x128xf32>
    %get3A_4 = arith.constant 0 : index
    %get3A_5 = arith.constant 0 : index
    %get3A_6 = vector.load %arg9[%get3A_4, %get3A_5] : memref<1x128xf32, #tpu.memory_space<vmem>>, vector<1x128xf32>
    %add3A = arith.constant 9.99999974E-6 : f32
    %add3A_7 = vector.broadcast %add3A : f32 to vector<1x128xf32>
    %add3A_8 = arith.addf %get3A_6, %add3A_7 : vector<1x128xf32>
    %rsqrt3A = math.rsqrt %add3A_8 : vector<1x128xf32>
    %mul3A = arith.mulf %get3A_3, %rsqrt3A : vector<1x128xf32>
    %get3A_9 = arith.constant 0 : index
    %get3A_10 = arith.constant 0 : index
    %get3A_11 = vector.load %arg5[%get3A_9, %get3A_10] : memref<1x128xf32, #tpu.memory_space<vmem>>, vector<1x128xf32>
    %mul3A_12 = arith.mulf %get3A_11, %mul3A : vector<1x128xf32>
    %get3A_13 = arith.constant 0 : index
    %get3A_14 = arith.constant 0 : index
    %get3A_15 = vector.load %arg7[%get3A_13, %get3A_14] : memref<1x128xf32, #tpu.memory_space<vmem>>, vector<1x128xf32>
    %add3A_16 = arith.addf %mul3A_12, %get3A_15 : vector<1x128xf32>
    %get3A_17 = arith.constant 0 : index
    %get3A_18 = arith.constant 0 : index
    %get3A_19 = vector.load %arg8[%get3A_17, %get3A_18] : memref<1x128xf32, #tpu.memory_space<vmem>>, vector<1x128xf32>
    %mul3A_20 = arith.mulf %get3A_19, %mul3A : vector<1x128xf32>
    %sub3A = arith.subf %add3A_16, %mul3A_20 : vector<1x128xf32>
    %get3A_21 = arith.constant 0 : index
    %get3A_22 = arith.constant 0 : index
    %get3A_23 = vector.load %arg3[%get3A_21, %get3A_22] : memref<1024x1xf32, #tpu.memory_space<vmem>>, vector<1024x1xf32>
    %get3A_24 = arith.constant 0 : index
    %get3A_25 = arith.constant 0 : index
    %get3A_26 = arith.constant 0 : index
    %get3A_27 = vector.load %arg1[%get3A_24, %get3A_25, %get3A_26] : memref<2x1024x128xf32, #tpu.memory_space<vmem>>, vector<1x1024x128xf32>
    %get3A_28 = vector.shape_cast %get3A_27 : vector<1x1024x128xf32> to vector<1024x128xf32>
    %get3A_29 = arith.constant 1 : index
    %get3A_30 = arith.constant 0 : index
    %get3A_31 = arith.constant 0 : index
    %get3A_32 = vector.load %arg1[%get3A_29, %get3A_30, %get3A_31] : memref<2x1024x128xf32, #tpu.memory_space<vmem>>, vector<1x1024x128xf32>
    %get3A_33 = vector.shape_cast %get3A_32 : vector<1x1024x128xf32> to vector<1024x128xf32>
    %add3A_34 = arith.addf %get3A_28, %get3A_33 : vector<1024x128xf32>
    %get3A_35 = arith.constant 0 : index
    %get3A_36 = arith.constant 0 : index
    %get3A_37 = vector.load %arg2[%get3A_35, %get3A_36] : memref<1024x128xf32, #tpu.memory_space<vmem>>, vector<1024x128xf32>
    %add3A_38 = arith.addf %add3A_34, %get3A_37 : vector<1024x128xf32>
    %mul3A_39 = vector.broadcast %get3A_23 : vector<1024x1xf32> to vector<1024x128xf32>
    %mul3A_40 = arith.mulf %mul3A_39, %add3A_38 : vector<1024x128xf32>
    %add3A_41 = vector.broadcast %sub3A : vector<1x128xf32> to vector<1024x128xf32>
    %add3A_42 = arith.addf %mul3A_40, %add3A_41 : vector<1024x128xf32>
    %get3A_43 = arith.constant 0 : index
    %get3A_44 = arith.constant 0 : index
    %get3A_45 = vector.load %arg4[%get3A_43, %get3A_44] : memref<1024x128xf32, #tpu.memory_space<vmem>>, vector<1024x128xf32>
    %add3A_46 = arith.addf %add3A_42, %get3A_45 : vector<1024x128xf32>
    %get3A_47 = arith.constant 0 : index
    %get3A_48 = arith.constant 0 : index
    %get3A_49 = vector.load %arg10[%get3A_47, %get3A_48] : memref<1024x1xi32, #tpu.memory_space<vmem>>, vector<1024x1xi32>
    %iota3A = tpu.iota {dimensions = array<i32: 1>} : vector<1024x64xi32>
    %eq3A_50 = vector.broadcast %get3A_49 : vector<1024x1xi32> to vector<1024x64xi32>
    %eq3A_51 = arith.cmpi eq, %eq3A_50, %iota3A : vector<1024x64xi32>
    %convert_element_type3A_52 = arith.extui %eq3A_51 : vector<1024x64xi1> to vector<1024x64xi32>
    %convert_element_type3A_53 = arith.sitofp %convert_element_type3A_52 : vector<1024x64xi32> to vector<1024x64xf32>
    %get3A_54 = arith.constant 0 : index
    %get3A_55 = arith.constant 0 : index
    %get3A_56 = vector.load %arg20[%get3A_54, %get3A_55] : memref<64x128xf32, #tpu.memory_space<vmem>>, vector<64x128xf32>
    %dot_general3A = arith.constant dense<0.000000e+00> : vector<64x128xf32>
    %dot_general3A_57 = tpu.matmul %convert_element_type3A_53, %add3A_46, %dot_general3A {dimension_numbers = #tpu.dot_dimension_numbers<[0], [0], [1], [1], [0, 1, 1, 1], [], []>, transpose_lhs_hint = false} : vector<1024x64xf32>, vector<1024x128xf32>, vector<64x128xf32> -> vector<64x128xf32>
    %add3A_58 = arith.addf %get3A_56, %dot_general3A_57 : vector<64x128xf32>
    %swap3A = arith.constant 0 : index
    %swap3A_59 = arith.constant 0 : index
    %swap3A_60 = vector.load %arg20[%swap3A, %swap3A_59] : memref<64x128xf32, #tpu.memory_space<vmem>>, vector<64x128xf32>
    tpu.vector_store %arg20[%swap3A, %swap3A_59], %add3A_58 {strides = array<i32>} : memref<64x128xf32, #tpu.memory_space<vmem>>, vector<64x128xf32>,
    %get3A_61 = arith.constant 0 : index
    %get3A_62 = arith.constant 0 : index
    %get3A_63 = vector.load %arg21[%get3A_61, %get3A_62] : memref<64x128xf32, #tpu.memory_space<vmem>>, vector<64x128xf32>
    %broadcast_in_dim3A = arith.constant 1.000000e+00 : f32
    %broadcast_in_dim3A_64 = vector.broadcast %broadcast_in_dim3A : f32 to vector<1024x128xf32>
    %dot_general3A_65 = arith.constant dense<0.000000e+00> : vector<64x128xf32>
    %dot_general3A_66 = tpu.matmul %convert_element_type3A_53, %broadcast_in_dim3A_64, %dot_general3A_65 {dimension_numbers = #tpu.dot_dimension_numbers<[0], [0], [1], [1], [0, 1, 1, 1], [], []>, transpose_lhs_hint = false} : vector<1024x64xf32>, vector<1024x128xf32>, vector<64x128xf32> -> vector<64x128xf32>
    %add3A_67 = arith.addf %get3A_63, %dot_general3A_66 : vector<64x128xf32>
    %swap3A_68 = arith.constant 0 : index
    %swap3A_69 = arith.constant 0 : index
    %swap3A_70 = vector.load %arg21[%swap3A_68, %swap3A_69] : memref<64x128xf32, #tpu.memory_space<vmem>>, vector<64x128xf32>
    tpu.vector_store %arg21[%swap3A_68, %swap3A_69], %add3A_67 {strides = array<i32>} : memref<64x128xf32, #tpu.memory_space<vmem>>, vector<64x128xf32>,
    %iota3A_71 = tpu.iota {dimensions = array<i32: 0>} : vector<64x1xi32>
    %slice3A = vector.extract_strided_slice %get3A_49 {offsets = [0, 0], sizes = [1, 1], strides = [1, 1]} : vector<1024x1xi32> to vector<1x1xi32>
    %squeeze3A = vector.extract %slice3A[0, 0] : i32 from vector<1x1xi32>
    %slice3A_72 = vector.extract_strided_slice %get3A_49 {offsets = [1023, 0], sizes = [1, 1], strides = [1, 1]} : vector<1024x1xi32> to vector<1x1xi32>
    %squeeze3A_73 = vector.extract %slice3A_72[0, 0] : i32 from vector<1x1xi32>
    %add3A_74 = arith.constant 1 : i32
    %add3A_75 = arith.addi %squeeze3A_73, %add3A_74 : i32
    %get3A_76 = arith.constant 0 : index
    %get3A_77 = arith.constant 0 : index
    %get3A_78 = vector.load %arg22[%get3A_76, %get3A_77] : memref<64x128xf32, #tpu.memory_space<vmem>>, vector<64x128xf32>
    %while3A = arith.subi %add3A_75, %squeeze3A : i32
    %while3A_79 = arith.addi %squeeze3A, %while3A : i32
    %while3A_80 = arith.constant 1 : i32
    %while3A_81 = arith.divsi %while3A, %while3A_80 : i32
    %while3A_82 = arith.muli %while3A_81, %while3A_80 : i32
    %while3A_83 = arith.addi %squeeze3A, %while3A_82 : i32
    %while3A_84 = arith.constant 1 : i32
    %while3A_85 = scf.for %while3A_96 = %squeeze3A to %while3A_83 step %while3A_84 iter_args(%while3A_97 = %get3A_78) -> (vector<64x128xf32>)  : i32 {
      %eq3A_98 = vector.broadcast %while3A_96 : i32 to vector<1024x1xi32>
      %eq3A_99 = arith.cmpi eq, %get3A_49, %eq3A_98 : vector<1024x1xi32>
      %jit3A = arith.constant 0xFF800000 : f32
      %broadcast_in_dim3A_100 = vector.shape_cast %eq3A_99 : vector<1024x1xi1> to vector<1024x1xi1>
      %broadcast_in_dim3A_101 = vector.broadcast %broadcast_in_dim3A_100 : vector<1024x1xi1> to vector<1024x128xi1>
      %broadcast_in_dim3A_102 = vector.broadcast %jit3A : f32 to vector<1024x128xf32>
      %select_n3A = arith.select %broadcast_in_dim3A_101, %add3A_46, %broadcast_in_dim3A_102 : vector<1024x128xi1>, vector<1024x128xf32>
      %reduce_max3A = arith.constant dense<0xFF800000> : vector<128xf32>
      %reduce_max3A_103 = vector.multi_reduction <maximumf>, %select_n3A, %reduce_max3A [0] : vector<1024x128xf32> to vector<128xf32>
      %broadcast_in_dim3A_104 = vector.shape_cast %reduce_max3A_103 : vector<128xf32> to vector<1x128xf32>
      %eq3A_105 = vector.broadcast %while3A_96 : i32 to vector<64x1xi32>
      %eq3A_106 = arith.cmpi eq, %iota3A_71, %eq3A_105 : vector<64x1xi32>
      %max3A = vector.broadcast %broadcast_in_dim3A_104 : vector<1x128xf32> to vector<64x128xf32>
      %max3A_107 = arith.maximumf %while3A_97, %max3A : vector<64x128xf32>
      %broadcast_in_dim3A_108 = vector.shape_cast %eq3A_106 : vector<64x1xi1> to vector<64x1xi1>
      %broadcast_in_dim3A_109 = vector.broadcast %broadcast_in_dim3A_108 : vector<64x1xi1> to vector<64x128xi1>
      %select_n3A_110 = arith.select %broadcast_in_dim3A_109, %max3A_107, %while3A_97 : vector<64x128xi1>, vector<64x128xf32>
      scf.yield %select_n3A_110 : vector<64x128xf32>
    }
    %while3A_86 = arith.constant 1 : i32
    %while3A_87 = scf.for %while3A_96 = %while3A_83 to %while3A_79 step %while3A_86 iter_args(%while3A_97 = %while3A_85) -> (vector<64x128xf32>)  : i32 {
      %eq3A_98 = vector.broadcast %while3A_96 : i32 to vector<1024x1xi32>
      %eq3A_99 = arith.cmpi eq, %get3A_49, %eq3A_98 : vector<1024x1xi32>
      %jit3A = arith.constant 0xFF800000 : f32
      %broadcast_in_dim3A_100 = vector.shape_cast %eq3A_99 : vector<1024x1xi1> to vector<1024x1xi1>
      %broadcast_in_dim3A_101 = vector.broadcast %broadcast_in_dim3A_100 : vector<1024x1xi1> to vector<1024x128xi1>
      %broadcast_in_dim3A_102 = vector.broadcast %jit3A : f32 to vector<1024x128xf32>
      %select_n3A = arith.select %broadcast_in_dim3A_101, %add3A_46, %broadcast_in_dim3A_102 : vector<1024x128xi1>, vector<1024x128xf32>
      %reduce_max3A = arith.constant dense<0xFF800000> : vector<128xf32>
      %reduce_max3A_103 = vector.multi_reduction <maximumf>, %select_n3A, %reduce_max3A [0] : vector<1024x128xf32> to vector<128xf32>
      %broadcast_in_dim3A_104 = vector.shape_cast %reduce_max3A_103 : vector<128xf32> to vector<1x128xf32>
      %eq3A_105 = vector.broadcast %while3A_96 : i32 to vector<64x1xi32>
      %eq3A_106 = arith.cmpi eq, %iota3A_71, %eq3A_105 : vector<64x1xi32>
      %max3A = vector.broadcast %broadcast_in_dim3A_104 : vector<1x128xf32> to vector<64x128xf32>
      %max3A_107 = arith.maximumf %while3A_97, %max3A : vector<64x128xf32>
      %broadcast_in_dim3A_108 = vector.shape_cast %eq3A_106 : vector<64x1xi1> to vector<64x1xi1>
      %broadcast_in_dim3A_109 = vector.broadcast %broadcast_in_dim3A_108 : vector<64x1xi1> to vector<64x128xi1>
      %select_n3A_110 = arith.select %broadcast_in_dim3A_109, %max3A_107, %while3A_97 : vector<64x128xi1>, vector<64x128xf32>
      scf.yield %select_n3A_110 : vector<64x128xf32>
    }
    %swap3A_88 = arith.constant 0 : index
    %swap3A_89 = arith.constant 0 : index
    %swap3A_90 = vector.load %arg22[%swap3A_88, %swap3A_89] : memref<64x128xf32, #tpu.memory_space<vmem>>, vector<64x128xf32>
    tpu.vector_store %arg22[%swap3A_88, %swap3A_89], %while3A_87 {strides = array<i32>} : memref<64x128xf32, #tpu.memory_space<vmem>>, vector<64x128xf32>,
    %eq3A_91 = arith.constant 9 : i32
    %eq3A_92 = arith.cmpi eq, %arg0, %eq3A_91 : i32
    %convert_element_type3A_93 = arith.extui %eq3A_92 : i1 to i32
    %cond3A_94 = arith.constant 0 : i32
    %cond3A_95 = arith.cmpi ne, %convert_element_type3A_93, %cond3A_94 : i32
    scf.if %cond3A_95 {
      %get3A_96 = arith.constant 0 : index
      %get3A_97 = arith.constant 0 : index
      %get3A_98 = vector.load %arg20[%get3A_96, %get3A_97] : memref<64x128xf32, #tpu.memory_space<vmem>>, vector<64x128xf32>
      %get3A_99 = arith.constant 0 : index
      %get3A_100 = arith.constant 0 : index
      %get3A_101 = vector.load %arg21[%get3A_99, %get3A_100] : memref<64x128xf32, #tpu.memory_space<vmem>>, vector<64x128xf32>
      %max3A = arith.constant 1.000000e+00 : f32
      %max3A_102 = vector.broadcast %max3A : f32 to vector<64x128xf32>
      %max3A_103 = arith.maximumf %get3A_101, %max3A_102 : vector<64x128xf32>
      %div3A = arith.divf %get3A_98, %max3A_103 : vector<64x128xf32>
      %get3A_104 = arith.constant 0 : index
      %get3A_105 = arith.constant 0 : index
      %get3A_106 = vector.load %arg11[%get3A_104, %get3A_105] : memref<256x64xf32, #tpu.memory_space<vmem>>, vector<256x64xf32>
      %slice3A_107 = vector.extract_strided_slice %get3A_106 {offsets = [0, 0], sizes = [128, 64], strides = [1, 1]} : vector<256x64xf32> to vector<128x64xf32>
      %dot_general3A_108 = arith.constant dense<0.000000e+00> : vector<64x64xf32>
      %dot_general3A_109 = tpu.matmul %div3A, %slice3A_107, %dot_general3A_108 {dimension_numbers = #tpu.dot_dimension_numbers<[1], [0], [0], [1], [0, 0, 1, 1], [], []>, transpose_lhs_hint = false} : vector<64x128xf32>, vector<128x64xf32>, vector<64x64xf32> -> vector<64x64xf32>
      %get3A_110 = arith.constant 0 : index
      %get3A_111 = arith.constant 0 : index
      %get3A_112 = vector.load %arg22[%get3A_110, %get3A_111] : memref<64x128xf32, #tpu.memory_space<vmem>>, vector<64x128xf32>
      %get3A_113 = arith.constant 0 : index
      %get3A_114 = arith.constant 0 : index
      %get3A_115 = vector.load %arg11[%get3A_113, %get3A_114] : memref<256x64xf32, #tpu.memory_space<vmem>>, vector<256x64xf32>
      %slice3A_116 = vector.extract_strided_slice %get3A_115 {offsets = [128, 0], sizes = [128, 64], strides = [1, 1]} : vector<256x64xf32> to vector<128x64xf32>
      %dot_general3A_117 = arith.constant dense<0.000000e+00> : vector<64x64xf32>
      %dot_general3A_118 = tpu.matmul %get3A_112, %slice3A_116, %dot_general3A_117 {dimension_numbers = #tpu.dot_dimension_numbers<[1], [0], [0], [1], [0, 0, 1, 1], [], []>, transpose_lhs_hint = false} : vector<64x128xf32>, vector<128x64xf32>, vector<64x64xf32> -> vector<64x64xf32>
      %add3A_119 = arith.addf %dot_general3A_109, %dot_general3A_118 : vector<64x64xf32>
      %get3A_120 = arith.constant 0 : index
      %get3A_121 = arith.constant 0 : index
      %get3A_122 = vector.load %arg12[%get3A_120, %get3A_121] : memref<1x64xf32, #tpu.memory_space<vmem>>, vector<1x64xf32>
      %add3A_123 = vector.broadcast %get3A_122 : vector<1x64xf32> to vector<64x64xf32>
      %add3A_124 = arith.addf %add3A_119, %add3A_123 : vector<64x64xf32>
      %max3A_125 = arith.constant 0.000000e+00 : f32
      %max3A_126 = vector.broadcast %max3A_125 : f32 to vector<64x64xf32>
      %max3A_127 = arith.maximumf %add3A_124, %max3A_126 : vector<64x64xf32>
      %get3A_128 = arith.constant 0 : index
      %get3A_129 = arith.constant 0 : index
      %get3A_130 = vector.load %arg15[%get3A_128, %get3A_129] : memref<1x64xf32, #tpu.memory_space<vmem>>, vector<1x64xf32>
      %sub3A_131 = vector.broadcast %get3A_130 : vector<1x64xf32> to vector<64x64xf32>
      %sub3A_132 = arith.subf %max3A_127, %sub3A_131 : vector<64x64xf32>
      %get3A_133 = arith.constant 0 : index
      %get3A_134 = arith.constant 0 : index
      %get3A_135 = vector.load %arg16[%get3A_133, %get3A_134] : memref<1x64xf32, #tpu.memory_space<vmem>>, vector<1x64xf32>
      %add3A_136 = arith.constant 9.99999974E-6 : f32
      %add3A_137 = vector.broadcast %add3A_136 : f32 to vector<1x64xf32>
      %add3A_138 = arith.addf %get3A_135, %add3A_137 : vector<1x64xf32>
      %rsqrt3A_139 = math.rsqrt %add3A_138 : vector<1x64xf32>
      %mul3A_140 = vector.broadcast %rsqrt3A_139 : vector<1x64xf32> to vector<64x64xf32>
      %mul3A_141 = arith.mulf %sub3A_132, %mul3A_140 : vector<64x64xf32>
      %get3A_142 = arith.constant 0 : index
      %get3A_143 = arith.constant 0 : index
      %get3A_144 = vector.load %arg13[%get3A_142, %get3A_143] : memref<1x64xf32, #tpu.memory_space<vmem>>, vector<1x64xf32>
      %mul3A_145 = vector.broadcast %get3A_144 : vector<1x64xf32> to vector<64x64xf32>
      %mul3A_146 = arith.mulf %mul3A_141, %mul3A_145 : vector<64x64xf32>
      %get3A_147 = arith.constant 0 : index
      %get3A_148 = arith.constant 0 : index
      %get3A_149 = vector.load %arg14[%get3A_147, %get3A_148] : memref<1x64xf32, #tpu.memory_space<vmem>>, vector<1x64xf32>
      %add3A_150 = vector.broadcast %get3A_149 : vector<1x64xf32> to vector<64x64xf32>
      %add3A_151 = arith.addf %mul3A_146, %add3A_150 : vector<64x64xf32>
      %get3A_152 = arith.constant 0 : index
      %get3A_153 = arith.constant 0 : index
      %get3A_154 = vector.load %arg17[%get3A_152, %get3A_153] : memref<64x2xf32, #tpu.memory_space<vmem>>, vector<64x2xf32>
      %dot_general3A_155 = arith.constant dense<0.000000e+00> : vector<64x2xf32>
      %dot_general3A_156 = tpu.matmul %add3A_151, %get3A_154, %dot_general3A_155 {dimension_numbers = #tpu.dot_dimension_numbers<[1], [0], [0], [1], [0, 0, 1, 1], [], []>, transpose_lhs_hint = false} : vector<64x64xf32>, vector<64x2xf32>, vector<64x2xf32> -> vector<64x2xf32>
      %get3A_157 = arith.constant 0 : index
      %get3A_158 = arith.constant 0 : index
      %get3A_159 = vector.load %arg18[%get3A_157, %get3A_158] : memref<1x2xf32, #tpu.memory_space<vmem>>, vector<1x2xf32>
      %add3A_160 = vector.broadcast %get3A_159 : vector<1x2xf32> to vector<64x2xf32>
      %add3A_161 = arith.addf %dot_general3A_156, %add3A_160 : vector<64x2xf32>
      %swap3A_162 = arith.constant 0 : index
      %swap3A_163 = arith.constant 0 : index
      %swap3A_164 = vector.load %arg19[%swap3A_162, %swap3A_163] : memref<64x2xf32, #tpu.memory_space<vmem>>, vector<64x2xf32>
      tpu.vector_store %arg19[%swap3A_162, %swap3A_163], %add3A_161 {strides = array<i32>} : memref<64x2xf32, #tpu.memory_space<vmem>>, vector<64x2xf32>,
    } else {
    }
    return
  }
  func.func @transform_0(%arg0: i32) -> (i32, i32, i32) {
    %c0_i32 = arith.constant 0 : i32
    %c0_i32_0 = arith.constant 0 : i32
    %c0_i32_1 = arith.constant 0 : i32
    return %c0_i32, %arg0, %c0_i32_0 : i32, i32, i32
  }
  func.func @transform_1(%arg0: i32) -> (i32, i32) {
    %c0_i32 = arith.constant 0 : i32
    %c0_i32_0 = arith.constant 0 : i32
    return %arg0, %c0_i32 : i32, i32
  }
  func.func @transform_2(%arg0: i32) -> (i32, i32) {
    %c0_i32 = arith.constant 0 : i32
    %c0_i32_0 = arith.constant 0 : i32
    return %arg0, %c0_i32 : i32, i32
  }
  func.func @transform_3(%arg0: i32) -> (i32, i32) {
    %c0_i32 = arith.constant 0 : i32
    %c0_i32_0 = arith.constant 0 : i32
    return %arg0, %c0_i32 : i32, i32
  }
  func.func @transform_4(%arg0: i32) -> (i32, i32) {
    %c0_i32 = arith.constant 0 : i32
    %c0_i32_0 = arith.constant 0 : i32
    %c0_i32_1 = arith.constant 0 : i32
    return %c0_i32, %c0_i32_0 : i32, i32
  }
  func.func @transform_5(%arg0: i32) -> (i32, i32) {
    %c0_i32 = arith.constant 0 : i32
    %c0_i32_0 = arith.constant 0 : i32
    %c0_i32_1 = arith.constant 0 : i32
    return %c0_i32, %c0_i32_0 : i32, i32
  }
  func.func @transform_6(%arg0: i32) -> (i32, i32) {
    %c0_i32 = arith.constant 0 : i32
    %c0_i32_0 = arith.constant 0 : i32
    %c0_i32_1 = arith.constant 0 : i32
    return %c0_i32, %c0_i32_0 : i32, i32
  }
  func.func @transform_7(%arg0: i32) -> (i32, i32) {
    %c0_i32 = arith.constant 0 : i32
    %c0_i32_0 = arith.constant 0 : i32
    %c0_i32_1 = arith.constant 0 : i32
    return %c0_i32, %c0_i32_0 : i32, i32
  }
  func.func @transform_8(%arg0: i32) -> (i32, i32) {
    %c0_i32 = arith.constant 0 : i32
    %c0_i32_0 = arith.constant 0 : i32
    %c0_i32_1 = arith.constant 0 : i32
    return %c0_i32, %c0_i32_0 : i32, i32
  }
  func.func @transform_9(%arg0: i32) -> (i32, i32) {
    %c0_i32 = arith.constant 0 : i32
    %c0_i32_0 = arith.constant 0 : i32
    return %arg0, %c0_i32 : i32, i32
  }
  func.func @transform_10(%arg0: i32) -> (i32, i32) {
    %c0_i32 = arith.constant 0 : i32
    %c0_i32_0 = arith.constant 0 : i32
    %c0_i32_1 = arith.constant 0 : i32
    return %c0_i32, %c0_i32_0 : i32, i32
  }
  func.func @transform_11(%arg0: i32) -> (i32, i32) {
    %c0_i32 = arith.constant 0 : i32
    %c0_i32_0 = arith.constant 0 : i32
    %c0_i32_1 = arith.constant 0 : i32
    return %c0_i32, %c0_i32_0 : i32, i32
  }
  func.func @transform_12(%arg0: i32) -> (i32, i32) {
    %c0_i32 = arith.constant 0 : i32
    %c0_i32_0 = arith.constant 0 : i32
    %c0_i32_1 = arith.constant 0 : i32
    return %c0_i32, %c0_i32_0 : i32, i32
  }
  func.func @transform_13(%arg0: i32) -> (i32, i32) {
    %c0_i32 = arith.constant 0 : i32
    %c0_i32_0 = arith.constant 0 : i32
    %c0_i32_1 = arith.constant 0 : i32
    return %c0_i32, %c0_i32_0 : i32, i32
  }
  func.func @transform_14(%arg0: i32) -> (i32, i32) {
    %c0_i32 = arith.constant 0 : i32
    %c0_i32_0 = arith.constant 0 : i32
    %c0_i32_1 = arith.constant 0 : i32
    return %c0_i32, %c0_i32_0 : i32, i32
  }
  func.func @transform_15(%arg0: i32) -> (i32, i32) {
    %c0_i32 = arith.constant 0 : i32
    %c0_i32_0 = arith.constant 0 : i32
    %c0_i32_1 = arith.constant 0 : i32
    return %c0_i32, %c0_i32_0 : i32, i32
  }
  func.func @transform_16(%arg0: i32) -> (i32, i32) {
    %c0_i32 = arith.constant 0 : i32
    %c0_i32_0 = arith.constant 0 : i32
    %c0_i32_1 = arith.constant 0 : i32
    return %c0_i32, %c0_i32_0 : i32, i32
  }
  func.func @transform_17(%arg0: i32) -> (i32, i32) {
    %c0_i32 = arith.constant 0 : i32
    %c0_i32_0 = arith.constant 0 : i32
    %c0_i32_1 = arith.constant 0 : i32
    return %c0_i32, %c0_i32_0 : i32, i32
  }
  func.func @transform_18(%arg0: i32) -> (i32, i32) {
    %c0_i32 = arith.constant 0 : i32
    %c0_i32_0 = arith.constant 0 : i32
    %c0_i32_1 = arith.constant 0 : i32
    return %c0_i32, %c0_i32_0 : i32, i32
  }
}

</mosaic_0001>

<sc_bundles>
// kernel: kernel.10.cloned.1.call-start
scs
__scs_entry_jumppad:
0x0: {  	(pc) =	sbr.rel $0x88, $3  }
0x1: {  	(tag) =	ssettag $0x0;
	lr =	simm.s32 $0x1  }
0x2: {  	[smem:$0x3F84] =	sst lr;
	_ =	strace $0xD0000000  }
0x3: {  	_ = 	snop  }
0x4: {  	_ = 	snop  }
0x5: {  	_ = 	snop  }
0x6: {  	_ = 	snop  }
0x7: {  	_ = 	snop  }
__scs_overlays_trampoline_lowered:
0x8: {  	[smem:$0x3F93] =	sst s0  }
0x9: {  	[smem:$0x3F94] =	sst s1  }
0xa: {  	[smem:$0x3F95] =	sst s2  }
0xb: {  	[smem:$0x3F96] =	sst s3  }
0xc: {  	[smem:$0x3F97] =	sst s4  }
0xd: {  	[smem:$0x3F98] =	sst s5  }
0xe: {  	[smem:$0x3F99] =	sst s6  }
0xf: {  	[smem:$0x3F9A] =	sst s7  }
0x10: {  	[smem:$0x3F9B] =	sst s8  }
0x11: {  	[smem:$0x3F9C] =	sst s9;
	s0 =	simm.s32 @!p0 $0x0  }
0x12: {  	s1 =	sld [smem:$0x3F82];
	s0 =	simm.s32 @p0 $0x1  }
0x13: {  	[smem:$0x3F9D] =	sst s0;
	s0 =	simm.s32 @!p1 $0x0  }
0x14: {  	s2 =	sld [smem:$0x3F81];
	s0 =	simm.s32 @p1 $0x1  }
0x15: {  	[smem:$0x3F9E] =	sst s0;
	s0 =	simm.s32 @!p2 $0x0  }
0x16: {  	s3 =	sld [smem:$0x3FDB];
	s0 =	simm.s32 @p2 $0x1  }
0x17: {  	s4 =	simm.s32 $0x1BF5;
	[smem:$0x3FA0] =	sst s0  }
0x18: {  	s0 =	sld [smem:$0x3F83];
	_ =	swait.ge [sflag:s4], $0x0  }
0x19: {  	s7 =	sld [smem:$0x3F84]  }
0x1a: {  	s8 =	sadd.s32 $0xFFFFE003, lr  }
0x1b: {  	s9 =	sadd.s32 $0xFFFFFEF7, lr;
	s5 =	simm.s32 $0xFFFFFFFF;
	p2 =	slt.u32 s8, $0xFFFFF086  }
0x1c: {  	p1 =	slt.u32 s9, $0xF7A;
	s5 =	simm.s32 @!p2 $0x0  }
0x1d: {  	s5 =	simm.s32 @p1 $0x1;
	p0 =	seq.s32 s7, s2  }
0x1e: {  	s7 =	smul.u32 @!p0 $0xF7A, s2;
	p2 =	seq.s32 @!p0 s5, $0x0  }
0x1f: {  	s9 =	smul.u32 $0xF7A, s1;
	s8 =	simm.s32 @!p0 $0x1BF5;
	p2 =	por !p2, p0  }
0x20: {  	[sflag:s8] =	ssyncset.s32 @!p0 $0xFFFFF086;
	s6 =	sadd.s32 @!p0 s3, s7;
	s7 =	simm.s32 @!p0 $0x108  }
0x21: {  	s3 =	sadd.s32 s3, s9;
	s6 =	sadd.s32 @!p0 $0x88, s6;
	s7 =	simm.s32 @p2 $0x1082  }
0x22: {  	[simem:s7], [sflag:s8] =	dma.local @!p0 [hbm:s6], $0xF7A  }
0x23: {  	s9 =	sor.u32 $0xD0000000, s2;
	s6 =	simm.s32 $0x108;
	_ =	swait.ge @!p0 [sflag:s8], $0x0  }
0x24: {  	s3 =	sadd.s32 $0x88, s3;
	s6 =	simm.s32 @!p1 $0x1082;
	[sflag:s4] =	ssyncset.s32 $0xFFFFF086  }
0x25: {  	[simem:s6], [sflag:s4] =	dma.local [hbm:s3], $0xF7A  }
0x26: {  	[smem:$0x3F84] =	sst s1;
	(tag) =	ssettag s2;
	_ =	strace s9  }
0x27: {  	s1 =	sld [smem:$0x3F94]  }
0x28: {  	s2 =	sld [smem:$0x3F95]  }
0x29: {  	s4 =	sld [smem:$0x3F97]  }
0x2a: {  	p0 =	seq.s32 s5, $0x0;
	s5 =	sld [smem:$0x3F98]  }
0x2b: {  	s6 =	sld [smem:$0x3F99]  }
0x2c: {  	s7 =	sld [smem:$0x3F9A]  }
0x2d: {  	s3 =	simm.s32 $0x108;
	s8 =	sld [smem:$0x3F9B]  }
0x2e: {  	s3 =	simm.s32 @!p0 $0x1082;
	s9 =	sld [smem:$0x3F9C]  }
0x2f: {  	lr =	sadd.s32 s0, s3;
	s0 =	sld [smem:$0x3F93]  }
0x30: {  	s3 =	sld [smem:$0x3F96]  }
0x31: {  	[smem:$0x3F9F] =	sst s10  }
0x32: {  	s10 =	sld [smem:$0x3F9D];
	_ =	sdelay $0x3  }
0x33: {  	p0 =	seq.s32 s10, $0x1;
	s10 =	sld [smem:$0x3F9F];
	_ =	sdelay $0x3  }
0x34: {  	[smem:$0x3F9F] =	sst s10  }
0x35: {  	s10 =	sld [smem:$0x3F9E];
	_ =	sdelay $0x3  }
0x36: {  	p1 =	seq.s32 s10, $0x1;
	s10 =	sld [smem:$0x3F9F];
	_ =	sdelay $0x3  }
0x37: {  	[smem:$0x3F9F] =	sst s10  }
0x38: {  	s10 =	sld [smem:$0x3FA0]  }
0x39: {  	_ = 	snop;
	(pc) =	sbr.ind lr, $3  }
0x3a: {  	_ = 	snop  }
0x3b: {  	_ = 	snop  }
0x3c: {  	p2 =	seq.s32 s10, $0x1;
	s10 =	sld [smem:$0x3F9F]  }
0x3d: {  	_ =	shalt  }
0x3e: {  	_ =	shalt  }
0x3f: {  	_ =	shalt  }
0x40: {  	_ =	shalt  }
0x41: {  	_ =	shalt  }
0x42: {  	_ =	shalt  }
0x43: {  	_ =	shalt  }
0x44: {  	_ =	shalt  }
0x45: {  	_ =	shalt  }
0x46: {  	_ =	shalt  }
0x47: {  	_ =	shalt  }
0x48: {  	_ =	shalt  }
0x49: {  	_ =	shalt  }
0x4a: {  	_ =	shalt  }
0x4b: {  	_ =	shalt  }
0x4c: {  	_ =	shalt  }
0x4d: {  	_ =	shalt  }
0x4e: {  	_ =	shalt  }
0x4f: {  	_ =	shalt  }
0x50: {  	_ =	shalt  }
0x51: {  	_ =	shalt  }
0x52: {  	_ =	shalt  }
0x53: {  	_ =	shalt  }
0x54: {  	_ =	shalt  }
0x55: {  	_ =	shalt  }
0x56: {  	_ =	shalt  }
0x57: {  	_ =	shalt  }
0x58: {  	_ =	shalt  }
0x59: {  	_ =	shalt  }
0x5a: {  	_ =	shalt  }
0x5b: {  	_ =	shalt  }
0x5c: {  	_ =	shalt  }
0x5d: {  	_ =	shalt  }
0x5e: {  	_ =	shalt  }
0x5f: {  	_ =	shalt  }
0x60: {  	_ =	shalt  }
0x61: {  	_ =	shalt  }
0x62: {  	_ =	shalt  }
0x63: {  	_ =	shalt  }
0x64: {  	_ =	shalt  }
0x65: {  	_ =	shalt  }
0x66: {  	_ =	shalt  }
0x67: {  	_ =	shalt  }
0x68: {  	_ =	shalt  }
0x69: {  	_ =	shalt  }
0x6a: {  	_ =	shalt  }
0x6b: {  	_ =	shalt  }
0x6c: {  	_ =	shalt  }
0x6d: {  	_ =	shalt  }
0x6e: {  	_ =	shalt  }
0x6f: {  	_ =	shalt  }
0x70: {  	_ =	shalt  }
0x71: {  	_ =	shalt  }
0x72: {  	_ =	shalt  }
0x73: {  	_ =	shalt  }
0x74: {  	_ =	shalt  }
0x75: {  	_ =	shalt  }
0x76: {  	_ =	shalt  }
0x77: {  	_ =	shalt  }
0x78: {  	_ =	shalt  }
0x79: {  	_ =	shalt  }
0x7a: {  	_ =	shalt  }
0x7b: {  	_ =	shalt  }
0x7c: {  	_ =	shalt  }
0x7d: {  	_ =	shalt  }
0x7e: {  	_ =	shalt  }
0x7f: {  	_ =	shalt  }
0x80: {  	_ =	shalt  }
0x81: {  	_ =	shalt  }
0x82: {  	_ =	shalt  }
0x83: {  	_ =	shalt  }
0x84: {  	_ =	shalt  }
0x85: {  	_ =	shalt  }
0x86: {  	_ =	shalt  }
0x87: {  	_ =	shalt  }
.Lfunc_end0:
.L_simem_size_0:
called_computation_lowered:
.L_overlay_start_0:
0x88: {  	s2 =	sld [smem:$0x3FD9]  }
0x89: {  	s3 =	sld [smem:$0x3FFE];
	_ =	sdelay $0x1  }
0x8a: {  	s1 =	srdreg.scid  }
0x8b: {  	s0 =	sand.u32 $0x1, s1  }
0x8c: {  	s16 =	sshll.u32 s0, $0xA;
	s2 =	sadd.s32 s3, s2  }
0x8d: {  	s2 =	sadd.s32 s2, s16  }
0x8e: {  	[smem:$0x3FAB] =	sst s2  }
0x8f: {  	_ = 	snop  }
0x90: {  	(tm) =	ssettm $0x1  }
0x91: {  	s17 =	sld [smem:$0x3FFB];
	_ =	sdelay $0x3  }
0x92: {  	_ =	strace s17  }
0x93: {  	s2 =	sld [smem:$0x3FFC];
	_ =	sdelay $0x3  }
0x94: {  	_ =	strace s2  }
0x95: {  	s2 =	sld [smem:$0x3FFD];
	_ =	sdelay $0x3  }
0x96: {  	_ =	strace s2  }
0x97: {  	_ =	strace $0x8FFFFFFF  }
0x98: {  	s18 =	sld [smem:$0x3FDB];
	_ =	sdelay $0x1  }
0x99: {  	s19 =	simm.s32 $_scs_section_size  }
0x9a: {  	s4 =	simm.s32 $_size__tile_overlayer_lowered;
	s5 =	simm.s32 $_tile_overlayer_lowered  }
0x9b: {  	s22 =	simm.s32 $0x1BFF;
	s21 =	sshll.u32 s5, $0x1;
	s2 =	sadd.s32 s19, s18  }
0x9c: {  	s6 =	simm.s32 $0x0;
	s20 =	sshll.u32 s4, $0x1;
	s4 =	sadd.s32 s21, s2  }
0x9d: {  	[timem:s6], [sflag:s22] =	dma.local [hbm:s4], s20  }
0x9e: {  	_ =	swait.ge [sflag:s22], s20  }
0x9f: {  	s3 =	ssub.s32 $0x0, s20;
	[sflag:s22] =	ssyncset.done $0x0  }
0xa0: {  	[sflag:s22] =	ssyncadd.s32 s3;
	_ =	sdelay $0x1  }
0xa1: {  	s23 =	simm.s32 $0x1B8B  }
0xa2: {  	_ =	swait.ge [sflag:s23], $0x1  }
0xa3: {  	[sflag:s23] =	ssyncset.done $0x0  }
0xa4: {  	s25 =	simm.s32 $0x1B8E;
	s24 =	sld [smem:$0x3FFE];
	[sflag:s23] =	ssyncadd.s32 $0xFFFFFFFF  }
0xa5: {  	s26 =	simm.s32 $execute0_lowered;
	[smem:$0x3FD2] =	sst s25  }
0xa6: {  	s4 =	sshll.u32 s26, $0x1;
	_ =	strace $0x80000046;
	[dreg:$0x1] =	wrdreg $0xFFFFFFFF  }
0xa7: {  	s28 =	simm.s32 $_size_execute0_lowered;
	s2 =	sadd.s32 s2, s4;
	[dreg:$0x0] =	wrdreg $0x0  }
0xa8: {  	s4 =	sshll.u32 s28, $0x1;
	[dreg:$0x2] =	wrdreg s2  }
0xa9: {  	[dreg:$0x3] =	wrdreg s4  }
0xaa: {  	[dreg:$0x4] =	wrdreg $0xC0  }
0xab: {  	_ =	task [dreg:s6], $0x5FFFF  }
0xac: {  	[dreg:$0x1] =	wrdreg $0xFFFFFFFF  }
0xad: {  	[dreg:$0x0] =	wrdreg $0x60  }
0xae: {  	[dreg:$0x2] =	wrdreg s24  }
0xaf: {  	[dreg:$0x3] =	wrdreg $0x9  }
0xb0: {  	_ =	task.clear_ibuf [dreg:s6], $0x4FFFF;
	_ =	strace $0x90000046  }
0xb1: {  	s29 =	simm.s32 $0x9;
	_ =	strace $0x80000048  }
0xb2: {  	_ =	swait.ge [sflag:s29], $0x1  }
0xb3: {  	[sflag:s29] =	ssyncadd.s32 $0xFFFFFFFF  }
0xb4: {  	_ =	strace $0x90000048  }
0xb5: {  	_ =	sfence  }
0xb6: {  	s30 =	sld [smem:$0x0];
	_ =	sdelay $0x2  }
0xb7: {  	s31 =	sshll.u32 s1, $0xD;
	s1 =	sshrl.u32 s1, $0x2  }
0xb8: {  	s3 =	sand.u32 $0x4000, s31;
	s1 =	sadd.s32 s1, s30  }
0xb9: {  	s0 =	sor.u32 s3, s0;
	s1 =	sshll.u32 s1, $0x11  }
0xba: {  	s0 =	sor.u32 s1, s0  }
0xbb: {  	s0 =	sadd.s32 $0x8F2B, s0  }
0xbc: {  	[sflag:s0] =	ssyncadd.remote.s32 $0x1  }
0xbd: {  	_ =	sfence.sel $0xFFFF  }
0xbe: {  	[dreg:$0x0] =	wrdreg $0xFFFFFFFF;
	(pc) =	sbr.abs _section_cstart, $3  }
0xbf: {  	[dreg:$0x1] =	wrdreg $0xFFFFFFFF  }
0xc0: {  	_ =	task.clear_ibuf [dreg:s6], $0x2FFFF;
	_ =	strace $0x9FFFFFFF  }
0xc1: {  	(tm) =	ssettm $0x7FFFFFFF  }
tec
execute0_lowered:
.L_overlay_start_1:
0x0: {  	(tag) =	ssettag $0x1  }
0x1: {  	s1 =	srdreg.scid;
	s0 =	stileid.u32  }
0x2: {  	s3 =	rddreg [dreg:$0x0];
	s10 =	simm.s32 $0x2800;
	s11 =	simm.s32 $0x1  }
0x3: {  	s12 =	simm.s32 $0x80;
	s13 =	simm.s32 $0x400;
	s14 =	simm.s32 $0x0  }
0x4: {  	s4 =	sand.u32 $0x1, s1;
	s2 =	sshll.u32 s0, $0x1;
	s1 =	rddreg [dreg:$0x1]  }
0x5: {  	s6 =	sshrl.u32 s0, $0x2;
	s5 =	sor.u32 s4, s2;
	s2 =	simm.s32 $0x0  }
0x6: {  	s6 =	smul.u32 $0x14000, s6;
	s4 =	ssub.s32 $0x2, s4;
	s7 =	sshll.u32 s5, $0x7  }
0x7: {  	[smem:$0x7FF] =	sst s2;
	s5 =	smul.u32 $0x2800, s5;
	s7 =	sand.u32 $0x380, s7  }
0x8: {  	s31 =	sshrl.u32 s4, $0x1;
	_ =	strace $0x80000047;
	s6 =	sor.u32 s6, s7  }
0x9: {  	s4 =	ssub.s32 s4, s31;
	s5 =	sshrl.u32 s5, $0x3;
	s6 =	sshrl.u32 s6, $0x3  }
0xa: {  	s4 =	smax.u32 s4, $0x1;
	s9 =	sadd.s32 s5, s3;
	s3 =	sadd.s32 s6, s3  }
0xb: {  	s5 =	sadd.s32 $0x10A00, s9;
	s6 =	sadd.s32 $0x10B00, s9;
	s7 =	sadd.s32 $0x10C00, s9  }
0xc: {  	v0 =	vimm.f32 $0.0e+00;
	v1 =	vimm.f32 $1.000000000e+00;
	s8 =	sadd.s32 $0x10D00, s9;
	s9 =	sadd.s32 $0x10E00, s9;
	s3 =	sadd.s32 $0x1AA00, s3  }
.LBB2_1:
0xd: {  	s15 =	simm.s32 $0x40;
	s16 =	simm.s32 $0x0  }
.LBB2_2:
0xe: {  	p0 =	sne.s32 s15, $0x9FC0;
	[tilespmem:s16+$0x0] =	vst v0;
	s16 =	smov.u32 s15;
	s15 =	sadd.s32 $0x40, s15  }
.Ltmp0:
0xf: {  	(pc) =	sbr.rel @p0 .LBB2_2-.Ltmp0, $2  }
0x10: {  	_ =	sdelay $0x2  }
0x11: {  	s16 =	sshra.s32 s16, $0x2  }
0x12: {  	[tilespmem:s16+$0x0] =	vst v0;
	s15 =	simm.s32 $0x0  }
0x13: {  	[tilespmem:s10], [sflag:$0x1] =	stream.linear.gather [hbm4b:s5+s15], $0x800, $0x38;
	[tilespmem:$0x3000] =	vst v63  }
0x14: {  	_ =	swait.ge [sflag:s11], $0x800  }
0x15: {  	[sflag:s11] =	ssyncset.done $0x0  }
0x16: {  	s16 =	simm.s32 $0x0;
	s15 =	simm.s32 $0x40;
	[sflag:s11] =	ssyncadd.s32 $0xFFFFF800  }
.LBB2_4:
0x17: {  	p0 =	sne.s32 s15, $0x1FC0;
	v2 =	vld [tilespmem:s16+$0x2800];
	_ =	sdelay $0x3  }
.Ltmp1:
0x18: {  	(pc) =	sbr.rel @p0 .LBB2_4-.Ltmp1, $2  }
0x19: {  	_ =	sdelay $0x2  }
0x1a: {  	s16 =	sshra.s32 s15, $0x2;
	s15 =	sadd.s32 $0x40, s15;
	[tilespmem:v2+s2+$0x0] =	vst.idx.add.f32.msk $0xffff, v1  }
0x1b: {  	v2 =	vld [tilespmem:s16+$0x2800];
	_ =	sdelay $0x7  }
0x1c: {  	s15 =	simm.s32 $0x0;
	[tilespmem:v2+s2+$0x0] =	vst.idx.add.f32.msk $0xffff, v1  }
0x1d: {  	[tilespmem:s10], [sflag:$0x1] =	stream.linear.gather [hbm4b:s6+s15], $0x800, $0x38;
	[tilespmem:$0x3000] =	vst v63  }
0x1e: {  	_ =	swait.ge [sflag:s11], $0x800  }
0x1f: {  	[sflag:s11] =	ssyncset.done $0x0  }
0x20: {  	s16 =	simm.s32 $0x0;
	s15 =	simm.s32 $0x40;
	[sflag:s11] =	ssyncadd.s32 $0xFFFFF800  }
.LBB2_6:
0x21: {  	p0 =	sne.s32 s15, $0x1FC0;
	v2 =	vld [tilespmem:s16+$0x2800];
	_ =	sdelay $0x3  }
.Ltmp2:
0x22: {  	(pc) =	sbr.rel @p0 .LBB2_6-.Ltmp2, $2  }
0x23: {  	_ =	sdelay $0x2  }
0x24: {  	s16 =	sshra.s32 s15, $0x2;
	s15 =	sadd.s32 $0x40, s15;
	[tilespmem:v2+s2+$0x0] =	vst.idx.add.f32.msk $0xffff, v1  }
0x25: {  	v2 =	vld [tilespmem:s16+$0x2800];
	_ =	sdelay $0x7  }
0x26: {  	s15 =	simm.s32 $0x0;
	[tilespmem:v2+s2+$0x0] =	vst.idx.add.f32.msk $0xffff, v1  }
0x27: {  	[tilespmem:s10], [sflag:$0x1] =	stream.linear.gather [hbm4b:s7+s15], $0x800, $0x38;
	[tilespmem:$0x3000] =	vst v63  }
0x28: {  	_ =	swait.ge [sflag:s11], $0x800  }
0x29: {  	[sflag:s11] =	ssyncset.done $0x0  }
0x2a: {  	s16 =	simm.s32 $0x0;
	s15 =	simm.s32 $0x40;
	[sflag:s11] =	ssyncadd.s32 $0xFFFFF800  }
.LBB2_8:
0x2b: {  	p0 =	sne.s32 s15, $0x1FC0;
	v2 =	vld [tilespmem:s16+$0x2800];
	_ =	sdelay $0x3  }
.Ltmp3:
0x2c: {  	(pc) =	sbr.rel @p0 .LBB2_8-.Ltmp3, $2  }
0x2d: {  	_ =	sdelay $0x2  }
0x2e: {  	s16 =	sshra.s32 s15, $0x2;
	s15 =	sadd.s32 $0x40, s15;
	[tilespmem:v2+s2+$0x0] =	vst.idx.add.f32.msk $0xffff, v1  }
0x2f: {  	v2 =	vld [tilespmem:s16+$0x2800];
	_ =	sdelay $0x7  }
0x30: {  	s15 =	simm.s32 $0x0;
	[tilespmem:v2+s2+$0x0] =	vst.idx.add.f32.msk $0xffff, v1  }
0x31: {  	[tilespmem:s10], [sflag:$0x1] =	stream.linear.gather [hbm4b:s8+s15], $0x800, $0x38;
	[tilespmem:$0x3000] =	vst v63  }
0x32: {  	_ =	swait.ge [sflag:s11], $0x800  }
0x33: {  	[sflag:s11] =	ssyncset.done $0x0  }
0x34: {  	s16 =	simm.s32 $0x0;
	s15 =	simm.s32 $0x40;
	[sflag:s11] =	ssyncadd.s32 $0xFFFFF800  }
.LBB2_10:
0x35: {  	p0 =	sne.s32 s15, $0x1FC0;
	v2 =	vld [tilespmem:s16+$0x2800];
	_ =	sdelay $0x3  }
.Ltmp4:
0x36: {  	(pc) =	sbr.rel @p0 .LBB2_10-.Ltmp4, $2  }
0x37: {  	_ =	sdelay $0x2  }
0x38: {  	s16 =	sshra.s32 s15, $0x2;
	s15 =	sadd.s32 $0x40, s15;
	[tilespmem:v2+s2+$0x0] =	vst.idx.add.f32.msk $0xffff, v1  }
0x39: {  	v2 =	vld [tilespmem:s16+$0x2800];
	_ =	sdelay $0x7  }
0x3a: {  	s15 =	simm.s32 $0x0;
	[tilespmem:v2+s2+$0x0] =	vst.idx.add.f32.msk $0xffff, v1  }
0x3b: {  	[tilespmem:s10], [sflag:$0x1] =	stream.linear.gather [hbm4b:s9+s15], $0x800, $0x38;
	[tilespmem:$0x3000] =	vst v63  }
0x3c: {  	_ =	swait.ge [sflag:s11], $0x800  }
0x3d: {  	[sflag:s11] =	ssyncset.done $0x0  }
0x3e: {  	s16 =	simm.s32 $0x0;
	s15 =	simm.s32 $0x40;
	[sflag:s11] =	ssyncadd.s32 $0xFFFFF800  }
.LBB2_12:
0x3f: {  	p0 =	sne.s32 s15, $0x1FC0;
	v2 =	vld [tilespmem:s16+$0x2800];
	_ =	sdelay $0x3  }
.Ltmp5:
0x40: {  	(pc) =	sbr.rel @p0 .LBB2_12-.Ltmp5, $2  }
0x41: {  	_ =	sdelay $0x2  }
0x42: {  	s16 =	sshra.s32 s15, $0x2;
	s15 =	sadd.s32 $0x40, s15;
	[tilespmem:v2+s2+$0x0] =	vst.idx.add.f32.msk $0xffff, v1  }
0x43: {  	v2 =	vld [tilespmem:s16+$0x2800];
	_ =	sdelay $0x5  }
0x44: {  	s14 =	sadd.s32 $0x1, s14  }
0x45: {  	p0 =	sne.s32 s14, s4  }
.Ltmp6:
0x46: {  	[tilespmem:v2+s2+$0x0] =	vst.idx.add.f32.msk $0xffff, v1;
	(pc) =	sbr.rel @p0 .LBB2_1-.Ltmp6, $4  }
0x47: {  	[hbm4b:s3+s12] =	stream.strided.scatter [tilespmem:s2], [sflag:$0x1], $0x2800, s13, s12, $0x38;
	[tilespmem:$0x3000] =	vst v63  }
0x48: {  	_ =	swait.ge [sflag:s11], $0x2800  }
0x49: {  	[sflag:s11] =	ssyncset.done $0x0  }
0x4a: {  	[sflag:s11] =	ssyncadd.s32 $0xFFFFD800  }
0x4b: {  	_ =	sfence.sel $0x180000  }
0x4c: {  	[bflag:$0x0] =	sbarrier.arrive $0xFFFF  }
0x4d: {  	p0 =	sne.s32 s0, $0x0;
	_ =	strace $0x90000047  }
0x4e: {  	s0 =	sadd.s32 @!p0 $0x100000, s1;
	[bflag:$0x2] =	sbarrier.arrive $0xFFFF  }
0x4f: {  	[sflag:s0] =	ssyncadd.tile.s32 @!p0 $0x1;
	_ =	shalt  }
.Lfunc_end2:
_tile_overlayer_lowered:
.L_overlay_start_2:
0x50: {  	(tag) =	ssettag $0x2  }
0x51: {  	s0 =	rddreg [dreg:$0x0];
	s2 =	stileid.u32  }
0x52: {  	s1 =	rddreg [dreg:$0x1];
	p0 =	sne.s32 s2, $0x0  }
0x53: {  	s3 =	rddreg [dreg:$0x2];
	[bflag:$0x3] =	sbarrier.arrive $0xFFFF;
	s2 =	simm.s32 @!p0 $0x1C01  }
0x54: {  	[timem:s3], [sflag:s2] =	dma.local @!p0 [hbm:s0], s1  }
0x55: {  	s0 =	simm.s32 @!p0 $0x1  }
0x56: {  	_ =	swait.ge @!p0 [sflag:s0], s1  }
0x57: {  	s1 =	ssub.s32 @!p0 $0x0, s1;
	[sflag:s0] =	ssyncset.done @!p0 $0x0  }
0x58: {  	[sflag:s0] =	ssyncadd.s32 @!p0 s1  }
0x59: {  	[bflag:$0x3] =	sbarrier.arrive $0xFFFF  }
0x5a: {  	_ =	shalt  }

// kernel: kernel.13.cloned.1.call-start
scs
__scs_entry_jumppad:
0x0: {  	(pc) =	sbr.rel $0x88, $3  }
0x1: {  	(tag) =	ssettag $0x0;
	lr =	simm.s32 $0x1  }
0x2: {  	[smem:$0x3F84] =	sst lr;
	_ =	strace $0xD0000000  }
0x3: {  	_ = 	snop  }
0x4: {  	_ = 	snop  }
0x5: {  	_ = 	snop  }
0x6: {  	_ = 	snop  }
0x7: {  	_ = 	snop  }
__scs_overlays_trampoline_lowered:
0x8: {  	[smem:$0x3F93] =	sst s0  }
0x9: {  	[smem:$0x3F94] =	sst s1  }
0xa: {  	[smem:$0x3F95] =	sst s2  }
0xb: {  	[smem:$0x3F96] =	sst s3  }
0xc: {  	[smem:$0x3F97] =	sst s4  }
0xd: {  	[smem:$0x3F98] =	sst s5  }
0xe: {  	[smem:$0x3F99] =	sst s6  }
0xf: {  	[smem:$0x3F9A] =	sst s7  }
0x10: {  	[smem:$0x3F9B] =	sst s8  }
0x11: {  	[smem:$0x3F9C] =	sst s9;
	s0 =	simm.s32 @!p0 $0x0  }
0x12: {  	s1 =	sld [smem:$0x3F82];
	s0 =	simm.s32 @p0 $0x1  }
0x13: {  	[smem:$0x3F9D] =	sst s0;
	s0 =	simm.s32 @!p1 $0x0  }
0x14: {  	s2 =	sld [smem:$0x3F81];
	s0 =	simm.s32 @p1 $0x1  }
0x15: {  	[smem:$0x3F9E] =	sst s0;
	s0 =	simm.s32 @!p2 $0x0  }
0x16: {  	s3 =	sld [smem:$0x3FDB];
	s0 =	simm.s32 @p2 $0x1  }
0x17: {  	s4 =	simm.s32 $0x1BF5;
	[smem:$0x3FA0] =	sst s0  }
0x18: {  	s0 =	sld [smem:$0x3F83];
	_ =	swait.ge [sflag:s4], $0x0  }
0x19: {  	s7 =	sld [smem:$0x3F84]  }
0x1a: {  	s8 =	sadd.s32 $0xFFFFE003, lr  }
0x1b: {  	s9 =	sadd.s32 $0xFFFFFEF7, lr;
	s5 =	simm.s32 $0xFFFFFFFF;
	p2 =	slt.u32 s8, $0xFFFFF086  }
0x1c: {  	p1 =	slt.u32 s9, $0xF7A;
	s5 =	simm.s32 @!p2 $0x0  }
0x1d: {  	s5 =	simm.s32 @p1 $0x1;
	p0 =	seq.s32 s7, s2  }
0x1e: {  	s7 =	smul.u32 @!p0 $0xF7A, s2;
	p2 =	seq.s32 @!p0 s5, $0x0  }
0x1f: {  	s9 =	smul.u32 $0xF7A, s1;
	s8 =	simm.s32 @!p0 $0x1BF5;
	p2 =	por !p2, p0  }
0x20: {  	[sflag:s8] =	ssyncset.s32 @!p0 $0xFFFFF086;
	s6 =	sadd.s32 @!p0 s3, s7;
	s7 =	simm.s32 @!p0 $0x108  }
0x21: {  	s3 =	sadd.s32 s3, s9;
	s6 =	sadd.s32 @!p0 $0x88, s6;
	s7 =	simm.s32 @p2 $0x1082  }
0x22: {  	[simem:s7], [sflag:s8] =	dma.local @!p0 [hbm:s6], $0xF7A  }
0x23: {  	s9 =	sor.u32 $0xD0000000, s2;
	s6 =	simm.s32 $0x108;
	_ =	swait.ge @!p0 [sflag:s8], $0x0  }
0x24: {  	s3 =	sadd.s32 $0x88, s3;
	s6 =	simm.s32 @!p1 $0x1082;
	[sflag:s4] =	ssyncset.s32 $0xFFFFF086  }
0x25: {  	[simem:s6], [sflag:s4] =	dma.local [hbm:s3], $0xF7A  }
0x26: {  	[smem:$0x3F84] =	sst s1;
	(tag) =	ssettag s2;
	_ =	strace s9  }
0x27: {  	s1 =	sld [smem:$0x3F94]  }
0x28: {  	s2 =	sld [smem:$0x3F95]  }
0x29: {  	s4 =	sld [smem:$0x3F97]  }
0x2a: {  	p0 =	seq.s32 s5, $0x0;
	s5 =	sld [smem:$0x3F98]  }
0x2b: {  	s6 =	sld [smem:$0x3F99]  }
0x2c: {  	s7 =	sld [smem:$0x3F9A]  }
0x2d: {  	s3 =	simm.s32 $0x108;
	s8 =	sld [smem:$0x3F9B]  }
0x2e: {  	s3 =	simm.s32 @!p0 $0x1082;
	s9 =	sld [smem:$0x3F9C]  }
0x2f: {  	lr =	sadd.s32 s0, s3;
	s0 =	sld [smem:$0x3F93]  }
0x30: {  	s3 =	sld [smem:$0x3F96]  }
0x31: {  	[smem:$0x3F9F] =	sst s10  }
0x32: {  	s10 =	sld [smem:$0x3F9D];
	_ =	sdelay $0x3  }
0x33: {  	p0 =	seq.s32 s10, $0x1;
	s10 =	sld [smem:$0x3F9F];
	_ =	sdelay $0x3  }
0x34: {  	[smem:$0x3F9F] =	sst s10  }
0x35: {  	s10 =	sld [smem:$0x3F9E];
	_ =	sdelay $0x3  }
0x36: {  	p1 =	seq.s32 s10, $0x1;
	s10 =	sld [smem:$0x3F9F];
	_ =	sdelay $0x3  }
0x37: {  	[smem:$0x3F9F] =	sst s10  }
0x38: {  	s10 =	sld [smem:$0x3FA0]  }
0x39: {  	_ = 	snop;
	(pc) =	sbr.ind lr, $3  }
0x3a: {  	_ = 	snop  }
0x3b: {  	_ = 	snop  }
0x3c: {  	p2 =	seq.s32 s10, $0x1;
	s10 =	sld [smem:$0x3F9F]  }
0x3d: {  	_ =	shalt  }
0x3e: {  	_ =	shalt  }
0x3f: {  	_ =	shalt  }
0x40: {  	_ =	shalt  }
0x41: {  	_ =	shalt  }
0x42: {  	_ =	shalt  }
0x43: {  	_ =	shalt  }
0x44: {  	_ =	shalt  }
0x45: {  	_ =	shalt  }
0x46: {  	_ =	shalt  }
0x47: {  	_ =	shalt  }
0x48: {  	_ =	shalt  }
0x49: {  	_ =	shalt  }
0x4a: {  	_ =	shalt  }
0x4b: {  	_ =	shalt  }
0x4c: {  	_ =	shalt  }
0x4d: {  	_ =	shalt  }
0x4e: {  	_ =	shalt  }
0x4f: {  	_ =	shalt  }
0x50: {  	_ =	shalt  }
0x51: {  	_ =	shalt  }
0x52: {  	_ =	shalt  }
0x53: {  	_ =	shalt  }
0x54: {  	_ =	shalt  }
0x55: {  	_ =	shalt  }
0x56: {  	_ =	shalt  }
0x57: {  	_ =	shalt  }
0x58: {  	_ =	shalt  }
0x59: {  	_ =	shalt  }
0x5a: {  	_ =	shalt  }
0x5b: {  	_ =	shalt  }
0x5c: {  	_ =	shalt  }
0x5d: {  	_ =	shalt  }
0x5e: {  	_ =	shalt  }
0x5f: {  	_ =	shalt  }
0x60: {  	_ =	shalt  }
0x61: {  	_ =	shalt  }
0x62: {  	_ =	shalt  }
0x63: {  	_ =	shalt  }
0x64: {  	_ =	shalt  }
0x65: {  	_ =	shalt  }
0x66: {  	_ =	shalt  }
0x67: {  	_ =	shalt  }
0x68: {  	_ =	shalt  }
0x69: {  	_ =	shalt  }
0x6a: {  	_ =	shalt  }
0x6b: {  	_ =	shalt  }
0x6c: {  	_ =	shalt  }
0x6d: {  	_ =	shalt  }
0x6e: {  	_ =	shalt  }
0x6f: {  	_ =	shalt  }
0x70: {  	_ =	shalt  }
0x71: {  	_ =	shalt  }
0x72: {  	_ =	shalt  }
0x73: {  	_ =	shalt  }
0x74: {  	_ =	shalt  }
0x75: {  	_ =	shalt  }
0x76: {  	_ =	shalt  }
0x77: {  	_ =	shalt  }
0x78: {  	_ =	shalt  }
0x79: {  	_ =	shalt  }
0x7a: {  	_ =	shalt  }
0x7b: {  	_ =	shalt  }
0x7c: {  	_ =	shalt  }
0x7d: {  	_ =	shalt  }
0x7e: {  	_ =	shalt  }
0x7f: {  	_ =	shalt  }
0x80: {  	_ =	shalt  }
0x81: {  	_ =	shalt  }
0x82: {  	_ =	shalt  }
0x83: {  	_ =	shalt  }
0x84: {  	_ =	shalt  }
0x85: {  	_ =	shalt  }
0x86: {  	_ =	shalt  }
0x87: {  	_ =	shalt  }
.Lfunc_end0:
.L_simem_size_0:
called_computation.1_lowered:
.L_overlay_start_0:
0x88: {  	s2 =	sld [smem:$0x3FD9]  }
0x89: {  	s3 =	sld [smem:$0x3FFE];
	_ =	sdelay $0x1  }
0x8a: {  	s1 =	srdreg.scid  }
0x8b: {  	s0 =	sand.u32 $0x1, s1  }
0x8c: {  	s16 =	sshll.u32 s0, $0xA;
	s2 =	sadd.s32 s3, s2  }
0x8d: {  	s2 =	sadd.s32 s2, s16  }
0x8e: {  	[smem:$0x3FAB] =	sst s2  }
0x8f: {  	_ = 	snop  }
0x90: {  	(tm) =	ssettm $0x1  }
0x91: {  	s17 =	sld [smem:$0x3FFB];
	_ =	sdelay $0x3  }
0x92: {  	_ =	strace s17  }
0x93: {  	s2 =	sld [smem:$0x3FFC];
	_ =	sdelay $0x3  }
0x94: {  	_ =	strace s2  }
0x95: {  	s2 =	sld [smem:$0x3FFD];
	_ =	sdelay $0x3  }
0x96: {  	_ =	strace s2  }
0x97: {  	_ =	strace $0x8FFFFFFF  }
0x98: {  	s18 =	sld [smem:$0x3FDB];
	_ =	sdelay $0x1  }
0x99: {  	s19 =	simm.s32 $_scs_section_size  }
0x9a: {  	s4 =	simm.s32 $_size__tile_overlayer_lowered;
	s5 =	simm.s32 $_tile_overlayer_lowered  }
0x9b: {  	s22 =	simm.s32 $0x1BFF;
	s21 =	sshll.u32 s5, $0x1;
	s2 =	sadd.s32 s19, s18  }
0x9c: {  	s6 =	simm.s32 $0x0;
	s20 =	sshll.u32 s4, $0x1;
	s4 =	sadd.s32 s21, s2  }
0x9d: {  	[timem:s6], [sflag:s22] =	dma.local [hbm:s4], s20  }
0x9e: {  	_ =	swait.ge [sflag:s22], s20  }
0x9f: {  	s3 =	ssub.s32 $0x0, s20;
	[sflag:s22] =	ssyncset.done $0x0  }
0xa0: {  	[sflag:s22] =	ssyncadd.s32 s3;
	_ =	sdelay $0x1  }
0xa1: {  	s23 =	simm.s32 $0x1B8B  }
0xa2: {  	_ =	swait.ge [sflag:s23], $0x1  }
0xa3: {  	[sflag:s23] =	ssyncset.done $0x0  }
0xa4: {  	s25 =	simm.s32 $0x1B8E;
	s24 =	sld [smem:$0x3FFE];
	[sflag:s23] =	ssyncadd.s32 $0xFFFFFFFF  }
0xa5: {  	s26 =	simm.s32 $execute0_lowered;
	[smem:$0x3FD2] =	sst s25  }
0xa6: {  	s4 =	sshll.u32 s26, $0x1;
	_ =	strace $0x80000049;
	[dreg:$0x1] =	wrdreg $0xFFFFFFFF  }
0xa7: {  	s28 =	simm.s32 $_size_execute0_lowered;
	s2 =	sadd.s32 s2, s4;
	[dreg:$0x0] =	wrdreg $0x0  }
0xa8: {  	s4 =	sshll.u32 s28, $0x1;
	[dreg:$0x2] =	wrdreg s2  }
0xa9: {  	[dreg:$0x3] =	wrdreg s4  }
0xaa: {  	[dreg:$0x4] =	wrdreg $0xC0  }
0xab: {  	_ =	task [dreg:s6], $0x5FFFF  }
0xac: {  	[dreg:$0x1] =	wrdreg $0xFFFFFFFF  }
0xad: {  	[dreg:$0x0] =	wrdreg $0x60  }
0xae: {  	[dreg:$0x2] =	wrdreg s24  }
0xaf: {  	[dreg:$0x3] =	wrdreg $0xAA000  }
0xb0: {  	[dreg:$0x4] =	wrdreg $0x9  }
0xb1: {  	_ =	task.clear_ibuf [dreg:s6], $0x5FFFF;
	_ =	strace $0x90000049  }
0xb2: {  	s29 =	simm.s32 $0x9;
	_ =	strace $0x8000004B  }
0xb3: {  	_ =	swait.ge [sflag:s29], $0x1  }
0xb4: {  	[sflag:s29] =	ssyncadd.s32 $0xFFFFFFFF  }
0xb5: {  	_ =	strace $0x9000004B  }
0xb6: {  	_ =	sfence  }
0xb7: {  	s30 =	sld [smem:$0x0];
	_ =	sdelay $0x2  }
0xb8: {  	s31 =	sshll.u32 s1, $0xD;
	s1 =	sshrl.u32 s1, $0x2  }
0xb9: {  	s3 =	sand.u32 $0x4000, s31;
	s1 =	sadd.s32 s1, s30  }
0xba: {  	s0 =	sor.u32 s3, s0;
	s1 =	sshll.u32 s1, $0x11  }
0xbb: {  	s0 =	sor.u32 s1, s0  }
0xbc: {  	s0 =	sadd.s32 $0x8F2B, s0  }
0xbd: {  	[sflag:s0] =	ssyncadd.remote.s32 $0x1  }
0xbe: {  	_ =	sfence.sel $0xFFFF  }
0xbf: {  	[dreg:$0x0] =	wrdreg $0xFFFFFFFF;
	(pc) =	sbr.abs _section_cstart, $3  }
0xc0: {  	[dreg:$0x1] =	wrdreg $0xFFFFFFFF  }
0xc1: {  	_ =	task.clear_ibuf [dreg:s6], $0x2FFFF;
	_ =	strace $0x9FFFFFFF  }
0xc2: {  	(tm) =	ssettm $0x7FFFFFFF  }
0xc3: {  	_ =	shalt  }
tec
execute0_lowered:
.L_overlay_start_1:
0x0: {  	(tag) =	ssettag $0x1  }
0x1: {  	s0 =	rddreg [dreg:$0x0]  }
0x2: {  	s2 =	rddreg [dreg:$0x1];
	s10 =	stileid.u32  }
0x3: {  	s1 =	srdreg.scid;
	s3 =	simm.s32 $0x0;
	s5 =	smul.u32 $0x14000, s10  }
0x4: {  	s31 =	simm.s32 $0x2A00;
	s1 =	sand.u32 $0x1, s1;
	s7 =	smul.u32 $0x50000, s10  }
0x5: {  	s6 =	sshll.u32 s10, $0x1;
	[smem:$0x7FF] =	sst s3;
	s28 =	smul.u32 $0x5000, s10  }
0x6: {  	s8 =	sadd.s32 $0x6A00, s0;
	s4 =	smul.u32 $0x140000, s1;
	s6 =	sor.u32 s1, s6  }
0x7: {  	s10 =	simm.s32 $0x4A00;
	s24 =	ssub.s32 $0x2, s1;
	s6 =	smul.u32 $0x2800, s6  }
0x8: {  	s9 =	sshrl.u32 s24, $0x1;
	s5 =	sadd.s32 s5, s4;
	s4 =	sadd.s32 $0x1AA00, s0  }
0x9: {  	s9 =	ssub.s32 s24, s9;
	s5 =	sshrl.u32 s5, $0x3;
	s6 =	sshrl.u32 s6, $0x3  }
0xa: {  	s16 =	smax.u32 s9, $0x1;
	s0 =	sadd.s32 s5, s0;
	s5 =	sadd.s32 s8, s6  }
0xb: {  	_ =	strace $0x8000004A;
	[dreg:$0xc] =	wrdreg s16;
	s25 =	sadd.s32 $0xA000, s5  }
0xc: {  	s1 =	smul.u32 $0x2800, s1;
	s26 =	sadd.s32 $0xA008, s5;
	[dreg:$0x3] =	wrdreg s25  }
0xd: {  	s7 =	sshrl.u32 s7, $0x2;
	s29 =	sadd.s32 $0xA010, s5;
	[dreg:$0x4] =	wrdreg s26  }
0xe: {  	s15 =	sadd.s32 s1, s28;
	s30 =	sadd.s32 $0xA018, s5;
	[dreg:$0x5] =	wrdreg s29  }
0xf: {  	s18 =	sadd.s32 $0x50240, s15;
	s11 =	sadd.s32 $0xA020, s5;
	[dreg:$0x6] =	wrdreg s30  }
0x10: {  	s22 =	sadd.s32 $0x50200, s15;
	s12 =	sadd.s32 $0xA028, s5;
	[dreg:$0x7] =	wrdreg s11  }
0x11: {  	s23 =	sadd.s32 $0x501C0, s15;
	s13 =	sadd.s32 $0xA030, s5;
	[dreg:$0x8] =	wrdreg s12  }
0x12: {  	s9 =	simm.s32 $0x2880;
	s14 =	sadd.s32 $0xA4F8, s5;
	[dreg:$0x9] =	wrdreg s13  }
0x13: {  	s6 =	sadd.s32 s7, s2;
	s0 =	sadd.s32 $0x42A00, s0;
	[dreg:$0xa] =	wrdreg s14  }
0x14: {  	s1 =	sshrl.u32 s18, $0x3;
	s17 =	sadd.s32 $0x2000, s6;
	[dreg:$0xb] =	wrdreg s0  }
0x15: {  	s24 =	sshrl.u32 s23, $0x3;
	s19 =	sadd.s32 $0x4000, s6;
	[dreg:$0xd] =	wrdreg s17  }
0x16: {  	s7 =	simm.s32 $0x2800;
	s20 =	sadd.s32 $0x6000, s6;
	[dreg:$0xe] =	wrdreg s19  }
0x17: {  	s16 =	simm.s32 $0x4;
	s21 =	sadd.s32 $0x8000, s6;
	[dreg:$0xf] =	wrdreg s20  }
0x18: {  	s23 =	sadd.s32 s24, s8;
	s28 =	sadd.s32 $0xE000, s6;
	[dreg:$0x10] =	wrdreg s21  }
0x19: {  	s21 =	sadd.s32 s1, s8;
	s1 =	sshrl.u32 s22, $0x3;
	s0 =	sadd.s32 $0x50280, s15  }
0x1a: {  	s25 =	sadd.s32 $0xA000, s6;
	s26 =	sadd.s32 $0xC000, s6;
	[dreg:$0x13] =	wrdreg s28  }
0x1b: {  	s29 =	sadd.s32 $0x10000, s6;
	s30 =	sadd.s32 $0x12000, s6;
	s11 =	simm.s32 $0x2900  }
0x1c: {  	s12 =	simm.s32 $0x6A00;
	s13 =	simm.s32 $0x2980;
	[dreg:$0x11] =	wrdreg s25  }
0x1d: {  	s14 =	simm.s32 $0x8A00;
	s15 =	simm.s32 $0x3;
	[dreg:$0x12] =	wrdreg s26  }
0x1e: {  	s17 =	simm.s32 $0x0;
	s22 =	sadd.s32 s1, s8;
	[dreg:$0x14] =	wrdreg s29  }
0x1f: {  	s0 =	sshrl.u32 s0, $0x3;
	[dreg:$0x15] =	wrdreg s30;
	s1 =	simm.s32 $0x1  }
0x20: {  	v0 =	vimm.f32 $0.0e+00;
	s24 =	sadd.s32 s0, s8;
	s0 =	simm.s32 $0x2;
	s8 =	simm.s32 $0x40  }
.LBB2_1:
0x21: {  	[tilespmem:s3], [sflag:$0x1] =	stream.linear.gather [hbm4b:s5+s3], $0x2800, $0x38;
	[tilespmem:$0x1EA00] =	vst v63  }
0x22: {  	s18 =	sand.u32 $0x7E00, s3  }
0x23: {  	s19 =	sand.u32 $0x70, s3;
	s20 =	sshrl.u32 s18, $0x2  }
0x24: {  	s18 =	simm.s32 $0x40;
	s20 =	sor.u32 s19, s20;
	s19 =	simm.s32 $0x0  }
.LBB2_2:
0x25: {  	p0 =	sne.s32 s18, $0x7FC0  }
0x26: {  	[tilespmem:s20+$0x2A00] =	vst v0;
	s19 =	sadd.s32 $0x10, s19;
	s20 =	smov.u32 s18;
	s18 =	sadd.s32 $0x40, s18  }
.Ltmp0:
0x27: {  	(pc) =	sbr.rel @p0 .LBB2_2-.Ltmp0, $4  }
0x28: {  	_ = 	snop  }
0x29: {  	s20 =	sand.u32 $0x7E00, s20  }
0x2a: {  	s25 =	sand.u32 $0x70, s19;
	s20 =	sshrl.u32 s20, $0x2  }
0x2b: {  	s20 =	sor.u32 s25, s20  }
0x2c: {  	[tilespmem:s20+$0x2A00] =	vst v0  }
0x2d: {  	[spmem:s6] =	stream.linear.scatter [tilespmem:s31], [sflag:$0x2], $0x2000, $0x38;
	[tilespmem:$0x1EA00] =	vst v63  }
0x2e: {  	s18 =	rddreg [dreg:$0xd]  }
0x2f: {  	[spmem:s18] =	stream.linear.scatter [tilespmem:s31], [sflag:$0x2], $0x2000, $0x38;
	[tilespmem:$0x1EA00] =	vst v63  }
0x30: {  	s19 =	rddreg [dreg:$0xe]  }
0x31: {  	[spmem:s19] =	stream.linear.scatter [tilespmem:s31], [sflag:$0x2], $0x2000, $0x38;
	[tilespmem:$0x1EA00] =	vst v63  }
0x32: {  	s20 =	rddreg [dreg:$0xf]  }
0x33: {  	[spmem:s20] =	stream.linear.scatter [tilespmem:s31], [sflag:$0x2], $0x2000, $0x38;
	[tilespmem:$0x1EA00] =	vst v63  }
0x34: {  	s25 =	rddreg [dreg:$0x10]  }
0x35: {  	[spmem:s25] =	stream.linear.scatter [tilespmem:s31], [sflag:$0x2], $0x2000, $0x38;
	[tilespmem:$0x1EA00] =	vst v63  }
0x36: {  	s26 =	rddreg [dreg:$0x11]  }
0x37: {  	[spmem:s26] =	stream.linear.scatter [tilespmem:s31], [sflag:$0x2], $0x2000, $0x38;
	[tilespmem:$0x1EA00] =	vst v63  }
0x38: {  	s29 =	rddreg [dreg:$0x12]  }
0x39: {  	[spmem:s29] =	stream.linear.scatter [tilespmem:s31], [sflag:$0x2], $0x2000, $0x38;
	[tilespmem:$0x1EA00] =	vst v63  }
0x3a: {  	s30 =	rddreg [dreg:$0x13]  }
0x3b: {  	[spmem:s30] =	stream.linear.scatter [tilespmem:s31], [sflag:$0x2], $0x2000, $0x38;
	[tilespmem:$0x1EA00] =	vst v63  }
0x3c: {  	s19 =	rddreg [dreg:$0x14]  }
0x3d: {  	[spmem:s19] =	stream.linear.scatter [tilespmem:s31], [sflag:$0x2], $0x2000, $0x38;
	[tilespmem:$0x1EA00] =	vst v63  }
0x3e: {  	s20 =	rddreg [dreg:$0x15]  }
0x3f: {  	[spmem:s20] =	stream.linear.scatter [tilespmem:s31], [sflag:$0x2], $0x2000, $0x38;
	[tilespmem:$0x1EA00] =	vst v63  }
0x40: {  	_ =	swait.ge [sflag:s0], $0x2000  }
0x41: {  	[sflag:s0] =	ssyncset.done $0x0  }
0x42: {  	[sflag:s0] =	ssyncadd.s32 $0xFFFFE000  }
0x43: {  	_ =	swait.ge [sflag:s0], $0x2000  }
0x44: {  	[sflag:s0] =	ssyncset.done $0x0  }
0x45: {  	[sflag:s0] =	ssyncadd.s32 $0xFFFFE000  }
0x46: {  	_ =	swait.ge [sflag:s0], $0x2000  }
0x47: {  	[sflag:s0] =	ssyncset.done $0x0  }
0x48: {  	[sflag:s0] =	ssyncadd.s32 $0xFFFFE000  }
0x49: {  	_ =	swait.ge [sflag:s0], $0x2000  }
0x4a: {  	[sflag:s0] =	ssyncset.done $0x0  }
0x4b: {  	[sflag:s0] =	ssyncadd.s32 $0xFFFFE000  }
0x4c: {  	_ =	swait.ge [sflag:s0], $0x2000  }
0x4d: {  	[sflag:s0] =	ssyncset.done $0x0  }
0x4e: {  	[sflag:s0] =	ssyncadd.s32 $0xFFFFE000  }
0x4f: {  	_ =	swait.ge [sflag:s0], $0x2000  }
0x50: {  	[sflag:s0] =	ssyncset.done $0x0  }
0x51: {  	[sflag:s0] =	ssyncadd.s32 $0xFFFFE000  }
0x52: {  	_ =	swait.ge [sflag:s0], $0x2000  }
0x53: {  	[sflag:s0] =	ssyncset.done $0x0  }
0x54: {  	[sflag:s0] =	ssyncadd.s32 $0xFFFFE000  }
0x55: {  	_ =	swait.ge [sflag:s0], $0x2000  }
0x56: {  	[sflag:s0] =	ssyncset.done $0x0  }
0x57: {  	[sflag:s0] =	ssyncadd.s32 $0xFFFFE000  }
0x58: {  	_ =	swait.ge [sflag:s0], $0x2000  }
0x59: {  	[sflag:s0] =	ssyncset.done $0x0  }
0x5a: {  	[sflag:s0] =	ssyncadd.s32 $0xFFFFE000  }
0x5b: {  	_ =	swait.ge [sflag:s0], $0x2000  }
0x5c: {  	[sflag:s0] =	ssyncset.done $0x0  }
0x5d: {  	[sflag:s0] =	ssyncadd.s32 $0xFFFFE000  }
0x5e: {  	_ =	swait.ge [sflag:s1], $0x2800  }
0x5f: {  	[sflag:s1] =	ssyncset.done $0x0  }
0x60: {  	s18 =	simm.s32 $0x0;
	s19 =	rddreg [dreg:$0x3];
	[sflag:s1] =	ssyncadd.s32 $0xFFFFD800  }
0x61: {  	[tilespmem:s7], [sflag:$0x2] =	stream.linear.gather [hbm4b:s19+s18], $0x40, $0x38;
	[tilespmem:$0x1EA00] =	vst v63  }
0x62: {  	_ = 	snop  }
0x63: {  	[tilespmem:s31], [sflag:$0x1] =	stream.indirect.gather [hbm4b:s4+s8], $0x80, s18, s8, $0xb8;
	[tilespmem:$0x1EA00] =	vst v63  }
0x64: {  	s25 =	rddreg [dreg:$0x4]  }
0x65: {  	[tilespmem:s9], [sflag:$0x2] =	stream.linear.gather [hbm4b:s25+s18], $0x40, $0x38;
	[tilespmem:$0x1EA00] =	vst v63  }
0x66: {  	_ = 	snop  }
0x67: {  	[tilespmem:s10], [sflag:$0x1] =	stream.indirect.gather [hbm4b:s4+s8], $0x80, s8, s8, $0xb8;
	[tilespmem:$0x1EA00] =	vst v63  }
0x68: {  	s26 =	rddreg [dreg:$0x5]  }
0x69: {  	[tilespmem:s11], [sflag:$0x2] =	stream.linear.gather [hbm4b:s26+s18], $0x40, $0x38;
	[tilespmem:$0x1EA00] =	vst v63  }
0x6a: {  	s29 =	simm.s32 $0x80  }
0x6b: {  	[tilespmem:s12], [sflag:$0x1] =	stream.indirect.gather [hbm4b:s4+s8], $0x80, s29, s8, $0xb8;
	[tilespmem:$0x1EA00] =	vst v63  }
0x6c: {  	[bflag:$0x0] =	sbarrier.arrive $0xFFFF  }
0x6d: {  	_ =	swait.ge [sflag:s0], $0x40  }
0x6e: {  	[sflag:s0] =	ssyncset.done $0x0  }
0x6f: {  	[sflag:s0] =	ssyncadd.s32 $0xFFFFFFC0  }
0x70: {  	_ =	swait.ge [sflag:s1], $0x2000  }
0x71: {  	[sflag:s1] =	ssyncset.done $0x0  }
0x72: {  	[sflag:s1] =	ssyncadd.s32 $0xFFFFE000  }
0x73: {  	[spmem:s2] =	stream.indirect.scatter.add.f32 [tilespmem:s31], [sflag:$0x3], $0x80, s7, s8, $0xb8;
	[tilespmem:$0x1EA00] =	vst v63  }
0x74: {  	s30 =	rddreg [dreg:$0x6]  }
0x75: {  	[tilespmem:s13], [sflag:$0x2] =	stream.linear.gather [hbm4b:s30+s18], $0x40, $0x38;
	[tilespmem:$0x1EA00] =	vst v63  }
0x76: {  	s20 =	simm.s32 $0xC0  }
0x77: {  	[tilespmem:s14], [sflag:$0x1] =	stream.indirect.gather [hbm4b:s4+s8], $0x80, s20, s8, $0xb8;
	[tilespmem:$0x1EA00] =	vst v63  }
0x78: {  	_ =	swait.ge [sflag:s0], $0x40  }
0x79: {  	[sflag:s0] =	ssyncset.done $0x0  }
0x7a: {  	[sflag:s0] =	ssyncadd.s32 $0xFFFFFFC0  }
0x7b: {  	_ =	swait.ge [sflag:s1], $0x2000  }
0x7c: {  	[sflag:s1] =	ssyncset.done $0x0  }
0x7d: {  	[sflag:s1] =	ssyncadd.s32 $0xFFFFE000  }
0x7e: {  	[spmem:s2] =	stream.indirect.scatter.add.f32 [tilespmem:s10], [sflag:$0x3], $0x80, s9, s8, $0xb8;
	[tilespmem:$0x1EA00] =	vst v63  }
0x7f: {  	_ =	swait.ge [sflag:s15], $0x2000  }
0x80: {  	[sflag:s15] =	ssyncset.done $0x0  }
0x81: {  	s25 =	rddreg [dreg:$0x7];
	[sflag:s15] =	ssyncadd.s32 $0xFFFFE000  }
0x82: {  	[tilespmem:s7], [sflag:$0x2] =	stream.linear.gather [hbm4b:s25+s18], $0x40, $0x38;
	[tilespmem:$0x1EA00] =	vst v63  }
0x83: {  	s26 =	simm.s32 $0x100  }
0x84: {  	[tilespmem:s31], [sflag:$0x1] =	stream.indirect.gather [hbm4b:s4+s8], $0x80, s26, s8, $0xb8;
	[tilespmem:$0x1EA00] =	vst v63  }
0x85: {  	_ =	swait.ge [sflag:s0], $0x40  }
0x86: {  	[sflag:s0] =	ssyncset.done $0x0  }
0x87: {  	[sflag:s0] =	ssyncadd.s32 $0xFFFFFFC0  }
0x88: {  	_ =	swait.ge [sflag:s1], $0x2000  }
0x89: {  	[sflag:s1] =	ssyncset.done $0x0  }
0x8a: {  	[sflag:s1] =	ssyncadd.s32 $0xFFFFE000  }
0x8b: {  	[spmem:s2] =	stream.indirect.scatter.add.f32 [tilespmem:s12], [sflag:$0x3], $0x80, s11, s8, $0xb8;
	[tilespmem:$0x1EA00] =	vst v63  }
0x8c: {  	_ =	swait.ge [sflag:s15], $0x2000  }
0x8d: {  	[sflag:s15] =	ssyncset.done $0x0  }
0x8e: {  	s29 =	rddreg [dreg:$0x8];
	[sflag:s15] =	ssyncadd.s32 $0xFFFFE000  }
0x8f: {  	[tilespmem:s9], [sflag:$0x2] =	stream.linear.gather [hbm4b:s29+s18], $0x40, $0x38;
	[tilespmem:$0x1EA00] =	vst v63  }
0x90: {  	s30 =	simm.s32 $0x140  }
0x91: {  	[tilespmem:s10], [sflag:$0x1] =	stream.indirect.gather [hbm4b:s4+s8], $0x80, s30, s8, $0xb8;
	[tilespmem:$0x1EA00] =	vst v63  }
0x92: {  	_ =	swait.ge [sflag:s0], $0x40  }
0x93: {  	[sflag:s0] =	ssyncset.done $0x0  }
0x94: {  	[sflag:s0] =	ssyncadd.s32 $0xFFFFFFC0  }
0x95: {  	_ =	swait.ge [sflag:s1], $0x2000  }
0x96: {  	[sflag:s1] =	ssyncset.done $0x0  }
0x97: {  	[sflag:s1] =	ssyncadd.s32 $0xFFFFE000  }
0x98: {  	[spmem:s2] =	stream.indirect.scatter.add.f32 [tilespmem:s14], [sflag:$0x3], $0x80, s13, s8, $0xb8;
	[tilespmem:$0x1EA00] =	vst v63  }
0x99: {  	_ =	swait.ge [sflag:s15], $0x2000  }
0x9a: {  	[sflag:s15] =	ssyncset.done $0x0  }
0x9b: {  	s20 =	rddreg [dreg:$0x9];
	[sflag:s15] =	ssyncadd.s32 $0xFFFFE000  }
0x9c: {  	[tilespmem:s11], [sflag:$0x2] =	stream.linear.gather [hbm4b:s20+s18], $0x40, $0x38;
	[tilespmem:$0x1EA00] =	vst v63  }
0x9d: {  	s25 =	simm.s32 $0x180  }
0x9e: {  	[tilespmem:s12], [sflag:$0x1] =	stream.indirect.gather [hbm4b:s4+s8], $0x80, s25, s8, $0xb8;
	[tilespmem:$0x1EA00] =	vst v63  }
0x9f: {  	_ =	swait.ge [sflag:s0], $0x40  }
0xa0: {  	[sflag:s0] =	ssyncset.done $0x0  }
0xa1: {  	[sflag:s0] =	ssyncadd.s32 $0xFFFFFFC0  }
0xa2: {  	_ =	swait.ge [sflag:s1], $0x2000  }
0xa3: {  	[sflag:s1] =	ssyncset.done $0x0  }
0xa4: {  	[sflag:s1] =	ssyncadd.s32 $0xFFFFE000  }
0xa5: {  	[spmem:s2] =	stream.indirect.scatter.add.f32 [tilespmem:s31], [sflag:$0x3], $0x80, s7, s8, $0xb8;
	[tilespmem:$0x1EA00] =	vst v63  }
0xa6: {  	_ =	swait.ge [sflag:s15], $0x2000  }
0xa7: {  	[sflag:s15] =	ssyncset.done $0x0  }
0xa8: {  	[sflag:s15] =	ssyncadd.s32 $0xFFFFE000  }
0xa9: {  	[tilespmem:s13], [sflag:$0x2] =	stream.linear.gather [hbm4b:s23+s3], $0x40, $0x38;
	[tilespmem:$0x1EA00] =	vst v63  }
0xaa: {  	s26 =	simm.s32 $0x1C0  }
0xab: {  	[tilespmem:s14], [sflag:$0x1] =	stream.indirect.gather [hbm4b:s4+s8], $0x80, s26, s8, $0xb8;
	[tilespmem:$0x1EA00] =	vst v63  }
0xac: {  	_ =	swait.ge [sflag:s0], $0x40  }
0xad: {  	[sflag:s0] =	ssyncset.done $0x0  }
0xae: {  	[sflag:s0] =	ssyncadd.s32 $0xFFFFFFC0  }
0xaf: {  	_ =	swait.ge [sflag:s1], $0x2000  }
0xb0: {  	[sflag:s1] =	ssyncset.done $0x0  }
0xb1: {  	[sflag:s1] =	ssyncadd.s32 $0xFFFFE000  }
0xb2: {  	[spmem:s2] =	stream.indirect.scatter.add.f32 [tilespmem:s10], [sflag:$0x3], $0x80, s9, s8, $0xb8;
	[tilespmem:$0x1EA00] =	vst v63  }
0xb3: {  	_ =	swait.ge [sflag:s15], $0x2000  }
0xb4: {  	[sflag:s15] =	ssyncset.done $0x0  }
0xb5: {  	[sflag:s15] =	ssyncadd.s32 $0xFFFFE000  }
0xb6: {  	[tilespmem:s7], [sflag:$0x2] =	stream.linear.gather [hbm4b:s22+s3], $0x40, $0x38;
	[tilespmem:$0x1EA00] =	vst v63  }
0xb7: {  	s29 =	simm.s32 $0x200  }
0xb8: {  	[tilespmem:s31], [sflag:$0x1] =	stream.indirect.gather [hbm4b:s4+s8], $0x80, s29, s8, $0xb8;
	[tilespmem:$0x1EA00] =	vst v63  }
0xb9: {  	_ =	swait.ge [sflag:s0], $0x40  }
0xba: {  	[sflag:s0] =	ssyncset.done $0x0  }
0xbb: {  	[sflag:s0] =	ssyncadd.s32 $0xFFFFFFC0  }
0xbc: {  	_ =	swait.ge [sflag:s1], $0x2000  }
0xbd: {  	[sflag:s1] =	ssyncset.done $0x0  }
0xbe: {  	[sflag:s1] =	ssyncadd.s32 $0xFFFFE000  }
0xbf: {  	[spmem:s2] =	stream.indirect.scatter.add.f32 [tilespmem:s12], [sflag:$0x3], $0x80, s11, s8, $0xb8;
	[tilespmem:$0x1EA00] =	vst v63  }
0xc0: {  	_ =	swait.ge [sflag:s15], $0x2000  }
0xc1: {  	[sflag:s15] =	ssyncset.done $0x0  }
0xc2: {  	[sflag:s15] =	ssyncadd.s32 $0xFFFFE000  }
0xc3: {  	[tilespmem:s9], [sflag:$0x2] =	stream.linear.gather [hbm4b:s21+s3], $0x40, $0x38;
	[tilespmem:$0x1EA00] =	vst v63  }
0xc4: {  	s30 =	simm.s32 $0x240  }
0xc5: {  	[tilespmem:s10], [sflag:$0x1] =	stream.indirect.gather [hbm4b:s4+s8], $0x80, s30, s8, $0xb8;
	[tilespmem:$0x1EA00] =	vst v63  }
0xc6: {  	_ =	swait.ge [sflag:s0], $0x40  }
0xc7: {  	[sflag:s0] =	ssyncset.done $0x0  }
0xc8: {  	[sflag:s0] =	ssyncadd.s32 $0xFFFFFFC0  }
0xc9: {  	_ =	swait.ge [sflag:s1], $0x2000  }
0xca: {  	[sflag:s1] =	ssyncset.done $0x0  }
0xcb: {  	[sflag:s1] =	ssyncadd.s32 $0xFFFFE000  }
0xcc: {  	[spmem:s2] =	stream.indirect.scatter.add.f32 [tilespmem:s14], [sflag:$0x3], $0x80, s13, s8, $0xb8;
	[tilespmem:$0x1EA00] =	vst v63  }
0xcd: {  	s28 =	simm.s32 $0x280;
	s19 =	sadd.s32 $0x20, s23;
	_ =	swait.ge [sflag:s15], $0x2000  }
0xce: {  	s18 =	simm.s32 $0x400;
	s20 =	sadd.s32 $0x20, s24;
	[sflag:s15] =	ssyncset.done $0x0  }
0xcf: {  	s25 =	sadd.s32 $0x20, s21;
	s26 =	sadd.s32 $0x20, s22;
	[sflag:s15] =	ssyncadd.s32 $0xFFFFE000  }
0xd0: {  	[tilespmem:s11], [sflag:$0x2] =	stream.linear.gather [hbm4b:s24+s3], $0x40, $0x38;
	[tilespmem:$0x1EA00] =	vst v63  }
.LBB2_4:
0xd1: {  	[tilespmem:s12], [sflag:$0x1] =	stream.indirect.gather [hbm4b:s4+s8], $0x80, s28, s8, $0xb8;
	[tilespmem:$0x1EA00] =	vst v63  }
0xd2: {  	s29 =	smov.u32 s18;
	s28 =	smov.u32 s20  }
0xd3: {  	p0 =	sne.s32 s18, $0x9400;
	s18 =	sadd.s32 $0x400, s18;
	_ =	swait.ge [sflag:s0], $0x40  }
0xd4: {  	[sflag:s0] =	ssyncset.done $0x0  }
0xd5: {  	[sflag:s0] =	ssyncadd.s32 $0xFFFFFFC0  }
0xd6: {  	_ =	swait.ge [sflag:s1], $0x2000  }
0xd7: {  	[sflag:s1] =	ssyncset.done $0x0  }
0xd8: {  	[sflag:s1] =	ssyncadd.s32 $0xFFFFE000  }
0xd9: {  	[spmem:s2] =	stream.indirect.scatter.add.f32 [tilespmem:s31], [sflag:$0x3], $0x80, s7, s8, $0xb8;
	[tilespmem:$0x1EA00] =	vst v63  }
0xda: {  	_ =	swait.ge [sflag:s15], $0x2000  }
0xdb: {  	[sflag:s15] =	ssyncset.done $0x0  }
0xdc: {  	s29 =	sshra.s32 s29, $0x2;
	[sflag:s15] =	ssyncadd.s32 $0xFFFFE000  }
0xdd: {  	[tilespmem:s13], [sflag:$0x2] =	stream.linear.gather [hbm4b:s19+s3], $0x40, $0x38;
	[tilespmem:$0x1EA00] =	vst v63  }
0xde: {  	s30 =	sadd.s32 $0x1C0, s29  }
0xdf: {  	[tilespmem:s14], [sflag:$0x1] =	stream.indirect.gather [hbm4b:s4+s8], $0x80, s30, s8, $0xb8;
	[tilespmem:$0x1EA00] =	vst v63  }
0xe0: {  	_ =	swait.ge [sflag:s0], $0x40  }
0xe1: {  	[sflag:s0] =	ssyncset.done $0x0  }
0xe2: {  	[sflag:s0] =	ssyncadd.s32 $0xFFFFFFC0  }
0xe3: {  	_ =	swait.ge [sflag:s1], $0x2000  }
0xe4: {  	[sflag:s1] =	ssyncset.done $0x0  }
0xe5: {  	[sflag:s1] =	ssyncadd.s32 $0xFFFFE000  }
0xe6: {  	[spmem:s2] =	stream.indirect.scatter.add.f32 [tilespmem:s10], [sflag:$0x3], $0x80, s9, s8, $0xb8;
	[tilespmem:$0x1EA00] =	vst v63  }
0xe7: {  	_ =	swait.ge [sflag:s15], $0x2000  }
0xe8: {  	[sflag:s15] =	ssyncset.done $0x0  }
0xe9: {  	[sflag:s15] =	ssyncadd.s32 $0xFFFFE000  }
0xea: {  	[tilespmem:s7], [sflag:$0x2] =	stream.linear.gather [hbm4b:s26+s3], $0x40, $0x38;
	[tilespmem:$0x1EA00] =	vst v63  }
0xeb: {  	s30 =	sadd.s32 $0x200, s29  }
0xec: {  	[tilespmem:s31], [sflag:$0x1] =	stream.indirect.gather [hbm4b:s4+s8], $0x80, s30, s8, $0xb8;
	[tilespmem:$0x1EA00] =	vst v63  }
0xed: {  	_ =	swait.ge [sflag:s0], $0x40  }
0xee: {  	[sflag:s0] =	ssyncset.done $0x0  }
0xef: {  	[sflag:s0] =	ssyncadd.s32 $0xFFFFFFC0  }
0xf0: {  	_ =	swait.ge [sflag:s1], $0x2000  }
0xf1: {  	[sflag:s1] =	ssyncset.done $0x0  }
0xf2: {  	[sflag:s1] =	ssyncadd.s32 $0xFFFFE000  }
0xf3: {  	[spmem:s2] =	stream.indirect.scatter.add.f32 [tilespmem:s12], [sflag:$0x3], $0x80, s11, s8, $0xb8;
	[tilespmem:$0x1EA00] =	vst v63  }
0xf4: {  	_ =	swait.ge [sflag:s15], $0x2000  }
0xf5: {  	[sflag:s15] =	ssyncset.done $0x0  }
0xf6: {  	[sflag:s15] =	ssyncadd.s32 $0xFFFFE000  }
0xf7: {  	[tilespmem:s9], [sflag:$0x2] =	stream.linear.gather [hbm4b:s25+s3], $0x40, $0x38;
	[tilespmem:$0x1EA00] =	vst v63  }
0xf8: {  	s30 =	sadd.s32 $0x240, s29  }
0xf9: {  	[tilespmem:s10], [sflag:$0x1] =	stream.indirect.gather [hbm4b:s4+s8], $0x80, s30, s8, $0xb8;
	[tilespmem:$0x1EA00] =	vst v63  }
0xfa: {  	_ =	swait.ge [sflag:s0], $0x40  }
0xfb: {  	[sflag:s0] =	ssyncset.done $0x0  }
0xfc: {  	[sflag:s0] =	ssyncadd.s32 $0xFFFFFFC0  }
0xfd: {  	_ =	swait.ge [sflag:s1], $0x2000  }
0xfe: {  	[sflag:s1] =	ssyncset.done $0x0  }
0xff: {  	[sflag:s1] =	ssyncadd.s32 $0xFFFFE000  }
0x100: {  	[spmem:s2] =	stream.indirect.scatter.add.f32 [tilespmem:s14], [sflag:$0x3], $0x80, s13, s8, $0xb8;
	[tilespmem:$0x1EA00] =	vst v63  }
.Ltmp1:
0x101: {  	_ =	swait.ge [sflag:s15], $0x2000;
	(pc) =	sbr.rel @p0 .LBB2_4-.Ltmp1, $4  }
0x102: {  	[sflag:s15] =	ssyncset.done $0x0  }
0x103: {  	s20 =	sadd.s32 $0x20, s20;
	s19 =	sadd.s32 $0x20, s19;
	[sflag:s15] =	ssyncadd.s32 $0xFFFFE000  }
0x104: {  	[tilespmem:s11], [sflag:$0x2] =	stream.linear.gather [hbm4b:s28+s3], $0x40, $0x38;
	[tilespmem:$0x1EA00] =	vst v63  }
0x105: {  	s26 =	sadd.s32 $0x20, s26;
	s25 =	sadd.s32 $0x20, s25;
	s28 =	sadd.s32 $0x280, s29  }
0x106: {  	[tilespmem:s12], [sflag:$0x1] =	stream.indirect.gather [hbm4b:s4+s8], $0x80, s28, s8, $0xb8;
	[tilespmem:$0x1EA00] =	vst v63  }
0x107: {  	_ =	swait.ge [sflag:s0], $0x40  }
0x108: {  	[sflag:s0] =	ssyncset.done $0x0  }
0x109: {  	[sflag:s0] =	ssyncadd.s32 $0xFFFFFFC0  }
0x10a: {  	_ =	swait.ge [sflag:s1], $0x2000  }
0x10b: {  	[sflag:s1] =	ssyncset.done $0x0  }
0x10c: {  	[sflag:s1] =	ssyncadd.s32 $0xFFFFE000  }
0x10d: {  	[spmem:s2] =	stream.indirect.scatter.add.f32 [tilespmem:s31], [sflag:$0x3], $0x80, s7, s8, $0xb8;
	[tilespmem:$0x1EA00] =	vst v63  }
0x10e: {  	_ =	swait.ge [sflag:s15], $0x2000  }
0x10f: {  	[sflag:s15] =	ssyncset.done $0x0  }
0x110: {  	s18 =	rddreg [dreg:$0xa];
	[sflag:s15] =	ssyncadd.s32 $0xFFFFE000  }
0x111: {  	[tilespmem:s13], [sflag:$0x2] =	stream.linear.gather [hbm4b:s18+s3], $0x40, $0x38;
	[tilespmem:$0x1EA00] =	vst v63  }
0x112: {  	s28 =	simm.s32 $0x27C0  }
0x113: {  	[tilespmem:s14], [sflag:$0x1] =	stream.indirect.gather [hbm4b:s4+s8], $0x80, s28, s8, $0xb8;
	[tilespmem:$0x1EA00] =	vst v63  }
0x114: {  	_ =	swait.ge [sflag:s0], $0x40  }
0x115: {  	[sflag:s0] =	ssyncset.done $0x0  }
0x116: {  	[sflag:s0] =	ssyncadd.s32 $0xFFFFFFC0  }
0x117: {  	_ =	swait.ge [sflag:s1], $0x2000  }
0x118: {  	[sflag:s1] =	ssyncset.done $0x0  }
0x119: {  	[sflag:s1] =	ssyncadd.s32 $0xFFFFE000  }
0x11a: {  	[spmem:s2] =	stream.indirect.scatter.add.f32 [tilespmem:s10], [sflag:$0x3], $0x80, s9, s8, $0xb8;
	[tilespmem:$0x1EA00] =	vst v63  }
0x11b: {  	_ =	swait.ge [sflag:s15], $0x2000  }
0x11c: {  	[sflag:s15] =	ssyncset.done $0x0  }
0x11d: {  	[sflag:s15] =	ssyncadd.s32 $0xFFFFE000  }
0x11e: {  	_ =	swait.ge [sflag:s0], $0x40  }
0x11f: {  	[sflag:s0] =	ssyncset.done $0x0  }
0x120: {  	[sflag:s0] =	ssyncadd.s32 $0xFFFFFFC0  }
0x121: {  	_ =	swait.ge [sflag:s1], $0x2000  }
0x122: {  	[sflag:s1] =	ssyncset.done $0x0  }
0x123: {  	[sflag:s1] =	ssyncadd.s32 $0xFFFFE000  }
0x124: {  	[spmem:s2] =	stream.indirect.scatter.add.f32 [tilespmem:s12], [sflag:$0x3], $0x80, s11, s8, $0xb8;
	[tilespmem:$0x1EA00] =	vst v63  }
0x125: {  	_ =	swait.ge [sflag:s15], $0x2000  }
0x126: {  	[sflag:s15] =	ssyncset.done $0x0  }
0x127: {  	[sflag:s15] =	ssyncadd.s32 $0xFFFFE000  }
0x128: {  	_ =	swait.ge [sflag:s0], $0x40  }
0x129: {  	[sflag:s0] =	ssyncset.done $0x0  }
0x12a: {  	[sflag:s0] =	ssyncadd.s32 $0xFFFFFFC0  }
0x12b: {  	_ =	swait.ge [sflag:s1], $0x2000  }
0x12c: {  	[sflag:s1] =	ssyncset.done $0x0  }
0x12d: {  	[sflag:s1] =	ssyncadd.s32 $0xFFFFE000  }
0x12e: {  	[spmem:s2] =	stream.indirect.scatter.add.f32 [tilespmem:s14], [sflag:$0x3], $0x80, s13, s8, $0xb8;
	[tilespmem:$0x1EA00] =	vst v63  }
0x12f: {  	_ =	swait.ge [sflag:s15], $0x2000  }
0x130: {  	[sflag:s15] =	ssyncset.done $0x0  }
0x131: {  	[sflag:s15] =	ssyncadd.s32 $0xFFFFE000  }
0x132: {  	_ =	swait.ge [sflag:s15], $0x2000  }
0x133: {  	[sflag:s15] =	ssyncset.done $0x0  }
0x134: {  	s29 =	stileid.u32;
	[sflag:s15] =	ssyncadd.s32 $0xFFFFE000  }
0x135: {  	s18 =	sshll.u32 s29, $0x6;
	[bflag:$0x0] =	sbarrier.arrive $0xFFFF  }
0x136: {  	s19 =	sshrl.u32 s6, $0x3;
	s18 =	sor.u32 $0x1C04, s18;
	s20 =	rddreg [dreg:$0xb]  }
0x137: {  	[hbm:s20], [sflag:s18] =	dma.local [spmem:s19], $0x2800  }
0x138: {  	_ =	swait.ge [sflag:s16], $0x2800  }
0x139: {  	s17 =	sadd.s32 $0x1, s17;
	s30 =	rddreg [dreg:$0xc]  }
0x13a: {  	p0 =	sne.s32 s17, s30  }
.Ltmp2:
0x13b: {  	_ = 	snop;
	(pc) =	sbr.rel @p0 .LBB2_1-.Ltmp2, $3  }
0x13c: {  	_ =	sdelay $0x1  }
0x13d: {  	[sflag:s16] =	ssyncset.done $0x0  }
0x13e: {  	[sflag:s16] =	ssyncadd.s32 $0xFFFFD800  }
0x13f: {  	_ =	sfence.sel $0x180000  }
0x140: {  	[bflag:$0x0] =	sbarrier.arrive $0xFFFF  }
0x141: {  	_ =	strace $0x9000004A  }
0x142: {  	s0 =	stileid.u32;
	[bflag:$0x2] =	sbarrier.arrive $0xFFFF  }
0x143: {  	p0 =	sne.s32 s0, $0x0;
	s0 =	rddreg [dreg:$0x2]  }
0x144: {  	s0 =	sadd.s32 @!p0 $0x100000, s0  }
0x145: {  	[sflag:s0] =	ssyncadd.tile.s32 @!p0 $0x1;
	_ =	shalt  }
.Lfunc_end2:
_tile_overlayer_lowered:
.L_overlay_start_2:
0x146: {  	(tag) =	ssettag $0x2  }
0x147: {  	s0 =	rddreg [dreg:$0x0];
	s2 =	stileid.u32  }
0x148: {  	s1 =	rddreg [dreg:$0x1];
	p0 =	sne.s32 s2, $0x0  }
0x149: {  	s3 =	rddreg [dreg:$0x2];
	[bflag:$0x3] =	sbarrier.arrive $0xFFFF;
	s2 =	simm.s32 @!p0 $0x1C04  }
0x14a: {  	[timem:s3], [sflag:s2] =	dma.local @!p0 [hbm:s0], s1  }
0x14b: {  	s0 =	simm.s32 @!p0 $0x4  }
0x14c: {  	_ =	swait.ge @!p0 [sflag:s0], s1  }
0x14d: {  	s1 =	ssub.s32 @!p0 $0x0, s1;
	[sflag:s0] =	ssyncset.done @!p0 $0x0  }
0x14e: {  	[sflag:s0] =	ssyncadd.s32 @!p0 s1  }
0x14f: {  	[bflag:$0x3] =	sbarrier.arrive $0xFFFF  }
0x150: {  	_ =	shalt  }

// kernel: kernel.16.cloned.1.call-start
scs
__scs_entry_jumppad:
0x0: {  	(pc) =	sbr.rel $0x88, $3  }
0x1: {  	(tag) =	ssettag $0x0;
	lr =	simm.s32 $0x1  }
0x2: {  	[smem:$0x3F84] =	sst lr;
	_ =	strace $0xD0000000  }
0x3: {  	_ = 	snop  }
0x4: {  	_ = 	snop  }
0x5: {  	_ = 	snop  }
0x6: {  	_ = 	snop  }
0x7: {  	_ = 	snop  }
__scs_overlays_trampoline_lowered:
0x8: {  	[smem:$0x3F93] =	sst s0  }
0x9: {  	[smem:$0x3F94] =	sst s1  }
0xa: {  	[smem:$0x3F95] =	sst s2  }
0xb: {  	[smem:$0x3F96] =	sst s3  }
0xc: {  	[smem:$0x3F97] =	sst s4  }
0xd: {  	[smem:$0x3F98] =	sst s5  }
0xe: {  	[smem:$0x3F99] =	sst s6  }
0xf: {  	[smem:$0x3F9A] =	sst s7  }
0x10: {  	[smem:$0x3F9B] =	sst s8  }
0x11: {  	[smem:$0x3F9C] =	sst s9;
	s0 =	simm.s32 @!p0 $0x0  }
0x12: {  	s1 =	sld [smem:$0x3F82];
	s0 =	simm.s32 @p0 $0x1  }
0x13: {  	[smem:$0x3F9D] =	sst s0;
	s0 =	simm.s32 @!p1 $0x0  }
0x14: {  	s2 =	sld [smem:$0x3F81];
	s0 =	simm.s32 @p1 $0x1  }
0x15: {  	[smem:$0x3F9E] =	sst s0;
	s0 =	simm.s32 @!p2 $0x0  }
0x16: {  	s3 =	sld [smem:$0x3FDB];
	s0 =	simm.s32 @p2 $0x1  }
0x17: {  	s4 =	simm.s32 $0x1BF5;
	[smem:$0x3FA0] =	sst s0  }
0x18: {  	s0 =	sld [smem:$0x3F83];
	_ =	swait.ge [sflag:s4], $0x0  }
0x19: {  	s7 =	sld [smem:$0x3F84]  }
0x1a: {  	s8 =	sadd.s32 $0xFFFFE003, lr  }
0x1b: {  	s9 =	sadd.s32 $0xFFFFFEF7, lr;
	s5 =	simm.s32 $0xFFFFFFFF;
	p2 =	slt.u32 s8, $0xFFFFF086  }
0x1c: {  	p1 =	slt.u32 s9, $0xF7A;
	s5 =	simm.s32 @!p2 $0x0  }
0x1d: {  	s5 =	simm.s32 @p1 $0x1;
	p0 =	seq.s32 s7, s2  }
0x1e: {  	s7 =	smul.u32 @!p0 $0xF7A, s2;
	p2 =	seq.s32 @!p0 s5, $0x0  }
0x1f: {  	s9 =	smul.u32 $0xF7A, s1;
	s8 =	simm.s32 @!p0 $0x1BF5;
	p2 =	por !p2, p0  }
0x20: {  	[sflag:s8] =	ssyncset.s32 @!p0 $0xFFFFF086;
	s6 =	sadd.s32 @!p0 s3, s7;
	s7 =	simm.s32 @!p0 $0x108  }
0x21: {  	s3 =	sadd.s32 s3, s9;
	s6 =	sadd.s32 @!p0 $0x88, s6;
	s7 =	simm.s32 @p2 $0x1082  }
0x22: {  	[simem:s7], [sflag:s8] =	dma.local @!p0 [hbm:s6], $0xF7A  }
0x23: {  	s9 =	sor.u32 $0xD0000000, s2;
	s6 =	simm.s32 $0x108;
	_ =	swait.ge @!p0 [sflag:s8], $0x0  }
0x24: {  	s3 =	sadd.s32 $0x88, s3;
	s6 =	simm.s32 @!p1 $0x1082;
	[sflag:s4] =	ssyncset.s32 $0xFFFFF086  }
0x25: {  	[simem:s6], [sflag:s4] =	dma.local [hbm:s3], $0xF7A  }
0x26: {  	[smem:$0x3F84] =	sst s1;
	(tag) =	ssettag s2;
	_ =	strace s9  }
0x27: {  	s1 =	sld [smem:$0x3F94]  }
0x28: {  	s2 =	sld [smem:$0x3F95]  }
0x29: {  	s4 =	sld [smem:$0x3F97]  }
0x2a: {  	p0 =	seq.s32 s5, $0x0;
	s5 =	sld [smem:$0x3F98]  }
0x2b: {  	s6 =	sld [smem:$0x3F99]  }
0x2c: {  	s7 =	sld [smem:$0x3F9A]  }
0x2d: {  	s3 =	simm.s32 $0x108;
	s8 =	sld [smem:$0x3F9B]  }
0x2e: {  	s3 =	simm.s32 @!p0 $0x1082;
	s9 =	sld [smem:$0x3F9C]  }
0x2f: {  	lr =	sadd.s32 s0, s3;
	s0 =	sld [smem:$0x3F93]  }
0x30: {  	s3 =	sld [smem:$0x3F96]  }
0x31: {  	[smem:$0x3F9F] =	sst s10  }
0x32: {  	s10 =	sld [smem:$0x3F9D];
	_ =	sdelay $0x3  }
0x33: {  	p0 =	seq.s32 s10, $0x1;
	s10 =	sld [smem:$0x3F9F];
	_ =	sdelay $0x3  }
0x34: {  	[smem:$0x3F9F] =	sst s10  }
0x35: {  	s10 =	sld [smem:$0x3F9E];
	_ =	sdelay $0x3  }
0x36: {  	p1 =	seq.s32 s10, $0x1;
	s10 =	sld [smem:$0x3F9F];
	_ =	sdelay $0x3  }
0x37: {  	[smem:$0x3F9F] =	sst s10  }
0x38: {  	s10 =	sld [smem:$0x3FA0]  }
0x39: {  	_ = 	snop;
	(pc) =	sbr.ind lr, $3  }
0x3a: {  	_ = 	snop  }
0x3b: {  	_ = 	snop  }
0x3c: {  	p2 =	seq.s32 s10, $0x1;
	s10 =	sld [smem:$0x3F9F]  }
0x3d: {  	_ =	shalt  }
0x3e: {  	_ =	shalt  }
0x3f: {  	_ =	shalt  }
0x40: {  	_ =	shalt  }
0x41: {  	_ =	shalt  }
0x42: {  	_ =	shalt  }
0x43: {  	_ =	shalt  }
0x44: {  	_ =	shalt  }
0x45: {  	_ =	shalt  }
0x46: {  	_ =	shalt  }
0x47: {  	_ =	shalt  }
0x48: {  	_ =	shalt  }
0x49: {  	_ =	shalt  }
0x4a: {  	_ =	shalt  }
0x4b: {  	_ =	shalt  }
0x4c: {  	_ =	shalt  }
0x4d: {  	_ =	shalt  }
0x4e: {  	_ =	shalt  }
0x4f: {  	_ =	shalt  }
0x50: {  	_ =	shalt  }
0x51: {  	_ =	shalt  }
0x52: {  	_ =	shalt  }
0x53: {  	_ =	shalt  }
0x54: {  	_ =	shalt  }
0x55: {  	_ =	shalt  }
0x56: {  	_ =	shalt  }
0x57: {  	_ =	shalt  }
0x58: {  	_ =	shalt  }
0x59: {  	_ =	shalt  }
0x5a: {  	_ =	shalt  }
0x5b: {  	_ =	shalt  }
0x5c: {  	_ =	shalt  }
0x5d: {  	_ =	shalt  }
0x5e: {  	_ =	shalt  }
0x5f: {  	_ =	shalt  }
0x60: {  	_ =	shalt  }
0x61: {  	_ =	shalt  }
0x62: {  	_ =	shalt  }
0x63: {  	_ =	shalt  }
0x64: {  	_ =	shalt  }
0x65: {  	_ =	shalt  }
0x66: {  	_ =	shalt  }
0x67: {  	_ =	shalt  }
0x68: {  	_ =	shalt  }
0x69: {  	_ =	shalt  }
0x6a: {  	_ =	shalt  }
0x6b: {  	_ =	shalt  }
0x6c: {  	_ =	shalt  }
0x6d: {  	_ =	shalt  }
0x6e: {  	_ =	shalt  }
0x6f: {  	_ =	shalt  }
0x70: {  	_ =	shalt  }
0x71: {  	_ =	shalt  }
0x72: {  	_ =	shalt  }
0x73: {  	_ =	shalt  }
0x74: {  	_ =	shalt  }
0x75: {  	_ =	shalt  }
0x76: {  	_ =	shalt  }
0x77: {  	_ =	shalt  }
0x78: {  	_ =	shalt  }
0x79: {  	_ =	shalt  }
0x7a: {  	_ =	shalt  }
0x7b: {  	_ =	shalt  }
0x7c: {  	_ =	shalt  }
0x7d: {  	_ =	shalt  }
0x7e: {  	_ =	shalt  }
0x7f: {  	_ =	shalt  }
0x80: {  	_ =	shalt  }
0x81: {  	_ =	shalt  }
0x82: {  	_ =	shalt  }
0x83: {  	_ =	shalt  }
0x84: {  	_ =	shalt  }
0x85: {  	_ =	shalt  }
0x86: {  	_ =	shalt  }
0x87: {  	_ =	shalt  }
.Lfunc_end0:
.L_simem_size_0:
called_computation.2_lowered:
.L_overlay_start_0:
0x88: {  	s2 =	sld [smem:$0x3FD9]  }
0x89: {  	s3 =	sld [smem:$0x3FFE];
	_ =	sdelay $0x1  }
0x8a: {  	s1 =	srdreg.scid  }
0x8b: {  	s0 =	sand.u32 $0x1, s1  }
0x8c: {  	s16 =	sshll.u32 s0, $0xA;
	s2 =	sadd.s32 s3, s2  }
0x8d: {  	s2 =	sadd.s32 s2, s16  }
0x8e: {  	[smem:$0x3FAB] =	sst s2  }
0x8f: {  	_ = 	snop  }
0x90: {  	(tm) =	ssettm $0x1  }
0x91: {  	s17 =	sld [smem:$0x3FFB];
	_ =	sdelay $0x3  }
0x92: {  	_ =	strace s17  }
0x93: {  	s2 =	sld [smem:$0x3FFC];
	_ =	sdelay $0x3  }
0x94: {  	_ =	strace s2  }
0x95: {  	s2 =	sld [smem:$0x3FFD];
	_ =	sdelay $0x3  }
0x96: {  	_ =	strace s2  }
0x97: {  	_ =	strace $0x8FFFFFFF  }
0x98: {  	s18 =	sld [smem:$0x3FDB];
	_ =	sdelay $0x1  }
0x99: {  	s19 =	simm.s32 $_scs_section_size  }
0x9a: {  	s4 =	simm.s32 $_size__tile_overlayer_lowered;
	s5 =	simm.s32 $_tile_overlayer_lowered  }
0x9b: {  	s22 =	simm.s32 $0x1BFF;
	s21 =	sshll.u32 s5, $0x1;
	s2 =	sadd.s32 s19, s18  }
0x9c: {  	s6 =	simm.s32 $0x0;
	s20 =	sshll.u32 s4, $0x1;
	s4 =	sadd.s32 s21, s2  }
0x9d: {  	[timem:s6], [sflag:s22] =	dma.local [hbm:s4], s20  }
0x9e: {  	_ =	swait.ge [sflag:s22], s20  }
0x9f: {  	s3 =	ssub.s32 $0x0, s20;
	[sflag:s22] =	ssyncset.done $0x0  }
0xa0: {  	[sflag:s22] =	ssyncadd.s32 s3;
	_ =	sdelay $0x1  }
0xa1: {  	s23 =	simm.s32 $0x1B8B  }
0xa2: {  	_ =	swait.ge [sflag:s23], $0x1  }
0xa3: {  	[sflag:s23] =	ssyncset.done $0x0  }
0xa4: {  	s25 =	simm.s32 $0x1B8E;
	s24 =	sld [smem:$0x3FFE];
	[sflag:s23] =	ssyncadd.s32 $0xFFFFFFFF  }
0xa5: {  	s26 =	simm.s32 $execute0_lowered;
	[smem:$0x3FD2] =	sst s25  }
0xa6: {  	s4 =	sshll.u32 s26, $0x1;
	_ =	strace $0x8000004C;
	[dreg:$0x1] =	wrdreg $0xFFFFFFFF  }
0xa7: {  	s28 =	simm.s32 $_size_execute0_lowered;
	s2 =	sadd.s32 s2, s4;
	[dreg:$0x0] =	wrdreg $0x0  }
0xa8: {  	s4 =	sshll.u32 s28, $0x1;
	[dreg:$0x2] =	wrdreg s2  }
0xa9: {  	[dreg:$0x3] =	wrdreg s4  }
0xaa: {  	[dreg:$0x4] =	wrdreg $0xC0  }
0xab: {  	_ =	task [dreg:s6], $0x5FFFF  }
0xac: {  	[dreg:$0x1] =	wrdreg $0xFFFFFFFF  }
0xad: {  	[dreg:$0x0] =	wrdreg $0x60  }
0xae: {  	[dreg:$0x2] =	wrdreg s24  }
0xaf: {  	[dreg:$0x3] =	wrdreg $0xAA000  }
0xb0: {  	[dreg:$0x4] =	wrdreg $0x9  }
0xb1: {  	_ =	task.clear_ibuf [dreg:s6], $0x5FFFF;
	_ =	strace $0x9000004C  }
0xb2: {  	s29 =	simm.s32 $0x9;
	_ =	strace $0x8000004E  }
0xb3: {  	_ =	swait.ge [sflag:s29], $0x1  }
0xb4: {  	[sflag:s29] =	ssyncadd.s32 $0xFFFFFFFF  }
0xb5: {  	_ =	strace $0x9000004E  }
0xb6: {  	_ =	sfence  }
0xb7: {  	s30 =	sld [smem:$0x0];
	_ =	sdelay $0x2  }
0xb8: {  	s31 =	sshll.u32 s1, $0xD;
	s1 =	sshrl.u32 s1, $0x2  }
0xb9: {  	s3 =	sand.u32 $0x4000, s31;
	s1 =	sadd.s32 s1, s30  }
0xba: {  	s0 =	sor.u32 s3, s0;
	s1 =	sshll.u32 s1, $0x11  }
0xbb: {  	s0 =	sor.u32 s1, s0  }
0xbc: {  	s0 =	sadd.s32 $0x8F2B, s0  }
0xbd: {  	[sflag:s0] =	ssyncadd.remote.s32 $0x1  }
0xbe: {  	_ =	sfence.sel $0xFFFF  }
0xbf: {  	[dreg:$0x0] =	wrdreg $0xFFFFFFFF;
	(pc) =	sbr.abs _section_cstart, $3  }
0xc0: {  	[dreg:$0x1] =	wrdreg $0xFFFFFFFF  }
0xc1: {  	_ =	task.clear_ibuf [dreg:s6], $0x2FFFF;
	_ =	strace $0x9FFFFFFF  }
0xc2: {  	(tm) =	ssettm $0x7FFFFFFF  }
0xc3: {  	_ =	shalt  }
tec
execute0_lowered:
.L_overlay_start_1:
0x0: {  	(tag) =	ssettag $0x1  }
0x1: {  	s0 =	rddreg [dreg:$0x0]  }
0x2: {  	s2 =	rddreg [dreg:$0x1];
	s10 =	stileid.u32  }
0x3: {  	s1 =	srdreg.scid;
	s3 =	simm.s32 $0x0;
	s5 =	smul.u32 $0x14000, s10  }
0x4: {  	s31 =	simm.s32 $0x2A00;
	s1 =	sand.u32 $0x1, s1;
	s7 =	smul.u32 $0x50000, s10  }
0x5: {  	s6 =	sshll.u32 s10, $0x1;
	[smem:$0x7FF] =	sst s3;
	s28 =	smul.u32 $0x5000, s10  }
0x6: {  	s8 =	sadd.s32 $0x6A00, s0;
	s4 =	smul.u32 $0x140000, s1;
	s6 =	sor.u32 s1, s6  }
0x7: {  	s10 =	simm.s32 $0x4A00;
	s24 =	ssub.s32 $0x2, s1;
	s6 =	smul.u32 $0x2800, s6  }
0x8: {  	s9 =	sshrl.u32 s24, $0x1;
	s5 =	sadd.s32 s5, s4;
	s4 =	sadd.s32 $0x1AA00, s0  }
0x9: {  	s9 =	ssub.s32 s24, s9;
	s5 =	sshrl.u32 s5, $0x3;
	s6 =	sshrl.u32 s6, $0x3  }
0xa: {  	s16 =	smax.u32 s9, $0x1;
	s0 =	sadd.s32 s5, s0;
	s5 =	sadd.s32 s8, s6  }
0xb: {  	_ =	strace $0x8000004D;
	[dreg:$0xc] =	wrdreg s16;
	s25 =	sadd.s32 $0xA000, s5  }
0xc: {  	s1 =	smul.u32 $0x2800, s1;
	s26 =	sadd.s32 $0xA008, s5;
	[dreg:$0x3] =	wrdreg s25  }
0xd: {  	s7 =	sshrl.u32 s7, $0x2;
	s29 =	sadd.s32 $0xA010, s5;
	[dreg:$0x4] =	wrdreg s26  }
0xe: {  	s15 =	sadd.s32 s1, s28;
	s30 =	sadd.s32 $0xA018, s5;
	[dreg:$0x5] =	wrdreg s29  }
0xf: {  	s18 =	sadd.s32 $0x50240, s15;
	s11 =	sadd.s32 $0xA020, s5;
	[dreg:$0x6] =	wrdreg s30  }
0x10: {  	s22 =	sadd.s32 $0x50200, s15;
	s12 =	sadd.s32 $0xA028, s5;
	[dreg:$0x7] =	wrdreg s11  }
0x11: {  	s23 =	sadd.s32 $0x501C0, s15;
	s13 =	sadd.s32 $0xA030, s5;
	[dreg:$0x8] =	wrdreg s12  }
0x12: {  	s9 =	simm.s32 $0x2880;
	s14 =	sadd.s32 $0xA4F8, s5;
	[dreg:$0x9] =	wrdreg s13  }
0x13: {  	s6 =	sadd.s32 s7, s2;
	s0 =	sadd.s32 $0x6AA00, s0;
	[dreg:$0xa] =	wrdreg s14  }
0x14: {  	s1 =	sshrl.u32 s18, $0x3;
	s17 =	sadd.s32 $0x2000, s6;
	[dreg:$0xb] =	wrdreg s0  }
0x15: {  	s24 =	sshrl.u32 s23, $0x3;
	s19 =	sadd.s32 $0x4000, s6;
	[dreg:$0xd] =	wrdreg s17  }
0x16: {  	s7 =	simm.s32 $0x2800;
	s20 =	sadd.s32 $0x6000, s6;
	[dreg:$0xe] =	wrdreg s19  }
0x17: {  	s16 =	simm.s32 $0x4;
	s21 =	sadd.s32 $0x8000, s6;
	[dreg:$0xf] =	wrdreg s20  }
0x18: {  	s23 =	sadd.s32 s24, s8;
	s28 =	sadd.s32 $0xE000, s6;
	[dreg:$0x10] =	wrdreg s21  }
0x19: {  	s21 =	sadd.s32 s1, s8;
	s1 =	sshrl.u32 s22, $0x3;
	s0 =	sadd.s32 $0x50280, s15  }
0x1a: {  	s25 =	sadd.s32 $0xA000, s6;
	s26 =	sadd.s32 $0xC000, s6;
	[dreg:$0x13] =	wrdreg s28  }
0x1b: {  	s29 =	sadd.s32 $0x10000, s6;
	s30 =	sadd.s32 $0x12000, s6;
	s11 =	simm.s32 $0x2900  }
0x1c: {  	s12 =	simm.s32 $0x6A00;
	s13 =	simm.s32 $0x2980;
	[dreg:$0x11] =	wrdreg s25  }
0x1d: {  	s14 =	simm.s32 $0x8A00;
	s15 =	simm.s32 $0x3;
	[dreg:$0x12] =	wrdreg s26  }
0x1e: {  	s17 =	simm.s32 $0x0;
	s22 =	sadd.s32 s1, s8;
	[dreg:$0x14] =	wrdreg s29  }
0x1f: {  	s0 =	sshrl.u32 s0, $0x3;
	[dreg:$0x15] =	wrdreg s30;
	s1 =	simm.s32 $0x1  }
0x20: {  	v0 =	vimm.f32 $0.0e+00;
	s24 =	sadd.s32 s0, s8;
	s0 =	simm.s32 $0x2;
	s8 =	simm.s32 $0x40  }
.LBB2_1:
0x21: {  	[tilespmem:s3], [sflag:$0x1] =	stream.linear.gather [hbm4b:s5+s3], $0x2800, $0x38;
	[tilespmem:$0x1EA00] =	vst v63  }
0x22: {  	s18 =	sand.u32 $0x7E00, s3  }
0x23: {  	s19 =	sand.u32 $0x70, s3;
	s20 =	sshrl.u32 s18, $0x2  }
0x24: {  	s18 =	simm.s32 $0x40;
	s20 =	sor.u32 s19, s20;
	s19 =	simm.s32 $0x0  }
.LBB2_2:
0x25: {  	p0 =	sne.s32 s18, $0x7FC0  }
0x26: {  	[tilespmem:s20+$0x2A00] =	vst v0;
	s19 =	sadd.s32 $0x10, s19;
	s20 =	smov.u32 s18;
	s18 =	sadd.s32 $0x40, s18  }
.Ltmp0:
0x27: {  	(pc) =	sbr.rel @p0 .LBB2_2-.Ltmp0, $4  }
0x28: {  	_ = 	snop  }
0x29: {  	s20 =	sand.u32 $0x7E00, s20  }
0x2a: {  	s25 =	sand.u32 $0x70, s19;
	s20 =	sshrl.u32 s20, $0x2  }
0x2b: {  	s20 =	sor.u32 s25, s20  }
0x2c: {  	[tilespmem:s20+$0x2A00] =	vst v0  }
0x2d: {  	[spmem:s6] =	stream.linear.scatter [tilespmem:s31], [sflag:$0x2], $0x2000, $0x38;
	[tilespmem:$0x1EA00] =	vst v63  }
0x2e: {  	s18 =	rddreg [dreg:$0xd]  }
0x2f: {  	[spmem:s18] =	stream.linear.scatter [tilespmem:s31], [sflag:$0x2], $0x2000, $0x38;
	[tilespmem:$0x1EA00] =	vst v63  }
0x30: {  	s19 =	rddreg [dreg:$0xe]  }
0x31: {  	[spmem:s19] =	stream.linear.scatter [tilespmem:s31], [sflag:$0x2], $0x2000, $0x38;
	[tilespmem:$0x1EA00] =	vst v63  }
0x32: {  	s20 =	rddreg [dreg:$0xf]  }
0x33: {  	[spmem:s20] =	stream.linear.scatter [tilespmem:s31], [sflag:$0x2], $0x2000, $0x38;
	[tilespmem:$0x1EA00] =	vst v63  }
0x34: {  	s25 =	rddreg [dreg:$0x10]  }
0x35: {  	[spmem:s25] =	stream.linear.scatter [tilespmem:s31], [sflag:$0x2], $0x2000, $0x38;
	[tilespmem:$0x1EA00] =	vst v63  }
0x36: {  	s26 =	rddreg [dreg:$0x11]  }
0x37: {  	[spmem:s26] =	stream.linear.scatter [tilespmem:s31], [sflag:$0x2], $0x2000, $0x38;
	[tilespmem:$0x1EA00] =	vst v63  }
0x38: {  	s29 =	rddreg [dreg:$0x12]  }
0x39: {  	[spmem:s29] =	stream.linear.scatter [tilespmem:s31], [sflag:$0x2], $0x2000, $0x38;
	[tilespmem:$0x1EA00] =	vst v63  }
0x3a: {  	s30 =	rddreg [dreg:$0x13]  }
0x3b: {  	[spmem:s30] =	stream.linear.scatter [tilespmem:s31], [sflag:$0x2], $0x2000, $0x38;
	[tilespmem:$0x1EA00] =	vst v63  }
0x3c: {  	s19 =	rddreg [dreg:$0x14]  }
0x3d: {  	[spmem:s19] =	stream.linear.scatter [tilespmem:s31], [sflag:$0x2], $0x2000, $0x38;
	[tilespmem:$0x1EA00] =	vst v63  }
0x3e: {  	s20 =	rddreg [dreg:$0x15]  }
0x3f: {  	[spmem:s20] =	stream.linear.scatter [tilespmem:s31], [sflag:$0x2], $0x2000, $0x38;
	[tilespmem:$0x1EA00] =	vst v63  }
0x40: {  	_ =	swait.ge [sflag:s0], $0x2000  }
0x41: {  	[sflag:s0] =	ssyncset.done $0x0  }
0x42: {  	[sflag:s0] =	ssyncadd.s32 $0xFFFFE000  }
0x43: {  	_ =	swait.ge [sflag:s0], $0x2000  }
0x44: {  	[sflag:s0] =	ssyncset.done $0x0  }
0x45: {  	[sflag:s0] =	ssyncadd.s32 $0xFFFFE000  }
0x46: {  	_ =	swait.ge [sflag:s0], $0x2000  }
0x47: {  	[sflag:s0] =	ssyncset.done $0x0  }
0x48: {  	[sflag:s0] =	ssyncadd.s32 $0xFFFFE000  }
0x49: {  	_ =	swait.ge [sflag:s0], $0x2000  }
0x4a: {  	[sflag:s0] =	ssyncset.done $0x0  }
0x4b: {  	[sflag:s0] =	ssyncadd.s32 $0xFFFFE000  }
0x4c: {  	_ =	swait.ge [sflag:s0], $0x2000  }
0x4d: {  	[sflag:s0] =	ssyncset.done $0x0  }
0x4e: {  	[sflag:s0] =	ssyncadd.s32 $0xFFFFE000  }
0x4f: {  	_ =	swait.ge [sflag:s0], $0x2000  }
0x50: {  	[sflag:s0] =	ssyncset.done $0x0  }
0x51: {  	[sflag:s0] =	ssyncadd.s32 $0xFFFFE000  }
0x52: {  	_ =	swait.ge [sflag:s0], $0x2000  }
0x53: {  	[sflag:s0] =	ssyncset.done $0x0  }
0x54: {  	[sflag:s0] =	ssyncadd.s32 $0xFFFFE000  }
0x55: {  	_ =	swait.ge [sflag:s0], $0x2000  }
0x56: {  	[sflag:s0] =	ssyncset.done $0x0  }
0x57: {  	[sflag:s0] =	ssyncadd.s32 $0xFFFFE000  }
0x58: {  	_ =	swait.ge [sflag:s0], $0x2000  }
0x59: {  	[sflag:s0] =	ssyncset.done $0x0  }
0x5a: {  	[sflag:s0] =	ssyncadd.s32 $0xFFFFE000  }
0x5b: {  	_ =	swait.ge [sflag:s0], $0x2000  }
0x5c: {  	[sflag:s0] =	ssyncset.done $0x0  }
0x5d: {  	[sflag:s0] =	ssyncadd.s32 $0xFFFFE000  }
0x5e: {  	_ =	swait.ge [sflag:s1], $0x2800  }
0x5f: {  	[sflag:s1] =	ssyncset.done $0x0  }
0x60: {  	s18 =	simm.s32 $0x0;
	s19 =	rddreg [dreg:$0x3];
	[sflag:s1] =	ssyncadd.s32 $0xFFFFD800  }
0x61: {  	[tilespmem:s7], [sflag:$0x2] =	stream.linear.gather [hbm4b:s19+s18], $0x40, $0x38;
	[tilespmem:$0x1EA00] =	vst v63  }
0x62: {  	_ = 	snop  }
0x63: {  	[tilespmem:s31], [sflag:$0x1] =	stream.indirect.gather [hbm4b:s4+s8], $0x80, s18, s8, $0xb8;
	[tilespmem:$0x1EA00] =	vst v63  }
0x64: {  	s25 =	rddreg [dreg:$0x4]  }
0x65: {  	[tilespmem:s9], [sflag:$0x2] =	stream.linear.gather [hbm4b:s25+s18], $0x40, $0x38;
	[tilespmem:$0x1EA00] =	vst v63  }
0x66: {  	_ = 	snop  }
0x67: {  	[tilespmem:s10], [sflag:$0x1] =	stream.indirect.gather [hbm4b:s4+s8], $0x80, s8, s8, $0xb8;
	[tilespmem:$0x1EA00] =	vst v63  }
0x68: {  	s26 =	rddreg [dreg:$0x5]  }
0x69: {  	[tilespmem:s11], [sflag:$0x2] =	stream.linear.gather [hbm4b:s26+s18], $0x40, $0x38;
	[tilespmem:$0x1EA00] =	vst v63  }
0x6a: {  	s29 =	simm.s32 $0x80  }
0x6b: {  	[tilespmem:s12], [sflag:$0x1] =	stream.indirect.gather [hbm4b:s4+s8], $0x80, s29, s8, $0xb8;
	[tilespmem:$0x1EA00] =	vst v63  }
0x6c: {  	[bflag:$0x0] =	sbarrier.arrive $0xFFFF  }
0x6d: {  	_ =	swait.ge [sflag:s0], $0x40  }
0x6e: {  	[sflag:s0] =	ssyncset.done $0x0  }
0x6f: {  	[sflag:s0] =	ssyncadd.s32 $0xFFFFFFC0  }
0x70: {  	_ =	swait.ge [sflag:s1], $0x2000  }
0x71: {  	[sflag:s1] =	ssyncset.done $0x0  }
0x72: {  	[sflag:s1] =	ssyncadd.s32 $0xFFFFE000  }
0x73: {  	[spmem:s2] =	stream.indirect.scatter.add.f32 [tilespmem:s31], [sflag:$0x3], $0x80, s7, s8, $0xb8;
	[tilespmem:$0x1EA00] =	vst v63  }
0x74: {  	s30 =	rddreg [dreg:$0x6]  }
0x75: {  	[tilespmem:s13], [sflag:$0x2] =	stream.linear.gather [hbm4b:s30+s18], $0x40, $0x38;
	[tilespmem:$0x1EA00] =	vst v63  }
0x76: {  	s20 =	simm.s32 $0xC0  }
0x77: {  	[tilespmem:s14], [sflag:$0x1] =	stream.indirect.gather [hbm4b:s4+s8], $0x80, s20, s8, $0xb8;
	[tilespmem:$0x1EA00] =	vst v63  }
0x78: {  	_ =	swait.ge [sflag:s0], $0x40  }
0x79: {  	[sflag:s0] =	ssyncset.done $0x0  }
0x7a: {  	[sflag:s0] =	ssyncadd.s32 $0xFFFFFFC0  }
0x7b: {  	_ =	swait.ge [sflag:s1], $0x2000  }
0x7c: {  	[sflag:s1] =	ssyncset.done $0x0  }
0x7d: {  	[sflag:s1] =	ssyncadd.s32 $0xFFFFE000  }
0x7e: {  	[spmem:s2] =	stream.indirect.scatter.add.f32 [tilespmem:s10], [sflag:$0x3], $0x80, s9, s8, $0xb8;
	[tilespmem:$0x1EA00] =	vst v63  }
0x7f: {  	_ =	swait.ge [sflag:s15], $0x2000  }
0x80: {  	[sflag:s15] =	ssyncset.done $0x0  }
0x81: {  	s25 =	rddreg [dreg:$0x7];
	[sflag:s15] =	ssyncadd.s32 $0xFFFFE000  }
0x82: {  	[tilespmem:s7], [sflag:$0x2] =	stream.linear.gather [hbm4b:s25+s18], $0x40, $0x38;
	[tilespmem:$0x1EA00] =	vst v63  }
0x83: {  	s26 =	simm.s32 $0x100  }
0x84: {  	[tilespmem:s31], [sflag:$0x1] =	stream.indirect.gather [hbm4b:s4+s8], $0x80, s26, s8, $0xb8;
	[tilespmem:$0x1EA00] =	vst v63  }
0x85: {  	_ =	swait.ge [sflag:s0], $0x40  }
0x86: {  	[sflag:s0] =	ssyncset.done $0x0  }
0x87: {  	[sflag:s0] =	ssyncadd.s32 $0xFFFFFFC0  }
0x88: {  	_ =	swait.ge [sflag:s1], $0x2000  }
0x89: {  	[sflag:s1] =	ssyncset.done $0x0  }
0x8a: {  	[sflag:s1] =	ssyncadd.s32 $0xFFFFE000  }
0x8b: {  	[spmem:s2] =	stream.indirect.scatter.add.f32 [tilespmem:s12], [sflag:$0x3], $0x80, s11, s8, $0xb8;
	[tilespmem:$0x1EA00] =	vst v63  }
0x8c: {  	_ =	swait.ge [sflag:s15], $0x2000  }
0x8d: {  	[sflag:s15] =	ssyncset.done $0x0  }
0x8e: {  	s29 =	rddreg [dreg:$0x8];
	[sflag:s15] =	ssyncadd.s32 $0xFFFFE000  }
0x8f: {  	[tilespmem:s9], [sflag:$0x2] =	stream.linear.gather [hbm4b:s29+s18], $0x40, $0x38;
	[tilespmem:$0x1EA00] =	vst v63  }
0x90: {  	s30 =	simm.s32 $0x140  }
0x91: {  	[tilespmem:s10], [sflag:$0x1] =	stream.indirect.gather [hbm4b:s4+s8], $0x80, s30, s8, $0xb8;
	[tilespmem:$0x1EA00] =	vst v63  }
0x92: {  	_ =	swait.ge [sflag:s0], $0x40  }
0x93: {  	[sflag:s0] =	ssyncset.done $0x0  }
0x94: {  	[sflag:s0] =	ssyncadd.s32 $0xFFFFFFC0  }
0x95: {  	_ =	swait.ge [sflag:s1], $0x2000  }
0x96: {  	[sflag:s1] =	ssyncset.done $0x0  }
0x97: {  	[sflag:s1] =	ssyncadd.s32 $0xFFFFE000  }
0x98: {  	[spmem:s2] =	stream.indirect.scatter.add.f32 [tilespmem:s14], [sflag:$0x3], $0x80, s13, s8, $0xb8;
	[tilespmem:$0x1EA00] =	vst v63  }
0x99: {  	_ =	swait.ge [sflag:s15], $0x2000  }
0x9a: {  	[sflag:s15] =	ssyncset.done $0x0  }
0x9b: {  	s20 =	rddreg [dreg:$0x9];
	[sflag:s15] =	ssyncadd.s32 $0xFFFFE000  }
0x9c: {  	[tilespmem:s11], [sflag:$0x2] =	stream.linear.gather [hbm4b:s20+s18], $0x40, $0x38;
	[tilespmem:$0x1EA00] =	vst v63  }
0x9d: {  	s25 =	simm.s32 $0x180  }
0x9e: {  	[tilespmem:s12], [sflag:$0x1] =	stream.indirect.gather [hbm4b:s4+s8], $0x80, s25, s8, $0xb8;
	[tilespmem:$0x1EA00] =	vst v63  }
0x9f: {  	_ =	swait.ge [sflag:s0], $0x40  }
0xa0: {  	[sflag:s0] =	ssyncset.done $0x0  }
0xa1: {  	[sflag:s0] =	ssyncadd.s32 $0xFFFFFFC0  }
0xa2: {  	_ =	swait.ge [sflag:s1], $0x2000  }
0xa3: {  	[sflag:s1] =	ssyncset.done $0x0  }
0xa4: {  	[sflag:s1] =	ssyncadd.s32 $0xFFFFE000  }
0xa5: {  	[spmem:s2] =	stream.indirect.scatter.add.f32 [tilespmem:s31], [sflag:$0x3], $0x80, s7, s8, $0xb8;
	[tilespmem:$0x1EA00] =	vst v63  }
0xa6: {  	_ =	swait.ge [sflag:s15], $0x2000  }
0xa7: {  	[sflag:s15] =	ssyncset.done $0x0  }
0xa8: {  	[sflag:s15] =	ssyncadd.s32 $0xFFFFE000  }
0xa9: {  	[tilespmem:s13], [sflag:$0x2] =	stream.linear.gather [hbm4b:s23+s3], $0x40, $0x38;
	[tilespmem:$0x1EA00] =	vst v63  }
0xaa: {  	s26 =	simm.s32 $0x1C0  }
0xab: {  	[tilespmem:s14], [sflag:$0x1] =	stream.indirect.gather [hbm4b:s4+s8], $0x80, s26, s8, $0xb8;
	[tilespmem:$0x1EA00] =	vst v63  }
0xac: {  	_ =	swait.ge [sflag:s0], $0x40  }
0xad: {  	[sflag:s0] =	ssyncset.done $0x0  }
0xae: {  	[sflag:s0] =	ssyncadd.s32 $0xFFFFFFC0  }
0xaf: {  	_ =	swait.ge [sflag:s1], $0x2000  }
0xb0: {  	[sflag:s1] =	ssyncset.done $0x0  }
0xb1: {  	[sflag:s1] =	ssyncadd.s32 $0xFFFFE000  }
0xb2: {  	[spmem:s2] =	stream.indirect.scatter.add.f32 [tilespmem:s10], [sflag:$0x3], $0x80, s9, s8, $0xb8;
	[tilespmem:$0x1EA00] =	vst v63  }
0xb3: {  	_ =	swait.ge [sflag:s15], $0x2000  }
0xb4: {  	[sflag:s15] =	ssyncset.done $0x0  }
0xb5: {  	[sflag:s15] =	ssyncadd.s32 $0xFFFFE000  }
0xb6: {  	[tilespmem:s7], [sflag:$0x2] =	stream.linear.gather [hbm4b:s22+s3], $0x40, $0x38;
	[tilespmem:$0x1EA00] =	vst v63  }
0xb7: {  	s29 =	simm.s32 $0x200  }
0xb8: {  	[tilespmem:s31], [sflag:$0x1] =	stream.indirect.gather [hbm4b:s4+s8], $0x80, s29, s8, $0xb8;
	[tilespmem:$0x1EA00] =	vst v63  }
0xb9: {  	_ =	swait.ge [sflag:s0], $0x40  }
0xba: {  	[sflag:s0] =	ssyncset.done $0x0  }
0xbb: {  	[sflag:s0] =	ssyncadd.s32 $0xFFFFFFC0  }
0xbc: {  	_ =	swait.ge [sflag:s1], $0x2000  }
0xbd: {  	[sflag:s1] =	ssyncset.done $0x0  }
0xbe: {  	[sflag:s1] =	ssyncadd.s32 $0xFFFFE000  }
0xbf: {  	[spmem:s2] =	stream.indirect.scatter.add.f32 [tilespmem:s12], [sflag:$0x3], $0x80, s11, s8, $0xb8;
	[tilespmem:$0x1EA00] =	vst v63  }
0xc0: {  	_ =	swait.ge [sflag:s15], $0x2000  }
0xc1: {  	[sflag:s15] =	ssyncset.done $0x0  }
0xc2: {  	[sflag:s15] =	ssyncadd.s32 $0xFFFFE000  }
0xc3: {  	[tilespmem:s9], [sflag:$0x2] =	stream.linear.gather [hbm4b:s21+s3], $0x40, $0x38;
	[tilespmem:$0x1EA00] =	vst v63  }
0xc4: {  	s30 =	simm.s32 $0x240  }
0xc5: {  	[tilespmem:s10], [sflag:$0x1] =	stream.indirect.gather [hbm4b:s4+s8], $0x80, s30, s8, $0xb8;
	[tilespmem:$0x1EA00] =	vst v63  }
0xc6: {  	_ =	swait.ge [sflag:s0], $0x40  }
0xc7: {  	[sflag:s0] =	ssyncset.done $0x0  }
0xc8: {  	[sflag:s0] =	ssyncadd.s32 $0xFFFFFFC0  }
0xc9: {  	_ =	swait.ge [sflag:s1], $0x2000  }
0xca: {  	[sflag:s1] =	ssyncset.done $0x0  }
0xcb: {  	[sflag:s1] =	ssyncadd.s32 $0xFFFFE000  }
0xcc: {  	[spmem:s2] =	stream.indirect.scatter.add.f32 [tilespmem:s14], [sflag:$0x3], $0x80, s13, s8, $0xb8;
	[tilespmem:$0x1EA00] =	vst v63  }
0xcd: {  	s28 =	simm.s32 $0x280;
	s19 =	sadd.s32 $0x20, s23;
	_ =	swait.ge [sflag:s15], $0x2000  }
0xce: {  	s18 =	simm.s32 $0x400;
	s20 =	sadd.s32 $0x20, s24;
	[sflag:s15] =	ssyncset.done $0x0  }
0xcf: {  	s25 =	sadd.s32 $0x20, s21;
	s26 =	sadd.s32 $0x20, s22;
	[sflag:s15] =	ssyncadd.s32 $0xFFFFE000  }
0xd0: {  	[tilespmem:s11], [sflag:$0x2] =	stream.linear.gather [hbm4b:s24+s3], $0x40, $0x38;
	[tilespmem:$0x1EA00] =	vst v63  }
.LBB2_4:
0xd1: {  	[tilespmem:s12], [sflag:$0x1] =	stream.indirect.gather [hbm4b:s4+s8], $0x80, s28, s8, $0xb8;
	[tilespmem:$0x1EA00] =	vst v63  }
0xd2: {  	s29 =	smov.u32 s18;
	s28 =	smov.u32 s20  }
0xd3: {  	p0 =	sne.s32 s18, $0x9400;
	s18 =	sadd.s32 $0x400, s18;
	_ =	swait.ge [sflag:s0], $0x40  }
0xd4: {  	[sflag:s0] =	ssyncset.done $0x0  }
0xd5: {  	[sflag:s0] =	ssyncadd.s32 $0xFFFFFFC0  }
0xd6: {  	_ =	swait.ge [sflag:s1], $0x2000  }
0xd7: {  	[sflag:s1] =	ssyncset.done $0x0  }
0xd8: {  	[sflag:s1] =	ssyncadd.s32 $0xFFFFE000  }
0xd9: {  	[spmem:s2] =	stream.indirect.scatter.add.f32 [tilespmem:s31], [sflag:$0x3], $0x80, s7, s8, $0xb8;
	[tilespmem:$0x1EA00] =	vst v63  }
0xda: {  	_ =	swait.ge [sflag:s15], $0x2000  }
0xdb: {  	[sflag:s15] =	ssyncset.done $0x0  }
0xdc: {  	s29 =	sshra.s32 s29, $0x2;
	[sflag:s15] =	ssyncadd.s32 $0xFFFFE000  }
0xdd: {  	[tilespmem:s13], [sflag:$0x2] =	stream.linear.gather [hbm4b:s19+s3], $0x40, $0x38;
	[tilespmem:$0x1EA00] =	vst v63  }
0xde: {  	s30 =	sadd.s32 $0x1C0, s29  }
0xdf: {  	[tilespmem:s14], [sflag:$0x1] =	stream.indirect.gather [hbm4b:s4+s8], $0x80, s30, s8, $0xb8;
	[tilespmem:$0x1EA00] =	vst v63  }
0xe0: {  	_ =	swait.ge [sflag:s0], $0x40  }
0xe1: {  	[sflag:s0] =	ssyncset.done $0x0  }
0xe2: {  	[sflag:s0] =	ssyncadd.s32 $0xFFFFFFC0  }
0xe3: {  	_ =	swait.ge [sflag:s1], $0x2000  }
0xe4: {  	[sflag:s1] =	ssyncset.done $0x0  }
0xe5: {  	[sflag:s1] =	ssyncadd.s32 $0xFFFFE000  }
0xe6: {  	[spmem:s2] =	stream.indirect.scatter.add.f32 [tilespmem:s10], [sflag:$0x3], $0x80, s9, s8, $0xb8;
	[tilespmem:$0x1EA00] =	vst v63  }
0xe7: {  	_ =	swait.ge [sflag:s15], $0x2000  }
0xe8: {  	[sflag:s15] =	ssyncset.done $0x0  }
0xe9: {  	[sflag:s15] =	ssyncadd.s32 $0xFFFFE000  }
0xea: {  	[tilespmem:s7], [sflag:$0x2] =	stream.linear.gather [hbm4b:s26+s3], $0x40, $0x38;
	[tilespmem:$0x1EA00] =	vst v63  }
0xeb: {  	s30 =	sadd.s32 $0x200, s29  }
0xec: {  	[tilespmem:s31], [sflag:$0x1] =	stream.indirect.gather [hbm4b:s4+s8], $0x80, s30, s8, $0xb8;
	[tilespmem:$0x1EA00] =	vst v63  }
0xed: {  	_ =	swait.ge [sflag:s0], $0x40  }
0xee: {  	[sflag:s0] =	ssyncset.done $0x0  }
0xef: {  	[sflag:s0] =	ssyncadd.s32 $0xFFFFFFC0  }
0xf0: {  	_ =	swait.ge [sflag:s1], $0x2000  }
0xf1: {  	[sflag:s1] =	ssyncset.done $0x0  }
0xf2: {  	[sflag:s1] =	ssyncadd.s32 $0xFFFFE000  }
0xf3: {  	[spmem:s2] =	stream.indirect.scatter.add.f32 [tilespmem:s12], [sflag:$0x3], $0x80, s11, s8, $0xb8;
	[tilespmem:$0x1EA00] =	vst v63  }
0xf4: {  	_ =	swait.ge [sflag:s15], $0x2000  }
0xf5: {  	[sflag:s15] =	ssyncset.done $0x0  }
0xf6: {  	[sflag:s15] =	ssyncadd.s32 $0xFFFFE000  }
0xf7: {  	[tilespmem:s9], [sflag:$0x2] =	stream.linear.gather [hbm4b:s25+s3], $0x40, $0x38;
	[tilespmem:$0x1EA00] =	vst v63  }
0xf8: {  	s30 =	sadd.s32 $0x240, s29  }
0xf9: {  	[tilespmem:s10], [sflag:$0x1] =	stream.indirect.gather [hbm4b:s4+s8], $0x80, s30, s8, $0xb8;
	[tilespmem:$0x1EA00] =	vst v63  }
0xfa: {  	_ =	swait.ge [sflag:s0], $0x40  }
0xfb: {  	[sflag:s0] =	ssyncset.done $0x0  }
0xfc: {  	[sflag:s0] =	ssyncadd.s32 $0xFFFFFFC0  }
0xfd: {  	_ =	swait.ge [sflag:s1], $0x2000  }
0xfe: {  	[sflag:s1] =	ssyncset.done $0x0  }
0xff: {  	[sflag:s1] =	ssyncadd.s32 $0xFFFFE000  }
0x100: {  	[spmem:s2] =	stream.indirect.scatter.add.f32 [tilespmem:s14], [sflag:$0x3], $0x80, s13, s8, $0xb8;
	[tilespmem:$0x1EA00] =	vst v63  }
.Ltmp1:
0x101: {  	_ =	swait.ge [sflag:s15], $0x2000;
	(pc) =	sbr.rel @p0 .LBB2_4-.Ltmp1, $4  }
0x102: {  	[sflag:s15] =	ssyncset.done $0x0  }
0x103: {  	s20 =	sadd.s32 $0x20, s20;
	s19 =	sadd.s32 $0x20, s19;
	[sflag:s15] =	ssyncadd.s32 $0xFFFFE000  }
0x104: {  	[tilespmem:s11], [sflag:$0x2] =	stream.linear.gather [hbm4b:s28+s3], $0x40, $0x38;
	[tilespmem:$0x1EA00] =	vst v63  }
0x105: {  	s26 =	sadd.s32 $0x20, s26;
	s25 =	sadd.s32 $0x20, s25;
	s28 =	sadd.s32 $0x280, s29  }
0x106: {  	[tilespmem:s12], [sflag:$0x1] =	stream.indirect.gather [hbm4b:s4+s8], $0x80, s28, s8, $0xb8;
	[tilespmem:$0x1EA00] =	vst v63  }
0x107: {  	_ =	swait.ge [sflag:s0], $0x40  }
0x108: {  	[sflag:s0] =	ssyncset.done $0x0  }
0x109: {  	[sflag:s0] =	ssyncadd.s32 $0xFFFFFFC0  }
0x10a: {  	_ =	swait.ge [sflag:s1], $0x2000  }
0x10b: {  	[sflag:s1] =	ssyncset.done $0x0  }
0x10c: {  	[sflag:s1] =	ssyncadd.s32 $0xFFFFE000  }
0x10d: {  	[spmem:s2] =	stream.indirect.scatter.add.f32 [tilespmem:s31], [sflag:$0x3], $0x80, s7, s8, $0xb8;
	[tilespmem:$0x1EA00] =	vst v63  }
0x10e: {  	_ =	swait.ge [sflag:s15], $0x2000  }
0x10f: {  	[sflag:s15] =	ssyncset.done $0x0  }
0x110: {  	s18 =	rddreg [dreg:$0xa];
	[sflag:s15] =	ssyncadd.s32 $0xFFFFE000  }
0x111: {  	[tilespmem:s13], [sflag:$0x2] =	stream.linear.gather [hbm4b:s18+s3], $0x40, $0x38;
	[tilespmem:$0x1EA00] =	vst v63  }
0x112: {  	s28 =	simm.s32 $0x27C0  }
0x113: {  	[tilespmem:s14], [sflag:$0x1] =	stream.indirect.gather [hbm4b:s4+s8], $0x80, s28, s8, $0xb8;
	[tilespmem:$0x1EA00] =	vst v63  }
0x114: {  	_ =	swait.ge [sflag:s0], $0x40  }
0x115: {  	[sflag:s0] =	ssyncset.done $0x0  }
0x116: {  	[sflag:s0] =	ssyncadd.s32 $0xFFFFFFC0  }
0x117: {  	_ =	swait.ge [sflag:s1], $0x2000  }
0x118: {  	[sflag:s1] =	ssyncset.done $0x0  }
0x119: {  	[sflag:s1] =	ssyncadd.s32 $0xFFFFE000  }
0x11a: {  	[spmem:s2] =	stream.indirect.scatter.add.f32 [tilespmem:s10], [sflag:$0x3], $0x80, s9, s8, $0xb8;
	[tilespmem:$0x1EA00] =	vst v63  }
0x11b: {  	_ =	swait.ge [sflag:s15], $0x2000  }
0x11c: {  	[sflag:s15] =	ssyncset.done $0x0  }
0x11d: {  	[sflag:s15] =	ssyncadd.s32 $0xFFFFE000  }
0x11e: {  	_ =	swait.ge [sflag:s0], $0x40  }
0x11f: {  	[sflag:s0] =	ssyncset.done $0x0  }
0x120: {  	[sflag:s0] =	ssyncadd.s32 $0xFFFFFFC0  }
0x121: {  	_ =	swait.ge [sflag:s1], $0x2000  }
0x122: {  	[sflag:s1] =	ssyncset.done $0x0  }
0x123: {  	[sflag:s1] =	ssyncadd.s32 $0xFFFFE000  }
0x124: {  	[spmem:s2] =	stream.indirect.scatter.add.f32 [tilespmem:s12], [sflag:$0x3], $0x80, s11, s8, $0xb8;
	[tilespmem:$0x1EA00] =	vst v63  }
0x125: {  	_ =	swait.ge [sflag:s15], $0x2000  }
0x126: {  	[sflag:s15] =	ssyncset.done $0x0  }
0x127: {  	[sflag:s15] =	ssyncadd.s32 $0xFFFFE000  }
0x128: {  	_ =	swait.ge [sflag:s0], $0x40  }
0x129: {  	[sflag:s0] =	ssyncset.done $0x0  }
0x12a: {  	[sflag:s0] =	ssyncadd.s32 $0xFFFFFFC0  }
0x12b: {  	_ =	swait.ge [sflag:s1], $0x2000  }
0x12c: {  	[sflag:s1] =	ssyncset.done $0x0  }
0x12d: {  	[sflag:s1] =	ssyncadd.s32 $0xFFFFE000  }
0x12e: {  	[spmem:s2] =	stream.indirect.scatter.add.f32 [tilespmem:s14], [sflag:$0x3], $0x80, s13, s8, $0xb8;
	[tilespmem:$0x1EA00] =	vst v63  }
0x12f: {  	_ =	swait.ge [sflag:s15], $0x2000  }
0x130: {  	[sflag:s15] =	ssyncset.done $0x0  }
0x131: {  	[sflag:s15] =	ssyncadd.s32 $0xFFFFE000  }
0x132: {  	_ =	swait.ge [sflag:s15], $0x2000  }
0x133: {  	[sflag:s15] =	ssyncset.done $0x0  }
0x134: {  	s29 =	stileid.u32;
	[sflag:s15] =	ssyncadd.s32 $0xFFFFE000  }
0x135: {  	s18 =	sshll.u32 s29, $0x6;
	[bflag:$0x0] =	sbarrier.arrive $0xFFFF  }
0x136: {  	s19 =	sshrl.u32 s6, $0x3;
	s18 =	sor.u32 $0x1C04, s18;
	s20 =	rddreg [dreg:$0xb]  }
0x137: {  	[hbm:s20], [sflag:s18] =	dma.local [spmem:s19], $0x2800  }
0x138: {  	_ =	swait.ge [sflag:s16], $0x2800  }
0x139: {  	s17 =	sadd.s32 $0x1, s17;
	s30 =	rddreg [dreg:$0xc]  }
0x13a: {  	p0 =	sne.s32 s17, s30  }
.Ltmp2:
0x13b: {  	_ = 	snop;
	(pc) =	sbr.rel @p0 .LBB2_1-.Ltmp2, $3  }
0x13c: {  	_ =	sdelay $0x1  }
0x13d: {  	[sflag:s16] =	ssyncset.done $0x0  }
0x13e: {  	[sflag:s16] =	ssyncadd.s32 $0xFFFFD800  }
0x13f: {  	_ =	sfence.sel $0x180000  }
0x140: {  	[bflag:$0x0] =	sbarrier.arrive $0xFFFF  }
0x141: {  	_ =	strace $0x9000004D  }
0x142: {  	s0 =	stileid.u32;
	[bflag:$0x2] =	sbarrier.arrive $0xFFFF  }
0x143: {  	p0 =	sne.s32 s0, $0x0;
	s0 =	rddreg [dreg:$0x2]  }
0x144: {  	s0 =	sadd.s32 @!p0 $0x100000, s0  }
0x145: {  	[sflag:s0] =	ssyncadd.tile.s32 @!p0 $0x1;
	_ =	shalt  }
.Lfunc_end2:
_tile_overlayer_lowered:
.L_overlay_start_2:
0x146: {  	(tag) =	ssettag $0x2  }
0x147: {  	s0 =	rddreg [dreg:$0x0];
	s2 =	stileid.u32  }
0x148: {  	s1 =	rddreg [dreg:$0x1];
	p0 =	sne.s32 s2, $0x0  }
0x149: {  	s3 =	rddreg [dreg:$0x2];
	[bflag:$0x3] =	sbarrier.arrive $0xFFFF;
	s2 =	simm.s32 @!p0 $0x1C04  }
0x14a: {  	[timem:s3], [sflag:s2] =	dma.local @!p0 [hbm:s0], s1  }
0x14b: {  	s0 =	simm.s32 @!p0 $0x4  }
0x14c: {  	_ =	swait.ge @!p0 [sflag:s0], s1  }
0x14d: {  	s1 =	ssub.s32 @!p0 $0x0, s1;
	[sflag:s0] =	ssyncset.done @!p0 $0x0  }
0x14e: {  	[sflag:s0] =	ssyncadd.s32 @!p0 s1  }
0x14f: {  	[bflag:$0x3] =	sbarrier.arrive $0xFFFF  }
0x150: {  	_ =	shalt  }

// kernel: kernel.19.cloned.1.call-start
scs
__scs_entry_jumppad:
0x0: {  	(pc) =	sbr.rel $0x88, $3  }
0x1: {  	(tag) =	ssettag $0x0;
	lr =	simm.s32 $0x1  }
0x2: {  	[smem:$0x3F84] =	sst lr;
	_ =	strace $0xD0000000  }
0x3: {  	_ = 	snop  }
0x4: {  	_ = 	snop  }
0x5: {  	_ = 	snop  }
0x6: {  	_ = 	snop  }
0x7: {  	_ = 	snop  }
__scs_overlays_trampoline_lowered:
0x8: {  	[smem:$0x3F93] =	sst s0  }
0x9: {  	[smem:$0x3F94] =	sst s1  }
0xa: {  	[smem:$0x3F95] =	sst s2  }
0xb: {  	[smem:$0x3F96] =	sst s3  }
0xc: {  	[smem:$0x3F97] =	sst s4  }
0xd: {  	[smem:$0x3F98] =	sst s5  }
0xe: {  	[smem:$0x3F99] =	sst s6  }
0xf: {  	[smem:$0x3F9A] =	sst s7  }
0x10: {  	[smem:$0x3F9B] =	sst s8  }
0x11: {  	[smem:$0x3F9C] =	sst s9;
	s0 =	simm.s32 @!p0 $0x0  }
0x12: {  	s1 =	sld [smem:$0x3F82];
	s0 =	simm.s32 @p0 $0x1  }
0x13: {  	[smem:$0x3F9D] =	sst s0;
	s0 =	simm.s32 @!p1 $0x0  }
0x14: {  	s2 =	sld [smem:$0x3F81];
	s0 =	simm.s32 @p1 $0x1  }
0x15: {  	[smem:$0x3F9E] =	sst s0;
	s0 =	simm.s32 @!p2 $0x0  }
0x16: {  	s3 =	sld [smem:$0x3FDB];
	s0 =	simm.s32 @p2 $0x1  }
0x17: {  	s4 =	simm.s32 $0x1BF5;
	[smem:$0x3FA0] =	sst s0  }
0x18: {  	s0 =	sld [smem:$0x3F83];
	_ =	swait.ge [sflag:s4], $0x0  }
0x19: {  	s7 =	sld [smem:$0x3F84]  }
0x1a: {  	s8 =	sadd.s32 $0xFFFFE003, lr  }
0x1b: {  	s9 =	sadd.s32 $0xFFFFFEF7, lr;
	s5 =	simm.s32 $0xFFFFFFFF;
	p2 =	slt.u32 s8, $0xFFFFF086  }
0x1c: {  	p1 =	slt.u32 s9, $0xF7A;
	s5 =	simm.s32 @!p2 $0x0  }
0x1d: {  	s5 =	simm.s32 @p1 $0x1;
	p0 =	seq.s32 s7, s2  }
0x1e: {  	s7 =	smul.u32 @!p0 $0xF7A, s2;
	p2 =	seq.s32 @!p0 s5, $0x0  }
0x1f: {  	s9 =	smul.u32 $0xF7A, s1;
	s8 =	simm.s32 @!p0 $0x1BF5;
	p2 =	por !p2, p0  }
0x20: {  	[sflag:s8] =	ssyncset.s32 @!p0 $0xFFFFF086;
	s6 =	sadd.s32 @!p0 s3, s7;
	s7 =	simm.s32 @!p0 $0x108  }
0x21: {  	s3 =	sadd.s32 s3, s9;
	s6 =	sadd.s32 @!p0 $0x88, s6;
	s7 =	simm.s32 @p2 $0x1082  }
0x22: {  	[simem:s7], [sflag:s8] =	dma.local @!p0 [hbm:s6], $0xF7A  }
0x23: {  	s9 =	sor.u32 $0xD0000000, s2;
	s6 =	simm.s32 $0x108;
	_ =	swait.ge @!p0 [sflag:s8], $0x0  }
0x24: {  	s3 =	sadd.s32 $0x88, s3;
	s6 =	simm.s32 @!p1 $0x1082;
	[sflag:s4] =	ssyncset.s32 $0xFFFFF086  }
0x25: {  	[simem:s6], [sflag:s4] =	dma.local [hbm:s3], $0xF7A  }
0x26: {  	[smem:$0x3F84] =	sst s1;
	(tag) =	ssettag s2;
	_ =	strace s9  }
0x27: {  	s1 =	sld [smem:$0x3F94]  }
0x28: {  	s2 =	sld [smem:$0x3F95]  }
0x29: {  	s4 =	sld [smem:$0x3F97]  }
0x2a: {  	p0 =	seq.s32 s5, $0x0;
	s5 =	sld [smem:$0x3F98]  }
0x2b: {  	s6 =	sld [smem:$0x3F99]  }
0x2c: {  	s7 =	sld [smem:$0x3F9A]  }
0x2d: {  	s3 =	simm.s32 $0x108;
	s8 =	sld [smem:$0x3F9B]  }
0x2e: {  	s3 =	simm.s32 @!p0 $0x1082;
	s9 =	sld [smem:$0x3F9C]  }
0x2f: {  	lr =	sadd.s32 s0, s3;
	s0 =	sld [smem:$0x3F93]  }
0x30: {  	s3 =	sld [smem:$0x3F96]  }
0x31: {  	[smem:$0x3F9F] =	sst s10  }
0x32: {  	s10 =	sld [smem:$0x3F9D];
	_ =	sdelay $0x3  }
0x33: {  	p0 =	seq.s32 s10, $0x1;
	s10 =	sld [smem:$0x3F9F];
	_ =	sdelay $0x3  }
0x34: {  	[smem:$0x3F9F] =	sst s10  }
0x35: {  	s10 =	sld [smem:$0x3F9E];
	_ =	sdelay $0x3  }
0x36: {  	p1 =	seq.s32 s10, $0x1;
	s10 =	sld [smem:$0x3F9F];
	_ =	sdelay $0x3  }
0x37: {  	[smem:$0x3F9F] =	sst s10  }
0x38: {  	s10 =	sld [smem:$0x3FA0]  }
0x39: {  	_ = 	snop;
	(pc) =	sbr.ind lr, $3  }
0x3a: {  	_ = 	snop  }
0x3b: {  	_ = 	snop  }
0x3c: {  	p2 =	seq.s32 s10, $0x1;
	s10 =	sld [smem:$0x3F9F]  }
0x3d: {  	_ =	shalt  }
0x3e: {  	_ =	shalt  }
0x3f: {  	_ =	shalt  }
0x40: {  	_ =	shalt  }
0x41: {  	_ =	shalt  }
0x42: {  	_ =	shalt  }
0x43: {  	_ =	shalt  }
0x44: {  	_ =	shalt  }
0x45: {  	_ =	shalt  }
0x46: {  	_ =	shalt  }
0x47: {  	_ =	shalt  }
0x48: {  	_ =	shalt  }
0x49: {  	_ =	shalt  }
0x4a: {  	_ =	shalt  }
0x4b: {  	_ =	shalt  }
0x4c: {  	_ =	shalt  }
0x4d: {  	_ =	shalt  }
0x4e: {  	_ =	shalt  }
0x4f: {  	_ =	shalt  }
0x50: {  	_ =	shalt  }
0x51: {  	_ =	shalt  }
0x52: {  	_ =	shalt  }
0x53: {  	_ =	shalt  }
0x54: {  	_ =	shalt  }
0x55: {  	_ =	shalt  }
0x56: {  	_ =	shalt  }
0x57: {  	_ =	shalt  }
0x58: {  	_ =	shalt  }
0x59: {  	_ =	shalt  }
0x5a: {  	_ =	shalt  }
0x5b: {  	_ =	shalt  }
0x5c: {  	_ =	shalt  }
0x5d: {  	_ =	shalt  }
0x5e: {  	_ =	shalt  }
0x5f: {  	_ =	shalt  }
0x60: {  	_ =	shalt  }
0x61: {  	_ =	shalt  }
0x62: {  	_ =	shalt  }
0x63: {  	_ =	shalt  }
0x64: {  	_ =	shalt  }
0x65: {  	_ =	shalt  }
0x66: {  	_ =	shalt  }
0x67: {  	_ =	shalt  }
0x68: {  	_ =	shalt  }
0x69: {  	_ =	shalt  }
0x6a: {  	_ =	shalt  }
0x6b: {  	_ =	shalt  }
0x6c: {  	_ =	shalt  }
0x6d: {  	_ =	shalt  }
0x6e: {  	_ =	shalt  }
0x6f: {  	_ =	shalt  }
0x70: {  	_ =	shalt  }
0x71: {  	_ =	shalt  }
0x72: {  	_ =	shalt  }
0x73: {  	_ =	shalt  }
0x74: {  	_ =	shalt  }
0x75: {  	_ =	shalt  }
0x76: {  	_ =	shalt  }
0x77: {  	_ =	shalt  }
0x78: {  	_ =	shalt  }
0x79: {  	_ =	shalt  }
0x7a: {  	_ =	shalt  }
0x7b: {  	_ =	shalt  }
0x7c: {  	_ =	shalt  }
0x7d: {  	_ =	shalt  }
0x7e: {  	_ =	shalt  }
0x7f: {  	_ =	shalt  }
0x80: {  	_ =	shalt  }
0x81: {  	_ =	shalt  }
0x82: {  	_ =	shalt  }
0x83: {  	_ =	shalt  }
0x84: {  	_ =	shalt  }
0x85: {  	_ =	shalt  }
0x86: {  	_ =	shalt  }
0x87: {  	_ =	shalt  }
.Lfunc_end0:
.L_simem_size_0:
called_computation.3_lowered:
.L_overlay_start_0:
0x88: {  	s2 =	sld [smem:$0x3FD9]  }
0x89: {  	s3 =	sld [smem:$0x3FFE];
	_ =	sdelay $0x1  }
0x8a: {  	s1 =	srdreg.scid  }
0x8b: {  	s0 =	sand.u32 $0x1, s1  }
0x8c: {  	s16 =	sshll.u32 s0, $0xA;
	s2 =	sadd.s32 s3, s2  }
0x8d: {  	s2 =	sadd.s32 s2, s16  }
0x8e: {  	[smem:$0x3FAB] =	sst s2  }
0x8f: {  	_ = 	snop  }
0x90: {  	(tm) =	ssettm $0x1  }
0x91: {  	s17 =	sld [smem:$0x3FFB];
	_ =	sdelay $0x3  }
0x92: {  	_ =	strace s17  }
0x93: {  	s2 =	sld [smem:$0x3FFC];
	_ =	sdelay $0x3  }
0x94: {  	_ =	strace s2  }
0x95: {  	s2 =	sld [smem:$0x3FFD];
	_ =	sdelay $0x3  }
0x96: {  	_ =	strace s2  }
0x97: {  	_ =	strace $0x8FFFFFFF  }
0x98: {  	s18 =	sld [smem:$0x3FDB];
	_ =	sdelay $0x1  }
0x99: {  	s19 =	simm.s32 $_scs_section_size  }
0x9a: {  	s4 =	simm.s32 $_size__tile_overlayer_lowered;
	s5 =	simm.s32 $_tile_overlayer_lowered  }
0x9b: {  	s22 =	simm.s32 $0x1BFF;
	s21 =	sshll.u32 s5, $0x1;
	s2 =	sadd.s32 s19, s18  }
0x9c: {  	s6 =	simm.s32 $0x0;
	s20 =	sshll.u32 s4, $0x1;
	s4 =	sadd.s32 s21, s2  }
0x9d: {  	[timem:s6], [sflag:s22] =	dma.local [hbm:s4], s20  }
0x9e: {  	_ =	swait.ge [sflag:s22], s20  }
0x9f: {  	s3 =	ssub.s32 $0x0, s20;
	[sflag:s22] =	ssyncset.done $0x0  }
0xa0: {  	[sflag:s22] =	ssyncadd.s32 s3;
	_ =	sdelay $0x1  }
0xa1: {  	s23 =	simm.s32 $0x1B8B  }
0xa2: {  	_ =	swait.ge [sflag:s23], $0x1  }
0xa3: {  	[sflag:s23] =	ssyncset.done $0x0  }
0xa4: {  	s25 =	simm.s32 $0x1B8E;
	s24 =	sld [smem:$0x3FFE];
	[sflag:s23] =	ssyncadd.s32 $0xFFFFFFFF  }
0xa5: {  	s26 =	simm.s32 $execute0_lowered;
	[smem:$0x3FD2] =	sst s25  }
0xa6: {  	s4 =	sshll.u32 s26, $0x1;
	_ =	strace $0x8000004F;
	[dreg:$0x1] =	wrdreg $0xFFFFFFFF  }
0xa7: {  	s28 =	simm.s32 $_size_execute0_lowered;
	s2 =	sadd.s32 s2, s4;
	[dreg:$0x0] =	wrdreg $0x0  }
0xa8: {  	s4 =	sshll.u32 s28, $0x1;
	[dreg:$0x2] =	wrdreg s2  }
0xa9: {  	[dreg:$0x3] =	wrdreg s4  }
0xaa: {  	[dreg:$0x4] =	wrdreg $0xC0  }
0xab: {  	_ =	task [dreg:s6], $0x5FFFF  }
0xac: {  	[dreg:$0x1] =	wrdreg $0xFFFFFFFF  }
0xad: {  	[dreg:$0x0] =	wrdreg $0x60  }
0xae: {  	[dreg:$0x2] =	wrdreg s24  }
0xaf: {  	[dreg:$0x3] =	wrdreg $0xAA000  }
0xb0: {  	[dreg:$0x4] =	wrdreg $0x9  }
0xb1: {  	_ =	task.clear_ibuf [dreg:s6], $0x5FFFF;
	_ =	strace $0x9000004F  }
0xb2: {  	s29 =	simm.s32 $0x9;
	_ =	strace $0x80000051  }
0xb3: {  	_ =	swait.ge [sflag:s29], $0x1  }
0xb4: {  	[sflag:s29] =	ssyncadd.s32 $0xFFFFFFFF  }
0xb5: {  	_ =	strace $0x90000051  }
0xb6: {  	_ =	sfence  }
0xb7: {  	s30 =	sld [smem:$0x0];
	_ =	sdelay $0x2  }
0xb8: {  	s31 =	sshll.u32 s1, $0xD;
	s1 =	sshrl.u32 s1, $0x2  }
0xb9: {  	s3 =	sand.u32 $0x4000, s31;
	s1 =	sadd.s32 s1, s30  }
0xba: {  	s0 =	sor.u32 s3, s0;
	s1 =	sshll.u32 s1, $0x11  }
0xbb: {  	s0 =	sor.u32 s1, s0  }
0xbc: {  	s0 =	sadd.s32 $0x8F2B, s0  }
0xbd: {  	[sflag:s0] =	ssyncadd.remote.s32 $0x1  }
0xbe: {  	_ =	sfence.sel $0xFFFF  }
0xbf: {  	[dreg:$0x0] =	wrdreg $0xFFFFFFFF;
	(pc) =	sbr.abs _section_cstart, $3  }
0xc0: {  	[dreg:$0x1] =	wrdreg $0xFFFFFFFF  }
0xc1: {  	_ =	task.clear_ibuf [dreg:s6], $0x2FFFF;
	_ =	strace $0x9FFFFFFF  }
0xc2: {  	(tm) =	ssettm $0x7FFFFFFF  }
0xc3: {  	_ =	shalt  }
tec
execute0_lowered:
.L_overlay_start_1:
0x0: {  	(tag) =	ssettag $0x1  }
0x1: {  	s0 =	rddreg [dreg:$0x0]  }
0x2: {  	s2 =	rddreg [dreg:$0x1];
	s10 =	stileid.u32  }
0x3: {  	s1 =	srdreg.scid;
	s3 =	simm.s32 $0x0;
	s5 =	smul.u32 $0x14000, s10  }
0x4: {  	s31 =	simm.s32 $0x2A00;
	s1 =	sand.u32 $0x1, s1;
	s7 =	smul.u32 $0x50000, s10  }
0x5: {  	s6 =	sshll.u32 s10, $0x1;
	[smem:$0x7FF] =	sst s3;
	s28 =	smul.u32 $0x5000, s10  }
0x6: {  	s8 =	sadd.s32 $0x6A00, s0;
	s4 =	smul.u32 $0x140000, s1;
	s6 =	sor.u32 s1, s6  }
0x7: {  	s10 =	simm.s32 $0x4A00;
	s24 =	ssub.s32 $0x2, s1;
	s6 =	smul.u32 $0x2800, s6  }
0x8: {  	s9 =	sshrl.u32 s24, $0x1;
	s5 =	sadd.s32 s5, s4;
	s4 =	sadd.s32 $0x1AA00, s0  }
0x9: {  	s9 =	ssub.s32 s24, s9;
	s5 =	sshrl.u32 s5, $0x3;
	s6 =	sshrl.u32 s6, $0x3  }
0xa: {  	s16 =	smax.u32 s9, $0x1;
	s0 =	sadd.s32 s5, s0;
	s5 =	sadd.s32 s8, s6  }
0xb: {  	_ =	strace $0x80000050;
	[dreg:$0xc] =	wrdreg s16;
	s25 =	sadd.s32 $0xA000, s5  }
0xc: {  	s1 =	smul.u32 $0x2800, s1;
	s26 =	sadd.s32 $0xA008, s5;
	[dreg:$0x3] =	wrdreg s25  }
0xd: {  	s7 =	sshrl.u32 s7, $0x2;
	s29 =	sadd.s32 $0xA010, s5;
	[dreg:$0x4] =	wrdreg s26  }
0xe: {  	s15 =	sadd.s32 s1, s28;
	s30 =	sadd.s32 $0xA018, s5;
	[dreg:$0x5] =	wrdreg s29  }
0xf: {  	s18 =	sadd.s32 $0x50240, s15;
	s11 =	sadd.s32 $0xA020, s5;
	[dreg:$0x6] =	wrdreg s30  }
0x10: {  	s22 =	sadd.s32 $0x50200, s15;
	s12 =	sadd.s32 $0xA028, s5;
	[dreg:$0x7] =	wrdreg s11  }
0x11: {  	s23 =	sadd.s32 $0x501C0, s15;
	s13 =	sadd.s32 $0xA030, s5;
	[dreg:$0x8] =	wrdreg s12  }
0x12: {  	s9 =	simm.s32 $0x2880;
	s14 =	sadd.s32 $0xA4F8, s5;
	[dreg:$0x9] =	wrdreg s13  }
0x13: {  	s6 =	sadd.s32 s7, s2;
	s0 =	sadd.s32 $0x42A00, s0;
	[dreg:$0xa] =	wrdreg s14  }
0x14: {  	s1 =	sshrl.u32 s18, $0x3;
	s17 =	sadd.s32 $0x2000, s6;
	[dreg:$0xb] =	wrdreg s0  }
0x15: {  	s24 =	sshrl.u32 s23, $0x3;
	s19 =	sadd.s32 $0x4000, s6;
	[dreg:$0xd] =	wrdreg s17  }
0x16: {  	s7 =	simm.s32 $0x2800;
	s20 =	sadd.s32 $0x6000, s6;
	[dreg:$0xe] =	wrdreg s19  }
0x17: {  	s16 =	simm.s32 $0x4;
	s21 =	sadd.s32 $0x8000, s6;
	[dreg:$0xf] =	wrdreg s20  }
0x18: {  	s23 =	sadd.s32 s24, s8;
	s28 =	sadd.s32 $0xE000, s6;
	[dreg:$0x10] =	wrdreg s21  }
0x19: {  	s21 =	sadd.s32 s1, s8;
	s1 =	sshrl.u32 s22, $0x3;
	s0 =	sadd.s32 $0x50280, s15  }
0x1a: {  	s25 =	sadd.s32 $0xA000, s6;
	s26 =	sadd.s32 $0xC000, s6;
	[dreg:$0x13] =	wrdreg s28  }
0x1b: {  	s29 =	sadd.s32 $0x10000, s6;
	s30 =	sadd.s32 $0x12000, s6;
	s11 =	simm.s32 $0x2900  }
0x1c: {  	s12 =	simm.s32 $0x6A00;
	s13 =	simm.s32 $0x2980;
	[dreg:$0x11] =	wrdreg s25  }
0x1d: {  	s14 =	simm.s32 $0x8A00;
	s15 =	simm.s32 $0x3;
	[dreg:$0x12] =	wrdreg s26  }
0x1e: {  	s17 =	simm.s32 $0x0;
	s22 =	sadd.s32 s1, s8;
	[dreg:$0x14] =	wrdreg s29  }
0x1f: {  	s0 =	sshrl.u32 s0, $0x3;
	[dreg:$0x15] =	wrdreg s30;
	s1 =	simm.s32 $0x1  }
0x20: {  	v0 =	vimm.f32 $0.0e+00;
	s24 =	sadd.s32 s0, s8;
	s0 =	simm.s32 $0x2;
	s8 =	simm.s32 $0x40  }
.LBB2_1:
0x21: {  	[tilespmem:s3], [sflag:$0x1] =	stream.linear.gather [hbm4b:s5+s3], $0x2800, $0x38;
	[tilespmem:$0x1EA00] =	vst v63  }
0x22: {  	s18 =	sand.u32 $0x7E00, s3  }
0x23: {  	s19 =	sand.u32 $0x70, s3;
	s20 =	sshrl.u32 s18, $0x2  }
0x24: {  	s18 =	simm.s32 $0x40;
	s20 =	sor.u32 s19, s20;
	s19 =	simm.s32 $0x0  }
.LBB2_2:
0x25: {  	p0 =	sne.s32 s18, $0x7FC0  }
0x26: {  	[tilespmem:s20+$0x2A00] =	vst v0;
	s19 =	sadd.s32 $0x10, s19;
	s20 =	smov.u32 s18;
	s18 =	sadd.s32 $0x40, s18  }
.Ltmp0:
0x27: {  	(pc) =	sbr.rel @p0 .LBB2_2-.Ltmp0, $4  }
0x28: {  	_ = 	snop  }
0x29: {  	s20 =	sand.u32 $0x7E00, s20  }
0x2a: {  	s25 =	sand.u32 $0x70, s19;
	s20 =	sshrl.u32 s20, $0x2  }
0x2b: {  	s20 =	sor.u32 s25, s20  }
0x2c: {  	[tilespmem:s20+$0x2A00] =	vst v0  }
0x2d: {  	[spmem:s6] =	stream.linear.scatter [tilespmem:s31], [sflag:$0x2], $0x2000, $0x38;
	[tilespmem:$0x1EA00] =	vst v63  }
0x2e: {  	s18 =	rddreg [dreg:$0xd]  }
0x2f: {  	[spmem:s18] =	stream.linear.scatter [tilespmem:s31], [sflag:$0x2], $0x2000, $0x38;
	[tilespmem:$0x1EA00] =	vst v63  }
0x30: {  	s19 =	rddreg [dreg:$0xe]  }
0x31: {  	[spmem:s19] =	stream.linear.scatter [tilespmem:s31], [sflag:$0x2], $0x2000, $0x38;
	[tilespmem:$0x1EA00] =	vst v63  }
0x32: {  	s20 =	rddreg [dreg:$0xf]  }
0x33: {  	[spmem:s20] =	stream.linear.scatter [tilespmem:s31], [sflag:$0x2], $0x2000, $0x38;
	[tilespmem:$0x1EA00] =	vst v63  }
0x34: {  	s25 =	rddreg [dreg:$0x10]  }
0x35: {  	[spmem:s25] =	stream.linear.scatter [tilespmem:s31], [sflag:$0x2], $0x2000, $0x38;
	[tilespmem:$0x1EA00] =	vst v63  }
0x36: {  	s26 =	rddreg [dreg:$0x11]  }
0x37: {  	[spmem:s26] =	stream.linear.scatter [tilespmem:s31], [sflag:$0x2], $0x2000, $0x38;
	[tilespmem:$0x1EA00] =	vst v63  }
0x38: {  	s29 =	rddreg [dreg:$0x12]  }
0x39: {  	[spmem:s29] =	stream.linear.scatter [tilespmem:s31], [sflag:$0x2], $0x2000, $0x38;
	[tilespmem:$0x1EA00] =	vst v63  }
0x3a: {  	s30 =	rddreg [dreg:$0x13]  }
0x3b: {  	[spmem:s30] =	stream.linear.scatter [tilespmem:s31], [sflag:$0x2], $0x2000, $0x38;
	[tilespmem:$0x1EA00] =	vst v63  }
0x3c: {  	s19 =	rddreg [dreg:$0x14]  }
0x3d: {  	[spmem:s19] =	stream.linear.scatter [tilespmem:s31], [sflag:$0x2], $0x2000, $0x38;
	[tilespmem:$0x1EA00] =	vst v63  }
0x3e: {  	s20 =	rddreg [dreg:$0x15]  }
0x3f: {  	[spmem:s20] =	stream.linear.scatter [tilespmem:s31], [sflag:$0x2], $0x2000, $0x38;
	[tilespmem:$0x1EA00] =	vst v63  }
0x40: {  	_ =	swait.ge [sflag:s0], $0x2000  }
0x41: {  	[sflag:s0] =	ssyncset.done $0x0  }
0x42: {  	[sflag:s0] =	ssyncadd.s32 $0xFFFFE000  }
0x43: {  	_ =	swait.ge [sflag:s0], $0x2000  }
0x44: {  	[sflag:s0] =	ssyncset.done $0x0  }
0x45: {  	[sflag:s0] =	ssyncadd.s32 $0xFFFFE000  }
0x46: {  	_ =	swait.ge [sflag:s0], $0x2000  }
0x47: {  	[sflag:s0] =	ssyncset.done $0x0  }
0x48: {  	[sflag:s0] =	ssyncadd.s32 $0xFFFFE000  }
0x49: {  	_ =	swait.ge [sflag:s0], $0x2000  }
0x4a: {  	[sflag:s0] =	ssyncset.done $0x0  }
0x4b: {  	[sflag:s0] =	ssyncadd.s32 $0xFFFFE000  }
0x4c: {  	_ =	swait.ge [sflag:s0], $0x2000  }
0x4d: {  	[sflag:s0] =	ssyncset.done $0x0  }
0x4e: {  	[sflag:s0] =	ssyncadd.s32 $0xFFFFE000  }
0x4f: {  	_ =	swait.ge [sflag:s0], $0x2000  }
0x50: {  	[sflag:s0] =	ssyncset.done $0x0  }
0x51: {  	[sflag:s0] =	ssyncadd.s32 $0xFFFFE000  }
0x52: {  	_ =	swait.ge [sflag:s0], $0x2000  }
0x53: {  	[sflag:s0] =	ssyncset.done $0x0  }
0x54: {  	[sflag:s0] =	ssyncadd.s32 $0xFFFFE000  }
0x55: {  	_ =	swait.ge [sflag:s0], $0x2000  }
0x56: {  	[sflag:s0] =	ssyncset.done $0x0  }
0x57: {  	[sflag:s0] =	ssyncadd.s32 $0xFFFFE000  }
0x58: {  	_ =	swait.ge [sflag:s0], $0x2000  }
0x59: {  	[sflag:s0] =	ssyncset.done $0x0  }
0x5a: {  	[sflag:s0] =	ssyncadd.s32 $0xFFFFE000  }
0x5b: {  	_ =	swait.ge [sflag:s0], $0x2000  }
0x5c: {  	[sflag:s0] =	ssyncset.done $0x0  }
0x5d: {  	[sflag:s0] =	ssyncadd.s32 $0xFFFFE000  }
0x5e: {  	_ =	swait.ge [sflag:s1], $0x2800  }
0x5f: {  	[sflag:s1] =	ssyncset.done $0x0  }
0x60: {  	s18 =	simm.s32 $0x0;
	s19 =	rddreg [dreg:$0x3];
	[sflag:s1] =	ssyncadd.s32 $0xFFFFD800  }
0x61: {  	[tilespmem:s7], [sflag:$0x2] =	stream.linear.gather [hbm4b:s19+s18], $0x40, $0x38;
	[tilespmem:$0x1EA00] =	vst v63  }
0x62: {  	_ = 	snop  }
0x63: {  	[tilespmem:s31], [sflag:$0x1] =	stream.indirect.gather [hbm4b:s4+s8], $0x80, s18, s8, $0xb8;
	[tilespmem:$0x1EA00] =	vst v63  }
0x64: {  	s25 =	rddreg [dreg:$0x4]  }
0x65: {  	[tilespmem:s9], [sflag:$0x2] =	stream.linear.gather [hbm4b:s25+s18], $0x40, $0x38;
	[tilespmem:$0x1EA00] =	vst v63  }
0x66: {  	_ = 	snop  }
0x67: {  	[tilespmem:s10], [sflag:$0x1] =	stream.indirect.gather [hbm4b:s4+s8], $0x80, s8, s8, $0xb8;
	[tilespmem:$0x1EA00] =	vst v63  }
0x68: {  	s26 =	rddreg [dreg:$0x5]  }
0x69: {  	[tilespmem:s11], [sflag:$0x2] =	stream.linear.gather [hbm4b:s26+s18], $0x40, $0x38;
	[tilespmem:$0x1EA00] =	vst v63  }
0x6a: {  	s29 =	simm.s32 $0x80  }
0x6b: {  	[tilespmem:s12], [sflag:$0x1] =	stream.indirect.gather [hbm4b:s4+s8], $0x80, s29, s8, $0xb8;
	[tilespmem:$0x1EA00] =	vst v63  }
0x6c: {  	[bflag:$0x0] =	sbarrier.arrive $0xFFFF  }
0x6d: {  	_ =	swait.ge [sflag:s0], $0x40  }
0x6e: {  	[sflag:s0] =	ssyncset.done $0x0  }
0x6f: {  	[sflag:s0] =	ssyncadd.s32 $0xFFFFFFC0  }
0x70: {  	_ =	swait.ge [sflag:s1], $0x2000  }
0x71: {  	[sflag:s1] =	ssyncset.done $0x0  }
0x72: {  	[sflag:s1] =	ssyncadd.s32 $0xFFFFE000  }
0x73: {  	[spmem:s2] =	stream.indirect.scatter.add.f32 [tilespmem:s31], [sflag:$0x3], $0x80, s7, s8, $0xb8;
	[tilespmem:$0x1EA00] =	vst v63  }
0x74: {  	s30 =	rddreg [dreg:$0x6]  }
0x75: {  	[tilespmem:s13], [sflag:$0x2] =	stream.linear.gather [hbm4b:s30+s18], $0x40, $0x38;
	[tilespmem:$0x1EA00] =	vst v63  }
0x76: {  	s20 =	simm.s32 $0xC0  }
0x77: {  	[tilespmem:s14], [sflag:$0x1] =	stream.indirect.gather [hbm4b:s4+s8], $0x80, s20, s8, $0xb8;
	[tilespmem:$0x1EA00] =	vst v63  }
0x78: {  	_ =	swait.ge [sflag:s0], $0x40  }
0x79: {  	[sflag:s0] =	ssyncset.done $0x0  }
0x7a: {  	[sflag:s0] =	ssyncadd.s32 $0xFFFFFFC0  }
0x7b: {  	_ =	swait.ge [sflag:s1], $0x2000  }
0x7c: {  	[sflag:s1] =	ssyncset.done $0x0  }
0x7d: {  	[sflag:s1] =	ssyncadd.s32 $0xFFFFE000  }
0x7e: {  	[spmem:s2] =	stream.indirect.scatter.add.f32 [tilespmem:s10], [sflag:$0x3], $0x80, s9, s8, $0xb8;
	[tilespmem:$0x1EA00] =	vst v63  }
0x7f: {  	_ =	swait.ge [sflag:s15], $0x2000  }
0x80: {  	[sflag:s15] =	ssyncset.done $0x0  }
0x81: {  	s25 =	rddreg [dreg:$0x7];
	[sflag:s15] =	ssyncadd.s32 $0xFFFFE000  }
0x82: {  	[tilespmem:s7], [sflag:$0x2] =	stream.linear.gather [hbm4b:s25+s18], $0x40, $0x38;
	[tilespmem:$0x1EA00] =	vst v63  }
0x83: {  	s26 =	simm.s32 $0x100  }
0x84: {  	[tilespmem:s31], [sflag:$0x1] =	stream.indirect.gather [hbm4b:s4+s8], $0x80, s26, s8, $0xb8;
	[tilespmem:$0x1EA00] =	vst v63  }
0x85: {  	_ =	swait.ge [sflag:s0], $0x40  }
0x86: {  	[sflag:s0] =	ssyncset.done $0x0  }
0x87: {  	[sflag:s0] =	ssyncadd.s32 $0xFFFFFFC0  }
0x88: {  	_ =	swait.ge [sflag:s1], $0x2000  }
0x89: {  	[sflag:s1] =	ssyncset.done $0x0  }
0x8a: {  	[sflag:s1] =	ssyncadd.s32 $0xFFFFE000  }
0x8b: {  	[spmem:s2] =	stream.indirect.scatter.add.f32 [tilespmem:s12], [sflag:$0x3], $0x80, s11, s8, $0xb8;
	[tilespmem:$0x1EA00] =	vst v63  }
0x8c: {  	_ =	swait.ge [sflag:s15], $0x2000  }
0x8d: {  	[sflag:s15] =	ssyncset.done $0x0  }
0x8e: {  	s29 =	rddreg [dreg:$0x8];
	[sflag:s15] =	ssyncadd.s32 $0xFFFFE000  }
0x8f: {  	[tilespmem:s9], [sflag:$0x2] =	stream.linear.gather [hbm4b:s29+s18], $0x40, $0x38;
	[tilespmem:$0x1EA00] =	vst v63  }
0x90: {  	s30 =	simm.s32 $0x140  }
0x91: {  	[tilespmem:s10], [sflag:$0x1] =	stream.indirect.gather [hbm4b:s4+s8], $0x80, s30, s8, $0xb8;
	[tilespmem:$0x1EA00] =	vst v63  }
0x92: {  	_ =	swait.ge [sflag:s0], $0x40  }
0x93: {  	[sflag:s0] =	ssyncset.done $0x0  }
0x94: {  	[sflag:s0] =	ssyncadd.s32 $0xFFFFFFC0  }
0x95: {  	_ =	swait.ge [sflag:s1], $0x2000  }
0x96: {  	[sflag:s1] =	ssyncset.done $0x0  }
0x97: {  	[sflag:s1] =	ssyncadd.s32 $0xFFFFE000  }
0x98: {  	[spmem:s2] =	stream.indirect.scatter.add.f32 [tilespmem:s14], [sflag:$0x3], $0x80, s13, s8, $0xb8;
	[tilespmem:$0x1EA00] =	vst v63  }
0x99: {  	_ =	swait.ge [sflag:s15], $0x2000  }
0x9a: {  	[sflag:s15] =	ssyncset.done $0x0  }
0x9b: {  	s20 =	rddreg [dreg:$0x9];
	[sflag:s15] =	ssyncadd.s32 $0xFFFFE000  }
0x9c: {  	[tilespmem:s11], [sflag:$0x2] =	stream.linear.gather [hbm4b:s20+s18], $0x40, $0x38;
	[tilespmem:$0x1EA00] =	vst v63  }
0x9d: {  	s25 =	simm.s32 $0x180  }
0x9e: {  	[tilespmem:s12], [sflag:$0x1] =	stream.indirect.gather [hbm4b:s4+s8], $0x80, s25, s8, $0xb8;
	[tilespmem:$0x1EA00] =	vst v63  }
0x9f: {  	_ =	swait.ge [sflag:s0], $0x40  }
0xa0: {  	[sflag:s0] =	ssyncset.done $0x0  }
0xa1: {  	[sflag:s0] =	ssyncadd.s32 $0xFFFFFFC0  }
0xa2: {  	_ =	swait.ge [sflag:s1], $0x2000  }
0xa3: {  	[sflag:s1] =	ssyncset.done $0x0  }
0xa4: {  	[sflag:s1] =	ssyncadd.s32 $0xFFFFE000  }
0xa5: {  	[spmem:s2] =	stream.indirect.scatter.add.f32 [tilespmem:s31], [sflag:$0x3], $0x80, s7, s8, $0xb8;
	[tilespmem:$0x1EA00] =	vst v63  }
0xa6: {  	_ =	swait.ge [sflag:s15], $0x2000  }
0xa7: {  	[sflag:s15] =	ssyncset.done $0x0  }
0xa8: {  	[sflag:s15] =	ssyncadd.s32 $0xFFFFE000  }
0xa9: {  	[tilespmem:s13], [sflag:$0x2] =	stream.linear.gather [hbm4b:s23+s3], $0x40, $0x38;
	[tilespmem:$0x1EA00] =	vst v63  }
0xaa: {  	s26 =	simm.s32 $0x1C0  }
0xab: {  	[tilespmem:s14], [sflag:$0x1] =	stream.indirect.gather [hbm4b:s4+s8], $0x80, s26, s8, $0xb8;
	[tilespmem:$0x1EA00] =	vst v63  }
0xac: {  	_ =	swait.ge [sflag:s0], $0x40  }
0xad: {  	[sflag:s0] =	ssyncset.done $0x0  }
0xae: {  	[sflag:s0] =	ssyncadd.s32 $0xFFFFFFC0  }
0xaf: {  	_ =	swait.ge [sflag:s1], $0x2000  }
0xb0: {  	[sflag:s1] =	ssyncset.done $0x0  }
0xb1: {  	[sflag:s1] =	ssyncadd.s32 $0xFFFFE000  }
0xb2: {  	[spmem:s2] =	stream.indirect.scatter.add.f32 [tilespmem:s10], [sflag:$0x3], $0x80, s9, s8, $0xb8;
	[tilespmem:$0x1EA00] =	vst v63  }
0xb3: {  	_ =	swait.ge [sflag:s15], $0x2000  }
0xb4: {  	[sflag:s15] =	ssyncset.done $0x0  }
0xb5: {  	[sflag:s15] =	ssyncadd.s32 $0xFFFFE000  }
0xb6: {  	[tilespmem:s7], [sflag:$0x2] =	stream.linear.gather [hbm4b:s22+s3], $0x40, $0x38;
	[tilespmem:$0x1EA00] =	vst v63  }
0xb7: {  	s29 =	simm.s32 $0x200  }
0xb8: {  	[tilespmem:s31], [sflag:$0x1] =	stream.indirect.gather [hbm4b:s4+s8], $0x80, s29, s8, $0xb8;
	[tilespmem:$0x1EA00] =	vst v63  }
0xb9: {  	_ =	swait.ge [sflag:s0], $0x40  }
0xba: {  	[sflag:s0] =	ssyncset.done $0x0  }
0xbb: {  	[sflag:s0] =	ssyncadd.s32 $0xFFFFFFC0  }
0xbc: {  	_ =	swait.ge [sflag:s1], $0x2000  }
0xbd: {  	[sflag:s1] =	ssyncset.done $0x0  }
0xbe: {  	[sflag:s1] =	ssyncadd.s32 $0xFFFFE000  }
0xbf: {  	[spmem:s2] =	stream.indirect.scatter.add.f32 [tilespmem:s12], [sflag:$0x3], $0x80, s11, s8, $0xb8;
	[tilespmem:$0x1EA00] =	vst v63  }
0xc0: {  	_ =	swait.ge [sflag:s15], $0x2000  }
0xc1: {  	[sflag:s15] =	ssyncset.done $0x0  }
0xc2: {  	[sflag:s15] =	ssyncadd.s32 $0xFFFFE000  }
0xc3: {  	[tilespmem:s9], [sflag:$0x2] =	stream.linear.gather [hbm4b:s21+s3], $0x40, $0x38;
	[tilespmem:$0x1EA00] =	vst v63  }
0xc4: {  	s30 =	simm.s32 $0x240  }
0xc5: {  	[tilespmem:s10], [sflag:$0x1] =	stream.indirect.gather [hbm4b:s4+s8], $0x80, s30, s8, $0xb8;
	[tilespmem:$0x1EA00] =	vst v63  }
0xc6: {  	_ =	swait.ge [sflag:s0], $0x40  }
0xc7: {  	[sflag:s0] =	ssyncset.done $0x0  }
0xc8: {  	[sflag:s0] =	ssyncadd.s32 $0xFFFFFFC0  }
0xc9: {  	_ =	swait.ge [sflag:s1], $0x2000  }
0xca: {  	[sflag:s1] =	ssyncset.done $0x0  }
0xcb: {  	[sflag:s1] =	ssyncadd.s32 $0xFFFFE000  }
0xcc: {  	[spmem:s2] =	stream.indirect.scatter.add.f32 [tilespmem:s14], [sflag:$0x3], $0x80, s13, s8, $0xb8;
	[tilespmem:$0x1EA00] =	vst v63  }
0xcd: {  	s28 =	simm.s32 $0x280;
	s19 =	sadd.s32 $0x20, s23;
	_ =	swait.ge [sflag:s15], $0x2000  }
0xce: {  	s18 =	simm.s32 $0x400;
	s20 =	sadd.s32 $0x20, s24;
	[sflag:s15] =	ssyncset.done $0x0  }
0xcf: {  	s25 =	sadd.s32 $0x20, s21;
	s26 =	sadd.s32 $0x20, s22;
	[sflag:s15] =	ssyncadd.s32 $0xFFFFE000  }
0xd0: {  	[tilespmem:s11], [sflag:$0x2] =	stream.linear.gather [hbm4b:s24+s3], $0x40, $0x38;
	[tilespmem:$0x1EA00] =	vst v63  }
.LBB2_4:
0xd1: {  	[tilespmem:s12], [sflag:$0x1] =	stream.indirect.gather [hbm4b:s4+s8], $0x80, s28, s8, $0xb8;
	[tilespmem:$0x1EA00] =	vst v63  }
0xd2: {  	s29 =	smov.u32 s18;
	s28 =	smov.u32 s20  }
0xd3: {  	p0 =	sne.s32 s18, $0x9400;
	s18 =	sadd.s32 $0x400, s18;
	_ =	swait.ge [sflag:s0], $0x40  }
0xd4: {  	[sflag:s0] =	ssyncset.done $0x0  }
0xd5: {  	[sflag:s0] =	ssyncadd.s32 $0xFFFFFFC0  }
0xd6: {  	_ =	swait.ge [sflag:s1], $0x2000  }
0xd7: {  	[sflag:s1] =	ssyncset.done $0x0  }
0xd8: {  	[sflag:s1] =	ssyncadd.s32 $0xFFFFE000  }
0xd9: {  	[spmem:s2] =	stream.indirect.scatter.add.f32 [tilespmem:s31], [sflag:$0x3], $0x80, s7, s8, $0xb8;
	[tilespmem:$0x1EA00] =	vst v63  }
0xda: {  	_ =	swait.ge [sflag:s15], $0x2000  }
0xdb: {  	[sflag:s15] =	ssyncset.done $0x0  }
0xdc: {  	s29 =	sshra.s32 s29, $0x2;
	[sflag:s15] =	ssyncadd.s32 $0xFFFFE000  }
0xdd: {  	[tilespmem:s13], [sflag:$0x2] =	stream.linear.gather [hbm4b:s19+s3], $0x40, $0x38;
	[tilespmem:$0x1EA00] =	vst v63  }
0xde: {  	s30 =	sadd.s32 $0x1C0, s29  }
0xdf: {  	[tilespmem:s14], [sflag:$0x1] =	stream.indirect.gather [hbm4b:s4+s8], $0x80, s30, s8, $0xb8;
	[tilespmem:$0x1EA00] =	vst v63  }
0xe0: {  	_ =	swait.ge [sflag:s0], $0x40  }
0xe1: {  	[sflag:s0] =	ssyncset.done $0x0  }
0xe2: {  	[sflag:s0] =	ssyncadd.s32 $0xFFFFFFC0  }
0xe3: {  	_ =	swait.ge [sflag:s1], $0x2000  }
0xe4: {  	[sflag:s1] =	ssyncset.done $0x0  }
0xe5: {  	[sflag:s1] =	ssyncadd.s32 $0xFFFFE000  }
0xe6: {  	[spmem:s2] =	stream.indirect.scatter.add.f32 [tilespmem:s10], [sflag:$0x3], $0x80, s9, s8, $0xb8;
	[tilespmem:$0x1EA00] =	vst v63  }
0xe7: {  	_ =	swait.ge [sflag:s15], $0x2000  }
0xe8: {  	[sflag:s15] =	ssyncset.done $0x0  }
0xe9: {  	[sflag:s15] =	ssyncadd.s32 $0xFFFFE000  }
0xea: {  	[tilespmem:s7], [sflag:$0x2] =	stream.linear.gather [hbm4b:s26+s3], $0x40, $0x38;
	[tilespmem:$0x1EA00] =	vst v63  }
0xeb: {  	s30 =	sadd.s32 $0x200, s29  }
0xec: {  	[tilespmem:s31], [sflag:$0x1] =	stream.indirect.gather [hbm4b:s4+s8], $0x80, s30, s8, $0xb8;
	[tilespmem:$0x1EA00] =	vst v63  }
0xed: {  	_ =	swait.ge [sflag:s0], $0x40  }
0xee: {  	[sflag:s0] =	ssyncset.done $0x0  }
0xef: {  	[sflag:s0] =	ssyncadd.s32 $0xFFFFFFC0  }
0xf0: {  	_ =	swait.ge [sflag:s1], $0x2000  }
0xf1: {  	[sflag:s1] =	ssyncset.done $0x0  }
0xf2: {  	[sflag:s1] =	ssyncadd.s32 $0xFFFFE000  }
0xf3: {  	[spmem:s2] =	stream.indirect.scatter.add.f32 [tilespmem:s12], [sflag:$0x3], $0x80, s11, s8, $0xb8;
	[tilespmem:$0x1EA00] =	vst v63  }
0xf4: {  	_ =	swait.ge [sflag:s15], $0x2000  }
0xf5: {  	[sflag:s15] =	ssyncset.done $0x0  }
0xf6: {  	[sflag:s15] =	ssyncadd.s32 $0xFFFFE000  }
0xf7: {  	[tilespmem:s9], [sflag:$0x2] =	stream.linear.gather [hbm4b:s25+s3], $0x40, $0x38;
	[tilespmem:$0x1EA00] =	vst v63  }
0xf8: {  	s30 =	sadd.s32 $0x240, s29  }
0xf9: {  	[tilespmem:s10], [sflag:$0x1] =	stream.indirect.gather [hbm4b:s4+s8], $0x80, s30, s8, $0xb8;
	[tilespmem:$0x1EA00] =	vst v63  }
0xfa: {  	_ =	swait.ge [sflag:s0], $0x40  }
0xfb: {  	[sflag:s0] =	ssyncset.done $0x0  }
0xfc: {  	[sflag:s0] =	ssyncadd.s32 $0xFFFFFFC0  }
0xfd: {  	_ =	swait.ge [sflag:s1], $0x2000  }
0xfe: {  	[sflag:s1] =	ssyncset.done $0x0  }
0xff: {  	[sflag:s1] =	ssyncadd.s32 $0xFFFFE000  }
0x100: {  	[spmem:s2] =	stream.indirect.scatter.add.f32 [tilespmem:s14], [sflag:$0x3], $0x80, s13, s8, $0xb8;
	[tilespmem:$0x1EA00] =	vst v63  }
.Ltmp1:
0x101: {  	_ =	swait.ge [sflag:s15], $0x2000;
	(pc) =	sbr.rel @p0 .LBB2_4-.Ltmp1, $4  }
0x102: {  	[sflag:s15] =	ssyncset.done $0x0  }
0x103: {  	s20 =	sadd.s32 $0x20, s20;
	s19 =	sadd.s32 $0x20, s19;
	[sflag:s15] =	ssyncadd.s32 $0xFFFFE000  }
0x104: {  	[tilespmem:s11], [sflag:$0x2] =	stream.linear.gather [hbm4b:s28+s3], $0x40, $0x38;
	[tilespmem:$0x1EA00] =	vst v63  }
0x105: {  	s26 =	sadd.s32 $0x20, s26;
	s25 =	sadd.s32 $0x20, s25;
	s28 =	sadd.s32 $0x280, s29  }
0x106: {  	[tilespmem:s12], [sflag:$0x1] =	stream.indirect.gather [hbm4b:s4+s8], $0x80, s28, s8, $0xb8;
	[tilespmem:$0x1EA00] =	vst v63  }
0x107: {  	_ =	swait.ge [sflag:s0], $0x40  }
0x108: {  	[sflag:s0] =	ssyncset.done $0x0  }
0x109: {  	[sflag:s0] =	ssyncadd.s32 $0xFFFFFFC0  }
0x10a: {  	_ =	swait.ge [sflag:s1], $0x2000  }
0x10b: {  	[sflag:s1] =	ssyncset.done $0x0  }
0x10c: {  	[sflag:s1] =	ssyncadd.s32 $0xFFFFE000  }
0x10d: {  	[spmem:s2] =	stream.indirect.scatter.add.f32 [tilespmem:s31], [sflag:$0x3], $0x80, s7, s8, $0xb8;
	[tilespmem:$0x1EA00] =	vst v63  }
0x10e: {  	_ =	swait.ge [sflag:s15], $0x2000  }
0x10f: {  	[sflag:s15] =	ssyncset.done $0x0  }
0x110: {  	s18 =	rddreg [dreg:$0xa];
	[sflag:s15] =	ssyncadd.s32 $0xFFFFE000  }
0x111: {  	[tilespmem:s13], [sflag:$0x2] =	stream.linear.gather [hbm4b:s18+s3], $0x40, $0x38;
	[tilespmem:$0x1EA00] =	vst v63  }
0x112: {  	s28 =	simm.s32 $0x27C0  }
0x113: {  	[tilespmem:s14], [sflag:$0x1] =	stream.indirect.gather [hbm4b:s4+s8], $0x80, s28, s8, $0xb8;
	[tilespmem:$0x1EA00] =	vst v63  }
0x114: {  	_ =	swait.ge [sflag:s0], $0x40  }
0x115: {  	[sflag:s0] =	ssyncset.done $0x0  }
0x116: {  	[sflag:s0] =	ssyncadd.s32 $0xFFFFFFC0  }
0x117: {  	_ =	swait.ge [sflag:s1], $0x2000  }
0x118: {  	[sflag:s1] =	ssyncset.done $0x0  }
0x119: {  	[sflag:s1] =	ssyncadd.s32 $0xFFFFE000  }
0x11a: {  	[spmem:s2] =	stream.indirect.scatter.add.f32 [tilespmem:s10], [sflag:$0x3], $0x80, s9, s8, $0xb8;
	[tilespmem:$0x1EA00] =	vst v63  }
0x11b: {  	_ =	swait.ge [sflag:s15], $0x2000  }
0x11c: {  	[sflag:s15] =	ssyncset.done $0x0  }
0x11d: {  	[sflag:s15] =	ssyncadd.s32 $0xFFFFE000  }
0x11e: {  	_ =	swait.ge [sflag:s0], $0x40  }
0x11f: {  	[sflag:s0] =	ssyncset.done $0x0  }
0x120: {  	[sflag:s0] =	ssyncadd.s32 $0xFFFFFFC0  }
0x121: {  	_ =	swait.ge [sflag:s1], $0x2000  }
0x122: {  	[sflag:s1] =	ssyncset.done $0x0  }
0x123: {  	[sflag:s1] =	ssyncadd.s32 $0xFFFFE000  }
0x124: {  	[spmem:s2] =	stream.indirect.scatter.add.f32 [tilespmem:s12], [sflag:$0x3], $0x80, s11, s8, $0xb8;
	[tilespmem:$0x1EA00] =	vst v63  }
0x125: {  	_ =	swait.ge [sflag:s15], $0x2000  }
0x126: {  	[sflag:s15] =	ssyncset.done $0x0  }
0x127: {  	[sflag:s15] =	ssyncadd.s32 $0xFFFFE000  }
0x128: {  	_ =	swait.ge [sflag:s0], $0x40  }
0x129: {  	[sflag:s0] =	ssyncset.done $0x0  }
0x12a: {  	[sflag:s0] =	ssyncadd.s32 $0xFFFFFFC0  }
0x12b: {  	_ =	swait.ge [sflag:s1], $0x2000  }
0x12c: {  	[sflag:s1] =	ssyncset.done $0x0  }
0x12d: {  	[sflag:s1] =	ssyncadd.s32 $0xFFFFE000  }
0x12e: {  	[spmem:s2] =	stream.indirect.scatter.add.f32 [tilespmem:s14], [sflag:$0x3], $0x80, s13, s8, $0xb8;
	[tilespmem:$0x1EA00] =	vst v63  }
0x12f: {  	_ =	swait.ge [sflag:s15], $0x2000  }
0x130: {  	[sflag:s15] =	ssyncset.done $0x0  }
0x131: {  	[sflag:s15] =	ssyncadd.s32 $0xFFFFE000  }
0x132: {  	_ =	swait.ge [sflag:s15], $0x2000  }
0x133: {  	[sflag:s15] =	ssyncset.done $0x0  }
0x134: {  	s29 =	stileid.u32;
	[sflag:s15] =	ssyncadd.s32 $0xFFFFE000  }
0x135: {  	s18 =	sshll.u32 s29, $0x6;
	[bflag:$0x0] =	sbarrier.arrive $0xFFFF  }
0x136: {  	s19 =	sshrl.u32 s6, $0x3;
	s18 =	sor.u32 $0x1C04, s18;
	s20 =	rddreg [dreg:$0xb]  }
0x137: {  	[hbm:s20], [sflag:s18] =	dma.local [spmem:s19], $0x2800  }
0x138: {  	_ =	swait.ge [sflag:s16], $0x2800  }
0x139: {  	s17 =	sadd.s32 $0x1, s17;
	s30 =	rddreg [dreg:$0xc]  }
0x13a: {  	p0 =	sne.s32 s17, s30  }
.Ltmp2:
0x13b: {  	_ = 	snop;
	(pc) =	sbr.rel @p0 .LBB2_1-.Ltmp2, $3  }
0x13c: {  	_ =	sdelay $0x1  }
0x13d: {  	[sflag:s16] =	ssyncset.done $0x0  }
0x13e: {  	[sflag:s16] =	ssyncadd.s32 $0xFFFFD800  }
0x13f: {  	_ =	sfence.sel $0x180000  }
0x140: {  	[bflag:$0x0] =	sbarrier.arrive $0xFFFF  }
0x141: {  	_ =	strace $0x90000050  }
0x142: {  	s0 =	stileid.u32;
	[bflag:$0x2] =	sbarrier.arrive $0xFFFF  }
0x143: {  	p0 =	sne.s32 s0, $0x0;
	s0 =	rddreg [dreg:$0x2]  }
0x144: {  	s0 =	sadd.s32 @!p0 $0x100000, s0  }
0x145: {  	[sflag:s0] =	ssyncadd.tile.s32 @!p0 $0x1;
	_ =	shalt  }
.Lfunc_end2:
_tile_overlayer_lowered:
.L_overlay_start_2:
0x146: {  	(tag) =	ssettag $0x2  }
0x147: {  	s0 =	rddreg [dreg:$0x0];
	s2 =	stileid.u32  }
0x148: {  	s1 =	rddreg [dreg:$0x1];
	p0 =	sne.s32 s2, $0x0  }
0x149: {  	s3 =	rddreg [dreg:$0x2];
	[bflag:$0x3] =	sbarrier.arrive $0xFFFF;
	s2 =	simm.s32 @!p0 $0x1C04  }
0x14a: {  	[timem:s3], [sflag:s2] =	dma.local @!p0 [hbm:s0], s1  }
0x14b: {  	s0 =	simm.s32 @!p0 $0x4  }
0x14c: {  	_ =	swait.ge @!p0 [sflag:s0], s1  }
0x14d: {  	s1 =	ssub.s32 @!p0 $0x0, s1;
	[sflag:s0] =	ssyncset.done @!p0 $0x0  }
0x14e: {  	[sflag:s0] =	ssyncadd.s32 @!p0 s1  }
0x14f: {  	[bflag:$0x3] =	sbarrier.arrive $0xFFFF  }
0x150: {  	_ =	shalt  }

</sc_bundles>
